<compile_context>
chip_gen: v7x
topology: tpu7x:2x2x1
jax: 0.10.2.dev20260603
libtpu: 0.0.44.dev20260713+nightly
codegen_flags: <defaults>
</compile_context>

<pallas_src>
import functools

import jax
import jax.numpy as jnp
from jax import lax
from jax.experimental import pallas as pl
from jax.experimental.pallas import tpu as pltpu, tpu_sc as plsc

N = 10000
NP = 10240
E = 320000
IN_DIM = 128
HID_DIM = 128
OUT_DIM = 64

NC = 2
NS = 16
EROW = 128
ROWS = 2560
EPAD = ROWS * EROW
STRIPE = NP // NS

BN = 1024
GRID = NP // BN

@functools.lru_cache(maxsize=None)
def _mesh():
    return plsc.VectorSubcoreMesh(
        core_axis_name="c", subcore_axis_name="s", num_cores=NC, num_subcores=NS
    )




@functools.lru_cache(maxsize=None)
def _make_deg_kernel():
    RD = ROWS // (NC * NS)

    @functools.partial(
        pl.kernel,
        mesh=_mesh(),
        compiler_params=pltpu.CompilerParams(use_tc_tiling_on_sc=False),
        out_type=jax.ShapeDtypeStruct((NC, NP, 16), jnp.float32),
        scratch_types=[
            pltpu.VMEM((RD, EROW), jnp.int32),
            pltpu.VMEM((EROW, 16), jnp.float32),
            pltpu.VMEM_SHARED((NP, 16), jnp.float32),
            [pltpu.SemaphoreType.DMA] * 4,
        ],
    )
    def deg_kernel(dst_hbm, ones_hbm, zeros_hbm, out, dst_v, ones_v, acc, ssem):
        cid = lax.axis_index("c")
        sid = lax.axis_index("s")
        r0 = sid * STRIPE
        pltpu.sync_copy(zeros_hbm, acc.at[pl.ds(r0, STRIPE)])
        e0 = (cid * NS + sid) * RD
        pltpu.sync_copy(dst_hbm.at[pl.ds(e0, RD)], dst_v)
        pltpu.sync_copy(ones_hbm, ones_v)
        plsc.subcore_barrier()

        def scat(j, b):
            return pltpu.make_async_copy(ones_v, acc.at[dst_v.at[j]], ssem[b])

        @pl.loop(0, RD, step=4)
        def _(j0):
            for b in range(4):
                j = j0 + b

                @pl.when(j >= 4)
                def _():
                    scat(0, b).wait()

                scat(j, b).start(add=True)

        for b in range(4):
            scat(0, b).wait()
        plsc.subcore_barrier()
        pltpu.sync_copy(acc.at[pl.ds(r0, STRIPE)], out.at[cid].at[pl.ds(r0, STRIPE)])

    return deg_kernel


@functools.lru_cache(maxsize=None)
def _make_edge_kernel(H):
    RT = ROWS // NS

    NB = 4
    AH = NB // 2
    IC = 80
    NCH = RT // IC

    @functools.partial(
        pl.kernel,
        mesh=_mesh(),
        compiler_params=pltpu.CompilerParams(use_tc_tiling_on_sc=False),
        out_type=jax.ShapeDtypeStruct((NC, NP, H), jnp.bfloat16),
        scratch_types=[
            pltpu.VMEM((2, IC, EROW), jnp.int32),
            pltpu.VMEM((2, IC, EROW), jnp.int32),
            pltpu.VMEM((NB, EROW, H), jnp.bfloat16),
            pltpu.VMEM_SHARED((NP, H), jnp.bfloat16),
            pltpu.VMEM_SHARED((NP, H), jnp.bfloat16),
            [pltpu.SemaphoreType.DMA] * NB,
            [pltpu.SemaphoreType.DMA] * NB,
            [pltpu.SemaphoreType.DMA] * 2,
        ],
    )
    def edge_kernel(tbl, src_hbm, dst_hbm, out, src_v, dst_v, rows_v, acc, tbl_sh, gsem, ssem, isem):
        cid = lax.axis_index("c")
        sid = lax.axis_index("s")
        tblc = tbl.at[cid]
        e0 = sid * RT

        def idx_fetch(c, p):
            return (
                pltpu.make_async_copy(
                    src_hbm.at[pl.ds(e0 + c * IC, IC)], src_v.at[p], isem[p]
                ),
                pltpu.make_async_copy(
                    dst_hbm.at[pl.ds(e0 + c * IC, IC)], dst_v.at[p], isem[p]
                ),
            )

        def gather(p, j, b):
            return pltpu.make_async_copy(tbl_sh.at[src_v.at[p].at[j]], rows_v.at[b], gsem[b])

        def scatter(p, j, b):
            return pltpu.make_async_copy(rows_v.at[b], acc.at[dst_v.at[p].at[j]], ssem[b])

        r0 = sid * STRIPE
        pltpu.sync_copy(tblc.at[pl.ds(r0, STRIPE)], acc.at[pl.ds(r0, STRIPE)])
        pltpu.sync_copy(tblc.at[pl.ds(r0, STRIPE)], tbl_sh.at[pl.ds(r0, STRIPE)])
        for d in idx_fetch(0, 0):
            d.start()
        for d in idx_fetch(0, 0):
            d.wait()
        plsc.subcore_barrier()
        for b in range(AH):
            gather(0, b, b).start()

        for c in range(NCH):
            p = c % 2
            if c + 1 < NCH:
                for d in idx_fetch(c + 1, 1 - p):
                    d.start()

            @pl.loop(0, IC, step=NB)
            def _(j0):
                for b in range(NB):
                    j = j0 + b
                    gather(p, j, b).wait()
                    scatter(p, j, b).start(add=True)
                    jf = j + AH
                    bf = (b + AH) % NB

                    @pl.when(jf < IC)
                    def _():
                        @pl.when(jf >= NB)
                        def _():
                            scatter(p, 0, bf).wait()

                        gather(p, jf, bf).start()

            for b in range(NB):
                scatter(p, 0, b).wait()
            if c + 1 < NCH:
                for d in idx_fetch(c + 1, 1 - p):
                    d.wait()
                for b in range(AH):
                    gather(1 - p, b, b).start()

        plsc.subcore_barrier()
        pltpu.sync_copy(acc.at[pl.ds(r0, STRIPE)], out.at[cid].at[pl.ds(r0, STRIPE)])

    return edge_kernel




def _dinv_col(deg_ref, nrows):
    d = deg_ref[0, :nrows, 0:1] + deg_ref[1, :nrows, 0:1] + 1.0
    return lax.rsqrt(d)


def _tc_scale_matmul(x_ref, w_ref, deg_ref, out_ref):
    dinv = _dinv_col(deg_ref, N)
    h = jnp.dot(x_ref[...], w_ref[...], preferred_element_type=jnp.float32) * dinv
    h = h.astype(jnp.bfloat16)
    zpad = jnp.zeros((NP - N, HID_DIM // 2), jnp.bfloat16)
    out_ref[0] = jnp.concatenate([h[:, : HID_DIM // 2], zpad], axis=0)
    out_ref[1] = jnp.concatenate([h[:, HID_DIM // 2 :], zpad], axis=0)


def _tc_mid(t_ref, deg_ref, w_ref, b_ref, out_ref):
    dinv = _dinv_col(deg_ref, N)
    tmp = jnp.concatenate(
        [t_ref[0, :N].astype(jnp.float32), t_ref[1, :N].astype(jnp.float32)], axis=1
    )
    z = jnp.maximum(tmp * dinv + b_ref[...], 0.0)
    h = jnp.dot(z, w_ref[...], preferred_element_type=jnp.float32) * dinv
    h = h.astype(jnp.bfloat16)
    zpad = jnp.zeros((NP - N, OUT_DIM // 2), jnp.bfloat16)
    out_ref[0] = jnp.concatenate([h[:, : OUT_DIM // 2], zpad], axis=0)
    out_ref[1] = jnp.concatenate([h[:, OUT_DIM // 2 :], zpad], axis=0)


def _tc_final(t_ref, deg_ref, b_ref, out_ref):
    dinv = _dinv_col(deg_ref, N)
    o = jnp.concatenate(
        [t_ref[0, :N].astype(jnp.float32), t_ref[1, :N].astype(jnp.float32)], axis=1
    ) * dinv + b_ref[...]
    m = jnp.max(o, axis=1, keepdims=True)
    z = o - m
    out_ref[...] = z - jnp.log(jnp.sum(jnp.exp(z), axis=1, keepdims=True))


_scale_matmul_call = pl.pallas_call(
    _tc_scale_matmul,
    out_shape=jax.ShapeDtypeStruct((NC, NP, HID_DIM // 2), jnp.bfloat16),
)

_mid_call = pl.pallas_call(
    _tc_mid,
    out_shape=jax.ShapeDtypeStruct((NC, NP, OUT_DIM // 2), jnp.bfloat16),
)

_final_call = pl.pallas_call(
    _tc_final,
    out_shape=jax.ShapeDtypeStruct((N, OUT_DIM), jnp.float32),
)

def kernel(x, edge_index, W1, b1, W2, b2):
    ei = edge_index.astype(jnp.int32)
    pad = jnp.full((EPAD - E,), N, jnp.int32)
    src = jnp.concatenate([ei[0], pad]).reshape(ROWS, EROW)
    dst = jnp.concatenate([ei[1], pad]).reshape(ROWS, EROW)
    ones16 = jnp.ones((EROW, 16), jnp.float32)
    zeros16 = jnp.zeros((STRIPE, 16), jnp.float32)

    degp = _make_deg_kernel()(dst, ones16, zeros16)
    tbl1 = _scale_matmul_call(x, W1, degp)
    acc1 = _make_edge_kernel(HID_DIM // 2)(tbl1, src, dst)
    tbl2 = _mid_call(acc1, degp, W2, b1.reshape(1, HID_DIM))
    acc2 = _make_edge_kernel(OUT_DIM // 2)(tbl2, src, dst)
    return _final_call(acc2, degp, b2.reshape(1, OUT_DIM))

# --- scband reference (transcript-rebuilt; emitter-appended) ---
"""Pipeline reference for scband-gcn-fed-tad-6828998000936 (READ-ONLY COPY).

The authoritative reference and input builder live on the scoring server;
editing this copy changes nothing except your own understanding.
"""

import jax, jax.numpy as jnp
import numpy as np

N_NODES = 10000
N_EDGES = 320000
IN_DIM = 128
HID_DIM = 128
OUT_DIM = 64


def gcn_conv(x, edge_index, W, b, num_nodes):
    # GCNConv with self-loops and symmetric normalization, as in PyG default
    src = edge_index[0]
    dst = edge_index[1]
    loop = jnp.arange(num_nodes, dtype=edge_index.dtype)
    src = jnp.concatenate([src, loop])
    dst = jnp.concatenate([dst, loop])
    deg = jnp.zeros((num_nodes,), dtype=x.dtype).at[dst].add(1.0)
    dinv = jnp.where(deg > 0, deg ** -0.5, 0.0)
    norm = dinv[src] * dinv[dst]
    h = x @ W
    msg = h[src] * norm[:, None]
    out = jnp.zeros((num_nodes, W.shape[1]), dtype=x.dtype).at[dst].add(msg)
    return out + b


def setup_inputs(seed: int = 0) -> dict:
    key = jax.random.key(seed)
    k1, k2, k3, k4, k5, k6 = jax.random.split(key, 6)
    x = jax.random.normal(k1, (N_NODES, IN_DIM), dtype=jnp.float32)
    edge_index = jax.random.randint(k2, (2, N_EDGES), 0, N_NODES, dtype=jnp.int64)
    s1 = (6.0 / (IN_DIM + HID_DIM)) ** 0.5
    s2 = (6.0 / (HID_DIM + OUT_DIM)) ** 0.5
    W1 = jax.random.uniform(k3, (IN_DIM, HID_DIM), minval=-s1, maxval=s1, dtype=jnp.float32)
    b1 = jnp.zeros((HID_DIM,), dtype=jnp.float32)
    W2 = jax.random.uniform(k4, (HID_DIM, OUT_DIM), minval=-s2, maxval=s2, dtype=jnp.float32)
    b2 = jnp.zeros((OUT_DIM,), dtype=jnp.float32)
    return {"x": x, "edge_index": edge_index, "W1": W1, "b1": b1, "W2": W2, "b2": b2}


def reference(x, edge_index, W1, b1, W2, b2):
    h = gcn_conv(x, edge_index, W1, b1, N_NODES)
    h = jax.nn.relu(h)
    # dropout omitted for deterministic reference (eval mode)
    out = gcn_conv(h, edge_index, W2, b2, N_NODES)
    return jax.nn.log_softmax(out, axis=1)

if __name__ == "__main__":
    import jax
    _d = setup_inputs()
    print(jax.jit(kernel)(*tuple(_d.values())))

</pallas_src>

<mosaic_0001>
#map = affine_map<(d0, d1) -> (0, 0)>
#map1 = affine_map<(d0, d1) -> (0, 0, 0)>
module attributes {stable_mosaic.version = 14 : i64} {
  func.func @deg_kernel(%arg0: i32, %arg1: i32, %arg2: memref<2560x128xi32, #tpu.memory_space<hbm>>, %arg3: memref<128x16xf32, #tpu.memory_space<hbm>>, %arg4: memref<640x16xf32, #tpu.memory_space<hbm>>, %arg5: memref<2x10240x16xf32, #tpu.memory_space<hbm>>, %arg6: memref<80x128xi32, #tpu.memory_space<vmem>>, %arg7: memref<128x16xf32, #tpu.memory_space<vmem>>, %arg8: memref<10240x16xf32, #tpu.memory_space<vmem_shared>>, %arg9: memref<!tpu.dma_semaphore, #tpu.memory_space<semaphore_mem>>, %arg10: memref<!tpu.dma_semaphore, #tpu.memory_space<semaphore_mem>>, %arg11: memref<!tpu.dma_semaphore, #tpu.memory_space<semaphore_mem>>, %arg12: memref<!tpu.dma_semaphore, #tpu.memory_space<semaphore_mem>>) attributes {dimension_semantics = [#tpu.dimension_semantics<core_parallel>, #tpu.dimension_semantics<subcore_parallel>], iteration_bounds = array<i64: 2, 16>, scalar_prefetch = 0 : i64, scratch_operands = 7 : i64, tpu.core_type = #tpu.core_type<sc_vector_subcore>, window_params = [{transform_indices = #map}, {transform_indices = #map}, {transform_indices = #map}, {transform_indices = #map1}]} {
    %mul3A = arith.constant 640 : i32
    %mul3A_0 = arith.muli %arg1, %mul3A : i32
    "tpu.region"() ({
      %run_scoped3A = tpu.sem_alloc : memref<!tpu.dma_semaphore, #tpu.memory_space<semaphore_mem>>
      %dma_start3A = arith.constant 0 : i32
      %dma_start3A_37 = tpu.memref_slice %arg8[%mul3A_0, %dma_start3A] : memref<10240x16xf32, #tpu.memory_space<vmem_shared>> -> memref<640x16xf32, #tpu.memory_space<vmem_shared>>
      tpu.enqueue_dma source(%arg4 : memref<640x16xf32, #tpu.memory_space<hbm>>) target(%dma_start3A_37 : memref<640x16xf32, #tpu.memory_space<vmem_shared>>) target_semaphore(%run_scoped3A : memref<!tpu.dma_semaphore, #tpu.memory_space<semaphore_mem>>)
      %dma_wait3A_38 = arith.constant 0 : i32
      %dma_wait3A_39 = tpu.memref_slice %arg8[%mul3A_0, %dma_wait3A_38] : memref<10240x16xf32, #tpu.memory_space<vmem_shared>> -> memref<640x16xf32, #tpu.memory_space<vmem_shared>>
      tpu.wait_dma2 semaphore(%run_scoped3A : memref<!tpu.dma_semaphore, #tpu.memory_space<semaphore_mem>>) src(%arg4 : memref<640x16xf32, #tpu.memory_space<hbm>>) dst(%dma_wait3A_39 : memref<640x16xf32, #tpu.memory_space<vmem_shared>>)
      tpu.yield
    }) : () -> ()
    %mul3A_1 = arith.constant 16 : i32
    %mul3A_2 = arith.muli %arg0, %mul3A_1 : i32
    %add3A = arith.addi %mul3A_2, %arg1 : i32
    %mul3A_3 = arith.constant 80 : i32
    %mul3A_4 = arith.muli %add3A, %mul3A_3 : i32
    "tpu.region"() ({
      %run_scoped3A = tpu.sem_alloc : memref<!tpu.dma_semaphore, #tpu.memory_space<semaphore_mem>>
      %dma_start3A = arith.constant 0 : i32
      %dma_start3A_37 = tpu.memref_slice %arg2[%mul3A_4, %dma_start3A] : memref<2560x128xi32, #tpu.memory_space<hbm>> -> memref<80x128xi32, #tpu.memory_space<hbm>>
      %dma_start3A_38 = arith.constant 0 : i32
      %dma_start3A_39 = tpu.memref_slice %arg2[%mul3A_4, %dma_start3A_38] : memref<2560x128xi32, #tpu.memory_space<hbm>> -> memref<80x128xi32, #tpu.memory_space<hbm>>
      tpu.enqueue_dma source(%dma_start3A_39 : memref<80x128xi32, #tpu.memory_space<hbm>>) target(%arg6 : memref<80x128xi32, #tpu.memory_space<vmem>>) target_semaphore(%run_scoped3A : memref<!tpu.dma_semaphore, #tpu.memory_space<semaphore_mem>>)
      %dma_wait3A_40 = arith.constant 0 : i32
      %dma_wait3A_41 = tpu.memref_slice %arg2[%mul3A_4, %dma_wait3A_40] : memref<2560x128xi32, #tpu.memory_space<hbm>> -> memref<80x128xi32, #tpu.memory_space<hbm>>
      %dma_wait3A_42 = arith.constant 0 : i32
      %dma_wait3A_43 = tpu.memref_slice %arg2[%mul3A_4, %dma_wait3A_42] : memref<2560x128xi32, #tpu.memory_space<hbm>> -> memref<80x128xi32, #tpu.memory_space<hbm>>
      tpu.wait_dma2 semaphore(%run_scoped3A : memref<!tpu.dma_semaphore, #tpu.memory_space<semaphore_mem>>) src(%dma_wait3A_43 : memref<80x128xi32, #tpu.memory_space<hbm>>) dst(%arg6 : memref<80x128xi32, #tpu.memory_space<vmem>>)
      tpu.yield
    }) : () -> ()
    "tpu.region"() ({
      %run_scoped3A = tpu.sem_alloc : memref<!tpu.dma_semaphore, #tpu.memory_space<semaphore_mem>>
      tpu.enqueue_dma source(%arg3 : memref<128x16xf32, #tpu.memory_space<hbm>>) target(%arg7 : memref<128x16xf32, #tpu.memory_space<vmem>>) target_semaphore(%run_scoped3A : memref<!tpu.dma_semaphore, #tpu.memory_space<semaphore_mem>>)
      tpu.wait_dma2 semaphore(%run_scoped3A : memref<!tpu.dma_semaphore, #tpu.memory_space<semaphore_mem>>) src(%arg3 : memref<128x16xf32, #tpu.memory_space<hbm>>) dst(%arg7 : memref<128x16xf32, #tpu.memory_space<vmem>>)
      tpu.yield
    }) : () -> ()
    %barrier3A = arith.constant 0 : index
    tpu.barrier barrier_id(%barrier3A)
    %scan3A = arith.constant 0 : i32
    %scan3A_5 = arith.constant 20 : i32
    %scan3A_6 = arith.addi %scan3A, %scan3A_5 : i32
    %scan3A_7 = arith.constant 1 : i32
    scf.for %scan3A_37 = %scan3A to %scan3A_6 step %scan3A_7  : i32 {
      %mul3A_38 = arith.constant 4 : i32
      %mul3A_39 = arith.muli %scan3A_37, %mul3A_38 : i32
      %add3A_40 = arith.constant 0 : i32
      %add3A_41 = arith.addi %add3A_40, %mul3A_39 : i32
      %add3A_42 = arith.constant 0 : i32
      %add3A_43 = arith.addi %add3A_41, %add3A_42 : i32
      %ge3A = arith.constant 4 : i32
      %ge3A_44 = arith.cmpi sge, %add3A_43, %ge3A : i32
      %convert_element_type3A = arith.extui %ge3A_44 : i1 to i32
      %cond3A = arith.constant 0 : i32
      %cond3A_45 = arith.cmpi ne, %convert_element_type3A, %cond3A : i32
      scf.if %cond3A_45 {
        %dma_wait3A_90 = arith.constant 0 : i32
        %dma_wait3A_91 = arith.constant 0 : i32
        %dma_wait3A_92 = tpu.memref_slice %arg6[%dma_wait3A_90, %dma_wait3A_91] : memref<80x128xi32, #tpu.memory_space<vmem>> -> memref<1x128xi32, #tpu.memory_space<vmem>>
        %dma_wait3A_93 = tpu.memref_squeeze %dma_wait3A_92 : memref<1x128xi32, #tpu.memory_space<vmem>> -> memref<128xi32, #tpu.memory_space<vmem>>
        %dma_wait3A_94 = arith.constant 0 : i32
        %dma_wait3A_95 = arith.constant 0 : i32
        %dma_wait3A_96 = tpu.memref_slice %arg8[%dma_wait3A_94, %dma_wait3A_95] : memref<10240x16xf32, #tpu.memory_space<vmem_shared>> -> memref<10240x16xf32, #tpu.memory_space<vmem_shared>>
        tpu.wait_indirect_dma semaphore(%arg9 : memref<!tpu.dma_semaphore, #tpu.memory_space<semaphore_mem>>) src(%arg7 : memref<128x16xf32, #tpu.memory_space<vmem>>) dst(%dma_wait3A_96 : memref<10240x16xf32, #tpu.memory_space<vmem_shared>>)
      } else {
      }
      %dma_start3A = arith.constant 0 : i32
      %dma_start3A_46 = tpu.memref_slice %arg6[%add3A_43, %dma_start3A] : memref<80x128xi32, #tpu.memory_space<vmem>> -> memref<1x128xi32, #tpu.memory_space<vmem>>
      %dma_start3A_47 = tpu.memref_squeeze %dma_start3A_46 : memref<1x128xi32, #tpu.memory_space<vmem>> -> memref<128xi32, #tpu.memory_space<vmem>>
      %dma_start3A_48 = arith.constant 0 : i32
      %dma_start3A_49 = arith.constant 0 : i32
      %dma_start3A_50 = tpu.memref_slice %arg8[%dma_start3A_48, %dma_start3A_49] : memref<10240x16xf32, #tpu.memory_space<vmem_shared>> -> memref<10240x16xf32, #tpu.memory_space<vmem_shared>>
      tpu.enqueue_indirect_dma source(%arg7 : memref<128x16xf32, #tpu.memory_space<vmem>>) target(%dma_start3A_50 : memref<10240x16xf32, #tpu.memory_space<vmem_shared>>) offsets(%dma_start3A_47 : memref<128xi32, #tpu.memory_space<vmem>>) semaphore(%arg9 : memref<!tpu.dma_semaphore, #tpu.memory_space<semaphore_mem>>) {add = true}
      %add3A_51 = arith.constant 1 : i32
      %add3A_52 = arith.addi %add3A_41, %add3A_51 : i32
      %ge3A_53 = arith.constant 4 : i32
      %ge3A_54 = arith.cmpi sge, %add3A_52, %ge3A_53 : i32
      %convert_element_type3A_55 = arith.extui %ge3A_54 : i1 to i32
      %cond3A_56 = arith.constant 0 : i32
      %cond3A_57 = arith.cmpi ne, %convert_element_type3A_55, %cond3A_56 : i32
      scf.if %cond3A_57 {
        %dma_wait3A_90 = arith.constant 0 : i32
        %dma_wait3A_91 = arith.constant 0 : i32
        %dma_wait3A_92 = tpu.memref_slice %arg6[%dma_wait3A_90, %dma_wait3A_91] : memref<80x128xi32, #tpu.memory_space<vmem>> -> memref<1x128xi32, #tpu.memory_space<vmem>>
        %dma_wait3A_93 = tpu.memref_squeeze %dma_wait3A_92 : memref<1x128xi32, #tpu.memory_space<vmem>> -> memref<128xi32, #tpu.memory_space<vmem>>
        %dma_wait3A_94 = arith.constant 0 : i32
        %dma_wait3A_95 = arith.constant 0 : i32
        %dma_wait3A_96 = tpu.memref_slice %arg8[%dma_wait3A_94, %dma_wait3A_95] : memref<10240x16xf32, #tpu.memory_space<vmem_shared>> -> memref<10240x16xf32, #tpu.memory_space<vmem_shared>>
        tpu.wait_indirect_dma semaphore(%arg10 : memref<!tpu.dma_semaphore, #tpu.memory_space<semaphore_mem>>) src(%arg7 : memref<128x16xf32, #tpu.memory_space<vmem>>) dst(%dma_wait3A_96 : memref<10240x16xf32, #tpu.memory_space<vmem_shared>>)
      } else {
      }
      %dma_start3A_58 = arith.constant 0 : i32
      %dma_start3A_59 = tpu.memref_slice %arg6[%add3A_52, %dma_start3A_58] : memref<80x128xi32, #tpu.memory_space<vmem>> -> memref<1x128xi32, #tpu.memory_space<vmem>>
      %dma_start3A_60 = tpu.memref_squeeze %dma_start3A_59 : memref<1x128xi32, #tpu.memory_space<vmem>> -> memref<128xi32, #tpu.memory_space<vmem>>
      %dma_start3A_61 = arith.constant 0 : i32
      %dma_start3A_62 = arith.constant 0 : i32
      %dma_start3A_63 = tpu.memref_slice %arg8[%dma_start3A_61, %dma_start3A_62] : memref<10240x16xf32, #tpu.memory_space<vmem_shared>> -> memref<10240x16xf32, #tpu.memory_space<vmem_shared>>
      tpu.enqueue_indirect_dma source(%arg7 : memref<128x16xf32, #tpu.memory_space<vmem>>) target(%dma_start3A_63 : memref<10240x16xf32, #tpu.memory_space<vmem_shared>>) offsets(%dma_start3A_60 : memref<128xi32, #tpu.memory_space<vmem>>) semaphore(%arg10 : memref<!tpu.dma_semaphore, #tpu.memory_space<semaphore_mem>>) {add = true}
      %add3A_64 = arith.constant 2 : i32
      %add3A_65 = arith.addi %add3A_41, %add3A_64 : i32
      %ge3A_66 = arith.constant 4 : i32
      %ge3A_67 = arith.cmpi sge, %add3A_65, %ge3A_66 : i32
      %convert_element_type3A_68 = arith.extui %ge3A_67 : i1 to i32
      %cond3A_69 = arith.constant 0 : i32
      %cond3A_70 = arith.cmpi ne, %convert_element_type3A_68, %cond3A_69 : i32
      scf.if %cond3A_70 {
        %dma_wait3A_90 = arith.constant 0 : i32
        %dma_wait3A_91 = arith.constant 0 : i32
        %dma_wait3A_92 = tpu.memref_slice %arg6[%dma_wait3A_90, %dma_wait3A_91] : memref<80x128xi32, #tpu.memory_space<vmem>> -> memref<1x128xi32, #tpu.memory_space<vmem>>
        %dma_wait3A_93 = tpu.memref_squeeze %dma_wait3A_92 : memref<1x128xi32, #tpu.memory_space<vmem>> -> memref<128xi32, #tpu.memory_space<vmem>>
        %dma_wait3A_94 = arith.constant 0 : i32
        %dma_wait3A_95 = arith.constant 0 : i32
        %dma_wait3A_96 = tpu.memref_slice %arg8[%dma_wait3A_94, %dma_wait3A_95] : memref<10240x16xf32, #tpu.memory_space<vmem_shared>> -> memref<10240x16xf32, #tpu.memory_space<vmem_shared>>
        tpu.wait_indirect_dma semaphore(%arg11 : memref<!tpu.dma_semaphore, #tpu.memory_space<semaphore_mem>>) src(%arg7 : memref<128x16xf32, #tpu.memory_space<vmem>>) dst(%dma_wait3A_96 : memref<10240x16xf32, #tpu.memory_space<vmem_shared>>)
      } else {
      }
      %dma_start3A_71 = arith.constant 0 : i32
      %dma_start3A_72 = tpu.memref_slice %arg6[%add3A_65, %dma_start3A_71] : memref<80x128xi32, #tpu.memory_space<vmem>> -> memref<1x128xi32, #tpu.memory_space<vmem>>
      %dma_start3A_73 = tpu.memref_squeeze %dma_start3A_72 : memref<1x128xi32, #tpu.memory_space<vmem>> -> memref<128xi32, #tpu.memory_space<vmem>>
      %dma_start3A_74 = arith.constant 0 : i32
      %dma_start3A_75 = arith.constant 0 : i32
      %dma_start3A_76 = tpu.memref_slice %arg8[%dma_start3A_74, %dma_start3A_75] : memref<10240x16xf32, #tpu.memory_space<vmem_shared>> -> memref<10240x16xf32, #tpu.memory_space<vmem_shared>>
      tpu.enqueue_indirect_dma source(%arg7 : memref<128x16xf32, #tpu.memory_space<vmem>>) target(%dma_start3A_76 : memref<10240x16xf32, #tpu.memory_space<vmem_shared>>) offsets(%dma_start3A_73 : memref<128xi32, #tpu.memory_space<vmem>>) semaphore(%arg11 : memref<!tpu.dma_semaphore, #tpu.memory_space<semaphore_mem>>) {add = true}
      %add3A_77 = arith.constant 3 : i32
      %add3A_78 = arith.addi %add3A_41, %add3A_77 : i32
      %ge3A_79 = arith.constant 4 : i32
      %ge3A_80 = arith.cmpi sge, %add3A_78, %ge3A_79 : i32
      %convert_element_type3A_81 = arith.extui %ge3A_80 : i1 to i32
      %cond3A_82 = arith.constant 0 : i32
      %cond3A_83 = arith.cmpi ne, %convert_element_type3A_81, %cond3A_82 : i32
      scf.if %cond3A_83 {
        %dma_wait3A_90 = arith.constant 0 : i32
        %dma_wait3A_91 = arith.constant 0 : i32
        %dma_wait3A_92 = tpu.memref_slice %arg6[%dma_wait3A_90, %dma_wait3A_91] : memref<80x128xi32, #tpu.memory_space<vmem>> -> memref<1x128xi32, #tpu.memory_space<vmem>>
        %dma_wait3A_93 = tpu.memref_squeeze %dma_wait3A_92 : memref<1x128xi32, #tpu.memory_space<vmem>> -> memref<128xi32, #tpu.memory_space<vmem>>
        %dma_wait3A_94 = arith.constant 0 : i32
        %dma_wait3A_95 = arith.constant 0 : i32
        %dma_wait3A_96 = tpu.memref_slice %arg8[%dma_wait3A_94, %dma_wait3A_95] : memref<10240x16xf32, #tpu.memory_space<vmem_shared>> -> memref<10240x16xf32, #tpu.memory_space<vmem_shared>>
        tpu.wait_indirect_dma semaphore(%arg12 : memref<!tpu.dma_semaphore, #tpu.memory_space<semaphore_mem>>) src(%arg7 : memref<128x16xf32, #tpu.memory_space<vmem>>) dst(%dma_wait3A_96 : memref<10240x16xf32, #tpu.memory_space<vmem_shared>>)
      } else {
      }
      %dma_start3A_84 = arith.constant 0 : i32
      %dma_start3A_85 = tpu.memref_slice %arg6[%add3A_78, %dma_start3A_84] : memref<80x128xi32, #tpu.memory_space<vmem>> -> memref<1x128xi32, #tpu.memory_space<vmem>>
      %dma_start3A_86 = tpu.memref_squeeze %dma_start3A_85 : memref<1x128xi32, #tpu.memory_space<vmem>> -> memref<128xi32, #tpu.memory_space<vmem>>
      %dma_start3A_87 = arith.constant 0 : i32
      %dma_start3A_88 = arith.constant 0 : i32
      %dma_start3A_89 = tpu.memref_slice %arg8[%dma_start3A_87, %dma_start3A_88] : memref<10240x16xf32, #tpu.memory_space<vmem_shared>> -> memref<10240x16xf32, #tpu.memory_space<vmem_shared>>
      tpu.enqueue_indirect_dma source(%arg7 : memref<128x16xf32, #tpu.memory_space<vmem>>) target(%dma_start3A_89 : memref<10240x16xf32, #tpu.memory_space<vmem_shared>>) offsets(%dma_start3A_86 : memref<128xi32, #tpu.memory_space<vmem>>) semaphore(%arg12 : memref<!tpu.dma_semaphore, #tpu.memory_space<semaphore_mem>>) {add = true}
    }
    %scan3A_8 = arith.constant 20 : i32
    %dma_wait3A = arith.constant 0 : i32
    %dma_wait3A_9 = arith.constant 0 : i32
    %dma_wait3A_10 = tpu.memref_slice %arg6[%dma_wait3A, %dma_wait3A_9] : memref<80x128xi32, #tpu.memory_space<vmem>> -> memref<1x128xi32, #tpu.memory_space<vmem>>
    %dma_wait3A_11 = tpu.memref_squeeze %dma_wait3A_10 : memref<1x128xi32, #tpu.memory_space<vmem>> -> memref<128xi32, #tpu.memory_space<vmem>>
    %dma_wait3A_12 = arith.constant 0 : i32
    %dma_wait3A_13 = arith.constant 0 : i32
    %dma_wait3A_14 = tpu.memref_slice %arg8[%dma_wait3A_12, %dma_wait3A_13] : memref<10240x16xf32, #tpu.memory_space<vmem_shared>> -> memref<10240x16xf32, #tpu.memory_space<vmem_shared>>
    tpu.wait_indirect_dma semaphore(%arg9 : memref<!tpu.dma_semaphore, #tpu.memory_space<semaphore_mem>>) src(%arg7 : memref<128x16xf32, #tpu.memory_space<vmem>>) dst(%dma_wait3A_14 : memref<10240x16xf32, #tpu.memory_space<vmem_shared>>)
    %dma_wait3A_15 = arith.constant 0 : i32
    %dma_wait3A_16 = arith.constant 0 : i32
    %dma_wait3A_17 = tpu.memref_slice %arg6[%dma_wait3A_15, %dma_wait3A_16] : memref<80x128xi32, #tpu.memory_space<vmem>> -> memref<1x128xi32, #tpu.memory_space<vmem>>
    %dma_wait3A_18 = tpu.memref_squeeze %dma_wait3A_17 : memref<1x128xi32, #tpu.memory_space<vmem>> -> memref<128xi32, #tpu.memory_space<vmem>>
    %dma_wait3A_19 = arith.constant 0 : i32
    %dma_wait3A_20 = arith.constant 0 : i32
    %dma_wait3A_21 = tpu.memref_slice %arg8[%dma_wait3A_19, %dma_wait3A_20] : memref<10240x16xf32, #tpu.memory_space<vmem_shared>> -> memref<10240x16xf32, #tpu.memory_space<vmem_shared>>
    tpu.wait_indirect_dma semaphore(%arg10 : memref<!tpu.dma_semaphore, #tpu.memory_space<semaphore_mem>>) src(%arg7 : memref<128x16xf32, #tpu.memory_space<vmem>>) dst(%dma_wait3A_21 : memref<10240x16xf32, #tpu.memory_space<vmem_shared>>)
    %dma_wait3A_22 = arith.constant 0 : i32
    %dma_wait3A_23 = arith.constant 0 : i32
    %dma_wait3A_24 = tpu.memref_slice %arg6[%dma_wait3A_22, %dma_wait3A_23] : memref<80x128xi32, #tpu.memory_space<vmem>> -> memref<1x128xi32, #tpu.memory_space<vmem>>
    %dma_wait3A_25 = tpu.memref_squeeze %dma_wait3A_24 : memref<1x128xi32, #tpu.memory_space<vmem>> -> memref<128xi32, #tpu.memory_space<vmem>>
    %dma_wait3A_26 = arith.constant 0 : i32
    %dma_wait3A_27 = arith.constant 0 : i32
    %dma_wait3A_28 = tpu.memref_slice %arg8[%dma_wait3A_26, %dma_wait3A_27] : memref<10240x16xf32, #tpu.memory_space<vmem_shared>> -> memref<10240x16xf32, #tpu.memory_space<vmem_shared>>
    tpu.wait_indirect_dma semaphore(%arg11 : memref<!tpu.dma_semaphore, #tpu.memory_space<semaphore_mem>>) src(%arg7 : memref<128x16xf32, #tpu.memory_space<vmem>>) dst(%dma_wait3A_28 : memref<10240x16xf32, #tpu.memory_space<vmem_shared>>)
    %dma_wait3A_29 = arith.constant 0 : i32
    %dma_wait3A_30 = arith.constant 0 : i32
    %dma_wait3A_31 = tpu.memref_slice %arg6[%dma_wait3A_29, %dma_wait3A_30] : memref<80x128xi32, #tpu.memory_space<vmem>> -> memref<1x128xi32, #tpu.memory_space<vmem>>
    %dma_wait3A_32 = tpu.memref_squeeze %dma_wait3A_31 : memref<1x128xi32, #tpu.memory_space<vmem>> -> memref<128xi32, #tpu.memory_space<vmem>>
    %dma_wait3A_33 = arith.constant 0 : i32
    %dma_wait3A_34 = arith.constant 0 : i32
    %dma_wait3A_35 = tpu.memref_slice %arg8[%dma_wait3A_33, %dma_wait3A_34] : memref<10240x16xf32, #tpu.memory_space<vmem_shared>> -> memref<10240x16xf32, #tpu.memory_space<vmem_shared>>
    tpu.wait_indirect_dma semaphore(%arg12 : memref<!tpu.dma_semaphore, #tpu.memory_space<semaphore_mem>>) src(%arg7 : memref<128x16xf32, #tpu.memory_space<vmem>>) dst(%dma_wait3A_35 : memref<10240x16xf32, #tpu.memory_space<vmem_shared>>)
    %barrier3A_36 = arith.constant 0 : index
    tpu.barrier barrier_id(%barrier3A_36)
    "tpu.region"() ({
      %run_scoped3A = tpu.sem_alloc : memref<!tpu.dma_semaphore, #tpu.memory_space<semaphore_mem>>
      %dma_start3A = arith.constant 0 : i32
      %dma_start3A_37 = arith.constant 0 : i32
      %dma_start3A_38 = tpu.memref_slice %arg5[%arg0, %dma_start3A, %dma_start3A_37] : memref<2x10240x16xf32, #tpu.memory_space<hbm>> -> memref<1x10240x16xf32, #tpu.memory_space<hbm>>
      %dma_start3A_39 = tpu.memref_squeeze %dma_start3A_38 : memref<1x10240x16xf32, #tpu.memory_space<hbm>> -> memref<10240x16xf32, #tpu.memory_space<hbm>>
      %dma_start3A_40 = arith.constant 0 : i32
      %dma_start3A_41 = tpu.memref_slice %dma_start3A_39[%mul3A_0, %dma_start3A_40] : memref<10240x16xf32, #tpu.memory_space<hbm>> -> memref<640x16xf32, #tpu.memory_space<hbm>>
      %dma_start3A_42 = arith.constant 0 : i32
      %dma_start3A_43 = tpu.memref_slice %arg8[%mul3A_0, %dma_start3A_42] : memref<10240x16xf32, #tpu.memory_space<vmem_shared>> -> memref<640x16xf32, #tpu.memory_space<vmem_shared>>
      tpu.enqueue_dma source(%dma_start3A_43 : memref<640x16xf32, #tpu.memory_space<vmem_shared>>) target(%dma_start3A_41 : memref<640x16xf32, #tpu.memory_space<hbm>>) target_semaphore(%run_scoped3A : memref<!tpu.dma_semaphore, #tpu.memory_space<semaphore_mem>>)
      %dma_wait3A_44 = arith.constant 0 : i32
      %dma_wait3A_45 = arith.constant 0 : i32
      %dma_wait3A_46 = tpu.memref_slice %arg5[%arg0, %dma_wait3A_44, %dma_wait3A_45] : memref<2x10240x16xf32, #tpu.memory_space<hbm>> -> memref<1x10240x16xf32, #tpu.memory_space<hbm>>
      %dma_wait3A_47 = tpu.memref_squeeze %dma_wait3A_46 : memref<1x10240x16xf32, #tpu.memory_space<hbm>> -> memref<10240x16xf32, #tpu.memory_space<hbm>>
      %dma_wait3A_48 = arith.constant 0 : i32
      %dma_wait3A_49 = tpu.memref_slice %dma_wait3A_47[%mul3A_0, %dma_wait3A_48] : memref<10240x16xf32, #tpu.memory_space<hbm>> -> memref<640x16xf32, #tpu.memory_space<hbm>>
      %dma_wait3A_50 = arith.constant 0 : i32
      %dma_wait3A_51 = tpu.memref_slice %arg8[%mul3A_0, %dma_wait3A_50] : memref<10240x16xf32, #tpu.memory_space<vmem_shared>> -> memref<640x16xf32, #tpu.memory_space<vmem_shared>>
      tpu.wait_dma2 semaphore(%run_scoped3A : memref<!tpu.dma_semaphore, #tpu.memory_space<semaphore_mem>>) src(%dma_wait3A_51 : memref<640x16xf32, #tpu.memory_space<vmem_shared>>) dst(%dma_wait3A_49 : memref<640x16xf32, #tpu.memory_space<hbm>>)
      tpu.yield
    }) : () -> ()
    return
  }
}

#map = affine_map<(d0, d1) -> (0, 0, 0)>
#map1 = affine_map<(d0, d1) -> (0, 0)>
module attributes {stable_mosaic.version = 14 : i64} {
  func.func @edge_kernel(%arg0: i32, %arg1: i32, %arg2: memref<2x10240x64xbf16, #tpu.memory_space<hbm>>, %arg3: memref<2560x128xi32, #tpu.memory_space<hbm>>, %arg4: memref<2560x128xi32, #tpu.memory_space<hbm>>, %arg5: memref<2x10240x64xbf16, #tpu.memory_space<hbm>>, %arg6: memref<2x80x128xi32, #tpu.memory_space<vmem>>, %arg7: memref<2x80x128xi32, #tpu.memory_space<vmem>>, %arg8: memref<4x128x64xbf16, #tpu.memory_space<vmem>>, %arg9: memref<10240x64xbf16, #tpu.memory_space<vmem_shared>>, %arg10: memref<10240x64xbf16, #tpu.memory_space<vmem_shared>>, %arg11: memref<!tpu.dma_semaphore, #tpu.memory_space<semaphore_mem>>, %arg12: memref<!tpu.dma_semaphore, #tpu.memory_space<semaphore_mem>>, %arg13: memref<!tpu.dma_semaphore, #tpu.memory_space<semaphore_mem>>, %arg14: memref<!tpu.dma_semaphore, #tpu.memory_space<semaphore_mem>>, %arg15: memref<!tpu.dma_semaphore, #tpu.memory_space<semaphore_mem>>, %arg16: memref<!tpu.dma_semaphore, #tpu.memory_space<semaphore_mem>>, %arg17: memref<!tpu.dma_semaphore, #tpu.memory_space<semaphore_mem>>, %arg18: memref<!tpu.dma_semaphore, #tpu.memory_space<semaphore_mem>>, %arg19: memref<!tpu.dma_semaphore, #tpu.memory_space<semaphore_mem>>, %arg20: memref<!tpu.dma_semaphore, #tpu.memory_space<semaphore_mem>>) attributes {dimension_semantics = [#tpu.dimension_semantics<core_parallel>, #tpu.dimension_semantics<subcore_parallel>], iteration_bounds = array<i64: 2, 16>, scalar_prefetch = 0 : i64, scratch_operands = 15 : i64, tpu.core_type = #tpu.core_type<sc_vector_subcore>, window_params = [{transform_indices = #map}, {transform_indices = #map1}, {transform_indices = #map1}, {transform_indices = #map}]} {
    %mul3A = arith.constant 160 : i32
    %mul3A_0 = arith.muli %arg1, %mul3A : i32
    %mul3A_1 = arith.constant 640 : i32
    %mul3A_2 = arith.muli %arg1, %mul3A_1 : i32
    "tpu.region"() ({
      %run_scoped3A = tpu.sem_alloc : memref<!tpu.dma_semaphore, #tpu.memory_space<semaphore_mem>>
      %dma_start3A_334 = arith.constant 0 : i32
      %dma_start3A_335 = tpu.memref_slice %arg9[%mul3A_2, %dma_start3A_334] : memref<10240x64xbf16, #tpu.memory_space<vmem_shared>> -> memref<640x64xbf16, #tpu.memory_space<vmem_shared>>
      %dma_start3A_336 = arith.constant 0 : i32
      %dma_start3A_337 = arith.constant 0 : i32
      %dma_start3A_338 = tpu.memref_slice %arg2[%arg0, %dma_start3A_336, %dma_start3A_337] : memref<2x10240x64xbf16, #tpu.memory_space<hbm>> -> memref<1x10240x64xbf16, #tpu.memory_space<hbm>>
      %dma_start3A_339 = tpu.memref_squeeze %dma_start3A_338 : memref<1x10240x64xbf16, #tpu.memory_space<hbm>> -> memref<10240x64xbf16, #tpu.memory_space<hbm>>
      %dma_start3A_340 = arith.constant 0 : i32
      %dma_start3A_341 = tpu.memref_slice %dma_start3A_339[%mul3A_2, %dma_start3A_340] : memref<10240x64xbf16, #tpu.memory_space<hbm>> -> memref<640x64xbf16, #tpu.memory_space<hbm>>
      tpu.enqueue_dma source(%dma_start3A_341 : memref<640x64xbf16, #tpu.memory_space<hbm>>) target(%dma_start3A_335 : memref<640x64xbf16, #tpu.memory_space<vmem_shared>>) target_semaphore(%run_scoped3A : memref<!tpu.dma_semaphore, #tpu.memory_space<semaphore_mem>>)
      %dma_wait3A_342 = arith.constant 0 : i32
      %dma_wait3A_343 = tpu.memref_slice %arg9[%mul3A_2, %dma_wait3A_342] : memref<10240x64xbf16, #tpu.memory_space<vmem_shared>> -> memref<640x64xbf16, #tpu.memory_space<vmem_shared>>
      %dma_wait3A_344 = arith.constant 0 : i32
      %dma_wait3A_345 = arith.constant 0 : i32
      %dma_wait3A_346 = tpu.memref_slice %arg2[%arg0, %dma_wait3A_344, %dma_wait3A_345] : memref<2x10240x64xbf16, #tpu.memory_space<hbm>> -> memref<1x10240x64xbf16, #tpu.memory_space<hbm>>
      %dma_wait3A_347 = tpu.memref_squeeze %dma_wait3A_346 : memref<1x10240x64xbf16, #tpu.memory_space<hbm>> -> memref<10240x64xbf16, #tpu.memory_space<hbm>>
      %dma_wait3A_348 = arith.constant 0 : i32
      %dma_wait3A_349 = tpu.memref_slice %dma_wait3A_347[%mul3A_2, %dma_wait3A_348] : memref<10240x64xbf16, #tpu.memory_space<hbm>> -> memref<640x64xbf16, #tpu.memory_space<hbm>>
      tpu.wait_dma2 semaphore(%run_scoped3A : memref<!tpu.dma_semaphore, #tpu.memory_space<semaphore_mem>>) src(%dma_wait3A_349 : memref<640x64xbf16, #tpu.memory_space<hbm>>) dst(%dma_wait3A_343 : memref<640x64xbf16, #tpu.memory_space<vmem_shared>>)
      tpu.yield
    }) : () -> ()
    "tpu.region"() ({
      %run_scoped3A = tpu.sem_alloc : memref<!tpu.dma_semaphore, #tpu.memory_space<semaphore_mem>>
      %dma_start3A_334 = arith.constant 0 : i32
      %dma_start3A_335 = tpu.memref_slice %arg10[%mul3A_2, %dma_start3A_334] : memref<10240x64xbf16, #tpu.memory_space<vmem_shared>> -> memref<640x64xbf16, #tpu.memory_space<vmem_shared>>
      %dma_start3A_336 = arith.constant 0 : i32
      %dma_start3A_337 = arith.constant 0 : i32
      %dma_start3A_338 = tpu.memref_slice %arg2[%arg0, %dma_start3A_336, %dma_start3A_337] : memref<2x10240x64xbf16, #tpu.memory_space<hbm>> -> memref<1x10240x64xbf16, #tpu.memory_space<hbm>>
      %dma_start3A_339 = tpu.memref_squeeze %dma_start3A_338 : memref<1x10240x64xbf16, #tpu.memory_space<hbm>> -> memref<10240x64xbf16, #tpu.memory_space<hbm>>
      %dma_start3A_340 = arith.constant 0 : i32
      %dma_start3A_341 = tpu.memref_slice %dma_start3A_339[%mul3A_2, %dma_start3A_340] : memref<10240x64xbf16, #tpu.memory_space<hbm>> -> memref<640x64xbf16, #tpu.memory_space<hbm>>
      tpu.enqueue_dma source(%dma_start3A_341 : memref<640x64xbf16, #tpu.memory_space<hbm>>) target(%dma_start3A_335 : memref<640x64xbf16, #tpu.memory_space<vmem_shared>>) target_semaphore(%run_scoped3A : memref<!tpu.dma_semaphore, #tpu.memory_space<semaphore_mem>>)
      %dma_wait3A_342 = arith.constant 0 : i32
      %dma_wait3A_343 = tpu.memref_slice %arg10[%mul3A_2, %dma_wait3A_342] : memref<10240x64xbf16, #tpu.memory_space<vmem_shared>> -> memref<640x64xbf16, #tpu.memory_space<vmem_shared>>
      %dma_wait3A_344 = arith.constant 0 : i32
      %dma_wait3A_345 = arith.constant 0 : i32
      %dma_wait3A_346 = tpu.memref_slice %arg2[%arg0, %dma_wait3A_344, %dma_wait3A_345] : memref<2x10240x64xbf16, #tpu.memory_space<hbm>> -> memref<1x10240x64xbf16, #tpu.memory_space<hbm>>
      %dma_wait3A_347 = tpu.memref_squeeze %dma_wait3A_346 : memref<1x10240x64xbf16, #tpu.memory_space<hbm>> -> memref<10240x64xbf16, #tpu.memory_space<hbm>>
      %dma_wait3A_348 = arith.constant 0 : i32
      %dma_wait3A_349 = tpu.memref_slice %dma_wait3A_347[%mul3A_2, %dma_wait3A_348] : memref<10240x64xbf16, #tpu.memory_space<hbm>> -> memref<640x64xbf16, #tpu.memory_space<hbm>>
      tpu.wait_dma2 semaphore(%run_scoped3A : memref<!tpu.dma_semaphore, #tpu.memory_space<semaphore_mem>>) src(%dma_wait3A_349 : memref<640x64xbf16, #tpu.memory_space<hbm>>) dst(%dma_wait3A_343 : memref<640x64xbf16, #tpu.memory_space<vmem_shared>>)
      tpu.yield
    }) : () -> ()
    %add3A = arith.constant 0 : i32
    %add3A_3 = arith.addi %mul3A_0, %add3A : i32
    %add3A_4 = arith.constant 0 : i32
    %add3A_5 = arith.addi %mul3A_0, %add3A_4 : i32
    %dma_start3A = arith.constant 0 : i32
    %dma_start3A_6 = arith.constant 0 : i32
    %dma_start3A_7 = arith.constant 0 : i32
    %dma_start3A_8 = tpu.memref_slice %arg6[%dma_start3A, %dma_start3A_6, %dma_start3A_7] : memref<2x80x128xi32, #tpu.memory_space<vmem>> -> memref<1x80x128xi32, #tpu.memory_space<vmem>>
    %dma_start3A_9 = tpu.memref_squeeze %dma_start3A_8 : memref<1x80x128xi32, #tpu.memory_space<vmem>> -> memref<80x128xi32, #tpu.memory_space<vmem>>
    %dma_start3A_10 = arith.constant 0 : i32
    %dma_start3A_11 = tpu.memref_slice %arg3[%add3A_3, %dma_start3A_10] : memref<2560x128xi32, #tpu.memory_space<hbm>> -> memref<80x128xi32, #tpu.memory_space<hbm>>
    %dma_start3A_12 = arith.constant 0 : i32
    %dma_start3A_13 = arith.constant 0 : i32
    %dma_start3A_14 = tpu.memref_slice %arg6[%dma_start3A, %dma_start3A_12, %dma_start3A_13] : memref<2x80x128xi32, #tpu.memory_space<vmem>> -> memref<1x80x128xi32, #tpu.memory_space<vmem>>
    %dma_start3A_15 = tpu.memref_squeeze %dma_start3A_14 : memref<1x80x128xi32, #tpu.memory_space<vmem>> -> memref<80x128xi32, #tpu.memory_space<vmem>>
    %dma_start3A_16 = arith.constant 0 : i32
    %dma_start3A_17 = tpu.memref_slice %arg3[%add3A_3, %dma_start3A_16] : memref<2560x128xi32, #tpu.memory_space<hbm>> -> memref<80x128xi32, #tpu.memory_space<hbm>>
    tpu.enqueue_dma source(%dma_start3A_17 : memref<80x128xi32, #tpu.memory_space<hbm>>) target(%dma_start3A_15 : memref<80x128xi32, #tpu.memory_space<vmem>>) target_semaphore(%arg19 : memref<!tpu.dma_semaphore, #tpu.memory_space<semaphore_mem>>)
    %dma_start3A_18 = arith.constant 0 : i32
    %dma_start3A_19 = arith.constant 0 : i32
    %dma_start3A_20 = arith.constant 0 : i32
    %dma_start3A_21 = tpu.memref_slice %arg7[%dma_start3A_18, %dma_start3A_19, %dma_start3A_20] : memref<2x80x128xi32, #tpu.memory_space<vmem>> -> memref<1x80x128xi32, #tpu.memory_space<vmem>>
    %dma_start3A_22 = tpu.memref_squeeze %dma_start3A_21 : memref<1x80x128xi32, #tpu.memory_space<vmem>> -> memref<80x128xi32, #tpu.memory_space<vmem>>
    %dma_start3A_23 = arith.constant 0 : i32
    %dma_start3A_24 = tpu.memref_slice %arg4[%add3A_5, %dma_start3A_23] : memref<2560x128xi32, #tpu.memory_space<hbm>> -> memref<80x128xi32, #tpu.memory_space<hbm>>
    %dma_start3A_25 = arith.constant 0 : i32
    %dma_start3A_26 = arith.constant 0 : i32
    %dma_start3A_27 = tpu.memref_slice %arg7[%dma_start3A_18, %dma_start3A_25, %dma_start3A_26] : memref<2x80x128xi32, #tpu.memory_space<vmem>> -> memref<1x80x128xi32, #tpu.memory_space<vmem>>
    %dma_start3A_28 = tpu.memref_squeeze %dma_start3A_27 : memref<1x80x128xi32, #tpu.memory_space<vmem>> -> memref<80x128xi32, #tpu.memory_space<vmem>>
    %dma_start3A_29 = arith.constant 0 : i32
    %dma_start3A_30 = tpu.memref_slice %arg4[%add3A_5, %dma_start3A_29] : memref<2560x128xi32, #tpu.memory_space<hbm>> -> memref<80x128xi32, #tpu.memory_space<hbm>>
    tpu.enqueue_dma source(%dma_start3A_30 : memref<80x128xi32, #tpu.memory_space<hbm>>) target(%dma_start3A_28 : memref<80x128xi32, #tpu.memory_space<vmem>>) target_semaphore(%arg19 : memref<!tpu.dma_semaphore, #tpu.memory_space<semaphore_mem>>)
    %add3A_31 = arith.constant 0 : i32
    %add3A_32 = arith.addi %mul3A_0, %add3A_31 : i32
    %add3A_33 = arith.constant 0 : i32
    %add3A_34 = arith.addi %mul3A_0, %add3A_33 : i32
    %dma_wait3A = arith.constant 0 : i32
    %dma_wait3A_35 = arith.constant 0 : i32
    %dma_wait3A_36 = arith.constant 0 : i32
    %dma_wait3A_37 = tpu.memref_slice %arg6[%dma_wait3A, %dma_wait3A_35, %dma_wait3A_36] : memref<2x80x128xi32, #tpu.memory_space<vmem>> -> memref<1x80x128xi32, #tpu.memory_space<vmem>>
    %dma_wait3A_38 = tpu.memref_squeeze %dma_wait3A_37 : memref<1x80x128xi32, #tpu.memory_space<vmem>> -> memref<80x128xi32, #tpu.memory_space<vmem>>
    %dma_wait3A_39 = arith.constant 0 : i32
    %dma_wait3A_40 = tpu.memref_slice %arg3[%add3A_32, %dma_wait3A_39] : memref<2560x128xi32, #tpu.memory_space<hbm>> -> memref<80x128xi32, #tpu.memory_space<hbm>>
    %dma_wait3A_41 = arith.constant 0 : i32
    %dma_wait3A_42 = arith.constant 0 : i32
    %dma_wait3A_43 = tpu.memref_slice %arg6[%dma_wait3A, %dma_wait3A_41, %dma_wait3A_42] : memref<2x80x128xi32, #tpu.memory_space<vmem>> -> memref<1x80x128xi32, #tpu.memory_space<vmem>>
    %dma_wait3A_44 = tpu.memref_squeeze %dma_wait3A_43 : memref<1x80x128xi32, #tpu.memory_space<vmem>> -> memref<80x128xi32, #tpu.memory_space<vmem>>
    %dma_wait3A_45 = arith.constant 0 : i32
    %dma_wait3A_46 = tpu.memref_slice %arg3[%add3A_32, %dma_wait3A_45] : memref<2560x128xi32, #tpu.memory_space<hbm>> -> memref<80x128xi32, #tpu.memory_space<hbm>>
    tpu.wait_dma2 semaphore(%arg19 : memref<!tpu.dma_semaphore, #tpu.memory_space<semaphore_mem>>) src(%dma_wait3A_46 : memref<80x128xi32, #tpu.memory_space<hbm>>) dst(%dma_wait3A_44 : memref<80x128xi32, #tpu.memory_space<vmem>>)
    %dma_wait3A_47 = arith.constant 0 : i32
    %dma_wait3A_48 = arith.constant 0 : i32
    %dma_wait3A_49 = arith.constant 0 : i32
    %dma_wait3A_50 = tpu.memref_slice %arg7[%dma_wait3A_47, %dma_wait3A_48, %dma_wait3A_49] : memref<2x80x128xi32, #tpu.memory_space<vmem>> -> memref<1x80x128xi32, #tpu.memory_space<vmem>>
    %dma_wait3A_51 = tpu.memref_squeeze %dma_wait3A_50 : memref<1x80x128xi32, #tpu.memory_space<vmem>> -> memref<80x128xi32, #tpu.memory_space<vmem>>
    %dma_wait3A_52 = arith.constant 0 : i32
    %dma_wait3A_53 = tpu.memref_slice %arg4[%add3A_34, %dma_wait3A_52] : memref<2560x128xi32, #tpu.memory_space<hbm>> -> memref<80x128xi32, #tpu.memory_space<hbm>>
    %dma_wait3A_54 = arith.constant 0 : i32
    %dma_wait3A_55 = arith.constant 0 : i32
    %dma_wait3A_56 = tpu.memref_slice %arg7[%dma_wait3A_47, %dma_wait3A_54, %dma_wait3A_55] : memref<2x80x128xi32, #tpu.memory_space<vmem>> -> memref<1x80x128xi32, #tpu.memory_space<vmem>>
    %dma_wait3A_57 = tpu.memref_squeeze %dma_wait3A_56 : memref<1x80x128xi32, #tpu.memory_space<vmem>> -> memref<80x128xi32, #tpu.memory_space<vmem>>
    %dma_wait3A_58 = arith.constant 0 : i32
    %dma_wait3A_59 = tpu.memref_slice %arg4[%add3A_34, %dma_wait3A_58] : memref<2560x128xi32, #tpu.memory_space<hbm>> -> memref<80x128xi32, #tpu.memory_space<hbm>>
    tpu.wait_dma2 semaphore(%arg19 : memref<!tpu.dma_semaphore, #tpu.memory_space<semaphore_mem>>) src(%dma_wait3A_59 : memref<80x128xi32, #tpu.memory_space<hbm>>) dst(%dma_wait3A_57 : memref<80x128xi32, #tpu.memory_space<vmem>>)
    %barrier3A = arith.constant 0 : index
    tpu.barrier barrier_id(%barrier3A)
    %dma_start3A_60 = arith.constant 0 : i32
    %dma_start3A_61 = arith.constant 0 : i32
    %dma_start3A_62 = arith.constant 0 : i32
    %dma_start3A_63 = arith.constant 0 : i32
    %dma_start3A_64 = arith.constant 0 : i32
    %dma_start3A_65 = tpu.memref_slice %arg8[%dma_start3A_62, %dma_start3A_63, %dma_start3A_64] : memref<4x128x64xbf16, #tpu.memory_space<vmem>> -> memref<1x128x64xbf16, #tpu.memory_space<vmem>>
    %dma_start3A_66 = tpu.memref_squeeze %dma_start3A_65 : memref<1x128x64xbf16, #tpu.memory_space<vmem>> -> memref<128x64xbf16, #tpu.memory_space<vmem>>
    %dma_start3A_67 = arith.constant 0 : i32
    %dma_start3A_68 = arith.constant 0 : i32
    %dma_start3A_69 = tpu.memref_slice %arg6[%dma_start3A_60, %dma_start3A_67, %dma_start3A_68] : memref<2x80x128xi32, #tpu.memory_space<vmem>> -> memref<1x80x128xi32, #tpu.memory_space<vmem>>
    %dma_start3A_70 = tpu.memref_squeeze %dma_start3A_69 : memref<1x80x128xi32, #tpu.memory_space<vmem>> -> memref<80x128xi32, #tpu.memory_space<vmem>>
    %dma_start3A_71 = arith.constant 0 : i32
    %dma_start3A_72 = tpu.memref_slice %dma_start3A_70[%dma_start3A_61, %dma_start3A_71] : memref<80x128xi32, #tpu.memory_space<vmem>> -> memref<1x128xi32, #tpu.memory_space<vmem>>
    %dma_start3A_73 = tpu.memref_squeeze %dma_start3A_72 : memref<1x128xi32, #tpu.memory_space<vmem>> -> memref<128xi32, #tpu.memory_space<vmem>>
    %dma_start3A_74 = arith.constant 0 : i32
    %dma_start3A_75 = arith.constant 0 : i32
    %dma_start3A_76 = tpu.memref_slice %arg10[%dma_start3A_74, %dma_start3A_75] : memref<10240x64xbf16, #tpu.memory_space<vmem_shared>> -> memref<10240x64xbf16, #tpu.memory_space<vmem_shared>>
    tpu.enqueue_indirect_dma source(%dma_start3A_76 : memref<10240x64xbf16, #tpu.memory_space<vmem_shared>>) target(%dma_start3A_66 : memref<128x64xbf16, #tpu.memory_space<vmem>>) offsets(%dma_start3A_73 : memref<128xi32, #tpu.memory_space<vmem>>) semaphore(%arg11 : memref<!tpu.dma_semaphore, #tpu.memory_space<semaphore_mem>>)
    %dma_start3A_77 = arith.constant 0 : i32
    %dma_start3A_78 = arith.constant 1 : i32
    %dma_start3A_79 = arith.constant 1 : i32
    %dma_start3A_80 = arith.constant 0 : i32
    %dma_start3A_81 = arith.constant 0 : i32
    %dma_start3A_82 = tpu.memref_slice %arg8[%dma_start3A_79, %dma_start3A_80, %dma_start3A_81] : memref<4x128x64xbf16, #tpu.memory_space<vmem>> -> memref<1x128x64xbf16, #tpu.memory_space<vmem>>
    %dma_start3A_83 = tpu.memref_squeeze %dma_start3A_82 : memref<1x128x64xbf16, #tpu.memory_space<vmem>> -> memref<128x64xbf16, #tpu.memory_space<vmem>>
    %dma_start3A_84 = arith.constant 0 : i32
    %dma_start3A_85 = arith.constant 0 : i32
    %dma_start3A_86 = tpu.memref_slice %arg6[%dma_start3A_77, %dma_start3A_84, %dma_start3A_85] : memref<2x80x128xi32, #tpu.memory_space<vmem>> -> memref<1x80x128xi32, #tpu.memory_space<vmem>>
    %dma_start3A_87 = tpu.memref_squeeze %dma_start3A_86 : memref<1x80x128xi32, #tpu.memory_space<vmem>> -> memref<80x128xi32, #tpu.memory_space<vmem>>
    %dma_start3A_88 = arith.constant 0 : i32
    %dma_start3A_89 = tpu.memref_slice %dma_start3A_87[%dma_start3A_78, %dma_start3A_88] : memref<80x128xi32, #tpu.memory_space<vmem>> -> memref<1x128xi32, #tpu.memory_space<vmem>>
    %dma_start3A_90 = tpu.memref_squeeze %dma_start3A_89 : memref<1x128xi32, #tpu.memory_space<vmem>> -> memref<128xi32, #tpu.memory_space<vmem>>
    %dma_start3A_91 = arith.constant 0 : i32
    %dma_start3A_92 = arith.constant 0 : i32
    %dma_start3A_93 = tpu.memref_slice %arg10[%dma_start3A_91, %dma_start3A_92] : memref<10240x64xbf16, #tpu.memory_space<vmem_shared>> -> memref<10240x64xbf16, #tpu.memory_space<vmem_shared>>
    tpu.enqueue_indirect_dma source(%dma_start3A_93 : memref<10240x64xbf16, #tpu.memory_space<vmem_shared>>) target(%dma_start3A_83 : memref<128x64xbf16, #tpu.memory_space<vmem>>) offsets(%dma_start3A_90 : memref<128xi32, #tpu.memory_space<vmem>>) semaphore(%arg12 : memref<!tpu.dma_semaphore, #tpu.memory_space<semaphore_mem>>)
    %add3A_94 = arith.constant 80 : i32
    %add3A_95 = arith.addi %mul3A_0, %add3A_94 : i32
    %add3A_96 = arith.constant 80 : i32
    %add3A_97 = arith.addi %mul3A_0, %add3A_96 : i32
    %dma_start3A_98 = arith.constant 1 : i32
    %dma_start3A_99 = arith.constant 0 : i32
    %dma_start3A_100 = arith.constant 0 : i32
    %dma_start3A_101 = tpu.memref_slice %arg6[%dma_start3A_98, %dma_start3A_99, %dma_start3A_100] : memref<2x80x128xi32, #tpu.memory_space<vmem>> -> memref<1x80x128xi32, #tpu.memory_space<vmem>>
    %dma_start3A_102 = tpu.memref_squeeze %dma_start3A_101 : memref<1x80x128xi32, #tpu.memory_space<vmem>> -> memref<80x128xi32, #tpu.memory_space<vmem>>
    %dma_start3A_103 = arith.constant 0 : i32
    %dma_start3A_104 = tpu.memref_slice %arg3[%add3A_95, %dma_start3A_103] : memref<2560x128xi32, #tpu.memory_space<hbm>> -> memref<80x128xi32, #tpu.memory_space<hbm>>
    %dma_start3A_105 = arith.constant 0 : i32
    %dma_start3A_106 = arith.constant 0 : i32
    %dma_start3A_107 = tpu.memref_slice %arg6[%dma_start3A_98, %dma_start3A_105, %dma_start3A_106] : memref<2x80x128xi32, #tpu.memory_space<vmem>> -> memref<1x80x128xi32, #tpu.memory_space<vmem>>
    %dma_start3A_108 = tpu.memref_squeeze %dma_start3A_107 : memref<1x80x128xi32, #tpu.memory_space<vmem>> -> memref<80x128xi32, #tpu.memory_space<vmem>>
    %dma_start3A_109 = arith.constant 0 : i32
    %dma_start3A_110 = tpu.memref_slice %arg3[%add3A_95, %dma_start3A_109] : memref<2560x128xi32, #tpu.memory_space<hbm>> -> memref<80x128xi32, #tpu.memory_space<hbm>>
    tpu.enqueue_dma source(%dma_start3A_110 : memref<80x128xi32, #tpu.memory_space<hbm>>) target(%dma_start3A_108 : memref<80x128xi32, #tpu.memory_space<vmem>>) target_semaphore(%arg20 : memref<!tpu.dma_semaphore, #tpu.memory_space<semaphore_mem>>)
    %dma_start3A_111 = arith.constant 1 : i32
    %dma_start3A_112 = arith.constant 0 : i32
    %dma_start3A_113 = arith.constant 0 : i32
    %dma_start3A_114 = tpu.memref_slice %arg7[%dma_start3A_111, %dma_start3A_112, %dma_start3A_113] : memref<2x80x128xi32, #tpu.memory_space<vmem>> -> memref<1x80x128xi32, #tpu.memory_space<vmem>>
    %dma_start3A_115 = tpu.memref_squeeze %dma_start3A_114 : memref<1x80x128xi32, #tpu.memory_space<vmem>> -> memref<80x128xi32, #tpu.memory_space<vmem>>
    %dma_start3A_116 = arith.constant 0 : i32
    %dma_start3A_117 = tpu.memref_slice %arg4[%add3A_97, %dma_start3A_116] : memref<2560x128xi32, #tpu.memory_space<hbm>> -> memref<80x128xi32, #tpu.memory_space<hbm>>
    %dma_start3A_118 = arith.constant 0 : i32
    %dma_start3A_119 = arith.constant 0 : i32
    %dma_start3A_120 = tpu.memref_slice %arg7[%dma_start3A_111, %dma_start3A_118, %dma_start3A_119] : memref<2x80x128xi32, #tpu.memory_space<vmem>> -> memref<1x80x128xi32, #tpu.memory_space<vmem>>
    %dma_start3A_121 = tpu.memref_squeeze %dma_start3A_120 : memref<1x80x128xi32, #tpu.memory_space<vmem>> -> memref<80x128xi32, #tpu.memory_space<vmem>>
    %dma_start3A_122 = arith.constant 0 : i32
    %dma_start3A_123 = tpu.memref_slice %arg4[%add3A_97, %dma_start3A_122] : memref<2560x128xi32, #tpu.memory_space<hbm>> -> memref<80x128xi32, #tpu.memory_space<hbm>>
    tpu.enqueue_dma source(%dma_start3A_123 : memref<80x128xi32, #tpu.memory_space<hbm>>) target(%dma_start3A_121 : memref<80x128xi32, #tpu.memory_space<vmem>>) target_semaphore(%arg20 : memref<!tpu.dma_semaphore, #tpu.memory_space<semaphore_mem>>)
    %scan3A = arith.constant 0 : i32
    %scan3A_124 = arith.constant 20 : i32
    %scan3A_125 = arith.addi %scan3A, %scan3A_124 : i32
    %scan3A_126 = arith.constant 1 : i32
    scf.for %scan3A_334 = %scan3A to %scan3A_125 step %scan3A_126  : i32 {
      %mul3A_335 = arith.constant 4 : i32
      %mul3A_336 = arith.muli %scan3A_334, %mul3A_335 : i32
      %add3A_337 = arith.constant 0 : i32
      %add3A_338 = arith.addi %add3A_337, %mul3A_336 : i32
      %add3A_339 = arith.constant 0 : i32
      %add3A_340 = arith.addi %add3A_338, %add3A_339 : i32
      %dma_wait3A_341 = arith.constant 0 : i32
      %dma_wait3A_342 = arith.constant 0 : i32
      %dma_wait3A_343 = arith.constant 0 : i32
      %dma_wait3A_344 = arith.constant 0 : i32
      %dma_wait3A_345 = tpu.memref_slice %arg8[%dma_wait3A_342, %dma_wait3A_343, %dma_wait3A_344] : memref<4x128x64xbf16, #tpu.memory_space<vmem>> -> memref<1x128x64xbf16, #tpu.memory_space<vmem>>
      %dma_wait3A_346 = tpu.memref_squeeze %dma_wait3A_345 : memref<1x128x64xbf16, #tpu.memory_space<vmem>> -> memref<128x64xbf16, #tpu.memory_space<vmem>>
      %dma_wait3A_347 = arith.constant 0 : i32
      %dma_wait3A_348 = arith.constant 0 : i32
      %dma_wait3A_349 = tpu.memref_slice %arg6[%dma_wait3A_341, %dma_wait3A_347, %dma_wait3A_348] : memref<2x80x128xi32, #tpu.memory_space<vmem>> -> memref<1x80x128xi32, #tpu.memory_space<vmem>>
      %dma_wait3A_350 = tpu.memref_squeeze %dma_wait3A_349 : memref<1x80x128xi32, #tpu.memory_space<vmem>> -> memref<80x128xi32, #tpu.memory_space<vmem>>
      %dma_wait3A_351 = arith.constant 0 : i32
      %dma_wait3A_352 = tpu.memref_slice %dma_wait3A_350[%add3A_340, %dma_wait3A_351] : memref<80x128xi32, #tpu.memory_space<vmem>> -> memref<1x128xi32, #tpu.memory_space<vmem>>
      %dma_wait3A_353 = tpu.memref_squeeze %dma_wait3A_352 : memref<1x128xi32, #tpu.memory_space<vmem>> -> memref<128xi32, #tpu.memory_space<vmem>>
      %dma_wait3A_354 = arith.constant 0 : i32
      %dma_wait3A_355 = arith.constant 0 : i32
      %dma_wait3A_356 = tpu.memref_slice %arg10[%dma_wait3A_354, %dma_wait3A_355] : memref<10240x64xbf16, #tpu.memory_space<vmem_shared>> -> memref<10240x64xbf16, #tpu.memory_space<vmem_shared>>
      tpu.wait_indirect_dma semaphore(%arg11 : memref<!tpu.dma_semaphore, #tpu.memory_space<semaphore_mem>>) src(%dma_wait3A_356 : memref<10240x64xbf16, #tpu.memory_space<vmem_shared>>) dst(%dma_wait3A_346 : memref<128x64xbf16, #tpu.memory_space<vmem>>)
      %dma_start3A_357 = arith.constant 0 : i32
      %dma_start3A_358 = arith.constant 0 : i32
      %dma_start3A_359 = arith.constant 0 : i32
      %dma_start3A_360 = arith.constant 0 : i32
      %dma_start3A_361 = tpu.memref_slice %arg8[%dma_start3A_357, %dma_start3A_359, %dma_start3A_360] : memref<4x128x64xbf16, #tpu.memory_space<vmem>> -> memref<1x128x64xbf16, #tpu.memory_space<vmem>>
      %dma_start3A_362 = tpu.memref_squeeze %dma_start3A_361 : memref<1x128x64xbf16, #tpu.memory_space<vmem>> -> memref<128x64xbf16, #tpu.memory_space<vmem>>
      %dma_start3A_363 = arith.constant 0 : i32
      %dma_start3A_364 = arith.constant 0 : i32
      %dma_start3A_365 = tpu.memref_slice %arg7[%dma_start3A_358, %dma_start3A_363, %dma_start3A_364] : memref<2x80x128xi32, #tpu.memory_space<vmem>> -> memref<1x80x128xi32, #tpu.memory_space<vmem>>
      %dma_start3A_366 = tpu.memref_squeeze %dma_start3A_365 : memref<1x80x128xi32, #tpu.memory_space<vmem>> -> memref<80x128xi32, #tpu.memory_space<vmem>>
      %dma_start3A_367 = arith.constant 0 : i32
      %dma_start3A_368 = tpu.memref_slice %dma_start3A_366[%add3A_340, %dma_start3A_367] : memref<80x128xi32, #tpu.memory_space<vmem>> -> memref<1x128xi32, #tpu.memory_space<vmem>>
      %dma_start3A_369 = tpu.memref_squeeze %dma_start3A_368 : memref<1x128xi32, #tpu.memory_space<vmem>> -> memref<128xi32, #tpu.memory_space<vmem>>
      %dma_start3A_370 = arith.constant 0 : i32
      %dma_start3A_371 = arith.constant 0 : i32
      %dma_start3A_372 = tpu.memref_slice %arg9[%dma_start3A_370, %dma_start3A_371] : memref<10240x64xbf16, #tpu.memory_space<vmem_shared>> -> memref<10240x64xbf16, #tpu.memory_space<vmem_shared>>
      tpu.enqueue_indirect_dma source(%dma_start3A_362 : memref<128x64xbf16, #tpu.memory_space<vmem>>) target(%dma_start3A_372 : memref<10240x64xbf16, #tpu.memory_space<vmem_shared>>) offsets(%dma_start3A_369 : memref<128xi32, #tpu.memory_space<vmem>>) semaphore(%arg15 : memref<!tpu.dma_semaphore, #tpu.memory_space<semaphore_mem>>) {add = true}
      %add3A_373 = arith.constant 2 : i32
      %add3A_374 = arith.addi %add3A_340, %add3A_373 : i32
      %lt3A = arith.constant 80 : i32
      %lt3A_375 = arith.cmpi slt, %add3A_374, %lt3A : i32
      %convert_element_type3A = arith.extui %lt3A_375 : i1 to i32
      %cond3A = arith.constant 0 : i32
      %cond3A_376 = arith.cmpi ne, %convert_element_type3A, %cond3A : i32
      scf.if %cond3A_376 {
        %ge3A = arith.constant 4 : i32
        %ge3A_500 = arith.cmpi sge, %add3A_374, %ge3A : i32
        %convert_element_type3A_501 = arith.extui %ge3A_500 : i1 to i32
        %cond3A_502 = arith.constant 0 : i32
        %cond3A_503 = arith.cmpi ne, %convert_element_type3A_501, %cond3A_502 : i32
        scf.if %cond3A_503 {
          %dma_wait3A_520 = arith.constant 2 : i32
          %dma_wait3A_521 = arith.constant 0 : i32
          %dma_wait3A_522 = arith.constant 0 : i32
          %dma_wait3A_523 = arith.constant 0 : i32
          %dma_wait3A_524 = arith.constant 0 : i32
          %dma_wait3A_525 = tpu.memref_slice %arg8[%dma_wait3A_520, %dma_wait3A_523, %dma_wait3A_524] : memref<4x128x64xbf16, #tpu.memory_space<vmem>> -> memref<1x128x64xbf16, #tpu.memory_space<vmem>>
          %dma_wait3A_526 = tpu.memref_squeeze %dma_wait3A_525 : memref<1x128x64xbf16, #tpu.memory_space<vmem>> -> memref<128x64xbf16, #tpu.memory_space<vmem>>
          %dma_wait3A_527 = arith.constant 0 : i32
          %dma_wait3A_528 = arith.constant 0 : i32
          %dma_wait3A_529 = tpu.memref_slice %arg7[%dma_wait3A_521, %dma_wait3A_527, %dma_wait3A_528] : memref<2x80x128xi32, #tpu.memory_space<vmem>> -> memref<1x80x128xi32, #tpu.memory_space<vmem>>
          %dma_wait3A_530 = tpu.memref_squeeze %dma_wait3A_529 : memref<1x80x128xi32, #tpu.memory_space<vmem>> -> memref<80x128xi32, #tpu.memory_space<vmem>>
          %dma_wait3A_531 = arith.constant 0 : i32
          %dma_wait3A_532 = tpu.memref_slice %dma_wait3A_530[%dma_wait3A_522, %dma_wait3A_531] : memref<80x128xi32, #tpu.memory_space<vmem>> -> memref<1x128xi32, #tpu.memory_space<vmem>>
          %dma_wait3A_533 = tpu.memref_squeeze %dma_wait3A_532 : memref<1x128xi32, #tpu.memory_space<vmem>> -> memref<128xi32, #tpu.memory_space<vmem>>
          %dma_wait3A_534 = arith.constant 0 : i32
          %dma_wait3A_535 = arith.constant 0 : i32
          %dma_wait3A_536 = tpu.memref_slice %arg9[%dma_wait3A_534, %dma_wait3A_535] : memref<10240x64xbf16, #tpu.memory_space<vmem_shared>> -> memref<10240x64xbf16, #tpu.memory_space<vmem_shared>>
          tpu.wait_indirect_dma semaphore(%arg17 : memref<!tpu.dma_semaphore, #tpu.memory_space<semaphore_mem>>) src(%dma_wait3A_526 : memref<128x64xbf16, #tpu.memory_space<vmem>>) dst(%dma_wait3A_536 : memref<10240x64xbf16, #tpu.memory_space<vmem_shared>>)
        } else {
        }
        %dma_start3A_504 = arith.constant 0 : i32
        %dma_start3A_505 = arith.constant 2 : i32
        %dma_start3A_506 = arith.constant 0 : i32
        %dma_start3A_507 = arith.constant 0 : i32
        %dma_start3A_508 = tpu.memref_slice %arg8[%dma_start3A_505, %dma_start3A_506, %dma_start3A_507] : memref<4x128x64xbf16, #tpu.memory_space<vmem>> -> memref<1x128x64xbf16, #tpu.memory_space<vmem>>
        %dma_start3A_509 = tpu.memref_squeeze %dma_start3A_508 : memref<1x128x64xbf16, #tpu.memory_space<vmem>> -> memref<128x64xbf16, #tpu.memory_space<vmem>>
        %dma_start3A_510 = arith.constant 0 : i32
        %dma_start3A_511 = arith.constant 0 : i32
        %dma_start3A_512 = tpu.memref_slice %arg6[%dma_start3A_504, %dma_start3A_510, %dma_start3A_511] : memref<2x80x128xi32, #tpu.memory_space<vmem>> -> memref<1x80x128xi32, #tpu.memory_space<vmem>>
        %dma_start3A_513 = tpu.memref_squeeze %dma_start3A_512 : memref<1x80x128xi32, #tpu.memory_space<vmem>> -> memref<80x128xi32, #tpu.memory_space<vmem>>
        %dma_start3A_514 = arith.constant 0 : i32
        %dma_start3A_515 = tpu.memref_slice %dma_start3A_513[%add3A_374, %dma_start3A_514] : memref<80x128xi32, #tpu.memory_space<vmem>> -> memref<1x128xi32, #tpu.memory_space<vmem>>
        %dma_start3A_516 = tpu.memref_squeeze %dma_start3A_515 : memref<1x128xi32, #tpu.memory_space<vmem>> -> memref<128xi32, #tpu.memory_space<vmem>>
        %dma_start3A_517 = arith.constant 0 : i32
        %dma_start3A_518 = arith.constant 0 : i32
        %dma_start3A_519 = tpu.memref_slice %arg10[%dma_start3A_517, %dma_start3A_518] : memref<10240x64xbf16, #tpu.memory_space<vmem_shared>> -> memref<10240x64xbf16, #tpu.memory_space<vmem_shared>>
        tpu.enqueue_indirect_dma source(%dma_start3A_519 : memref<10240x64xbf16, #tpu.memory_space<vmem_shared>>) target(%dma_start3A_509 : memref<128x64xbf16, #tpu.memory_space<vmem>>) offsets(%dma_start3A_516 : memref<128xi32, #tpu.memory_space<vmem>>) semaphore(%arg13 : memref<!tpu.dma_semaphore, #tpu.memory_space<semaphore_mem>>)
      } else {
      }
      %add3A_377 = arith.constant 1 : i32
      %add3A_378 = arith.addi %add3A_338, %add3A_377 : i32
      %dma_wait3A_379 = arith.constant 0 : i32
      %dma_wait3A_380 = arith.constant 1 : i32
      %dma_wait3A_381 = arith.constant 0 : i32
      %dma_wait3A_382 = arith.constant 0 : i32
      %dma_wait3A_383 = tpu.memref_slice %arg8[%dma_wait3A_380, %dma_wait3A_381, %dma_wait3A_382] : memref<4x128x64xbf16, #tpu.memory_space<vmem>> -> memref<1x128x64xbf16, #tpu.memory_space<vmem>>
      %dma_wait3A_384 = tpu.memref_squeeze %dma_wait3A_383 : memref<1x128x64xbf16, #tpu.memory_space<vmem>> -> memref<128x64xbf16, #tpu.memory_space<vmem>>
      %dma_wait3A_385 = arith.constant 0 : i32
      %dma_wait3A_386 = arith.constant 0 : i32
      %dma_wait3A_387 = tpu.memref_slice %arg6[%dma_wait3A_379, %dma_wait3A_385, %dma_wait3A_386] : memref<2x80x128xi32, #tpu.memory_space<vmem>> -> memref<1x80x128xi32, #tpu.memory_space<vmem>>
      %dma_wait3A_388 = tpu.memref_squeeze %dma_wait3A_387 : memref<1x80x128xi32, #tpu.memory_space<vmem>> -> memref<80x128xi32, #tpu.memory_space<vmem>>
      %dma_wait3A_389 = arith.constant 0 : i32
      %dma_wait3A_390 = tpu.memref_slice %dma_wait3A_388[%add3A_378, %dma_wait3A_389] : memref<80x128xi32, #tpu.memory_space<vmem>> -> memref<1x128xi32, #tpu.memory_space<vmem>>
      %dma_wait3A_391 = tpu.memref_squeeze %dma_wait3A_390 : memref<1x128xi32, #tpu.memory_space<vmem>> -> memref<128xi32, #tpu.memory_space<vmem>>
      %dma_wait3A_392 = arith.constant 0 : i32
      %dma_wait3A_393 = arith.constant 0 : i32
      %dma_wait3A_394 = tpu.memref_slice %arg10[%dma_wait3A_392, %dma_wait3A_393] : memref<10240x64xbf16, #tpu.memory_space<vmem_shared>> -> memref<10240x64xbf16, #tpu.memory_space<vmem_shared>>
      tpu.wait_indirect_dma semaphore(%arg12 : memref<!tpu.dma_semaphore, #tpu.memory_space<semaphore_mem>>) src(%dma_wait3A_394 : memref<10240x64xbf16, #tpu.memory_space<vmem_shared>>) dst(%dma_wait3A_384 : memref<128x64xbf16, #tpu.memory_space<vmem>>)
      %dma_start3A_395 = arith.constant 1 : i32
      %dma_start3A_396 = arith.constant 0 : i32
      %dma_start3A_397 = arith.constant 0 : i32
      %dma_start3A_398 = arith.constant 0 : i32
      %dma_start3A_399 = tpu.memref_slice %arg8[%dma_start3A_395, %dma_start3A_397, %dma_start3A_398] : memref<4x128x64xbf16, #tpu.memory_space<vmem>> -> memref<1x128x64xbf16, #tpu.memory_space<vmem>>
      %dma_start3A_400 = tpu.memref_squeeze %dma_start3A_399 : memref<1x128x64xbf16, #tpu.memory_space<vmem>> -> memref<128x64xbf16, #tpu.memory_space<vmem>>
      %dma_start3A_401 = arith.constant 0 : i32
      %dma_start3A_402 = arith.constant 0 : i32
      %dma_start3A_403 = tpu.memref_slice %arg7[%dma_start3A_396, %dma_start3A_401, %dma_start3A_402] : memref<2x80x128xi32, #tpu.memory_space<vmem>> -> memref<1x80x128xi32, #tpu.memory_space<vmem>>
      %dma_start3A_404 = tpu.memref_squeeze %dma_start3A_403 : memref<1x80x128xi32, #tpu.memory_space<vmem>> -> memref<80x128xi32, #tpu.memory_space<vmem>>
      %dma_start3A_405 = arith.constant 0 : i32
      %dma_start3A_406 = tpu.memref_slice %dma_start3A_404[%add3A_378, %dma_start3A_405] : memref<80x128xi32, #tpu.memory_space<vmem>> -> memref<1x128xi32, #tpu.memory_space<vmem>>
      %dma_start3A_407 = tpu.memref_squeeze %dma_start3A_406 : memref<1x128xi32, #tpu.memory_space<vmem>> -> memref<128xi32, #tpu.memory_space<vmem>>
      %dma_start3A_408 = arith.constant 0 : i32
      %dma_start3A_409 = arith.constant 0 : i32
      %dma_start3A_410 = tpu.memref_slice %arg9[%dma_start3A_408, %dma_start3A_409] : memref<10240x64xbf16, #tpu.memory_space<vmem_shared>> -> memref<10240x64xbf16, #tpu.memory_space<vmem_shared>>
      tpu.enqueue_indirect_dma source(%dma_start3A_400 : memref<128x64xbf16, #tpu.memory_space<vmem>>) target(%dma_start3A_410 : memref<10240x64xbf16, #tpu.memory_space<vmem_shared>>) offsets(%dma_start3A_407 : memref<128xi32, #tpu.memory_space<vmem>>) semaphore(%arg16 : memref<!tpu.dma_semaphore, #tpu.memory_space<semaphore_mem>>) {add = true}
      %add3A_411 = arith.constant 2 : i32
      %add3A_412 = arith.addi %add3A_378, %add3A_411 : i32
      %lt3A_413 = arith.constant 80 : i32
      %lt3A_414 = arith.cmpi slt, %add3A_412, %lt3A_413 : i32
      %convert_element_type3A_415 = arith.extui %lt3A_414 : i1 to i32
      %cond3A_416 = arith.constant 0 : i32
      %cond3A_417 = arith.cmpi ne, %convert_element_type3A_415, %cond3A_416 : i32
      scf.if %cond3A_417 {
        %ge3A = arith.constant 4 : i32
        %ge3A_500 = arith.cmpi sge, %add3A_412, %ge3A : i32
        %convert_element_type3A_501 = arith.extui %ge3A_500 : i1 to i32
        %cond3A_502 = arith.constant 0 : i32
        %cond3A_503 = arith.cmpi ne, %convert_element_type3A_501, %cond3A_502 : i32
        scf.if %cond3A_503 {
          %dma_wait3A_520 = arith.constant 3 : i32
          %dma_wait3A_521 = arith.constant 0 : i32
          %dma_wait3A_522 = arith.constant 0 : i32
          %dma_wait3A_523 = arith.constant 0 : i32
          %dma_wait3A_524 = arith.constant 0 : i32
          %dma_wait3A_525 = tpu.memref_slice %arg8[%dma_wait3A_520, %dma_wait3A_523, %dma_wait3A_524] : memref<4x128x64xbf16, #tpu.memory_space<vmem>> -> memref<1x128x64xbf16, #tpu.memory_space<vmem>>
          %dma_wait3A_526 = tpu.memref_squeeze %dma_wait3A_525 : memref<1x128x64xbf16, #tpu.memory_space<vmem>> -> memref<128x64xbf16, #tpu.memory_space<vmem>>
          %dma_wait3A_527 = arith.constant 0 : i32
          %dma_wait3A_528 = arith.constant 0 : i32
          %dma_wait3A_529 = tpu.memref_slice %arg7[%dma_wait3A_521, %dma_wait3A_527, %dma_wait3A_528] : memref<2x80x128xi32, #tpu.memory_space<vmem>> -> memref<1x80x128xi32, #tpu.memory_space<vmem>>
          %dma_wait3A_530 = tpu.memref_squeeze %dma_wait3A_529 : memref<1x80x128xi32, #tpu.memory_space<vmem>> -> memref<80x128xi32, #tpu.memory_space<vmem>>
          %dma_wait3A_531 = arith.constant 0 : i32
          %dma_wait3A_532 = tpu.memref_slice %dma_wait3A_530[%dma_wait3A_522, %dma_wait3A_531] : memref<80x128xi32, #tpu.memory_space<vmem>> -> memref<1x128xi32, #tpu.memory_space<vmem>>
          %dma_wait3A_533 = tpu.memref_squeeze %dma_wait3A_532 : memref<1x128xi32, #tpu.memory_space<vmem>> -> memref<128xi32, #tpu.memory_space<vmem>>
          %dma_wait3A_534 = arith.constant 0 : i32
          %dma_wait3A_535 = arith.constant 0 : i32
          %dma_wait3A_536 = tpu.memref_slice %arg9[%dma_wait3A_534, %dma_wait3A_535] : memref<10240x64xbf16, #tpu.memory_space<vmem_shared>> -> memref<10240x64xbf16, #tpu.memory_space<vmem_shared>>
          tpu.wait_indirect_dma semaphore(%arg18 : memref<!tpu.dma_semaphore, #tpu.memory_space<semaphore_mem>>) src(%dma_wait3A_526 : memref<128x64xbf16, #tpu.memory_space<vmem>>) dst(%dma_wait3A_536 : memref<10240x64xbf16, #tpu.memory_space<vmem_shared>>)
        } else {
        }
        %dma_start3A_504 = arith.constant 0 : i32
        %dma_start3A_505 = arith.constant 3 : i32
        %dma_start3A_506 = arith.constant 0 : i32
        %dma_start3A_507 = arith.constant 0 : i32
        %dma_start3A_508 = tpu.memref_slice %arg8[%dma_start3A_505, %dma_start3A_506, %dma_start3A_507] : memref<4x128x64xbf16, #tpu.memory_space<vmem>> -> memref<1x128x64xbf16, #tpu.memory_space<vmem>>
        %dma_start3A_509 = tpu.memref_squeeze %dma_start3A_508 : memref<1x128x64xbf16, #tpu.memory_space<vmem>> -> memref<128x64xbf16, #tpu.memory_space<vmem>>
        %dma_start3A_510 = arith.constant 0 : i32
        %dma_start3A_511 = arith.constant 0 : i32
        %dma_start3A_512 = tpu.memref_slice %arg6[%dma_start3A_504, %dma_start3A_510, %dma_start3A_511] : memref<2x80x128xi32, #tpu.memory_space<vmem>> -> memref<1x80x128xi32, #tpu.memory_space<vmem>>
        %dma_start3A_513 = tpu.memref_squeeze %dma_start3A_512 : memref<1x80x128xi32, #tpu.memory_space<vmem>> -> memref<80x128xi32, #tpu.memory_space<vmem>>
        %dma_start3A_514 = arith.constant 0 : i32
        %dma_start3A_515 = tpu.memref_slice %dma_start3A_513[%add3A_412, %dma_start3A_514] : memref<80x128xi32, #tpu.memory_space<vmem>> -> memref<1x128xi32, #tpu.memory_space<vmem>>
        %dma_start3A_516 = tpu.memref_squeeze %dma_start3A_515 : memref<1x128xi32, #tpu.memory_space<vmem>> -> memref<128xi32, #tpu.memory_space<vmem>>
        %dma_start3A_517 = arith.constant 0 : i32
        %dma_start3A_518 = arith.constant 0 : i32
        %dma_start3A_519 = tpu.memref_slice %arg10[%dma_start3A_517, %dma_start3A_518] : memref<10240x64xbf16, #tpu.memory_space<vmem_shared>> -> memref<10240x64xbf16, #tpu.memory_space<vmem_shared>>
        tpu.enqueue_indirect_dma source(%dma_start3A_519 : memref<10240x64xbf16, #tpu.memory_space<vmem_shared>>) target(%dma_start3A_509 : memref<128x64xbf16, #tpu.memory_space<vmem>>) offsets(%dma_start3A_516 : memref<128xi32, #tpu.memory_space<vmem>>) semaphore(%arg14 : memref<!tpu.dma_semaphore, #tpu.memory_space<semaphore_mem>>)
      } else {
      }
      %add3A_418 = arith.constant 2 : i32
      %add3A_419 = arith.addi %add3A_338, %add3A_418 : i32
      %dma_wait3A_420 = arith.constant 0 : i32
      %dma_wait3A_421 = arith.constant 2 : i32
      %dma_wait3A_422 = arith.constant 0 : i32
      %dma_wait3A_423 = arith.constant 0 : i32
      %dma_wait3A_424 = tpu.memref_slice %arg8[%dma_wait3A_421, %dma_wait3A_422, %dma_wait3A_423] : memref<4x128x64xbf16, #tpu.memory_space<vmem>> -> memref<1x128x64xbf16, #tpu.memory_space<vmem>>
      %dma_wait3A_425 = tpu.memref_squeeze %dma_wait3A_424 : memref<1x128x64xbf16, #tpu.memory_space<vmem>> -> memref<128x64xbf16, #tpu.memory_space<vmem>>
      %dma_wait3A_426 = arith.constant 0 : i32
      %dma_wait3A_427 = arith.constant 0 : i32
      %dma_wait3A_428 = tpu.memref_slice %arg6[%dma_wait3A_420, %dma_wait3A_426, %dma_wait3A_427] : memref<2x80x128xi32, #tpu.memory_space<vmem>> -> memref<1x80x128xi32, #tpu.memory_space<vmem>>
      %dma_wait3A_429 = tpu.memref_squeeze %dma_wait3A_428 : memref<1x80x128xi32, #tpu.memory_space<vmem>> -> memref<80x128xi32, #tpu.memory_space<vmem>>
      %dma_wait3A_430 = arith.constant 0 : i32
      %dma_wait3A_431 = tpu.memref_slice %dma_wait3A_429[%add3A_419, %dma_wait3A_430] : memref<80x128xi32, #tpu.memory_space<vmem>> -> memref<1x128xi32, #tpu.memory_space<vmem>>
      %dma_wait3A_432 = tpu.memref_squeeze %dma_wait3A_431 : memref<1x128xi32, #tpu.memory_space<vmem>> -> memref<128xi32, #tpu.memory_space<vmem>>
      %dma_wait3A_433 = arith.constant 0 : i32
      %dma_wait3A_434 = arith.constant 0 : i32
      %dma_wait3A_435 = tpu.memref_slice %arg10[%dma_wait3A_433, %dma_wait3A_434] : memref<10240x64xbf16, #tpu.memory_space<vmem_shared>> -> memref<10240x64xbf16, #tpu.memory_space<vmem_shared>>
      tpu.wait_indirect_dma semaphore(%arg13 : memref<!tpu.dma_semaphore, #tpu.memory_space<semaphore_mem>>) src(%dma_wait3A_435 : memref<10240x64xbf16, #tpu.memory_space<vmem_shared>>) dst(%dma_wait3A_425 : memref<128x64xbf16, #tpu.memory_space<vmem>>)
      %dma_start3A_436 = arith.constant 2 : i32
      %dma_start3A_437 = arith.constant 0 : i32
      %dma_start3A_438 = arith.constant 0 : i32
      %dma_start3A_439 = arith.constant 0 : i32
      %dma_start3A_440 = tpu.memref_slice %arg8[%dma_start3A_436, %dma_start3A_438, %dma_start3A_439] : memref<4x128x64xbf16, #tpu.memory_space<vmem>> -> memref<1x128x64xbf16, #tpu.memory_space<vmem>>
      %dma_start3A_441 = tpu.memref_squeeze %dma_start3A_440 : memref<1x128x64xbf16, #tpu.memory_space<vmem>> -> memref<128x64xbf16, #tpu.memory_space<vmem>>
      %dma_start3A_442 = arith.constant 0 : i32
      %dma_start3A_443 = arith.constant 0 : i32
      %dma_start3A_444 = tpu.memref_slice %arg7[%dma_start3A_437, %dma_start3A_442, %dma_start3A_443] : memref<2x80x128xi32, #tpu.memory_space<vmem>> -> memref<1x80x128xi32, #tpu.memory_space<vmem>>
      %dma_start3A_445 = tpu.memref_squeeze %dma_start3A_444 : memref<1x80x128xi32, #tpu.memory_space<vmem>> -> memref<80x128xi32, #tpu.memory_space<vmem>>
      %dma_start3A_446 = arith.constant 0 : i32
      %dma_start3A_447 = tpu.memref_slice %dma_start3A_445[%add3A_419, %dma_start3A_446] : memref<80x128xi32, #tpu.memory_space<vmem>> -> memref<1x128xi32, #tpu.memory_space<vmem>>
      %dma_start3A_448 = tpu.memref_squeeze %dma_start3A_447 : memref<1x128xi32, #tpu.memory_space<vmem>> -> memref<128xi32, #tpu.memory_space<vmem>>
      %dma_start3A_449 = arith.constant 0 : i32
      %dma_start3A_450 = arith.constant 0 : i32
      %dma_start3A_451 = tpu.memref_slice %arg9[%dma_start3A_449, %dma_start3A_450] : memref<10240x64xbf16, #tpu.memory_space<vmem_shared>> -> memref<10240x64xbf16, #tpu.memory_space<vmem_shared>>
      tpu.enqueue_indirect_dma source(%dma_start3A_441 : memref<128x64xbf16, #tpu.memory_space<vmem>>) target(%dma_start3A_451 : memref<10240x64xbf16, #tpu.memory_space<vmem_shared>>) offsets(%dma_start3A_448 : memref<128xi32, #tpu.memory_space<vmem>>) semaphore(%arg17 : memref<!tpu.dma_semaphore, #tpu.memory_space<semaphore_mem>>) {add = true}
      %add3A_452 = arith.constant 2 : i32
      %add3A_453 = arith.addi %add3A_419, %add3A_452 : i32
      %lt3A_454 = arith.constant 80 : i32
      %lt3A_455 = arith.cmpi slt, %add3A_453, %lt3A_454 : i32
      %convert_element_type3A_456 = arith.extui %lt3A_455 : i1 to i32
      %cond3A_457 = arith.constant 0 : i32
      %cond3A_458 = arith.cmpi ne, %convert_element_type3A_456, %cond3A_457 : i32
      scf.if %cond3A_458 {
        %ge3A = arith.constant 4 : i32
        %ge3A_500 = arith.cmpi sge, %add3A_453, %ge3A : i32
        %convert_element_type3A_501 = arith.extui %ge3A_500 : i1 to i32
        %cond3A_502 = arith.constant 0 : i32
        %cond3A_503 = arith.cmpi ne, %convert_element_type3A_501, %cond3A_502 : i32
        scf.if %cond3A_503 {
          %dma_wait3A_520 = arith.constant 0 : i32
          %dma_wait3A_521 = arith.constant 0 : i32
          %dma_wait3A_522 = arith.constant 0 : i32
          %dma_wait3A_523 = arith.constant 0 : i32
          %dma_wait3A_524 = arith.constant 0 : i32
          %dma_wait3A_525 = tpu.memref_slice %arg8[%dma_wait3A_520, %dma_wait3A_523, %dma_wait3A_524] : memref<4x128x64xbf16, #tpu.memory_space<vmem>> -> memref<1x128x64xbf16, #tpu.memory_space<vmem>>
          %dma_wait3A_526 = tpu.memref_squeeze %dma_wait3A_525 : memref<1x128x64xbf16, #tpu.memory_space<vmem>> -> memref<128x64xbf16, #tpu.memory_space<vmem>>
          %dma_wait3A_527 = arith.constant 0 : i32
          %dma_wait3A_528 = arith.constant 0 : i32
          %dma_wait3A_529 = tpu.memref_slice %arg7[%dma_wait3A_521, %dma_wait3A_527, %dma_wait3A_528] : memref<2x80x128xi32, #tpu.memory_space<vmem>> -> memref<1x80x128xi32, #tpu.memory_space<vmem>>
          %dma_wait3A_530 = tpu.memref_squeeze %dma_wait3A_529 : memref<1x80x128xi32, #tpu.memory_space<vmem>> -> memref<80x128xi32, #tpu.memory_space<vmem>>
          %dma_wait3A_531 = arith.constant 0 : i32
          %dma_wait3A_532 = tpu.memref_slice %dma_wait3A_530[%dma_wait3A_522, %dma_wait3A_531] : memref<80x128xi32, #tpu.memory_space<vmem>> -> memref<1x128xi32, #tpu.memory_space<vmem>>
          %dma_wait3A_533 = tpu.memref_squeeze %dma_wait3A_532 : memref<1x128xi32, #tpu.memory_space<vmem>> -> memref<128xi32, #tpu.memory_space<vmem>>
          %dma_wait3A_534 = arith.constant 0 : i32
          %dma_wait3A_535 = arith.constant 0 : i32
          %dma_wait3A_536 = tpu.memref_slice %arg9[%dma_wait3A_534, %dma_wait3A_535] : memref<10240x64xbf16, #tpu.memory_space<vmem_shared>> -> memref<10240x64xbf16, #tpu.memory_space<vmem_shared>>
          tpu.wait_indirect_dma semaphore(%arg15 : memref<!tpu.dma_semaphore, #tpu.memory_space<semaphore_mem>>) src(%dma_wait3A_526 : memref<128x64xbf16, #tpu.memory_space<vmem>>) dst(%dma_wait3A_536 : memref<10240x64xbf16, #tpu.memory_space<vmem_shared>>)
        } else {
        }
        %dma_start3A_504 = arith.constant 0 : i32
        %dma_start3A_505 = arith.constant 0 : i32
        %dma_start3A_506 = arith.constant 0 : i32
        %dma_start3A_507 = arith.constant 0 : i32
        %dma_start3A_508 = tpu.memref_slice %arg8[%dma_start3A_505, %dma_start3A_506, %dma_start3A_507] : memref<4x128x64xbf16, #tpu.memory_space<vmem>> -> memref<1x128x64xbf16, #tpu.memory_space<vmem>>
        %dma_start3A_509 = tpu.memref_squeeze %dma_start3A_508 : memref<1x128x64xbf16, #tpu.memory_space<vmem>> -> memref<128x64xbf16, #tpu.memory_space<vmem>>
        %dma_start3A_510 = arith.constant 0 : i32
        %dma_start3A_511 = arith.constant 0 : i32
        %dma_start3A_512 = tpu.memref_slice %arg6[%dma_start3A_504, %dma_start3A_510, %dma_start3A_511] : memref<2x80x128xi32, #tpu.memory_space<vmem>> -> memref<1x80x128xi32, #tpu.memory_space<vmem>>
        %dma_start3A_513 = tpu.memref_squeeze %dma_start3A_512 : memref<1x80x128xi32, #tpu.memory_space<vmem>> -> memref<80x128xi32, #tpu.memory_space<vmem>>
        %dma_start3A_514 = arith.constant 0 : i32
        %dma_start3A_515 = tpu.memref_slice %dma_start3A_513[%add3A_453, %dma_start3A_514] : memref<80x128xi32, #tpu.memory_space<vmem>> -> memref<1x128xi32, #tpu.memory_space<vmem>>
        %dma_start3A_516 = tpu.memref_squeeze %dma_start3A_515 : memref<1x128xi32, #tpu.memory_space<vmem>> -> memref<128xi32, #tpu.memory_space<vmem>>
        %dma_start3A_517 = arith.constant 0 : i32
        %dma_start3A_518 = arith.constant 0 : i32
        %dma_start3A_519 = tpu.memref_slice %arg10[%dma_start3A_517, %dma_start3A_518] : memref<10240x64xbf16, #tpu.memory_space<vmem_shared>> -> memref<10240x64xbf16, #tpu.memory_space<vmem_shared>>
        tpu.enqueue_indirect_dma source(%dma_start3A_519 : memref<10240x64xbf16, #tpu.memory_space<vmem_shared>>) target(%dma_start3A_509 : memref<128x64xbf16, #tpu.memory_space<vmem>>) offsets(%dma_start3A_516 : memref<128xi32, #tpu.memory_space<vmem>>) semaphore(%arg11 : memref<!tpu.dma_semaphore, #tpu.memory_space<semaphore_mem>>)
      } else {
      }
      %add3A_459 = arith.constant 3 : i32
      %add3A_460 = arith.addi %add3A_338, %add3A_459 : i32
      %dma_wait3A_461 = arith.constant 0 : i32
      %dma_wait3A_462 = arith.constant 3 : i32
      %dma_wait3A_463 = arith.constant 0 : i32
      %dma_wait3A_464 = arith.constant 0 : i32
      %dma_wait3A_465 = tpu.memref_slice %arg8[%dma_wait3A_462, %dma_wait3A_463, %dma_wait3A_464] : memref<4x128x64xbf16, #tpu.memory_space<vmem>> -> memref<1x128x64xbf16, #tpu.memory_space<vmem>>
      %dma_wait3A_466 = tpu.memref_squeeze %dma_wait3A_465 : memref<1x128x64xbf16, #tpu.memory_space<vmem>> -> memref<128x64xbf16, #tpu.memory_space<vmem>>
      %dma_wait3A_467 = arith.constant 0 : i32
      %dma_wait3A_468 = arith.constant 0 : i32
      %dma_wait3A_469 = tpu.memref_slice %arg6[%dma_wait3A_461, %dma_wait3A_467, %dma_wait3A_468] : memref<2x80x128xi32, #tpu.memory_space<vmem>> -> memref<1x80x128xi32, #tpu.memory_space<vmem>>
      %dma_wait3A_470 = tpu.memref_squeeze %dma_wait3A_469 : memref<1x80x128xi32, #tpu.memory_space<vmem>> -> memref<80x128xi32, #tpu.memory_space<vmem>>
      %dma_wait3A_471 = arith.constant 0 : i32
      %dma_wait3A_472 = tpu.memref_slice %dma_wait3A_470[%add3A_460, %dma_wait3A_471] : memref<80x128xi32, #tpu.memory_space<vmem>> -> memref<1x128xi32, #tpu.memory_space<vmem>>
      %dma_wait3A_473 = tpu.memref_squeeze %dma_wait3A_472 : memref<1x128xi32, #tpu.memory_space<vmem>> -> memref<128xi32, #tpu.memory_space<vmem>>
      %dma_wait3A_474 = arith.constant 0 : i32
      %dma_wait3A_475 = arith.constant 0 : i32
      %dma_wait3A_476 = tpu.memref_slice %arg10[%dma_wait3A_474, %dma_wait3A_475] : memref<10240x64xbf16, #tpu.memory_space<vmem_shared>> -> memref<10240x64xbf16, #tpu.memory_space<vmem_shared>>
      tpu.wait_indirect_dma semaphore(%arg14 : memref<!tpu.dma_semaphore, #tpu.memory_space<semaphore_mem>>) src(%dma_wait3A_476 : memref<10240x64xbf16, #tpu.memory_space<vmem_shared>>) dst(%dma_wait3A_466 : memref<128x64xbf16, #tpu.memory_space<vmem>>)
      %dma_start3A_477 = arith.constant 3 : i32
      %dma_start3A_478 = arith.constant 0 : i32
      %dma_start3A_479 = arith.constant 0 : i32
      %dma_start3A_480 = arith.constant 0 : i32
      %dma_start3A_481 = tpu.memref_slice %arg8[%dma_start3A_477, %dma_start3A_479, %dma_start3A_480] : memref<4x128x64xbf16, #tpu.memory_space<vmem>> -> memref<1x128x64xbf16, #tpu.memory_space<vmem>>
      %dma_start3A_482 = tpu.memref_squeeze %dma_start3A_481 : memref<1x128x64xbf16, #tpu.memory_space<vmem>> -> memref<128x64xbf16, #tpu.memory_space<vmem>>
      %dma_start3A_483 = arith.constant 0 : i32
      %dma_start3A_484 = arith.constant 0 : i32
      %dma_start3A_485 = tpu.memref_slice %arg7[%dma_start3A_478, %dma_start3A_483, %dma_start3A_484] : memref<2x80x128xi32, #tpu.memory_space<vmem>> -> memref<1x80x128xi32, #tpu.memory_space<vmem>>
      %dma_start3A_486 = tpu.memref_squeeze %dma_start3A_485 : memref<1x80x128xi32, #tpu.memory_space<vmem>> -> memref<80x128xi32, #tpu.memory_space<vmem>>
      %dma_start3A_487 = arith.constant 0 : i32
      %dma_start3A_488 = tpu.memref_slice %dma_start3A_486[%add3A_460, %dma_start3A_487] : memref<80x128xi32, #tpu.memory_space<vmem>> -> memref<1x128xi32, #tpu.memory_space<vmem>>
      %dma_start3A_489 = tpu.memref_squeeze %dma_start3A_488 : memref<1x128xi32, #tpu.memory_space<vmem>> -> memref<128xi32, #tpu.memory_space<vmem>>
      %dma_start3A_490 = arith.constant 0 : i32
      %dma_start3A_491 = arith.constant 0 : i32
      %dma_start3A_492 = tpu.memref_slice %arg9[%dma_start3A_490, %dma_start3A_491] : memref<10240x64xbf16, #tpu.memory_space<vmem_shared>> -> memref<10240x64xbf16, #tpu.memory_space<vmem_shared>>
      tpu.enqueue_indirect_dma source(%dma_start3A_482 : memref<128x64xbf16, #tpu.memory_space<vmem>>) target(%dma_start3A_492 : memref<10240x64xbf16, #tpu.memory_space<vmem_shared>>) offsets(%dma_start3A_489 : memref<128xi32, #tpu.memory_space<vmem>>) semaphore(%arg18 : memref<!tpu.dma_semaphore, #tpu.memory_space<semaphore_mem>>) {add = true}
      %add3A_493 = arith.constant 2 : i32
      %add3A_494 = arith.addi %add3A_460, %add3A_493 : i32
      %lt3A_495 = arith.constant 80 : i32
      %lt3A_496 = arith.cmpi slt, %add3A_494, %lt3A_495 : i32
      %convert_element_type3A_497 = arith.extui %lt3A_496 : i1 to i32
      %cond3A_498 = arith.constant 0 : i32
      %cond3A_499 = arith.cmpi ne, %convert_element_type3A_497, %cond3A_498 : i32
      scf.if %cond3A_499 {
        %ge3A = arith.constant 4 : i32
        %ge3A_500 = arith.cmpi sge, %add3A_494, %ge3A : i32
        %convert_element_type3A_501 = arith.extui %ge3A_500 : i1 to i32
        %cond3A_502 = arith.constant 0 : i32
        %cond3A_503 = arith.cmpi ne, %convert_element_type3A_501, %cond3A_502 : i32
        scf.if %cond3A_503 {
          %dma_wait3A_520 = arith.constant 1 : i32
          %dma_wait3A_521 = arith.constant 0 : i32
          %dma_wait3A_522 = arith.constant 0 : i32
          %dma_wait3A_523 = arith.constant 0 : i32
          %dma_wait3A_524 = arith.constant 0 : i32
          %dma_wait3A_525 = tpu.memref_slice %arg8[%dma_wait3A_520, %dma_wait3A_523, %dma_wait3A_524] : memref<4x128x64xbf16, #tpu.memory_space<vmem>> -> memref<1x128x64xbf16, #tpu.memory_space<vmem>>
          %dma_wait3A_526 = tpu.memref_squeeze %dma_wait3A_525 : memref<1x128x64xbf16, #tpu.memory_space<vmem>> -> memref<128x64xbf16, #tpu.memory_space<vmem>>
          %dma_wait3A_527 = arith.constant 0 : i32
          %dma_wait3A_528 = arith.constant 0 : i32
          %dma_wait3A_529 = tpu.memref_slice %arg7[%dma_wait3A_521, %dma_wait3A_527, %dma_wait3A_528] : memref<2x80x128xi32, #tpu.memory_space<vmem>> -> memref<1x80x128xi32, #tpu.memory_space<vmem>>
          %dma_wait3A_530 = tpu.memref_squeeze %dma_wait3A_529 : memref<1x80x128xi32, #tpu.memory_space<vmem>> -> memref<80x128xi32, #tpu.memory_space<vmem>>
          %dma_wait3A_531 = arith.constant 0 : i32
          %dma_wait3A_532 = tpu.memref_slice %dma_wait3A_530[%dma_wait3A_522, %dma_wait3A_531] : memref<80x128xi32, #tpu.memory_space<vmem>> -> memref<1x128xi32, #tpu.memory_space<vmem>>
          %dma_wait3A_533 = tpu.memref_squeeze %dma_wait3A_532 : memref<1x128xi32, #tpu.memory_space<vmem>> -> memref<128xi32, #tpu.memory_space<vmem>>
          %dma_wait3A_534 = arith.constant 0 : i32
          %dma_wait3A_535 = arith.constant 0 : i32
          %dma_wait3A_536 = tpu.memref_slice %arg9[%dma_wait3A_534, %dma_wait3A_535] : memref<10240x64xbf16, #tpu.memory_space<vmem_shared>> -> memref<10240x64xbf16, #tpu.memory_space<vmem_shared>>
          tpu.wait_indirect_dma semaphore(%arg16 : memref<!tpu.dma_semaphore, #tpu.memory_space<semaphore_mem>>) src(%dma_wait3A_526 : memref<128x64xbf16, #tpu.memory_space<vmem>>) dst(%dma_wait3A_536 : memref<10240x64xbf16, #tpu.memory_space<vmem_shared>>)
        } else {
        }
        %dma_start3A_504 = arith.constant 0 : i32
        %dma_start3A_505 = arith.constant 1 : i32
        %dma_start3A_506 = arith.constant 0 : i32
        %dma_start3A_507 = arith.constant 0 : i32
        %dma_start3A_508 = tpu.memref_slice %arg8[%dma_start3A_505, %dma_start3A_506, %dma_start3A_507] : memref<4x128x64xbf16, #tpu.memory_space<vmem>> -> memref<1x128x64xbf16, #tpu.memory_space<vmem>>
        %dma_start3A_509 = tpu.memref_squeeze %dma_start3A_508 : memref<1x128x64xbf16, #tpu.memory_space<vmem>> -> memref<128x64xbf16, #tpu.memory_space<vmem>>
        %dma_start3A_510 = arith.constant 0 : i32
        %dma_start3A_511 = arith.constant 0 : i32
        %dma_start3A_512 = tpu.memref_slice %arg6[%dma_start3A_504, %dma_start3A_510, %dma_start3A_511] : memref<2x80x128xi32, #tpu.memory_space<vmem>> -> memref<1x80x128xi32, #tpu.memory_space<vmem>>
        %dma_start3A_513 = tpu.memref_squeeze %dma_start3A_512 : memref<1x80x128xi32, #tpu.memory_space<vmem>> -> memref<80x128xi32, #tpu.memory_space<vmem>>
        %dma_start3A_514 = arith.constant 0 : i32
        %dma_start3A_515 = tpu.memref_slice %dma_start3A_513[%add3A_494, %dma_start3A_514] : memref<80x128xi32, #tpu.memory_space<vmem>> -> memref<1x128xi32, #tpu.memory_space<vmem>>
        %dma_start3A_516 = tpu.memref_squeeze %dma_start3A_515 : memref<1x128xi32, #tpu.memory_space<vmem>> -> memref<128xi32, #tpu.memory_space<vmem>>
        %dma_start3A_517 = arith.constant 0 : i32
        %dma_start3A_518 = arith.constant 0 : i32
        %dma_start3A_519 = tpu.memref_slice %arg10[%dma_start3A_517, %dma_start3A_518] : memref<10240x64xbf16, #tpu.memory_space<vmem_shared>> -> memref<10240x64xbf16, #tpu.memory_space<vmem_shared>>
        tpu.enqueue_indirect_dma source(%dma_start3A_519 : memref<10240x64xbf16, #tpu.memory_space<vmem_shared>>) target(%dma_start3A_509 : memref<128x64xbf16, #tpu.memory_space<vmem>>) offsets(%dma_start3A_516 : memref<128xi32, #tpu.memory_space<vmem>>) semaphore(%arg12 : memref<!tpu.dma_semaphore, #tpu.memory_space<semaphore_mem>>)
      } else {
      }
    }
    %scan3A_127 = arith.constant 20 : i32
    %dma_wait3A_128 = arith.constant 0 : i32
    %dma_wait3A_129 = arith.constant 0 : i32
    %dma_wait3A_130 = arith.constant 0 : i32
    %dma_wait3A_131 = arith.constant 0 : i32
    %dma_wait3A_132 = arith.constant 0 : i32
    %dma_wait3A_133 = tpu.memref_slice %arg8[%dma_wait3A_128, %dma_wait3A_131, %dma_wait3A_132] : memref<4x128x64xbf16, #tpu.memory_space<vmem>> -> memref<1x128x64xbf16, #tpu.memory_space<vmem>>
    %dma_wait3A_134 = tpu.memref_squeeze %dma_wait3A_133 : memref<1x128x64xbf16, #tpu.memory_space<vmem>> -> memref<128x64xbf16, #tpu.memory_space<vmem>>
    %dma_wait3A_135 = arith.constant 0 : i32
    %dma_wait3A_136 = arith.constant 0 : i32
    %dma_wait3A_137 = tpu.memref_slice %arg7[%dma_wait3A_129, %dma_wait3A_135, %dma_wait3A_136] : memref<2x80x128xi32, #tpu.memory_space<vmem>> -> memref<1x80x128xi32, #tpu.memory_space<vmem>>
    %dma_wait3A_138 = tpu.memref_squeeze %dma_wait3A_137 : memref<1x80x128xi32, #tpu.memory_space<vmem>> -> memref<80x128xi32, #tpu.memory_space<vmem>>
    %dma_wait3A_139 = arith.constant 0 : i32
    %dma_wait3A_140 = tpu.memref_slice %dma_wait3A_138[%dma_wait3A_130, %dma_wait3A_139] : memref<80x128xi32, #tpu.memory_space<vmem>> -> memref<1x128xi32, #tpu.memory_space<vmem>>
    %dma_wait3A_141 = tpu.memref_squeeze %dma_wait3A_140 : memref<1x128xi32, #tpu.memory_space<vmem>> -> memref<128xi32, #tpu.memory_space<vmem>>
    %dma_wait3A_142 = arith.constant 0 : i32
    %dma_wait3A_143 = arith.constant 0 : i32
    %dma_wait3A_144 = tpu.memref_slice %arg9[%dma_wait3A_142, %dma_wait3A_143] : memref<10240x64xbf16, #tpu.memory_space<vmem_shared>> -> memref<10240x64xbf16, #tpu.memory_space<vmem_shared>>
    tpu.wait_indirect_dma semaphore(%arg15 : memref<!tpu.dma_semaphore, #tpu.memory_space<semaphore_mem>>) src(%dma_wait3A_134 : memref<128x64xbf16, #tpu.memory_space<vmem>>) dst(%dma_wait3A_144 : memref<10240x64xbf16, #tpu.memory_space<vmem_shared>>)
    %dma_wait3A_145 = arith.constant 1 : i32
    %dma_wait3A_146 = arith.constant 0 : i32
    %dma_wait3A_147 = arith.constant 0 : i32
    %dma_wait3A_148 = arith.constant 0 : i32
    %dma_wait3A_149 = arith.constant 0 : i32
    %dma_wait3A_150 = tpu.memref_slice %arg8[%dma_wait3A_145, %dma_wait3A_148, %dma_wait3A_149] : memref<4x128x64xbf16, #tpu.memory_space<vmem>> -> memref<1x128x64xbf16, #tpu.memory_space<vmem>>
    %dma_wait3A_151 = tpu.memref_squeeze %dma_wait3A_150 : memref<1x128x64xbf16, #tpu.memory_space<vmem>> -> memref<128x64xbf16, #tpu.memory_space<vmem>>
    %dma_wait3A_152 = arith.constant 0 : i32
    %dma_wait3A_153 = arith.constant 0 : i32
    %dma_wait3A_154 = tpu.memref_slice %arg7[%dma_wait3A_146, %dma_wait3A_152, %dma_wait3A_153] : memref<2x80x128xi32, #tpu.memory_space<vmem>> -> memref<1x80x128xi32, #tpu.memory_space<vmem>>
    %dma_wait3A_155 = tpu.memref_squeeze %dma_wait3A_154 : memref<1x80x128xi32, #tpu.memory_space<vmem>> -> memref<80x128xi32, #tpu.memory_space<vmem>>
    %dma_wait3A_156 = arith.constant 0 : i32
    %dma_wait3A_157 = tpu.memref_slice %dma_wait3A_155[%dma_wait3A_147, %dma_wait3A_156] : memref<80x128xi32, #tpu.memory_space<vmem>> -> memref<1x128xi32, #tpu.memory_space<vmem>>
    %dma_wait3A_158 = tpu.memref_squeeze %dma_wait3A_157 : memref<1x128xi32, #tpu.memory_space<vmem>> -> memref<128xi32, #tpu.memory_space<vmem>>
    %dma_wait3A_159 = arith.constant 0 : i32
    %dma_wait3A_160 = arith.constant 0 : i32
    %dma_wait3A_161 = tpu.memref_slice %arg9[%dma_wait3A_159, %dma_wait3A_160] : memref<10240x64xbf16, #tpu.memory_space<vmem_shared>> -> memref<10240x64xbf16, #tpu.memory_space<vmem_shared>>
    tpu.wait_indirect_dma semaphore(%arg16 : memref<!tpu.dma_semaphore, #tpu.memory_space<semaphore_mem>>) src(%dma_wait3A_151 : memref<128x64xbf16, #tpu.memory_space<vmem>>) dst(%dma_wait3A_161 : memref<10240x64xbf16, #tpu.memory_space<vmem_shared>>)
    %dma_wait3A_162 = arith.constant 2 : i32
    %dma_wait3A_163 = arith.constant 0 : i32
    %dma_wait3A_164 = arith.constant 0 : i32
    %dma_wait3A_165 = arith.constant 0 : i32
    %dma_wait3A_166 = arith.constant 0 : i32
    %dma_wait3A_167 = tpu.memref_slice %arg8[%dma_wait3A_162, %dma_wait3A_165, %dma_wait3A_166] : memref<4x128x64xbf16, #tpu.memory_space<vmem>> -> memref<1x128x64xbf16, #tpu.memory_space<vmem>>
    %dma_wait3A_168 = tpu.memref_squeeze %dma_wait3A_167 : memref<1x128x64xbf16, #tpu.memory_space<vmem>> -> memref<128x64xbf16, #tpu.memory_space<vmem>>
    %dma_wait3A_169 = arith.constant 0 : i32
    %dma_wait3A_170 = arith.constant 0 : i32
    %dma_wait3A_171 = tpu.memref_slice %arg7[%dma_wait3A_163, %dma_wait3A_169, %dma_wait3A_170] : memref<2x80x128xi32, #tpu.memory_space<vmem>> -> memref<1x80x128xi32, #tpu.memory_space<vmem>>
    %dma_wait3A_172 = tpu.memref_squeeze %dma_wait3A_171 : memref<1x80x128xi32, #tpu.memory_space<vmem>> -> memref<80x128xi32, #tpu.memory_space<vmem>>
    %dma_wait3A_173 = arith.constant 0 : i32
    %dma_wait3A_174 = tpu.memref_slice %dma_wait3A_172[%dma_wait3A_164, %dma_wait3A_173] : memref<80x128xi32, #tpu.memory_space<vmem>> -> memref<1x128xi32, #tpu.memory_space<vmem>>
    %dma_wait3A_175 = tpu.memref_squeeze %dma_wait3A_174 : memref<1x128xi32, #tpu.memory_space<vmem>> -> memref<128xi32, #tpu.memory_space<vmem>>
    %dma_wait3A_176 = arith.constant 0 : i32
    %dma_wait3A_177 = arith.constant 0 : i32
    %dma_wait3A_178 = tpu.memref_slice %arg9[%dma_wait3A_176, %dma_wait3A_177] : memref<10240x64xbf16, #tpu.memory_space<vmem_shared>> -> memref<10240x64xbf16, #tpu.memory_space<vmem_shared>>
    tpu.wait_indirect_dma semaphore(%arg17 : memref<!tpu.dma_semaphore, #tpu.memory_space<semaphore_mem>>) src(%dma_wait3A_168 : memref<128x64xbf16, #tpu.memory_space<vmem>>) dst(%dma_wait3A_178 : memref<10240x64xbf16, #tpu.memory_space<vmem_shared>>)
    %dma_wait3A_179 = arith.constant 3 : i32
    %dma_wait3A_180 = arith.constant 0 : i32
    %dma_wait3A_181 = arith.constant 0 : i32
    %dma_wait3A_182 = arith.constant 0 : i32
    %dma_wait3A_183 = arith.constant 0 : i32
    %dma_wait3A_184 = tpu.memref_slice %arg8[%dma_wait3A_179, %dma_wait3A_182, %dma_wait3A_183] : memref<4x128x64xbf16, #tpu.memory_space<vmem>> -> memref<1x128x64xbf16, #tpu.memory_space<vmem>>
    %dma_wait3A_185 = tpu.memref_squeeze %dma_wait3A_184 : memref<1x128x64xbf16, #tpu.memory_space<vmem>> -> memref<128x64xbf16, #tpu.memory_space<vmem>>
    %dma_wait3A_186 = arith.constant 0 : i32
    %dma_wait3A_187 = arith.constant 0 : i32
    %dma_wait3A_188 = tpu.memref_slice %arg7[%dma_wait3A_180, %dma_wait3A_186, %dma_wait3A_187] : memref<2x80x128xi32, #tpu.memory_space<vmem>> -> memref<1x80x128xi32, #tpu.memory_space<vmem>>
    %dma_wait3A_189 = tpu.memref_squeeze %dma_wait3A_188 : memref<1x80x128xi32, #tpu.memory_space<vmem>> -> memref<80x128xi32, #tpu.memory_space<vmem>>
    %dma_wait3A_190 = arith.constant 0 : i32
    %dma_wait3A_191 = tpu.memref_slice %dma_wait3A_189[%dma_wait3A_181, %dma_wait3A_190] : memref<80x128xi32, #tpu.memory_space<vmem>> -> memref<1x128xi32, #tpu.memory_space<vmem>>
    %dma_wait3A_192 = tpu.memref_squeeze %dma_wait3A_191 : memref<1x128xi32, #tpu.memory_space<vmem>> -> memref<128xi32, #tpu.memory_space<vmem>>
    %dma_wait3A_193 = arith.constant 0 : i32
    %dma_wait3A_194 = arith.constant 0 : i32
    %dma_wait3A_195 = tpu.memref_slice %arg9[%dma_wait3A_193, %dma_wait3A_194] : memref<10240x64xbf16, #tpu.memory_space<vmem_shared>> -> memref<10240x64xbf16, #tpu.memory_space<vmem_shared>>
    tpu.wait_indirect_dma semaphore(%arg18 : memref<!tpu.dma_semaphore, #tpu.memory_space<semaphore_mem>>) src(%dma_wait3A_185 : memref<128x64xbf16, #tpu.memory_space<vmem>>) dst(%dma_wait3A_195 : memref<10240x64xbf16, #tpu.memory_space<vmem_shared>>)
    %add3A_196 = arith.constant 80 : i32
    %add3A_197 = arith.addi %mul3A_0, %add3A_196 : i32
    %add3A_198 = arith.constant 80 : i32
    %add3A_199 = arith.addi %mul3A_0, %add3A_198 : i32
    %dma_wait3A_200 = arith.constant 1 : i32
    %dma_wait3A_201 = arith.constant 0 : i32
    %dma_wait3A_202 = arith.constant 0 : i32
    %dma_wait3A_203 = tpu.memref_slice %arg6[%dma_wait3A_200, %dma_wait3A_201, %dma_wait3A_202] : memref<2x80x128xi32, #tpu.memory_space<vmem>> -> memref<1x80x128xi32, #tpu.memory_space<vmem>>
    %dma_wait3A_204 = tpu.memref_squeeze %dma_wait3A_203 : memref<1x80x128xi32, #tpu.memory_space<vmem>> -> memref<80x128xi32, #tpu.memory_space<vmem>>
    %dma_wait3A_205 = arith.constant 0 : i32
    %dma_wait3A_206 = tpu.memref_slice %arg3[%add3A_197, %dma_wait3A_205] : memref<2560x128xi32, #tpu.memory_space<hbm>> -> memref<80x128xi32, #tpu.memory_space<hbm>>
    %dma_wait3A_207 = arith.constant 0 : i32
    %dma_wait3A_208 = arith.constant 0 : i32
    %dma_wait3A_209 = tpu.memref_slice %arg6[%dma_wait3A_200, %dma_wait3A_207, %dma_wait3A_208] : memref<2x80x128xi32, #tpu.memory_space<vmem>> -> memref<1x80x128xi32, #tpu.memory_space<vmem>>
    %dma_wait3A_210 = tpu.memref_squeeze %dma_wait3A_209 : memref<1x80x128xi32, #tpu.memory_space<vmem>> -> memref<80x128xi32, #tpu.memory_space<vmem>>
    %dma_wait3A_211 = arith.constant 0 : i32
    %dma_wait3A_212 = tpu.memref_slice %arg3[%add3A_197, %dma_wait3A_211] : memref<2560x128xi32, #tpu.memory_space<hbm>> -> memref<80x128xi32, #tpu.memory_space<hbm>>
    tpu.wait_dma2 semaphore(%arg20 : memref<!tpu.dma_semaphore, #tpu.memory_space<semaphore_mem>>) src(%dma_wait3A_212 : memref<80x128xi32, #tpu.memory_space<hbm>>) dst(%dma_wait3A_210 : memref<80x128xi32, #tpu.memory_space<vmem>>)
    %dma_wait3A_213 = arith.constant 1 : i32
    %dma_wait3A_214 = arith.constant 0 : i32
    %dma_wait3A_215 = arith.constant 0 : i32
    %dma_wait3A_216 = tpu.memref_slice %arg7[%dma_wait3A_213, %dma_wait3A_214, %dma_wait3A_215] : memref<2x80x128xi32, #tpu.memory_space<vmem>> -> memref<1x80x128xi32, #tpu.memory_space<vmem>>
    %dma_wait3A_217 = tpu.memref_squeeze %dma_wait3A_216 : memref<1x80x128xi32, #tpu.memory_space<vmem>> -> memref<80x128xi32, #tpu.memory_space<vmem>>
    %dma_wait3A_218 = arith.constant 0 : i32
    %dma_wait3A_219 = tpu.memref_slice %arg4[%add3A_199, %dma_wait3A_218] : memref<2560x128xi32, #tpu.memory_space<hbm>> -> memref<80x128xi32, #tpu.memory_space<hbm>>
    %dma_wait3A_220 = arith.constant 0 : i32
    %dma_wait3A_221 = arith.constant 0 : i32
    %dma_wait3A_222 = tpu.memref_slice %arg7[%dma_wait3A_213, %dma_wait3A_220, %dma_wait3A_221] : memref<2x80x128xi32, #tpu.memory_space<vmem>> -> memref<1x80x128xi32, #tpu.memory_space<vmem>>
    %dma_wait3A_223 = tpu.memref_squeeze %dma_wait3A_222 : memref<1x80x128xi32, #tpu.memory_space<vmem>> -> memref<80x128xi32, #tpu.memory_space<vmem>>
    %dma_wait3A_224 = arith.constant 0 : i32
    %dma_wait3A_225 = tpu.memref_slice %arg4[%add3A_199, %dma_wait3A_224] : memref<2560x128xi32, #tpu.memory_space<hbm>> -> memref<80x128xi32, #tpu.memory_space<hbm>>
    tpu.wait_dma2 semaphore(%arg20 : memref<!tpu.dma_semaphore, #tpu.memory_space<semaphore_mem>>) src(%dma_wait3A_225 : memref<80x128xi32, #tpu.memory_space<hbm>>) dst(%dma_wait3A_223 : memref<80x128xi32, #tpu.memory_space<vmem>>)
    %dma_start3A_226 = arith.constant 1 : i32
    %dma_start3A_227 = arith.constant 0 : i32
    %dma_start3A_228 = arith.constant 0 : i32
    %dma_start3A_229 = arith.constant 0 : i32
    %dma_start3A_230 = arith.constant 0 : i32
    %dma_start3A_231 = tpu.memref_slice %arg8[%dma_start3A_228, %dma_start3A_229, %dma_start3A_230] : memref<4x128x64xbf16, #tpu.memory_space<vmem>> -> memref<1x128x64xbf16, #tpu.memory_space<vmem>>
    %dma_start3A_232 = tpu.memref_squeeze %dma_start3A_231 : memref<1x128x64xbf16, #tpu.memory_space<vmem>> -> memref<128x64xbf16, #tpu.memory_space<vmem>>
    %dma_start3A_233 = arith.constant 0 : i32
    %dma_start3A_234 = arith.constant 0 : i32
    %dma_start3A_235 = tpu.memref_slice %arg6[%dma_start3A_226, %dma_start3A_233, %dma_start3A_234] : memref<2x80x128xi32, #tpu.memory_space<vmem>> -> memref<1x80x128xi32, #tpu.memory_space<vmem>>
    %dma_start3A_236 = tpu.memref_squeeze %dma_start3A_235 : memref<1x80x128xi32, #tpu.memory_space<vmem>> -> memref<80x128xi32, #tpu.memory_space<vmem>>
    %dma_start3A_237 = arith.constant 0 : i32
    %dma_start3A_238 = tpu.memref_slice %dma_start3A_236[%dma_start3A_227, %dma_start3A_237] : memref<80x128xi32, #tpu.memory_space<vmem>> -> memref<1x128xi32, #tpu.memory_space<vmem>>
    %dma_start3A_239 = tpu.memref_squeeze %dma_start3A_238 : memref<1x128xi32, #tpu.memory_space<vmem>> -> memref<128xi32, #tpu.memory_space<vmem>>
    %dma_start3A_240 = arith.constant 0 : i32
    %dma_start3A_241 = arith.constant 0 : i32
    %dma_start3A_242 = tpu.memref_slice %arg10[%dma_start3A_240, %dma_start3A_241] : memref<10240x64xbf16, #tpu.memory_space<vmem_shared>> -> memref<10240x64xbf16, #tpu.memory_space<vmem_shared>>
    tpu.enqueue_indirect_dma source(%dma_start3A_242 : memref<10240x64xbf16, #tpu.memory_space<vmem_shared>>) target(%dma_start3A_232 : memref<128x64xbf16, #tpu.memory_space<vmem>>) offsets(%dma_start3A_239 : memref<128xi32, #tpu.memory_space<vmem>>) semaphore(%arg11 : memref<!tpu.dma_semaphore, #tpu.memory_space<semaphore_mem>>)
    %dma_start3A_243 = arith.constant 1 : i32
    %dma_start3A_244 = arith.constant 1 : i32
    %dma_start3A_245 = arith.constant 1 : i32
    %dma_start3A_246 = arith.constant 0 : i32
    %dma_start3A_247 = arith.constant 0 : i32
    %dma_start3A_248 = tpu.memref_slice %arg8[%dma_start3A_245, %dma_start3A_246, %dma_start3A_247] : memref<4x128x64xbf16, #tpu.memory_space<vmem>> -> memref<1x128x64xbf16, #tpu.memory_space<vmem>>
    %dma_start3A_249 = tpu.memref_squeeze %dma_start3A_248 : memref<1x128x64xbf16, #tpu.memory_space<vmem>> -> memref<128x64xbf16, #tpu.memory_space<vmem>>
    %dma_start3A_250 = arith.constant 0 : i32
    %dma_start3A_251 = arith.constant 0 : i32
    %dma_start3A_252 = tpu.memref_slice %arg6[%dma_start3A_243, %dma_start3A_250, %dma_start3A_251] : memref<2x80x128xi32, #tpu.memory_space<vmem>> -> memref<1x80x128xi32, #tpu.memory_space<vmem>>
    %dma_start3A_253 = tpu.memref_squeeze %dma_start3A_252 : memref<1x80x128xi32, #tpu.memory_space<vmem>> -> memref<80x128xi32, #tpu.memory_space<vmem>>
    %dma_start3A_254 = arith.constant 0 : i32
    %dma_start3A_255 = tpu.memref_slice %dma_start3A_253[%dma_start3A_244, %dma_start3A_254] : memref<80x128xi32, #tpu.memory_space<vmem>> -> memref<1x128xi32, #tpu.memory_space<vmem>>
    %dma_start3A_256 = tpu.memref_squeeze %dma_start3A_255 : memref<1x128xi32, #tpu.memory_space<vmem>> -> memref<128xi32, #tpu.memory_space<vmem>>
    %dma_start3A_257 = arith.constant 0 : i32
    %dma_start3A_258 = arith.constant 0 : i32
    %dma_start3A_259 = tpu.memref_slice %arg10[%dma_start3A_257, %dma_start3A_258] : memref<10240x64xbf16, #tpu.memory_space<vmem_shared>> -> memref<10240x64xbf16, #tpu.memory_space<vmem_shared>>
    tpu.enqueue_indirect_dma source(%dma_start3A_259 : memref<10240x64xbf16, #tpu.memory_space<vmem_shared>>) target(%dma_start3A_249 : memref<128x64xbf16, #tpu.memory_space<vmem>>) offsets(%dma_start3A_256 : memref<128xi32, #tpu.memory_space<vmem>>) semaphore(%arg12 : memref<!tpu.dma_semaphore, #tpu.memory_space<semaphore_mem>>)
    %scan3A_260 = arith.constant 0 : i32
    %scan3A_261 = arith.constant 20 : i32
    %scan3A_262 = arith.addi %scan3A_260, %scan3A_261 : i32
    %scan3A_263 = arith.constant 1 : i32
    scf.for %scan3A_334 = %scan3A_260 to %scan3A_262 step %scan3A_263  : i32 {
      %mul3A_335 = arith.constant 4 : i32
      %mul3A_336 = arith.muli %scan3A_334, %mul3A_335 : i32
      %add3A_337 = arith.constant 0 : i32
      %add3A_338 = arith.addi %add3A_337, %mul3A_336 : i32
      %add3A_339 = arith.constant 0 : i32
      %add3A_340 = arith.addi %add3A_338, %add3A_339 : i32
      %dma_wait3A_341 = arith.constant 1 : i32
      %dma_wait3A_342 = arith.constant 0 : i32
      %dma_wait3A_343 = arith.constant 0 : i32
      %dma_wait3A_344 = arith.constant 0 : i32
      %dma_wait3A_345 = tpu.memref_slice %arg8[%dma_wait3A_342, %dma_wait3A_343, %dma_wait3A_344] : memref<4x128x64xbf16, #tpu.memory_space<vmem>> -> memref<1x128x64xbf16, #tpu.memory_space<vmem>>
      %dma_wait3A_346 = tpu.memref_squeeze %dma_wait3A_345 : memref<1x128x64xbf16, #tpu.memory_space<vmem>> -> memref<128x64xbf16, #tpu.memory_space<vmem>>
      %dma_wait3A_347 = arith.constant 0 : i32
      %dma_wait3A_348 = arith.constant 0 : i32
      %dma_wait3A_349 = tpu.memref_slice %arg6[%dma_wait3A_341, %dma_wait3A_347, %dma_wait3A_348] : memref<2x80x128xi32, #tpu.memory_space<vmem>> -> memref<1x80x128xi32, #tpu.memory_space<vmem>>
      %dma_wait3A_350 = tpu.memref_squeeze %dma_wait3A_349 : memref<1x80x128xi32, #tpu.memory_space<vmem>> -> memref<80x128xi32, #tpu.memory_space<vmem>>
      %dma_wait3A_351 = arith.constant 0 : i32
      %dma_wait3A_352 = tpu.memref_slice %dma_wait3A_350[%add3A_340, %dma_wait3A_351] : memref<80x128xi32, #tpu.memory_space<vmem>> -> memref<1x128xi32, #tpu.memory_space<vmem>>
      %dma_wait3A_353 = tpu.memref_squeeze %dma_wait3A_352 : memref<1x128xi32, #tpu.memory_space<vmem>> -> memref<128xi32, #tpu.memory_space<vmem>>
      %dma_wait3A_354 = arith.constant 0 : i32
      %dma_wait3A_355 = arith.constant 0 : i32
      %dma_wait3A_356 = tpu.memref_slice %arg10[%dma_wait3A_354, %dma_wait3A_355] : memref<10240x64xbf16, #tpu.memory_space<vmem_shared>> -> memref<10240x64xbf16, #tpu.memory_space<vmem_shared>>
      tpu.wait_indirect_dma semaphore(%arg11 : memref<!tpu.dma_semaphore, #tpu.memory_space<semaphore_mem>>) src(%dma_wait3A_356 : memref<10240x64xbf16, #tpu.memory_space<vmem_shared>>) dst(%dma_wait3A_346 : memref<128x64xbf16, #tpu.memory_space<vmem>>)
      %dma_start3A_357 = arith.constant 0 : i32
      %dma_start3A_358 = arith.constant 1 : i32
      %dma_start3A_359 = arith.constant 0 : i32
      %dma_start3A_360 = arith.constant 0 : i32
      %dma_start3A_361 = tpu.memref_slice %arg8[%dma_start3A_357, %dma_start3A_359, %dma_start3A_360] : memref<4x128x64xbf16, #tpu.memory_space<vmem>> -> memref<1x128x64xbf16, #tpu.memory_space<vmem>>
      %dma_start3A_362 = tpu.memref_squeeze %dma_start3A_361 : memref<1x128x64xbf16, #tpu.memory_space<vmem>> -> memref<128x64xbf16, #tpu.memory_space<vmem>>
      %dma_start3A_363 = arith.constant 0 : i32
      %dma_start3A_364 = arith.constant 0 : i32
      %dma_start3A_365 = tpu.memref_slice %arg7[%dma_start3A_358, %dma_start3A_363, %dma_start3A_364] : memref<2x80x128xi32, #tpu.memory_space<vmem>> -> memref<1x80x128xi32, #tpu.memory_space<vmem>>
      %dma_start3A_366 = tpu.memref_squeeze %dma_start3A_365 : memref<1x80x128xi32, #tpu.memory_space<vmem>> -> memref<80x128xi32, #tpu.memory_space<vmem>>
      %dma_start3A_367 = arith.constant 0 : i32
      %dma_start3A_368 = tpu.memref_slice %dma_start3A_366[%add3A_340, %dma_start3A_367] : memref<80x128xi32, #tpu.memory_space<vmem>> -> memref<1x128xi32, #tpu.memory_space<vmem>>
      %dma_start3A_369 = tpu.memref_squeeze %dma_start3A_368 : memref<1x128xi32, #tpu.memory_space<vmem>> -> memref<128xi32, #tpu.memory_space<vmem>>
      %dma_start3A_370 = arith.constant 0 : i32
      %dma_start3A_371 = arith.constant 0 : i32
      %dma_start3A_372 = tpu.memref_slice %arg9[%dma_start3A_370, %dma_start3A_371] : memref<10240x64xbf16, #tpu.memory_space<vmem_shared>> -> memref<10240x64xbf16, #tpu.memory_space<vmem_shared>>
      tpu.enqueue_indirect_dma source(%dma_start3A_362 : memref<128x64xbf16, #tpu.memory_space<vmem>>) target(%dma_start3A_372 : memref<10240x64xbf16, #tpu.memory_space<vmem_shared>>) offsets(%dma_start3A_369 : memref<128xi32, #tpu.memory_space<vmem>>) semaphore(%arg15 : memref<!tpu.dma_semaphore, #tpu.memory_space<semaphore_mem>>) {add = true}
      %add3A_373 = arith.constant 2 : i32
      %add3A_374 = arith.addi %add3A_340, %add3A_373 : i32
      %lt3A = arith.constant 80 : i32
      %lt3A_375 = arith.cmpi slt, %add3A_374, %lt3A : i32
      %convert_element_type3A = arith.extui %lt3A_375 : i1 to i32
      %cond3A = arith.constant 0 : i32
      %cond3A_376 = arith.cmpi ne, %convert_element_type3A, %cond3A : i32
      scf.if %cond3A_376 {
        %ge3A = arith.constant 4 : i32
        %ge3A_500 = arith.cmpi sge, %add3A_374, %ge3A : i32
        %convert_element_type3A_501 = arith.extui %ge3A_500 : i1 to i32
        %cond3A_502 = arith.constant 0 : i32
        %cond3A_503 = arith.cmpi ne, %convert_element_type3A_501, %cond3A_502 : i32
        scf.if %cond3A_503 {
          %dma_wait3A_520 = arith.constant 2 : i32
          %dma_wait3A_521 = arith.constant 1 : i32
          %dma_wait3A_522 = arith.constant 0 : i32
          %dma_wait3A_523 = arith.constant 0 : i32
          %dma_wait3A_524 = arith.constant 0 : i32
          %dma_wait3A_525 = tpu.memref_slice %arg8[%dma_wait3A_520, %dma_wait3A_523, %dma_wait3A_524] : memref<4x128x64xbf16, #tpu.memory_space<vmem>> -> memref<1x128x64xbf16, #tpu.memory_space<vmem>>
          %dma_wait3A_526 = tpu.memref_squeeze %dma_wait3A_525 : memref<1x128x64xbf16, #tpu.memory_space<vmem>> -> memref<128x64xbf16, #tpu.memory_space<vmem>>
          %dma_wait3A_527 = arith.constant 0 : i32
          %dma_wait3A_528 = arith.constant 0 : i32
          %dma_wait3A_529 = tpu.memref_slice %arg7[%dma_wait3A_521, %dma_wait3A_527, %dma_wait3A_528] : memref<2x80x128xi32, #tpu.memory_space<vmem>> -> memref<1x80x128xi32, #tpu.memory_space<vmem>>
          %dma_wait3A_530 = tpu.memref_squeeze %dma_wait3A_529 : memref<1x80x128xi32, #tpu.memory_space<vmem>> -> memref<80x128xi32, #tpu.memory_space<vmem>>
          %dma_wait3A_531 = arith.constant 0 : i32
          %dma_wait3A_532 = tpu.memref_slice %dma_wait3A_530[%dma_wait3A_522, %dma_wait3A_531] : memref<80x128xi32, #tpu.memory_space<vmem>> -> memref<1x128xi32, #tpu.memory_space<vmem>>
          %dma_wait3A_533 = tpu.memref_squeeze %dma_wait3A_532 : memref<1x128xi32, #tpu.memory_space<vmem>> -> memref<128xi32, #tpu.memory_space<vmem>>
          %dma_wait3A_534 = arith.constant 0 : i32
          %dma_wait3A_535 = arith.constant 0 : i32
          %dma_wait3A_536 = tpu.memref_slice %arg9[%dma_wait3A_534, %dma_wait3A_535] : memref<10240x64xbf16, #tpu.memory_space<vmem_shared>> -> memref<10240x64xbf16, #tpu.memory_space<vmem_shared>>
          tpu.wait_indirect_dma semaphore(%arg17 : memref<!tpu.dma_semaphore, #tpu.memory_space<semaphore_mem>>) src(%dma_wait3A_526 : memref<128x64xbf16, #tpu.memory_space<vmem>>) dst(%dma_wait3A_536 : memref<10240x64xbf16, #tpu.memory_space<vmem_shared>>)
        } else {
        }
        %dma_start3A_504 = arith.constant 1 : i32
        %dma_start3A_505 = arith.constant 2 : i32
        %dma_start3A_506 = arith.constant 0 : i32
        %dma_start3A_507 = arith.constant 0 : i32
        %dma_start3A_508 = tpu.memref_slice %arg8[%dma_start3A_505, %dma_start3A_506, %dma_start3A_507] : memref<4x128x64xbf16, #tpu.memory_space<vmem>> -> memref<1x128x64xbf16, #tpu.memory_space<vmem>>
        %dma_start3A_509 = tpu.memref_squeeze %dma_start3A_508 : memref<1x128x64xbf16, #tpu.memory_space<vmem>> -> memref<128x64xbf16, #tpu.memory_space<vmem>>
        %dma_start3A_510 = arith.constant 0 : i32
        %dma_start3A_511 = arith.constant 0 : i32
        %dma_start3A_512 = tpu.memref_slice %arg6[%dma_start3A_504, %dma_start3A_510, %dma_start3A_511] : memref<2x80x128xi32, #tpu.memory_space<vmem>> -> memref<1x80x128xi32, #tpu.memory_space<vmem>>
        %dma_start3A_513 = tpu.memref_squeeze %dma_start3A_512 : memref<1x80x128xi32, #tpu.memory_space<vmem>> -> memref<80x128xi32, #tpu.memory_space<vmem>>
        %dma_start3A_514 = arith.constant 0 : i32
        %dma_start3A_515 = tpu.memref_slice %dma_start3A_513[%add3A_374, %dma_start3A_514] : memref<80x128xi32, #tpu.memory_space<vmem>> -> memref<1x128xi32, #tpu.memory_space<vmem>>
        %dma_start3A_516 = tpu.memref_squeeze %dma_start3A_515 : memref<1x128xi32, #tpu.memory_space<vmem>> -> memref<128xi32, #tpu.memory_space<vmem>>
        %dma_start3A_517 = arith.constant 0 : i32
        %dma_start3A_518 = arith.constant 0 : i32
        %dma_start3A_519 = tpu.memref_slice %arg10[%dma_start3A_517, %dma_start3A_518] : memref<10240x64xbf16, #tpu.memory_space<vmem_shared>> -> memref<10240x64xbf16, #tpu.memory_space<vmem_shared>>
        tpu.enqueue_indirect_dma source(%dma_start3A_519 : memref<10240x64xbf16, #tpu.memory_space<vmem_shared>>) target(%dma_start3A_509 : memref<128x64xbf16, #tpu.memory_space<vmem>>) offsets(%dma_start3A_516 : memref<128xi32, #tpu.memory_space<vmem>>) semaphore(%arg13 : memref<!tpu.dma_semaphore, #tpu.memory_space<semaphore_mem>>)
      } else {
      }
      %add3A_377 = arith.constant 1 : i32
      %add3A_378 = arith.addi %add3A_338, %add3A_377 : i32
      %dma_wait3A_379 = arith.constant 1 : i32
      %dma_wait3A_380 = arith.constant 1 : i32
      %dma_wait3A_381 = arith.constant 0 : i32
      %dma_wait3A_382 = arith.constant 0 : i32
      %dma_wait3A_383 = tpu.memref_slice %arg8[%dma_wait3A_380, %dma_wait3A_381, %dma_wait3A_382] : memref<4x128x64xbf16, #tpu.memory_space<vmem>> -> memref<1x128x64xbf16, #tpu.memory_space<vmem>>
      %dma_wait3A_384 = tpu.memref_squeeze %dma_wait3A_383 : memref<1x128x64xbf16, #tpu.memory_space<vmem>> -> memref<128x64xbf16, #tpu.memory_space<vmem>>
      %dma_wait3A_385 = arith.constant 0 : i32
      %dma_wait3A_386 = arith.constant 0 : i32
      %dma_wait3A_387 = tpu.memref_slice %arg6[%dma_wait3A_379, %dma_wait3A_385, %dma_wait3A_386] : memref<2x80x128xi32, #tpu.memory_space<vmem>> -> memref<1x80x128xi32, #tpu.memory_space<vmem>>
      %dma_wait3A_388 = tpu.memref_squeeze %dma_wait3A_387 : memref<1x80x128xi32, #tpu.memory_space<vmem>> -> memref<80x128xi32, #tpu.memory_space<vmem>>
      %dma_wait3A_389 = arith.constant 0 : i32
      %dma_wait3A_390 = tpu.memref_slice %dma_wait3A_388[%add3A_378, %dma_wait3A_389] : memref<80x128xi32, #tpu.memory_space<vmem>> -> memref<1x128xi32, #tpu.memory_space<vmem>>
      %dma_wait3A_391 = tpu.memref_squeeze %dma_wait3A_390 : memref<1x128xi32, #tpu.memory_space<vmem>> -> memref<128xi32, #tpu.memory_space<vmem>>
      %dma_wait3A_392 = arith.constant 0 : i32
      %dma_wait3A_393 = arith.constant 0 : i32
      %dma_wait3A_394 = tpu.memref_slice %arg10[%dma_wait3A_392, %dma_wait3A_393] : memref<10240x64xbf16, #tpu.memory_space<vmem_shared>> -> memref<10240x64xbf16, #tpu.memory_space<vmem_shared>>
      tpu.wait_indirect_dma semaphore(%arg12 : memref<!tpu.dma_semaphore, #tpu.memory_space<semaphore_mem>>) src(%dma_wait3A_394 : memref<10240x64xbf16, #tpu.memory_space<vmem_shared>>) dst(%dma_wait3A_384 : memref<128x64xbf16, #tpu.memory_space<vmem>>)
      %dma_start3A_395 = arith.constant 1 : i32
      %dma_start3A_396 = arith.constant 1 : i32
      %dma_start3A_397 = arith.constant 0 : i32
      %dma_start3A_398 = arith.constant 0 : i32
      %dma_start3A_399 = tpu.memref_slice %arg8[%dma_start3A_395, %dma_start3A_397, %dma_start3A_398] : memref<4x128x64xbf16, #tpu.memory_space<vmem>> -> memref<1x128x64xbf16, #tpu.memory_space<vmem>>
      %dma_start3A_400 = tpu.memref_squeeze %dma_start3A_399 : memref<1x128x64xbf16, #tpu.memory_space<vmem>> -> memref<128x64xbf16, #tpu.memory_space<vmem>>
      %dma_start3A_401 = arith.constant 0 : i32
      %dma_start3A_402 = arith.constant 0 : i32
      %dma_start3A_403 = tpu.memref_slice %arg7[%dma_start3A_396, %dma_start3A_401, %dma_start3A_402] : memref<2x80x128xi32, #tpu.memory_space<vmem>> -> memref<1x80x128xi32, #tpu.memory_space<vmem>>
      %dma_start3A_404 = tpu.memref_squeeze %dma_start3A_403 : memref<1x80x128xi32, #tpu.memory_space<vmem>> -> memref<80x128xi32, #tpu.memory_space<vmem>>
      %dma_start3A_405 = arith.constant 0 : i32
      %dma_start3A_406 = tpu.memref_slice %dma_start3A_404[%add3A_378, %dma_start3A_405] : memref<80x128xi32, #tpu.memory_space<vmem>> -> memref<1x128xi32, #tpu.memory_space<vmem>>
      %dma_start3A_407 = tpu.memref_squeeze %dma_start3A_406 : memref<1x128xi32, #tpu.memory_space<vmem>> -> memref<128xi32, #tpu.memory_space<vmem>>
      %dma_start3A_408 = arith.constant 0 : i32
      %dma_start3A_409 = arith.constant 0 : i32
      %dma_start3A_410 = tpu.memref_slice %arg9[%dma_start3A_408, %dma_start3A_409] : memref<10240x64xbf16, #tpu.memory_space<vmem_shared>> -> memref<10240x64xbf16, #tpu.memory_space<vmem_shared>>
      tpu.enqueue_indirect_dma source(%dma_start3A_400 : memref<128x64xbf16, #tpu.memory_space<vmem>>) target(%dma_start3A_410 : memref<10240x64xbf16, #tpu.memory_space<vmem_shared>>) offsets(%dma_start3A_407 : memref<128xi32, #tpu.memory_space<vmem>>) semaphore(%arg16 : memref<!tpu.dma_semaphore, #tpu.memory_space<semaphore_mem>>) {add = true}
      %add3A_411 = arith.constant 2 : i32
      %add3A_412 = arith.addi %add3A_378, %add3A_411 : i32
      %lt3A_413 = arith.constant 80 : i32
      %lt3A_414 = arith.cmpi slt, %add3A_412, %lt3A_413 : i32
      %convert_element_type3A_415 = arith.extui %lt3A_414 : i1 to i32
      %cond3A_416 = arith.constant 0 : i32
      %cond3A_417 = arith.cmpi ne, %convert_element_type3A_415, %cond3A_416 : i32
      scf.if %cond3A_417 {
        %ge3A = arith.constant 4 : i32
        %ge3A_500 = arith.cmpi sge, %add3A_412, %ge3A : i32
        %convert_element_type3A_501 = arith.extui %ge3A_500 : i1 to i32
        %cond3A_502 = arith.constant 0 : i32
        %cond3A_503 = arith.cmpi ne, %convert_element_type3A_501, %cond3A_502 : i32
        scf.if %cond3A_503 {
          %dma_wait3A_520 = arith.constant 3 : i32
          %dma_wait3A_521 = arith.constant 1 : i32
          %dma_wait3A_522 = arith.constant 0 : i32
          %dma_wait3A_523 = arith.constant 0 : i32
          %dma_wait3A_524 = arith.constant 0 : i32
          %dma_wait3A_525 = tpu.memref_slice %arg8[%dma_wait3A_520, %dma_wait3A_523, %dma_wait3A_524] : memref<4x128x64xbf16, #tpu.memory_space<vmem>> -> memref<1x128x64xbf16, #tpu.memory_space<vmem>>
          %dma_wait3A_526 = tpu.memref_squeeze %dma_wait3A_525 : memref<1x128x64xbf16, #tpu.memory_space<vmem>> -> memref<128x64xbf16, #tpu.memory_space<vmem>>
          %dma_wait3A_527 = arith.constant 0 : i32
          %dma_wait3A_528 = arith.constant 0 : i32
          %dma_wait3A_529 = tpu.memref_slice %arg7[%dma_wait3A_521, %dma_wait3A_527, %dma_wait3A_528] : memref<2x80x128xi32, #tpu.memory_space<vmem>> -> memref<1x80x128xi32, #tpu.memory_space<vmem>>
          %dma_wait3A_530 = tpu.memref_squeeze %dma_wait3A_529 : memref<1x80x128xi32, #tpu.memory_space<vmem>> -> memref<80x128xi32, #tpu.memory_space<vmem>>
          %dma_wait3A_531 = arith.constant 0 : i32
          %dma_wait3A_532 = tpu.memref_slice %dma_wait3A_530[%dma_wait3A_522, %dma_wait3A_531] : memref<80x128xi32, #tpu.memory_space<vmem>> -> memref<1x128xi32, #tpu.memory_space<vmem>>
          %dma_wait3A_533 = tpu.memref_squeeze %dma_wait3A_532 : memref<1x128xi32, #tpu.memory_space<vmem>> -> memref<128xi32, #tpu.memory_space<vmem>>
          %dma_wait3A_534 = arith.constant 0 : i32
          %dma_wait3A_535 = arith.constant 0 : i32
          %dma_wait3A_536 = tpu.memref_slice %arg9[%dma_wait3A_534, %dma_wait3A_535] : memref<10240x64xbf16, #tpu.memory_space<vmem_shared>> -> memref<10240x64xbf16, #tpu.memory_space<vmem_shared>>
          tpu.wait_indirect_dma semaphore(%arg18 : memref<!tpu.dma_semaphore, #tpu.memory_space<semaphore_mem>>) src(%dma_wait3A_526 : memref<128x64xbf16, #tpu.memory_space<vmem>>) dst(%dma_wait3A_536 : memref<10240x64xbf16, #tpu.memory_space<vmem_shared>>)
        } else {
        }
        %dma_start3A_504 = arith.constant 1 : i32
        %dma_start3A_505 = arith.constant 3 : i32
        %dma_start3A_506 = arith.constant 0 : i32
        %dma_start3A_507 = arith.constant 0 : i32
        %dma_start3A_508 = tpu.memref_slice %arg8[%dma_start3A_505, %dma_start3A_506, %dma_start3A_507] : memref<4x128x64xbf16, #tpu.memory_space<vmem>> -> memref<1x128x64xbf16, #tpu.memory_space<vmem>>
        %dma_start3A_509 = tpu.memref_squeeze %dma_start3A_508 : memref<1x128x64xbf16, #tpu.memory_space<vmem>> -> memref<128x64xbf16, #tpu.memory_space<vmem>>
        %dma_start3A_510 = arith.constant 0 : i32
        %dma_start3A_511 = arith.constant 0 : i32
        %dma_start3A_512 = tpu.memref_slice %arg6[%dma_start3A_504, %dma_start3A_510, %dma_start3A_511] : memref<2x80x128xi32, #tpu.memory_space<vmem>> -> memref<1x80x128xi32, #tpu.memory_space<vmem>>
        %dma_start3A_513 = tpu.memref_squeeze %dma_start3A_512 : memref<1x80x128xi32, #tpu.memory_space<vmem>> -> memref<80x128xi32, #tpu.memory_space<vmem>>
        %dma_start3A_514 = arith.constant 0 : i32
        %dma_start3A_515 = tpu.memref_slice %dma_start3A_513[%add3A_412, %dma_start3A_514] : memref<80x128xi32, #tpu.memory_space<vmem>> -> memref<1x128xi32, #tpu.memory_space<vmem>>
        %dma_start3A_516 = tpu.memref_squeeze %dma_start3A_515 : memref<1x128xi32, #tpu.memory_space<vmem>> -> memref<128xi32, #tpu.memory_space<vmem>>
        %dma_start3A_517 = arith.constant 0 : i32
        %dma_start3A_518 = arith.constant 0 : i32
        %dma_start3A_519 = tpu.memref_slice %arg10[%dma_start3A_517, %dma_start3A_518] : memref<10240x64xbf16, #tpu.memory_space<vmem_shared>> -> memref<10240x64xbf16, #tpu.memory_space<vmem_shared>>
        tpu.enqueue_indirect_dma source(%dma_start3A_519 : memref<10240x64xbf16, #tpu.memory_space<vmem_shared>>) target(%dma_start3A_509 : memref<128x64xbf16, #tpu.memory_space<vmem>>) offsets(%dma_start3A_516 : memref<128xi32, #tpu.memory_space<vmem>>) semaphore(%arg14 : memref<!tpu.dma_semaphore, #tpu.memory_space<semaphore_mem>>)
      } else {
      }
      %add3A_418 = arith.constant 2 : i32
      %add3A_419 = arith.addi %add3A_338, %add3A_418 : i32
      %dma_wait3A_420 = arith.constant 1 : i32
      %dma_wait3A_421 = arith.constant 2 : i32
      %dma_wait3A_422 = arith.constant 0 : i32
      %dma_wait3A_423 = arith.constant 0 : i32
      %dma_wait3A_424 = tpu.memref_slice %arg8[%dma_wait3A_421, %dma_wait3A_422, %dma_wait3A_423] : memref<4x128x64xbf16, #tpu.memory_space<vmem>> -> memref<1x128x64xbf16, #tpu.memory_space<vmem>>
      %dma_wait3A_425 = tpu.memref_squeeze %dma_wait3A_424 : memref<1x128x64xbf16, #tpu.memory_space<vmem>> -> memref<128x64xbf16, #tpu.memory_space<vmem>>
      %dma_wait3A_426 = arith.constant 0 : i32
      %dma_wait3A_427 = arith.constant 0 : i32
      %dma_wait3A_428 = tpu.memref_slice %arg6[%dma_wait3A_420, %dma_wait3A_426, %dma_wait3A_427] : memref<2x80x128xi32, #tpu.memory_space<vmem>> -> memref<1x80x128xi32, #tpu.memory_space<vmem>>
      %dma_wait3A_429 = tpu.memref_squeeze %dma_wait3A_428 : memref<1x80x128xi32, #tpu.memory_space<vmem>> -> memref<80x128xi32, #tpu.memory_space<vmem>>
      %dma_wait3A_430 = arith.constant 0 : i32
      %dma_wait3A_431 = tpu.memref_slice %dma_wait3A_429[%add3A_419, %dma_wait3A_430] : memref<80x128xi32, #tpu.memory_space<vmem>> -> memref<1x128xi32, #tpu.memory_space<vmem>>
      %dma_wait3A_432 = tpu.memref_squeeze %dma_wait3A_431 : memref<1x128xi32, #tpu.memory_space<vmem>> -> memref<128xi32, #tpu.memory_space<vmem>>
      %dma_wait3A_433 = arith.constant 0 : i32
      %dma_wait3A_434 = arith.constant 0 : i32
      %dma_wait3A_435 = tpu.memref_slice %arg10[%dma_wait3A_433, %dma_wait3A_434] : memref<10240x64xbf16, #tpu.memory_space<vmem_shared>> -> memref<10240x64xbf16, #tpu.memory_space<vmem_shared>>
      tpu.wait_indirect_dma semaphore(%arg13 : memref<!tpu.dma_semaphore, #tpu.memory_space<semaphore_mem>>) src(%dma_wait3A_435 : memref<10240x64xbf16, #tpu.memory_space<vmem_shared>>) dst(%dma_wait3A_425 : memref<128x64xbf16, #tpu.memory_space<vmem>>)
      %dma_start3A_436 = arith.constant 2 : i32
      %dma_start3A_437 = arith.constant 1 : i32
      %dma_start3A_438 = arith.constant 0 : i32
      %dma_start3A_439 = arith.constant 0 : i32
      %dma_start3A_440 = tpu.memref_slice %arg8[%dma_start3A_436, %dma_start3A_438, %dma_start3A_439] : memref<4x128x64xbf16, #tpu.memory_space<vmem>> -> memref<1x128x64xbf16, #tpu.memory_space<vmem>>
      %dma_start3A_441 = tpu.memref_squeeze %dma_start3A_440 : memref<1x128x64xbf16, #tpu.memory_space<vmem>> -> memref<128x64xbf16, #tpu.memory_space<vmem>>
      %dma_start3A_442 = arith.constant 0 : i32
      %dma_start3A_443 = arith.constant 0 : i32
      %dma_start3A_444 = tpu.memref_slice %arg7[%dma_start3A_437, %dma_start3A_442, %dma_start3A_443] : memref<2x80x128xi32, #tpu.memory_space<vmem>> -> memref<1x80x128xi32, #tpu.memory_space<vmem>>
      %dma_start3A_445 = tpu.memref_squeeze %dma_start3A_444 : memref<1x80x128xi32, #tpu.memory_space<vmem>> -> memref<80x128xi32, #tpu.memory_space<vmem>>
      %dma_start3A_446 = arith.constant 0 : i32
      %dma_start3A_447 = tpu.memref_slice %dma_start3A_445[%add3A_419, %dma_start3A_446] : memref<80x128xi32, #tpu.memory_space<vmem>> -> memref<1x128xi32, #tpu.memory_space<vmem>>
      %dma_start3A_448 = tpu.memref_squeeze %dma_start3A_447 : memref<1x128xi32, #tpu.memory_space<vmem>> -> memref<128xi32, #tpu.memory_space<vmem>>
      %dma_start3A_449 = arith.constant 0 : i32
      %dma_start3A_450 = arith.constant 0 : i32
      %dma_start3A_451 = tpu.memref_slice %arg9[%dma_start3A_449, %dma_start3A_450] : memref<10240x64xbf16, #tpu.memory_space<vmem_shared>> -> memref<10240x64xbf16, #tpu.memory_space<vmem_shared>>
      tpu.enqueue_indirect_dma source(%dma_start3A_441 : memref<128x64xbf16, #tpu.memory_space<vmem>>) target(%dma_start3A_451 : memref<10240x64xbf16, #tpu.memory_space<vmem_shared>>) offsets(%dma_start3A_448 : memref<128xi32, #tpu.memory_space<vmem>>) semaphore(%arg17 : memref<!tpu.dma_semaphore, #tpu.memory_space<semaphore_mem>>) {add = true}
      %add3A_452 = arith.constant 2 : i32
      %add3A_453 = arith.addi %add3A_419, %add3A_452 : i32
      %lt3A_454 = arith.constant 80 : i32
      %lt3A_455 = arith.cmpi slt, %add3A_453, %lt3A_454 : i32
      %convert_element_type3A_456 = arith.extui %lt3A_455 : i1 to i32
      %cond3A_457 = arith.constant 0 : i32
      %cond3A_458 = arith.cmpi ne, %convert_element_type3A_456, %cond3A_457 : i32
      scf.if %cond3A_458 {
        %ge3A = arith.constant 4 : i32
        %ge3A_500 = arith.cmpi sge, %add3A_453, %ge3A : i32
        %convert_element_type3A_501 = arith.extui %ge3A_500 : i1 to i32
        %cond3A_502 = arith.constant 0 : i32
        %cond3A_503 = arith.cmpi ne, %convert_element_type3A_501, %cond3A_502 : i32
        scf.if %cond3A_503 {
          %dma_wait3A_520 = arith.constant 0 : i32
          %dma_wait3A_521 = arith.constant 1 : i32
          %dma_wait3A_522 = arith.constant 0 : i32
          %dma_wait3A_523 = arith.constant 0 : i32
          %dma_wait3A_524 = arith.constant 0 : i32
          %dma_wait3A_525 = tpu.memref_slice %arg8[%dma_wait3A_520, %dma_wait3A_523, %dma_wait3A_524] : memref<4x128x64xbf16, #tpu.memory_space<vmem>> -> memref<1x128x64xbf16, #tpu.memory_space<vmem>>
          %dma_wait3A_526 = tpu.memref_squeeze %dma_wait3A_525 : memref<1x128x64xbf16, #tpu.memory_space<vmem>> -> memref<128x64xbf16, #tpu.memory_space<vmem>>
          %dma_wait3A_527 = arith.constant 0 : i32
          %dma_wait3A_528 = arith.constant 0 : i32
          %dma_wait3A_529 = tpu.memref_slice %arg7[%dma_wait3A_521, %dma_wait3A_527, %dma_wait3A_528] : memref<2x80x128xi32, #tpu.memory_space<vmem>> -> memref<1x80x128xi32, #tpu.memory_space<vmem>>
          %dma_wait3A_530 = tpu.memref_squeeze %dma_wait3A_529 : memref<1x80x128xi32, #tpu.memory_space<vmem>> -> memref<80x128xi32, #tpu.memory_space<vmem>>
          %dma_wait3A_531 = arith.constant 0 : i32
          %dma_wait3A_532 = tpu.memref_slice %dma_wait3A_530[%dma_wait3A_522, %dma_wait3A_531] : memref<80x128xi32, #tpu.memory_space<vmem>> -> memref<1x128xi32, #tpu.memory_space<vmem>>
          %dma_wait3A_533 = tpu.memref_squeeze %dma_wait3A_532 : memref<1x128xi32, #tpu.memory_space<vmem>> -> memref<128xi32, #tpu.memory_space<vmem>>
          %dma_wait3A_534 = arith.constant 0 : i32
          %dma_wait3A_535 = arith.constant 0 : i32
          %dma_wait3A_536 = tpu.memref_slice %arg9[%dma_wait3A_534, %dma_wait3A_535] : memref<10240x64xbf16, #tpu.memory_space<vmem_shared>> -> memref<10240x64xbf16, #tpu.memory_space<vmem_shared>>
          tpu.wait_indirect_dma semaphore(%arg15 : memref<!tpu.dma_semaphore, #tpu.memory_space<semaphore_mem>>) src(%dma_wait3A_526 : memref<128x64xbf16, #tpu.memory_space<vmem>>) dst(%dma_wait3A_536 : memref<10240x64xbf16, #tpu.memory_space<vmem_shared>>)
        } else {
        }
        %dma_start3A_504 = arith.constant 1 : i32
        %dma_start3A_505 = arith.constant 0 : i32
        %dma_start3A_506 = arith.constant 0 : i32
        %dma_start3A_507 = arith.constant 0 : i32
        %dma_start3A_508 = tpu.memref_slice %arg8[%dma_start3A_505, %dma_start3A_506, %dma_start3A_507] : memref<4x128x64xbf16, #tpu.memory_space<vmem>> -> memref<1x128x64xbf16, #tpu.memory_space<vmem>>
        %dma_start3A_509 = tpu.memref_squeeze %dma_start3A_508 : memref<1x128x64xbf16, #tpu.memory_space<vmem>> -> memref<128x64xbf16, #tpu.memory_space<vmem>>
        %dma_start3A_510 = arith.constant 0 : i32
        %dma_start3A_511 = arith.constant 0 : i32
        %dma_start3A_512 = tpu.memref_slice %arg6[%dma_start3A_504, %dma_start3A_510, %dma_start3A_511] : memref<2x80x128xi32, #tpu.memory_space<vmem>> -> memref<1x80x128xi32, #tpu.memory_space<vmem>>
        %dma_start3A_513 = tpu.memref_squeeze %dma_start3A_512 : memref<1x80x128xi32, #tpu.memory_space<vmem>> -> memref<80x128xi32, #tpu.memory_space<vmem>>
        %dma_start3A_514 = arith.constant 0 : i32
        %dma_start3A_515 = tpu.memref_slice %dma_start3A_513[%add3A_453, %dma_start3A_514] : memref<80x128xi32, #tpu.memory_space<vmem>> -> memref<1x128xi32, #tpu.memory_space<vmem>>
        %dma_start3A_516 = tpu.memref_squeeze %dma_start3A_515 : memref<1x128xi32, #tpu.memory_space<vmem>> -> memref<128xi32, #tpu.memory_space<vmem>>
        %dma_start3A_517 = arith.constant 0 : i32
        %dma_start3A_518 = arith.constant 0 : i32
        %dma_start3A_519 = tpu.memref_slice %arg10[%dma_start3A_517, %dma_start3A_518] : memref<10240x64xbf16, #tpu.memory_space<vmem_shared>> -> memref<10240x64xbf16, #tpu.memory_space<vmem_shared>>
        tpu.enqueue_indirect_dma source(%dma_start3A_519 : memref<10240x64xbf16, #tpu.memory_space<vmem_shared>>) target(%dma_start3A_509 : memref<128x64xbf16, #tpu.memory_space<vmem>>) offsets(%dma_start3A_516 : memref<128xi32, #tpu.memory_space<vmem>>) semaphore(%arg11 : memref<!tpu.dma_semaphore, #tpu.memory_space<semaphore_mem>>)
      } else {
      }
      %add3A_459 = arith.constant 3 : i32
      %add3A_460 = arith.addi %add3A_338, %add3A_459 : i32
      %dma_wait3A_461 = arith.constant 1 : i32
      %dma_wait3A_462 = arith.constant 3 : i32
      %dma_wait3A_463 = arith.constant 0 : i32
      %dma_wait3A_464 = arith.constant 0 : i32
      %dma_wait3A_465 = tpu.memref_slice %arg8[%dma_wait3A_462, %dma_wait3A_463, %dma_wait3A_464] : memref<4x128x64xbf16, #tpu.memory_space<vmem>> -> memref<1x128x64xbf16, #tpu.memory_space<vmem>>
      %dma_wait3A_466 = tpu.memref_squeeze %dma_wait3A_465 : memref<1x128x64xbf16, #tpu.memory_space<vmem>> -> memref<128x64xbf16, #tpu.memory_space<vmem>>
      %dma_wait3A_467 = arith.constant 0 : i32
      %dma_wait3A_468 = arith.constant 0 : i32
      %dma_wait3A_469 = tpu.memref_slice %arg6[%dma_wait3A_461, %dma_wait3A_467, %dma_wait3A_468] : memref<2x80x128xi32, #tpu.memory_space<vmem>> -> memref<1x80x128xi32, #tpu.memory_space<vmem>>
      %dma_wait3A_470 = tpu.memref_squeeze %dma_wait3A_469 : memref<1x80x128xi32, #tpu.memory_space<vmem>> -> memref<80x128xi32, #tpu.memory_space<vmem>>
      %dma_wait3A_471 = arith.constant 0 : i32
      %dma_wait3A_472 = tpu.memref_slice %dma_wait3A_470[%add3A_460, %dma_wait3A_471] : memref<80x128xi32, #tpu.memory_space<vmem>> -> memref<1x128xi32, #tpu.memory_space<vmem>>
      %dma_wait3A_473 = tpu.memref_squeeze %dma_wait3A_472 : memref<1x128xi32, #tpu.memory_space<vmem>> -> memref<128xi32, #tpu.memory_space<vmem>>
      %dma_wait3A_474 = arith.constant 0 : i32
      %dma_wait3A_475 = arith.constant 0 : i32
      %dma_wait3A_476 = tpu.memref_slice %arg10[%dma_wait3A_474, %dma_wait3A_475] : memref<10240x64xbf16, #tpu.memory_space<vmem_shared>> -> memref<10240x64xbf16, #tpu.memory_space<vmem_shared>>
      tpu.wait_indirect_dma semaphore(%arg14 : memref<!tpu.dma_semaphore, #tpu.memory_space<semaphore_mem>>) src(%dma_wait3A_476 : memref<10240x64xbf16, #tpu.memory_space<vmem_shared>>) dst(%dma_wait3A_466 : memref<128x64xbf16, #tpu.memory_space<vmem>>)
      %dma_start3A_477 = arith.constant 3 : i32
      %dma_start3A_478 = arith.constant 1 : i32
      %dma_start3A_479 = arith.constant 0 : i32
      %dma_start3A_480 = arith.constant 0 : i32
      %dma_start3A_481 = tpu.memref_slice %arg8[%dma_start3A_477, %dma_start3A_479, %dma_start3A_480] : memref<4x128x64xbf16, #tpu.memory_space<vmem>> -> memref<1x128x64xbf16, #tpu.memory_space<vmem>>
      %dma_start3A_482 = tpu.memref_squeeze %dma_start3A_481 : memref<1x128x64xbf16, #tpu.memory_space<vmem>> -> memref<128x64xbf16, #tpu.memory_space<vmem>>
      %dma_start3A_483 = arith.constant 0 : i32
      %dma_start3A_484 = arith.constant 0 : i32
      %dma_start3A_485 = tpu.memref_slice %arg7[%dma_start3A_478, %dma_start3A_483, %dma_start3A_484] : memref<2x80x128xi32, #tpu.memory_space<vmem>> -> memref<1x80x128xi32, #tpu.memory_space<vmem>>
      %dma_start3A_486 = tpu.memref_squeeze %dma_start3A_485 : memref<1x80x128xi32, #tpu.memory_space<vmem>> -> memref<80x128xi32, #tpu.memory_space<vmem>>
      %dma_start3A_487 = arith.constant 0 : i32
      %dma_start3A_488 = tpu.memref_slice %dma_start3A_486[%add3A_460, %dma_start3A_487] : memref<80x128xi32, #tpu.memory_space<vmem>> -> memref<1x128xi32, #tpu.memory_space<vmem>>
      %dma_start3A_489 = tpu.memref_squeeze %dma_start3A_488 : memref<1x128xi32, #tpu.memory_space<vmem>> -> memref<128xi32, #tpu.memory_space<vmem>>
      %dma_start3A_490 = arith.constant 0 : i32
      %dma_start3A_491 = arith.constant 0 : i32
      %dma_start3A_492 = tpu.memref_slice %arg9[%dma_start3A_490, %dma_start3A_491] : memref<10240x64xbf16, #tpu.memory_space<vmem_shared>> -> memref<10240x64xbf16, #tpu.memory_space<vmem_shared>>
      tpu.enqueue_indirect_dma source(%dma_start3A_482 : memref<128x64xbf16, #tpu.memory_space<vmem>>) target(%dma_start3A_492 : memref<10240x64xbf16, #tpu.memory_space<vmem_shared>>) offsets(%dma_start3A_489 : memref<128xi32, #tpu.memory_space<vmem>>) semaphore(%arg18 : memref<!tpu.dma_semaphore, #tpu.memory_space<semaphore_mem>>) {add = true}
      %add3A_493 = arith.constant 2 : i32
      %add3A_494 = arith.addi %add3A_460, %add3A_493 : i32
      %lt3A_495 = arith.constant 80 : i32
      %lt3A_496 = arith.cmpi slt, %add3A_494, %lt3A_495 : i32
      %convert_element_type3A_497 = arith.extui %lt3A_496 : i1 to i32
      %cond3A_498 = arith.constant 0 : i32
      %cond3A_499 = arith.cmpi ne, %convert_element_type3A_497, %cond3A_498 : i32
      scf.if %cond3A_499 {
        %ge3A = arith.constant 4 : i32
        %ge3A_500 = arith.cmpi sge, %add3A_494, %ge3A : i32
        %convert_element_type3A_501 = arith.extui %ge3A_500 : i1 to i32
        %cond3A_502 = arith.constant 0 : i32
        %cond3A_503 = arith.cmpi ne, %convert_element_type3A_501, %cond3A_502 : i32
        scf.if %cond3A_503 {
          %dma_wait3A_520 = arith.constant 1 : i32
          %dma_wait3A_521 = arith.constant 1 : i32
          %dma_wait3A_522 = arith.constant 0 : i32
          %dma_wait3A_523 = arith.constant 0 : i32
          %dma_wait3A_524 = arith.constant 0 : i32
          %dma_wait3A_525 = tpu.memref_slice %arg8[%dma_wait3A_520, %dma_wait3A_523, %dma_wait3A_524] : memref<4x128x64xbf16, #tpu.memory_space<vmem>> -> memref<1x128x64xbf16, #tpu.memory_space<vmem>>
          %dma_wait3A_526 = tpu.memref_squeeze %dma_wait3A_525 : memref<1x128x64xbf16, #tpu.memory_space<vmem>> -> memref<128x64xbf16, #tpu.memory_space<vmem>>
          %dma_wait3A_527 = arith.constant 0 : i32
          %dma_wait3A_528 = arith.constant 0 : i32
          %dma_wait3A_529 = tpu.memref_slice %arg7[%dma_wait3A_521, %dma_wait3A_527, %dma_wait3A_528] : memref<2x80x128xi32, #tpu.memory_space<vmem>> -> memref<1x80x128xi32, #tpu.memory_space<vmem>>
          %dma_wait3A_530 = tpu.memref_squeeze %dma_wait3A_529 : memref<1x80x128xi32, #tpu.memory_space<vmem>> -> memref<80x128xi32, #tpu.memory_space<vmem>>
          %dma_wait3A_531 = arith.constant 0 : i32
          %dma_wait3A_532 = tpu.memref_slice %dma_wait3A_530[%dma_wait3A_522, %dma_wait3A_531] : memref<80x128xi32, #tpu.memory_space<vmem>> -> memref<1x128xi32, #tpu.memory_space<vmem>>
          %dma_wait3A_533 = tpu.memref_squeeze %dma_wait3A_532 : memref<1x128xi32, #tpu.memory_space<vmem>> -> memref<128xi32, #tpu.memory_space<vmem>>
          %dma_wait3A_534 = arith.constant 0 : i32
          %dma_wait3A_535 = arith.constant 0 : i32
          %dma_wait3A_536 = tpu.memref_slice %arg9[%dma_wait3A_534, %dma_wait3A_535] : memref<10240x64xbf16, #tpu.memory_space<vmem_shared>> -> memref<10240x64xbf16, #tpu.memory_space<vmem_shared>>
          tpu.wait_indirect_dma semaphore(%arg16 : memref<!tpu.dma_semaphore, #tpu.memory_space<semaphore_mem>>) src(%dma_wait3A_526 : memref<128x64xbf16, #tpu.memory_space<vmem>>) dst(%dma_wait3A_536 : memref<10240x64xbf16, #tpu.memory_space<vmem_shared>>)
        } else {
        }
        %dma_start3A_504 = arith.constant 1 : i32
        %dma_start3A_505 = arith.constant 1 : i32
        %dma_start3A_506 = arith.constant 0 : i32
        %dma_start3A_507 = arith.constant 0 : i32
        %dma_start3A_508 = tpu.memref_slice %arg8[%dma_start3A_505, %dma_start3A_506, %dma_start3A_507] : memref<4x128x64xbf16, #tpu.memory_space<vmem>> -> memref<1x128x64xbf16, #tpu.memory_space<vmem>>
        %dma_start3A_509 = tpu.memref_squeeze %dma_start3A_508 : memref<1x128x64xbf16, #tpu.memory_space<vmem>> -> memref<128x64xbf16, #tpu.memory_space<vmem>>
        %dma_start3A_510 = arith.constant 0 : i32
        %dma_start3A_511 = arith.constant 0 : i32
        %dma_start3A_512 = tpu.memref_slice %arg6[%dma_start3A_504, %dma_start3A_510, %dma_start3A_511] : memref<2x80x128xi32, #tpu.memory_space<vmem>> -> memref<1x80x128xi32, #tpu.memory_space<vmem>>
        %dma_start3A_513 = tpu.memref_squeeze %dma_start3A_512 : memref<1x80x128xi32, #tpu.memory_space<vmem>> -> memref<80x128xi32, #tpu.memory_space<vmem>>
        %dma_start3A_514 = arith.constant 0 : i32
        %dma_start3A_515 = tpu.memref_slice %dma_start3A_513[%add3A_494, %dma_start3A_514] : memref<80x128xi32, #tpu.memory_space<vmem>> -> memref<1x128xi32, #tpu.memory_space<vmem>>
        %dma_start3A_516 = tpu.memref_squeeze %dma_start3A_515 : memref<1x128xi32, #tpu.memory_space<vmem>> -> memref<128xi32, #tpu.memory_space<vmem>>
        %dma_start3A_517 = arith.constant 0 : i32
        %dma_start3A_518 = arith.constant 0 : i32
        %dma_start3A_519 = tpu.memref_slice %arg10[%dma_start3A_517, %dma_start3A_518] : memref<10240x64xbf16, #tpu.memory_space<vmem_shared>> -> memref<10240x64xbf16, #tpu.memory_space<vmem_shared>>
        tpu.enqueue_indirect_dma source(%dma_start3A_519 : memref<10240x64xbf16, #tpu.memory_space<vmem_shared>>) target(%dma_start3A_509 : memref<128x64xbf16, #tpu.memory_space<vmem>>) offsets(%dma_start3A_516 : memref<128xi32, #tpu.memory_space<vmem>>) semaphore(%arg12 : memref<!tpu.dma_semaphore, #tpu.memory_space<semaphore_mem>>)
      } else {
      }
    }
    %scan3A_264 = arith.constant 20 : i32
    %dma_wait3A_265 = arith.constant 0 : i32
    %dma_wait3A_266 = arith.constant 1 : i32
    %dma_wait3A_267 = arith.constant 0 : i32
    %dma_wait3A_268 = arith.constant 0 : i32
    %dma_wait3A_269 = arith.constant 0 : i32
    %dma_wait3A_270 = tpu.memref_slice %arg8[%dma_wait3A_265, %dma_wait3A_268, %dma_wait3A_269] : memref<4x128x64xbf16, #tpu.memory_space<vmem>> -> memref<1x128x64xbf16, #tpu.memory_space<vmem>>
    %dma_wait3A_271 = tpu.memref_squeeze %dma_wait3A_270 : memref<1x128x64xbf16, #tpu.memory_space<vmem>> -> memref<128x64xbf16, #tpu.memory_space<vmem>>
    %dma_wait3A_272 = arith.constant 0 : i32
    %dma_wait3A_273 = arith.constant 0 : i32
    %dma_wait3A_274 = tpu.memref_slice %arg7[%dma_wait3A_266, %dma_wait3A_272, %dma_wait3A_273] : memref<2x80x128xi32, #tpu.memory_space<vmem>> -> memref<1x80x128xi32, #tpu.memory_space<vmem>>
    %dma_wait3A_275 = tpu.memref_squeeze %dma_wait3A_274 : memref<1x80x128xi32, #tpu.memory_space<vmem>> -> memref<80x128xi32, #tpu.memory_space<vmem>>
    %dma_wait3A_276 = arith.constant 0 : i32
    %dma_wait3A_277 = tpu.memref_slice %dma_wait3A_275[%dma_wait3A_267, %dma_wait3A_276] : memref<80x128xi32, #tpu.memory_space<vmem>> -> memref<1x128xi32, #tpu.memory_space<vmem>>
    %dma_wait3A_278 = tpu.memref_squeeze %dma_wait3A_277 : memref<1x128xi32, #tpu.memory_space<vmem>> -> memref<128xi32, #tpu.memory_space<vmem>>
    %dma_wait3A_279 = arith.constant 0 : i32
    %dma_wait3A_280 = arith.constant 0 : i32
    %dma_wait3A_281 = tpu.memref_slice %arg9[%dma_wait3A_279, %dma_wait3A_280] : memref<10240x64xbf16, #tpu.memory_space<vmem_shared>> -> memref<10240x64xbf16, #tpu.memory_space<vmem_shared>>
    tpu.wait_indirect_dma semaphore(%arg15 : memref<!tpu.dma_semaphore, #tpu.memory_space<semaphore_mem>>) src(%dma_wait3A_271 : memref<128x64xbf16, #tpu.memory_space<vmem>>) dst(%dma_wait3A_281 : memref<10240x64xbf16, #tpu.memory_space<vmem_shared>>)
    %dma_wait3A_282 = arith.constant 1 : i32
    %dma_wait3A_283 = arith.constant 1 : i32
    %dma_wait3A_284 = arith.constant 0 : i32
    %dma_wait3A_285 = arith.constant 0 : i32
    %dma_wait3A_286 = arith.constant 0 : i32
    %dma_wait3A_287 = tpu.memref_slice %arg8[%dma_wait3A_282, %dma_wait3A_285, %dma_wait3A_286] : memref<4x128x64xbf16, #tpu.memory_space<vmem>> -> memref<1x128x64xbf16, #tpu.memory_space<vmem>>
    %dma_wait3A_288 = tpu.memref_squeeze %dma_wait3A_287 : memref<1x128x64xbf16, #tpu.memory_space<vmem>> -> memref<128x64xbf16, #tpu.memory_space<vmem>>
    %dma_wait3A_289 = arith.constant 0 : i32
    %dma_wait3A_290 = arith.constant 0 : i32
    %dma_wait3A_291 = tpu.memref_slice %arg7[%dma_wait3A_283, %dma_wait3A_289, %dma_wait3A_290] : memref<2x80x128xi32, #tpu.memory_space<vmem>> -> memref<1x80x128xi32, #tpu.memory_space<vmem>>
    %dma_wait3A_292 = tpu.memref_squeeze %dma_wait3A_291 : memref<1x80x128xi32, #tpu.memory_space<vmem>> -> memref<80x128xi32, #tpu.memory_space<vmem>>
    %dma_wait3A_293 = arith.constant 0 : i32
    %dma_wait3A_294 = tpu.memref_slice %dma_wait3A_292[%dma_wait3A_284, %dma_wait3A_293] : memref<80x128xi32, #tpu.memory_space<vmem>> -> memref<1x128xi32, #tpu.memory_space<vmem>>
    %dma_wait3A_295 = tpu.memref_squeeze %dma_wait3A_294 : memref<1x128xi32, #tpu.memory_space<vmem>> -> memref<128xi32, #tpu.memory_space<vmem>>
    %dma_wait3A_296 = arith.constant 0 : i32
    %dma_wait3A_297 = arith.constant 0 : i32
    %dma_wait3A_298 = tpu.memref_slice %arg9[%dma_wait3A_296, %dma_wait3A_297] : memref<10240x64xbf16, #tpu.memory_space<vmem_shared>> -> memref<10240x64xbf16, #tpu.memory_space<vmem_shared>>
    tpu.wait_indirect_dma semaphore(%arg16 : memref<!tpu.dma_semaphore, #tpu.memory_space<semaphore_mem>>) src(%dma_wait3A_288 : memref<128x64xbf16, #tpu.memory_space<vmem>>) dst(%dma_wait3A_298 : memref<10240x64xbf16, #tpu.memory_space<vmem_shared>>)
    %dma_wait3A_299 = arith.constant 2 : i32
    %dma_wait3A_300 = arith.constant 1 : i32
    %dma_wait3A_301 = arith.constant 0 : i32
    %dma_wait3A_302 = arith.constant 0 : i32
    %dma_wait3A_303 = arith.constant 0 : i32
    %dma_wait3A_304 = tpu.memref_slice %arg8[%dma_wait3A_299, %dma_wait3A_302, %dma_wait3A_303] : memref<4x128x64xbf16, #tpu.memory_space<vmem>> -> memref<1x128x64xbf16, #tpu.memory_space<vmem>>
    %dma_wait3A_305 = tpu.memref_squeeze %dma_wait3A_304 : memref<1x128x64xbf16, #tpu.memory_space<vmem>> -> memref<128x64xbf16, #tpu.memory_space<vmem>>
    %dma_wait3A_306 = arith.constant 0 : i32
    %dma_wait3A_307 = arith.constant 0 : i32
    %dma_wait3A_308 = tpu.memref_slice %arg7[%dma_wait3A_300, %dma_wait3A_306, %dma_wait3A_307] : memref<2x80x128xi32, #tpu.memory_space<vmem>> -> memref<1x80x128xi32, #tpu.memory_space<vmem>>
    %dma_wait3A_309 = tpu.memref_squeeze %dma_wait3A_308 : memref<1x80x128xi32, #tpu.memory_space<vmem>> -> memref<80x128xi32, #tpu.memory_space<vmem>>
    %dma_wait3A_310 = arith.constant 0 : i32
    %dma_wait3A_311 = tpu.memref_slice %dma_wait3A_309[%dma_wait3A_301, %dma_wait3A_310] : memref<80x128xi32, #tpu.memory_space<vmem>> -> memref<1x128xi32, #tpu.memory_space<vmem>>
    %dma_wait3A_312 = tpu.memref_squeeze %dma_wait3A_311 : memref<1x128xi32, #tpu.memory_space<vmem>> -> memref<128xi32, #tpu.memory_space<vmem>>
    %dma_wait3A_313 = arith.constant 0 : i32
    %dma_wait3A_314 = arith.constant 0 : i32
    %dma_wait3A_315 = tpu.memref_slice %arg9[%dma_wait3A_313, %dma_wait3A_314] : memref<10240x64xbf16, #tpu.memory_space<vmem_shared>> -> memref<10240x64xbf16, #tpu.memory_space<vmem_shared>>
    tpu.wait_indirect_dma semaphore(%arg17 : memref<!tpu.dma_semaphore, #tpu.memory_space<semaphore_mem>>) src(%dma_wait3A_305 : memref<128x64xbf16, #tpu.memory_space<vmem>>) dst(%dma_wait3A_315 : memref<10240x64xbf16, #tpu.memory_space<vmem_shared>>)
    %dma_wait3A_316 = arith.constant 3 : i32
    %dma_wait3A_317 = arith.constant 1 : i32
    %dma_wait3A_318 = arith.constant 0 : i32
    %dma_wait3A_319 = arith.constant 0 : i32
    %dma_wait3A_320 = arith.constant 0 : i32
    %dma_wait3A_321 = tpu.memref_slice %arg8[%dma_wait3A_316, %dma_wait3A_319, %dma_wait3A_320] : memref<4x128x64xbf16, #tpu.memory_space<vmem>> -> memref<1x128x64xbf16, #tpu.memory_space<vmem>>
    %dma_wait3A_322 = tpu.memref_squeeze %dma_wait3A_321 : memref<1x128x64xbf16, #tpu.memory_space<vmem>> -> memref<128x64xbf16, #tpu.memory_space<vmem>>
    %dma_wait3A_323 = arith.constant 0 : i32
    %dma_wait3A_324 = arith.constant 0 : i32
    %dma_wait3A_325 = tpu.memref_slice %arg7[%dma_wait3A_317, %dma_wait3A_323, %dma_wait3A_324] : memref<2x80x128xi32, #tpu.memory_space<vmem>> -> memref<1x80x128xi32, #tpu.memory_space<vmem>>
    %dma_wait3A_326 = tpu.memref_squeeze %dma_wait3A_325 : memref<1x80x128xi32, #tpu.memory_space<vmem>> -> memref<80x128xi32, #tpu.memory_space<vmem>>
    %dma_wait3A_327 = arith.constant 0 : i32
    %dma_wait3A_328 = tpu.memref_slice %dma_wait3A_326[%dma_wait3A_318, %dma_wait3A_327] : memref<80x128xi32, #tpu.memory_space<vmem>> -> memref<1x128xi32, #tpu.memory_space<vmem>>
    %dma_wait3A_329 = tpu.memref_squeeze %dma_wait3A_328 : memref<1x128xi32, #tpu.memory_space<vmem>> -> memref<128xi32, #tpu.memory_space<vmem>>
    %dma_wait3A_330 = arith.constant 0 : i32
    %dma_wait3A_331 = arith.constant 0 : i32
    %dma_wait3A_332 = tpu.memref_slice %arg9[%dma_wait3A_330, %dma_wait3A_331] : memref<10240x64xbf16, #tpu.memory_space<vmem_shared>> -> memref<10240x64xbf16, #tpu.memory_space<vmem_shared>>
    tpu.wait_indirect_dma semaphore(%arg18 : memref<!tpu.dma_semaphore, #tpu.memory_space<semaphore_mem>>) src(%dma_wait3A_322 : memref<128x64xbf16, #tpu.memory_space<vmem>>) dst(%dma_wait3A_332 : memref<10240x64xbf16, #tpu.memory_space<vmem_shared>>)
    %barrier3A_333 = arith.constant 0 : index
    tpu.barrier barrier_id(%barrier3A_333)
    "tpu.region"() ({
      %run_scoped3A = tpu.sem_alloc : memref<!tpu.dma_semaphore, #tpu.memory_space<semaphore_mem>>
      %dma_start3A_334 = arith.constant 0 : i32
      %dma_start3A_335 = arith.constant 0 : i32
      %dma_start3A_336 = tpu.memref_slice %arg5[%arg0, %dma_start3A_334, %dma_start3A_335] : memref<2x10240x64xbf16, #tpu.memory_space<hbm>> -> memref<1x10240x64xbf16, #tpu.memory_space<hbm>>
      %dma_start3A_337 = tpu.memref_squeeze %dma_start3A_336 : memref<1x10240x64xbf16, #tpu.memory_space<hbm>> -> memref<10240x64xbf16, #tpu.memory_space<hbm>>
      %dma_start3A_338 = arith.constant 0 : i32
      %dma_start3A_339 = tpu.memref_slice %dma_start3A_337[%mul3A_2, %dma_start3A_338] : memref<10240x64xbf16, #tpu.memory_space<hbm>> -> memref<640x64xbf16, #tpu.memory_space<hbm>>
      %dma_start3A_340 = arith.constant 0 : i32
      %dma_start3A_341 = tpu.memref_slice %arg9[%mul3A_2, %dma_start3A_340] : memref<10240x64xbf16, #tpu.memory_space<vmem_shared>> -> memref<640x64xbf16, #tpu.memory_space<vmem_shared>>
      tpu.enqueue_dma source(%dma_start3A_341 : memref<640x64xbf16, #tpu.memory_space<vmem_shared>>) target(%dma_start3A_339 : memref<640x64xbf16, #tpu.memory_space<hbm>>) target_semaphore(%run_scoped3A : memref<!tpu.dma_semaphore, #tpu.memory_space<semaphore_mem>>)
      %dma_wait3A_342 = arith.constant 0 : i32
      %dma_wait3A_343 = arith.constant 0 : i32
      %dma_wait3A_344 = tpu.memref_slice %arg5[%arg0, %dma_wait3A_342, %dma_wait3A_343] : memref<2x10240x64xbf16, #tpu.memory_space<hbm>> -> memref<1x10240x64xbf16, #tpu.memory_space<hbm>>
      %dma_wait3A_345 = tpu.memref_squeeze %dma_wait3A_344 : memref<1x10240x64xbf16, #tpu.memory_space<hbm>> -> memref<10240x64xbf16, #tpu.memory_space<hbm>>
      %dma_wait3A_346 = arith.constant 0 : i32
      %dma_wait3A_347 = tpu.memref_slice %dma_wait3A_345[%mul3A_2, %dma_wait3A_346] : memref<10240x64xbf16, #tpu.memory_space<hbm>> -> memref<640x64xbf16, #tpu.memory_space<hbm>>
      %dma_wait3A_348 = arith.constant 0 : i32
      %dma_wait3A_349 = tpu.memref_slice %arg9[%mul3A_2, %dma_wait3A_348] : memref<10240x64xbf16, #tpu.memory_space<vmem_shared>> -> memref<640x64xbf16, #tpu.memory_space<vmem_shared>>
      tpu.wait_dma2 semaphore(%run_scoped3A : memref<!tpu.dma_semaphore, #tpu.memory_space<semaphore_mem>>) src(%dma_wait3A_349 : memref<640x64xbf16, #tpu.memory_space<vmem_shared>>) dst(%dma_wait3A_347 : memref<640x64xbf16, #tpu.memory_space<hbm>>)
      tpu.yield
    }) : () -> ()
    return
  }
}

#map = affine_map<(d0, d1) -> (0, 0, 0)>
#map1 = affine_map<(d0, d1) -> (0, 0)>
module attributes {stable_mosaic.version = 14 : i64} {
  func.func @edge_kernel(%arg0: i32, %arg1: i32, %arg2: memref<2x10240x32xbf16, #tpu.memory_space<hbm>>, %arg3: memref<2560x128xi32, #tpu.memory_space<hbm>>, %arg4: memref<2560x128xi32, #tpu.memory_space<hbm>>, %arg5: memref<2x10240x32xbf16, #tpu.memory_space<hbm>>, %arg6: memref<2x80x128xi32, #tpu.memory_space<vmem>>, %arg7: memref<2x80x128xi32, #tpu.memory_space<vmem>>, %arg8: memref<4x128x32xbf16, #tpu.memory_space<vmem>>, %arg9: memref<10240x32xbf16, #tpu.memory_space<vmem_shared>>, %arg10: memref<10240x32xbf16, #tpu.memory_space<vmem_shared>>, %arg11: memref<!tpu.dma_semaphore, #tpu.memory_space<semaphore_mem>>, %arg12: memref<!tpu.dma_semaphore, #tpu.memory_space<semaphore_mem>>, %arg13: memref<!tpu.dma_semaphore, #tpu.memory_space<semaphore_mem>>, %arg14: memref<!tpu.dma_semaphore, #tpu.memory_space<semaphore_mem>>, %arg15: memref<!tpu.dma_semaphore, #tpu.memory_space<semaphore_mem>>, %arg16: memref<!tpu.dma_semaphore, #tpu.memory_space<semaphore_mem>>, %arg17: memref<!tpu.dma_semaphore, #tpu.memory_space<semaphore_mem>>, %arg18: memref<!tpu.dma_semaphore, #tpu.memory_space<semaphore_mem>>, %arg19: memref<!tpu.dma_semaphore, #tpu.memory_space<semaphore_mem>>, %arg20: memref<!tpu.dma_semaphore, #tpu.memory_space<semaphore_mem>>) attributes {dimension_semantics = [#tpu.dimension_semantics<core_parallel>, #tpu.dimension_semantics<subcore_parallel>], iteration_bounds = array<i64: 2, 16>, scalar_prefetch = 0 : i64, scratch_operands = 15 : i64, tpu.core_type = #tpu.core_type<sc_vector_subcore>, window_params = [{transform_indices = #map}, {transform_indices = #map1}, {transform_indices = #map1}, {transform_indices = #map}]} {
    %mul3A = arith.constant 160 : i32
    %mul3A_0 = arith.muli %arg1, %mul3A : i32
    %mul3A_1 = arith.constant 640 : i32
    %mul3A_2 = arith.muli %arg1, %mul3A_1 : i32
    "tpu.region"() ({
      %run_scoped3A = tpu.sem_alloc : memref<!tpu.dma_semaphore, #tpu.memory_space<semaphore_mem>>
      %dma_start3A_334 = arith.constant 0 : i32
      %dma_start3A_335 = tpu.memref_slice %arg9[%mul3A_2, %dma_start3A_334] : memref<10240x32xbf16, #tpu.memory_space<vmem_shared>> -> memref<640x32xbf16, #tpu.memory_space<vmem_shared>>
      %dma_start3A_336 = arith.constant 0 : i32
      %dma_start3A_337 = arith.constant 0 : i32
      %dma_start3A_338 = tpu.memref_slice %arg2[%arg0, %dma_start3A_336, %dma_start3A_337] : memref<2x10240x32xbf16, #tpu.memory_space<hbm>> -> memref<1x10240x32xbf16, #tpu.memory_space<hbm>>
      %dma_start3A_339 = tpu.memref_squeeze %dma_start3A_338 : memref<1x10240x32xbf16, #tpu.memory_space<hbm>> -> memref<10240x32xbf16, #tpu.memory_space<hbm>>
      %dma_start3A_340 = arith.constant 0 : i32
      %dma_start3A_341 = tpu.memref_slice %dma_start3A_339[%mul3A_2, %dma_start3A_340] : memref<10240x32xbf16, #tpu.memory_space<hbm>> -> memref<640x32xbf16, #tpu.memory_space<hbm>>
      tpu.enqueue_dma source(%dma_start3A_341 : memref<640x32xbf16, #tpu.memory_space<hbm>>) target(%dma_start3A_335 : memref<640x32xbf16, #tpu.memory_space<vmem_shared>>) target_semaphore(%run_scoped3A : memref<!tpu.dma_semaphore, #tpu.memory_space<semaphore_mem>>)
      %dma_wait3A_342 = arith.constant 0 : i32
      %dma_wait3A_343 = tpu.memref_slice %arg9[%mul3A_2, %dma_wait3A_342] : memref<10240x32xbf16, #tpu.memory_space<vmem_shared>> -> memref<640x32xbf16, #tpu.memory_space<vmem_shared>>
      %dma_wait3A_344 = arith.constant 0 : i32
      %dma_wait3A_345 = arith.constant 0 : i32
      %dma_wait3A_346 = tpu.memref_slice %arg2[%arg0, %dma_wait3A_344, %dma_wait3A_345] : memref<2x10240x32xbf16, #tpu.memory_space<hbm>> -> memref<1x10240x32xbf16, #tpu.memory_space<hbm>>
      %dma_wait3A_347 = tpu.memref_squeeze %dma_wait3A_346 : memref<1x10240x32xbf16, #tpu.memory_space<hbm>> -> memref<10240x32xbf16, #tpu.memory_space<hbm>>
      %dma_wait3A_348 = arith.constant 0 : i32
      %dma_wait3A_349 = tpu.memref_slice %dma_wait3A_347[%mul3A_2, %dma_wait3A_348] : memref<10240x32xbf16, #tpu.memory_space<hbm>> -> memref<640x32xbf16, #tpu.memory_space<hbm>>
      tpu.wait_dma2 semaphore(%run_scoped3A : memref<!tpu.dma_semaphore, #tpu.memory_space<semaphore_mem>>) src(%dma_wait3A_349 : memref<640x32xbf16, #tpu.memory_space<hbm>>) dst(%dma_wait3A_343 : memref<640x32xbf16, #tpu.memory_space<vmem_shared>>)
      tpu.yield
    }) : () -> ()
    "tpu.region"() ({
      %run_scoped3A = tpu.sem_alloc : memref<!tpu.dma_semaphore, #tpu.memory_space<semaphore_mem>>
      %dma_start3A_334 = arith.constant 0 : i32
      %dma_start3A_335 = tpu.memref_slice %arg10[%mul3A_2, %dma_start3A_334] : memref<10240x32xbf16, #tpu.memory_space<vmem_shared>> -> memref<640x32xbf16, #tpu.memory_space<vmem_shared>>
      %dma_start3A_336 = arith.constant 0 : i32
      %dma_start3A_337 = arith.constant 0 : i32
      %dma_start3A_338 = tpu.memref_slice %arg2[%arg0, %dma_start3A_336, %dma_start3A_337] : memref<2x10240x32xbf16, #tpu.memory_space<hbm>> -> memref<1x10240x32xbf16, #tpu.memory_space<hbm>>
      %dma_start3A_339 = tpu.memref_squeeze %dma_start3A_338 : memref<1x10240x32xbf16, #tpu.memory_space<hbm>> -> memref<10240x32xbf16, #tpu.memory_space<hbm>>
      %dma_start3A_340 = arith.constant 0 : i32
      %dma_start3A_341 = tpu.memref_slice %dma_start3A_339[%mul3A_2, %dma_start3A_340] : memref<10240x32xbf16, #tpu.memory_space<hbm>> -> memref<640x32xbf16, #tpu.memory_space<hbm>>
      tpu.enqueue_dma source(%dma_start3A_341 : memref<640x32xbf16, #tpu.memory_space<hbm>>) target(%dma_start3A_335 : memref<640x32xbf16, #tpu.memory_space<vmem_shared>>) target_semaphore(%run_scoped3A : memref<!tpu.dma_semaphore, #tpu.memory_space<semaphore_mem>>)
      %dma_wait3A_342 = arith.constant 0 : i32
      %dma_wait3A_343 = tpu.memref_slice %arg10[%mul3A_2, %dma_wait3A_342] : memref<10240x32xbf16, #tpu.memory_space<vmem_shared>> -> memref<640x32xbf16, #tpu.memory_space<vmem_shared>>
      %dma_wait3A_344 = arith.constant 0 : i32
      %dma_wait3A_345 = arith.constant 0 : i32
      %dma_wait3A_346 = tpu.memref_slice %arg2[%arg0, %dma_wait3A_344, %dma_wait3A_345] : memref<2x10240x32xbf16, #tpu.memory_space<hbm>> -> memref<1x10240x32xbf16, #tpu.memory_space<hbm>>
      %dma_wait3A_347 = tpu.memref_squeeze %dma_wait3A_346 : memref<1x10240x32xbf16, #tpu.memory_space<hbm>> -> memref<10240x32xbf16, #tpu.memory_space<hbm>>
      %dma_wait3A_348 = arith.constant 0 : i32
      %dma_wait3A_349 = tpu.memref_slice %dma_wait3A_347[%mul3A_2, %dma_wait3A_348] : memref<10240x32xbf16, #tpu.memory_space<hbm>> -> memref<640x32xbf16, #tpu.memory_space<hbm>>
      tpu.wait_dma2 semaphore(%run_scoped3A : memref<!tpu.dma_semaphore, #tpu.memory_space<semaphore_mem>>) src(%dma_wait3A_349 : memref<640x32xbf16, #tpu.memory_space<hbm>>) dst(%dma_wait3A_343 : memref<640x32xbf16, #tpu.memory_space<vmem_shared>>)
      tpu.yield
    }) : () -> ()
    %add3A = arith.constant 0 : i32
    %add3A_3 = arith.addi %mul3A_0, %add3A : i32
    %add3A_4 = arith.constant 0 : i32
    %add3A_5 = arith.addi %mul3A_0, %add3A_4 : i32
    %dma_start3A = arith.constant 0 : i32
    %dma_start3A_6 = arith.constant 0 : i32
    %dma_start3A_7 = arith.constant 0 : i32
    %dma_start3A_8 = tpu.memref_slice %arg6[%dma_start3A, %dma_start3A_6, %dma_start3A_7] : memref<2x80x128xi32, #tpu.memory_space<vmem>> -> memref<1x80x128xi32, #tpu.memory_space<vmem>>
    %dma_start3A_9 = tpu.memref_squeeze %dma_start3A_8 : memref<1x80x128xi32, #tpu.memory_space<vmem>> -> memref<80x128xi32, #tpu.memory_space<vmem>>
    %dma_start3A_10 = arith.constant 0 : i32
    %dma_start3A_11 = tpu.memref_slice %arg3[%add3A_3, %dma_start3A_10] : memref<2560x128xi32, #tpu.memory_space<hbm>> -> memref<80x128xi32, #tpu.memory_space<hbm>>
    %dma_start3A_12 = arith.constant 0 : i32
    %dma_start3A_13 = arith.constant 0 : i32
    %dma_start3A_14 = tpu.memref_slice %arg6[%dma_start3A, %dma_start3A_12, %dma_start3A_13] : memref<2x80x128xi32, #tpu.memory_space<vmem>> -> memref<1x80x128xi32, #tpu.memory_space<vmem>>
    %dma_start3A_15 = tpu.memref_squeeze %dma_start3A_14 : memref<1x80x128xi32, #tpu.memory_space<vmem>> -> memref<80x128xi32, #tpu.memory_space<vmem>>
    %dma_start3A_16 = arith.constant 0 : i32
    %dma_start3A_17 = tpu.memref_slice %arg3[%add3A_3, %dma_start3A_16] : memref<2560x128xi32, #tpu.memory_space<hbm>> -> memref<80x128xi32, #tpu.memory_space<hbm>>
    tpu.enqueue_dma source(%dma_start3A_17 : memref<80x128xi32, #tpu.memory_space<hbm>>) target(%dma_start3A_15 : memref<80x128xi32, #tpu.memory_space<vmem>>) target_semaphore(%arg19 : memref<!tpu.dma_semaphore, #tpu.memory_space<semaphore_mem>>)
    %dma_start3A_18 = arith.constant 0 : i32
    %dma_start3A_19 = arith.constant 0 : i32
    %dma_start3A_20 = arith.constant 0 : i32
    %dma_start3A_21 = tpu.memref_slice %arg7[%dma_start3A_18, %dma_start3A_19, %dma_start3A_20] : memref<2x80x128xi32, #tpu.memory_space<vmem>> -> memref<1x80x128xi32, #tpu.memory_space<vmem>>
    %dma_start3A_22 = tpu.memref_squeeze %dma_start3A_21 : memref<1x80x128xi32, #tpu.memory_space<vmem>> -> memref<80x128xi32, #tpu.memory_space<vmem>>
    %dma_start3A_23 = arith.constant 0 : i32
    %dma_start3A_24 = tpu.memref_slice %arg4[%add3A_5, %dma_start3A_23] : memref<2560x128xi32, #tpu.memory_space<hbm>> -> memref<80x128xi32, #tpu.memory_space<hbm>>
    %dma_start3A_25 = arith.constant 0 : i32
    %dma_start3A_26 = arith.constant 0 : i32
    %dma_start3A_27 = tpu.memref_slice %arg7[%dma_start3A_18, %dma_start3A_25, %dma_start3A_26] : memref<2x80x128xi32, #tpu.memory_space<vmem>> -> memref<1x80x128xi32, #tpu.memory_space<vmem>>
    %dma_start3A_28 = tpu.memref_squeeze %dma_start3A_27 : memref<1x80x128xi32, #tpu.memory_space<vmem>> -> memref<80x128xi32, #tpu.memory_space<vmem>>
    %dma_start3A_29 = arith.constant 0 : i32
    %dma_start3A_30 = tpu.memref_slice %arg4[%add3A_5, %dma_start3A_29] : memref<2560x128xi32, #tpu.memory_space<hbm>> -> memref<80x128xi32, #tpu.memory_space<hbm>>
    tpu.enqueue_dma source(%dma_start3A_30 : memref<80x128xi32, #tpu.memory_space<hbm>>) target(%dma_start3A_28 : memref<80x128xi32, #tpu.memory_space<vmem>>) target_semaphore(%arg19 : memref<!tpu.dma_semaphore, #tpu.memory_space<semaphore_mem>>)
    %add3A_31 = arith.constant 0 : i32
    %add3A_32 = arith.addi %mul3A_0, %add3A_31 : i32
    %add3A_33 = arith.constant 0 : i32
    %add3A_34 = arith.addi %mul3A_0, %add3A_33 : i32
    %dma_wait3A = arith.constant 0 : i32
    %dma_wait3A_35 = arith.constant 0 : i32
    %dma_wait3A_36 = arith.constant 0 : i32
    %dma_wait3A_37 = tpu.memref_slice %arg6[%dma_wait3A, %dma_wait3A_35, %dma_wait3A_36] : memref<2x80x128xi32, #tpu.memory_space<vmem>> -> memref<1x80x128xi32, #tpu.memory_space<vmem>>
    %dma_wait3A_38 = tpu.memref_squeeze %dma_wait3A_37 : memref<1x80x128xi32, #tpu.memory_space<vmem>> -> memref<80x128xi32, #tpu.memory_space<vmem>>
    %dma_wait3A_39 = arith.constant 0 : i32
    %dma_wait3A_40 = tpu.memref_slice %arg3[%add3A_32, %dma_wait3A_39] : memref<2560x128xi32, #tpu.memory_space<hbm>> -> memref<80x128xi32, #tpu.memory_space<hbm>>
    %dma_wait3A_41 = arith.constant 0 : i32
    %dma_wait3A_42 = arith.constant 0 : i32
    %dma_wait3A_43 = tpu.memref_slice %arg6[%dma_wait3A, %dma_wait3A_41, %dma_wait3A_42] : memref<2x80x128xi32, #tpu.memory_space<vmem>> -> memref<1x80x128xi32, #tpu.memory_space<vmem>>
    %dma_wait3A_44 = tpu.memref_squeeze %dma_wait3A_43 : memref<1x80x128xi32, #tpu.memory_space<vmem>> -> memref<80x128xi32, #tpu.memory_space<vmem>>
    %dma_wait3A_45 = arith.constant 0 : i32
    %dma_wait3A_46 = tpu.memref_slice %arg3[%add3A_32, %dma_wait3A_45] : memref<2560x128xi32, #tpu.memory_space<hbm>> -> memref<80x128xi32, #tpu.memory_space<hbm>>
    tpu.wait_dma2 semaphore(%arg19 : memref<!tpu.dma_semaphore, #tpu.memory_space<semaphore_mem>>) src(%dma_wait3A_46 : memref<80x128xi32, #tpu.memory_space<hbm>>) dst(%dma_wait3A_44 : memref<80x128xi32, #tpu.memory_space<vmem>>)
    %dma_wait3A_47 = arith.constant 0 : i32
    %dma_wait3A_48 = arith.constant 0 : i32
    %dma_wait3A_49 = arith.constant 0 : i32
    %dma_wait3A_50 = tpu.memref_slice %arg7[%dma_wait3A_47, %dma_wait3A_48, %dma_wait3A_49] : memref<2x80x128xi32, #tpu.memory_space<vmem>> -> memref<1x80x128xi32, #tpu.memory_space<vmem>>
    %dma_wait3A_51 = tpu.memref_squeeze %dma_wait3A_50 : memref<1x80x128xi32, #tpu.memory_space<vmem>> -> memref<80x128xi32, #tpu.memory_space<vmem>>
    %dma_wait3A_52 = arith.constant 0 : i32
    %dma_wait3A_53 = tpu.memref_slice %arg4[%add3A_34, %dma_wait3A_52] : memref<2560x128xi32, #tpu.memory_space<hbm>> -> memref<80x128xi32, #tpu.memory_space<hbm>>
    %dma_wait3A_54 = arith.constant 0 : i32
    %dma_wait3A_55 = arith.constant 0 : i32
    %dma_wait3A_56 = tpu.memref_slice %arg7[%dma_wait3A_47, %dma_wait3A_54, %dma_wait3A_55] : memref<2x80x128xi32, #tpu.memory_space<vmem>> -> memref<1x80x128xi32, #tpu.memory_space<vmem>>
    %dma_wait3A_57 = tpu.memref_squeeze %dma_wait3A_56 : memref<1x80x128xi32, #tpu.memory_space<vmem>> -> memref<80x128xi32, #tpu.memory_space<vmem>>
    %dma_wait3A_58 = arith.constant 0 : i32
    %dma_wait3A_59 = tpu.memref_slice %arg4[%add3A_34, %dma_wait3A_58] : memref<2560x128xi32, #tpu.memory_space<hbm>> -> memref<80x128xi32, #tpu.memory_space<hbm>>
    tpu.wait_dma2 semaphore(%arg19 : memref<!tpu.dma_semaphore, #tpu.memory_space<semaphore_mem>>) src(%dma_wait3A_59 : memref<80x128xi32, #tpu.memory_space<hbm>>) dst(%dma_wait3A_57 : memref<80x128xi32, #tpu.memory_space<vmem>>)
    %barrier3A = arith.constant 0 : index
    tpu.barrier barrier_id(%barrier3A)
    %dma_start3A_60 = arith.constant 0 : i32
    %dma_start3A_61 = arith.constant 0 : i32
    %dma_start3A_62 = arith.constant 0 : i32
    %dma_start3A_63 = arith.constant 0 : i32
    %dma_start3A_64 = arith.constant 0 : i32
    %dma_start3A_65 = tpu.memref_slice %arg8[%dma_start3A_62, %dma_start3A_63, %dma_start3A_64] : memref<4x128x32xbf16, #tpu.memory_space<vmem>> -> memref<1x128x32xbf16, #tpu.memory_space<vmem>>
    %dma_start3A_66 = tpu.memref_squeeze %dma_start3A_65 : memref<1x128x32xbf16, #tpu.memory_space<vmem>> -> memref<128x32xbf16, #tpu.memory_space<vmem>>
    %dma_start3A_67 = arith.constant 0 : i32
    %dma_start3A_68 = arith.constant 0 : i32
    %dma_start3A_69 = tpu.memref_slice %arg6[%dma_start3A_60, %dma_start3A_67, %dma_start3A_68] : memref<2x80x128xi32, #tpu.memory_space<vmem>> -> memref<1x80x128xi32, #tpu.memory_space<vmem>>
    %dma_start3A_70 = tpu.memref_squeeze %dma_start3A_69 : memref<1x80x128xi32, #tpu.memory_space<vmem>> -> memref<80x128xi32, #tpu.memory_space<vmem>>
    %dma_start3A_71 = arith.constant 0 : i32
    %dma_start3A_72 = tpu.memref_slice %dma_start3A_70[%dma_start3A_61, %dma_start3A_71] : memref<80x128xi32, #tpu.memory_space<vmem>> -> memref<1x128xi32, #tpu.memory_space<vmem>>
    %dma_start3A_73 = tpu.memref_squeeze %dma_start3A_72 : memref<1x128xi32, #tpu.memory_space<vmem>> -> memref<128xi32, #tpu.memory_space<vmem>>
    %dma_start3A_74 = arith.constant 0 : i32
    %dma_start3A_75 = arith.constant 0 : i32
    %dma_start3A_76 = tpu.memref_slice %arg10[%dma_start3A_74, %dma_start3A_75] : memref<10240x32xbf16, #tpu.memory_space<vmem_shared>> -> memref<10240x32xbf16, #tpu.memory_space<vmem_shared>>
    tpu.enqueue_indirect_dma source(%dma_start3A_76 : memref<10240x32xbf16, #tpu.memory_space<vmem_shared>>) target(%dma_start3A_66 : memref<128x32xbf16, #tpu.memory_space<vmem>>) offsets(%dma_start3A_73 : memref<128xi32, #tpu.memory_space<vmem>>) semaphore(%arg11 : memref<!tpu.dma_semaphore, #tpu.memory_space<semaphore_mem>>)
    %dma_start3A_77 = arith.constant 0 : i32
    %dma_start3A_78 = arith.constant 1 : i32
    %dma_start3A_79 = arith.constant 1 : i32
    %dma_start3A_80 = arith.constant 0 : i32
    %dma_start3A_81 = arith.constant 0 : i32
    %dma_start3A_82 = tpu.memref_slice %arg8[%dma_start3A_79, %dma_start3A_80, %dma_start3A_81] : memref<4x128x32xbf16, #tpu.memory_space<vmem>> -> memref<1x128x32xbf16, #tpu.memory_space<vmem>>
    %dma_start3A_83 = tpu.memref_squeeze %dma_start3A_82 : memref<1x128x32xbf16, #tpu.memory_space<vmem>> -> memref<128x32xbf16, #tpu.memory_space<vmem>>
    %dma_start3A_84 = arith.constant 0 : i32
    %dma_start3A_85 = arith.constant 0 : i32
    %dma_start3A_86 = tpu.memref_slice %arg6[%dma_start3A_77, %dma_start3A_84, %dma_start3A_85] : memref<2x80x128xi32, #tpu.memory_space<vmem>> -> memref<1x80x128xi32, #tpu.memory_space<vmem>>
    %dma_start3A_87 = tpu.memref_squeeze %dma_start3A_86 : memref<1x80x128xi32, #tpu.memory_space<vmem>> -> memref<80x128xi32, #tpu.memory_space<vmem>>
    %dma_start3A_88 = arith.constant 0 : i32
    %dma_start3A_89 = tpu.memref_slice %dma_start3A_87[%dma_start3A_78, %dma_start3A_88] : memref<80x128xi32, #tpu.memory_space<vmem>> -> memref<1x128xi32, #tpu.memory_space<vmem>>
    %dma_start3A_90 = tpu.memref_squeeze %dma_start3A_89 : memref<1x128xi32, #tpu.memory_space<vmem>> -> memref<128xi32, #tpu.memory_space<vmem>>
    %dma_start3A_91 = arith.constant 0 : i32
    %dma_start3A_92 = arith.constant 0 : i32
    %dma_start3A_93 = tpu.memref_slice %arg10[%dma_start3A_91, %dma_start3A_92] : memref<10240x32xbf16, #tpu.memory_space<vmem_shared>> -> memref<10240x32xbf16, #tpu.memory_space<vmem_shared>>
    tpu.enqueue_indirect_dma source(%dma_start3A_93 : memref<10240x32xbf16, #tpu.memory_space<vmem_shared>>) target(%dma_start3A_83 : memref<128x32xbf16, #tpu.memory_space<vmem>>) offsets(%dma_start3A_90 : memref<128xi32, #tpu.memory_space<vmem>>) semaphore(%arg12 : memref<!tpu.dma_semaphore, #tpu.memory_space<semaphore_mem>>)
    %add3A_94 = arith.constant 80 : i32
    %add3A_95 = arith.addi %mul3A_0, %add3A_94 : i32
    %add3A_96 = arith.constant 80 : i32
    %add3A_97 = arith.addi %mul3A_0, %add3A_96 : i32
    %dma_start3A_98 = arith.constant 1 : i32
    %dma_start3A_99 = arith.constant 0 : i32
    %dma_start3A_100 = arith.constant 0 : i32
    %dma_start3A_101 = tpu.memref_slice %arg6[%dma_start3A_98, %dma_start3A_99, %dma_start3A_100] : memref<2x80x128xi32, #tpu.memory_space<vmem>> -> memref<1x80x128xi32, #tpu.memory_space<vmem>>
    %dma_start3A_102 = tpu.memref_squeeze %dma_start3A_101 : memref<1x80x128xi32, #tpu.memory_space<vmem>> -> memref<80x128xi32, #tpu.memory_space<vmem>>
    %dma_start3A_103 = arith.constant 0 : i32
    %dma_start3A_104 = tpu.memref_slice %arg3[%add3A_95, %dma_start3A_103] : memref<2560x128xi32, #tpu.memory_space<hbm>> -> memref<80x128xi32, #tpu.memory_space<hbm>>
    %dma_start3A_105 = arith.constant 0 : i32
    %dma_start3A_106 = arith.constant 0 : i32
    %dma_start3A_107 = tpu.memref_slice %arg6[%dma_start3A_98, %dma_start3A_105, %dma_start3A_106] : memref<2x80x128xi32, #tpu.memory_space<vmem>> -> memref<1x80x128xi32, #tpu.memory_space<vmem>>
    %dma_start3A_108 = tpu.memref_squeeze %dma_start3A_107 : memref<1x80x128xi32, #tpu.memory_space<vmem>> -> memref<80x128xi32, #tpu.memory_space<vmem>>
    %dma_start3A_109 = arith.constant 0 : i32
    %dma_start3A_110 = tpu.memref_slice %arg3[%add3A_95, %dma_start3A_109] : memref<2560x128xi32, #tpu.memory_space<hbm>> -> memref<80x128xi32, #tpu.memory_space<hbm>>
    tpu.enqueue_dma source(%dma_start3A_110 : memref<80x128xi32, #tpu.memory_space<hbm>>) target(%dma_start3A_108 : memref<80x128xi32, #tpu.memory_space<vmem>>) target_semaphore(%arg20 : memref<!tpu.dma_semaphore, #tpu.memory_space<semaphore_mem>>)
    %dma_start3A_111 = arith.constant 1 : i32
    %dma_start3A_112 = arith.constant 0 : i32
    %dma_start3A_113 = arith.constant 0 : i32
    %dma_start3A_114 = tpu.memref_slice %arg7[%dma_start3A_111, %dma_start3A_112, %dma_start3A_113] : memref<2x80x128xi32, #tpu.memory_space<vmem>> -> memref<1x80x128xi32, #tpu.memory_space<vmem>>
    %dma_start3A_115 = tpu.memref_squeeze %dma_start3A_114 : memref<1x80x128xi32, #tpu.memory_space<vmem>> -> memref<80x128xi32, #tpu.memory_space<vmem>>
    %dma_start3A_116 = arith.constant 0 : i32
    %dma_start3A_117 = tpu.memref_slice %arg4[%add3A_97, %dma_start3A_116] : memref<2560x128xi32, #tpu.memory_space<hbm>> -> memref<80x128xi32, #tpu.memory_space<hbm>>
    %dma_start3A_118 = arith.constant 0 : i32
    %dma_start3A_119 = arith.constant 0 : i32
    %dma_start3A_120 = tpu.memref_slice %arg7[%dma_start3A_111, %dma_start3A_118, %dma_start3A_119] : memref<2x80x128xi32, #tpu.memory_space<vmem>> -> memref<1x80x128xi32, #tpu.memory_space<vmem>>
    %dma_start3A_121 = tpu.memref_squeeze %dma_start3A_120 : memref<1x80x128xi32, #tpu.memory_space<vmem>> -> memref<80x128xi32, #tpu.memory_space<vmem>>
    %dma_start3A_122 = arith.constant 0 : i32
    %dma_start3A_123 = tpu.memref_slice %arg4[%add3A_97, %dma_start3A_122] : memref<2560x128xi32, #tpu.memory_space<hbm>> -> memref<80x128xi32, #tpu.memory_space<hbm>>
    tpu.enqueue_dma source(%dma_start3A_123 : memref<80x128xi32, #tpu.memory_space<hbm>>) target(%dma_start3A_121 : memref<80x128xi32, #tpu.memory_space<vmem>>) target_semaphore(%arg20 : memref<!tpu.dma_semaphore, #tpu.memory_space<semaphore_mem>>)
    %scan3A = arith.constant 0 : i32
    %scan3A_124 = arith.constant 20 : i32
    %scan3A_125 = arith.addi %scan3A, %scan3A_124 : i32
    %scan3A_126 = arith.constant 1 : i32
    scf.for %scan3A_334 = %scan3A to %scan3A_125 step %scan3A_126  : i32 {
      %mul3A_335 = arith.constant 4 : i32
      %mul3A_336 = arith.muli %scan3A_334, %mul3A_335 : i32
      %add3A_337 = arith.constant 0 : i32
      %add3A_338 = arith.addi %add3A_337, %mul3A_336 : i32
      %add3A_339 = arith.constant 0 : i32
      %add3A_340 = arith.addi %add3A_338, %add3A_339 : i32
      %dma_wait3A_341 = arith.constant 0 : i32
      %dma_wait3A_342 = arith.constant 0 : i32
      %dma_wait3A_343 = arith.constant 0 : i32
      %dma_wait3A_344 = arith.constant 0 : i32
      %dma_wait3A_345 = tpu.memref_slice %arg8[%dma_wait3A_342, %dma_wait3A_343, %dma_wait3A_344] : memref<4x128x32xbf16, #tpu.memory_space<vmem>> -> memref<1x128x32xbf16, #tpu.memory_space<vmem>>
      %dma_wait3A_346 = tpu.memref_squeeze %dma_wait3A_345 : memref<1x128x32xbf16, #tpu.memory_space<vmem>> -> memref<128x32xbf16, #tpu.memory_space<vmem>>
      %dma_wait3A_347 = arith.constant 0 : i32
      %dma_wait3A_348 = arith.constant 0 : i32
      %dma_wait3A_349 = tpu.memref_slice %arg6[%dma_wait3A_341, %dma_wait3A_347, %dma_wait3A_348] : memref<2x80x128xi32, #tpu.memory_space<vmem>> -> memref<1x80x128xi32, #tpu.memory_space<vmem>>
      %dma_wait3A_350 = tpu.memref_squeeze %dma_wait3A_349 : memref<1x80x128xi32, #tpu.memory_space<vmem>> -> memref<80x128xi32, #tpu.memory_space<vmem>>
      %dma_wait3A_351 = arith.constant 0 : i32
      %dma_wait3A_352 = tpu.memref_slice %dma_wait3A_350[%add3A_340, %dma_wait3A_351] : memref<80x128xi32, #tpu.memory_space<vmem>> -> memref<1x128xi32, #tpu.memory_space<vmem>>
      %dma_wait3A_353 = tpu.memref_squeeze %dma_wait3A_352 : memref<1x128xi32, #tpu.memory_space<vmem>> -> memref<128xi32, #tpu.memory_space<vmem>>
      %dma_wait3A_354 = arith.constant 0 : i32
      %dma_wait3A_355 = arith.constant 0 : i32
      %dma_wait3A_356 = tpu.memref_slice %arg10[%dma_wait3A_354, %dma_wait3A_355] : memref<10240x32xbf16, #tpu.memory_space<vmem_shared>> -> memref<10240x32xbf16, #tpu.memory_space<vmem_shared>>
      tpu.wait_indirect_dma semaphore(%arg11 : memref<!tpu.dma_semaphore, #tpu.memory_space<semaphore_mem>>) src(%dma_wait3A_356 : memref<10240x32xbf16, #tpu.memory_space<vmem_shared>>) dst(%dma_wait3A_346 : memref<128x32xbf16, #tpu.memory_space<vmem>>)
      %dma_start3A_357 = arith.constant 0 : i32
      %dma_start3A_358 = arith.constant 0 : i32
      %dma_start3A_359 = arith.constant 0 : i32
      %dma_start3A_360 = arith.constant 0 : i32
      %dma_start3A_361 = tpu.memref_slice %arg8[%dma_start3A_357, %dma_start3A_359, %dma_start3A_360] : memref<4x128x32xbf16, #tpu.memory_space<vmem>> -> memref<1x128x32xbf16, #tpu.memory_space<vmem>>
      %dma_start3A_362 = tpu.memref_squeeze %dma_start3A_361 : memref<1x128x32xbf16, #tpu.memory_space<vmem>> -> memref<128x32xbf16, #tpu.memory_space<vmem>>
      %dma_start3A_363 = arith.constant 0 : i32
      %dma_start3A_364 = arith.constant 0 : i32
      %dma_start3A_365 = tpu.memref_slice %arg7[%dma_start3A_358, %dma_start3A_363, %dma_start3A_364] : memref<2x80x128xi32, #tpu.memory_space<vmem>> -> memref<1x80x128xi32, #tpu.memory_space<vmem>>
      %dma_start3A_366 = tpu.memref_squeeze %dma_start3A_365 : memref<1x80x128xi32, #tpu.memory_space<vmem>> -> memref<80x128xi32, #tpu.memory_space<vmem>>
      %dma_start3A_367 = arith.constant 0 : i32
      %dma_start3A_368 = tpu.memref_slice %dma_start3A_366[%add3A_340, %dma_start3A_367] : memref<80x128xi32, #tpu.memory_space<vmem>> -> memref<1x128xi32, #tpu.memory_space<vmem>>
      %dma_start3A_369 = tpu.memref_squeeze %dma_start3A_368 : memref<1x128xi32, #tpu.memory_space<vmem>> -> memref<128xi32, #tpu.memory_space<vmem>>
      %dma_start3A_370 = arith.constant 0 : i32
      %dma_start3A_371 = arith.constant 0 : i32
      %dma_start3A_372 = tpu.memref_slice %arg9[%dma_start3A_370, %dma_start3A_371] : memref<10240x32xbf16, #tpu.memory_space<vmem_shared>> -> memref<10240x32xbf16, #tpu.memory_space<vmem_shared>>
      tpu.enqueue_indirect_dma source(%dma_start3A_362 : memref<128x32xbf16, #tpu.memory_space<vmem>>) target(%dma_start3A_372 : memref<10240x32xbf16, #tpu.memory_space<vmem_shared>>) offsets(%dma_start3A_369 : memref<128xi32, #tpu.memory_space<vmem>>) semaphore(%arg15 : memref<!tpu.dma_semaphore, #tpu.memory_space<semaphore_mem>>) {add = true}
      %add3A_373 = arith.constant 2 : i32
      %add3A_374 = arith.addi %add3A_340, %add3A_373 : i32
      %lt3A = arith.constant 80 : i32
      %lt3A_375 = arith.cmpi slt, %add3A_374, %lt3A : i32
      %convert_element_type3A = arith.extui %lt3A_375 : i1 to i32
      %cond3A = arith.constant 0 : i32
      %cond3A_376 = arith.cmpi ne, %convert_element_type3A, %cond3A : i32
      scf.if %cond3A_376 {
        %ge3A = arith.constant 4 : i32
        %ge3A_500 = arith.cmpi sge, %add3A_374, %ge3A : i32
        %convert_element_type3A_501 = arith.extui %ge3A_500 : i1 to i32
        %cond3A_502 = arith.constant 0 : i32
        %cond3A_503 = arith.cmpi ne, %convert_element_type3A_501, %cond3A_502 : i32
        scf.if %cond3A_503 {
          %dma_wait3A_520 = arith.constant 2 : i32
          %dma_wait3A_521 = arith.constant 0 : i32
          %dma_wait3A_522 = arith.constant 0 : i32
          %dma_wait3A_523 = arith.constant 0 : i32
          %dma_wait3A_524 = arith.constant 0 : i32
          %dma_wait3A_525 = tpu.memref_slice %arg8[%dma_wait3A_520, %dma_wait3A_523, %dma_wait3A_524] : memref<4x128x32xbf16, #tpu.memory_space<vmem>> -> memref<1x128x32xbf16, #tpu.memory_space<vmem>>
          %dma_wait3A_526 = tpu.memref_squeeze %dma_wait3A_525 : memref<1x128x32xbf16, #tpu.memory_space<vmem>> -> memref<128x32xbf16, #tpu.memory_space<vmem>>
          %dma_wait3A_527 = arith.constant 0 : i32
          %dma_wait3A_528 = arith.constant 0 : i32
          %dma_wait3A_529 = tpu.memref_slice %arg7[%dma_wait3A_521, %dma_wait3A_527, %dma_wait3A_528] : memref<2x80x128xi32, #tpu.memory_space<vmem>> -> memref<1x80x128xi32, #tpu.memory_space<vmem>>
          %dma_wait3A_530 = tpu.memref_squeeze %dma_wait3A_529 : memref<1x80x128xi32, #tpu.memory_space<vmem>> -> memref<80x128xi32, #tpu.memory_space<vmem>>
          %dma_wait3A_531 = arith.constant 0 : i32
          %dma_wait3A_532 = tpu.memref_slice %dma_wait3A_530[%dma_wait3A_522, %dma_wait3A_531] : memref<80x128xi32, #tpu.memory_space<vmem>> -> memref<1x128xi32, #tpu.memory_space<vmem>>
          %dma_wait3A_533 = tpu.memref_squeeze %dma_wait3A_532 : memref<1x128xi32, #tpu.memory_space<vmem>> -> memref<128xi32, #tpu.memory_space<vmem>>
          %dma_wait3A_534 = arith.constant 0 : i32
          %dma_wait3A_535 = arith.constant 0 : i32
          %dma_wait3A_536 = tpu.memref_slice %arg9[%dma_wait3A_534, %dma_wait3A_535] : memref<10240x32xbf16, #tpu.memory_space<vmem_shared>> -> memref<10240x32xbf16, #tpu.memory_space<vmem_shared>>
          tpu.wait_indirect_dma semaphore(%arg17 : memref<!tpu.dma_semaphore, #tpu.memory_space<semaphore_mem>>) src(%dma_wait3A_526 : memref<128x32xbf16, #tpu.memory_space<vmem>>) dst(%dma_wait3A_536 : memref<10240x32xbf16, #tpu.memory_space<vmem_shared>>)
        } else {
        }
        %dma_start3A_504 = arith.constant 0 : i32
        %dma_start3A_505 = arith.constant 2 : i32
        %dma_start3A_506 = arith.constant 0 : i32
        %dma_start3A_507 = arith.constant 0 : i32
        %dma_start3A_508 = tpu.memref_slice %arg8[%dma_start3A_505, %dma_start3A_506, %dma_start3A_507] : memref<4x128x32xbf16, #tpu.memory_space<vmem>> -> memref<1x128x32xbf16, #tpu.memory_space<vmem>>
        %dma_start3A_509 = tpu.memref_squeeze %dma_start3A_508 : memref<1x128x32xbf16, #tpu.memory_space<vmem>> -> memref<128x32xbf16, #tpu.memory_space<vmem>>
        %dma_start3A_510 = arith.constant 0 : i32
        %dma_start3A_511 = arith.constant 0 : i32
        %dma_start3A_512 = tpu.memref_slice %arg6[%dma_start3A_504, %dma_start3A_510, %dma_start3A_511] : memref<2x80x128xi32, #tpu.memory_space<vmem>> -> memref<1x80x128xi32, #tpu.memory_space<vmem>>
        %dma_start3A_513 = tpu.memref_squeeze %dma_start3A_512 : memref<1x80x128xi32, #tpu.memory_space<vmem>> -> memref<80x128xi32, #tpu.memory_space<vmem>>
        %dma_start3A_514 = arith.constant 0 : i32
        %dma_start3A_515 = tpu.memref_slice %dma_start3A_513[%add3A_374, %dma_start3A_514] : memref<80x128xi32, #tpu.memory_space<vmem>> -> memref<1x128xi32, #tpu.memory_space<vmem>>
        %dma_start3A_516 = tpu.memref_squeeze %dma_start3A_515 : memref<1x128xi32, #tpu.memory_space<vmem>> -> memref<128xi32, #tpu.memory_space<vmem>>
        %dma_start3A_517 = arith.constant 0 : i32
        %dma_start3A_518 = arith.constant 0 : i32
        %dma_start3A_519 = tpu.memref_slice %arg10[%dma_start3A_517, %dma_start3A_518] : memref<10240x32xbf16, #tpu.memory_space<vmem_shared>> -> memref<10240x32xbf16, #tpu.memory_space<vmem_shared>>
        tpu.enqueue_indirect_dma source(%dma_start3A_519 : memref<10240x32xbf16, #tpu.memory_space<vmem_shared>>) target(%dma_start3A_509 : memref<128x32xbf16, #tpu.memory_space<vmem>>) offsets(%dma_start3A_516 : memref<128xi32, #tpu.memory_space<vmem>>) semaphore(%arg13 : memref<!tpu.dma_semaphore, #tpu.memory_space<semaphore_mem>>)
      } else {
      }
      %add3A_377 = arith.constant 1 : i32
      %add3A_378 = arith.addi %add3A_338, %add3A_377 : i32
      %dma_wait3A_379 = arith.constant 0 : i32
      %dma_wait3A_380 = arith.constant 1 : i32
      %dma_wait3A_381 = arith.constant 0 : i32
      %dma_wait3A_382 = arith.constant 0 : i32
      %dma_wait3A_383 = tpu.memref_slice %arg8[%dma_wait3A_380, %dma_wait3A_381, %dma_wait3A_382] : memref<4x128x32xbf16, #tpu.memory_space<vmem>> -> memref<1x128x32xbf16, #tpu.memory_space<vmem>>
      %dma_wait3A_384 = tpu.memref_squeeze %dma_wait3A_383 : memref<1x128x32xbf16, #tpu.memory_space<vmem>> -> memref<128x32xbf16, #tpu.memory_space<vmem>>
      %dma_wait3A_385 = arith.constant 0 : i32
      %dma_wait3A_386 = arith.constant 0 : i32
      %dma_wait3A_387 = tpu.memref_slice %arg6[%dma_wait3A_379, %dma_wait3A_385, %dma_wait3A_386] : memref<2x80x128xi32, #tpu.memory_space<vmem>> -> memref<1x80x128xi32, #tpu.memory_space<vmem>>
      %dma_wait3A_388 = tpu.memref_squeeze %dma_wait3A_387 : memref<1x80x128xi32, #tpu.memory_space<vmem>> -> memref<80x128xi32, #tpu.memory_space<vmem>>
      %dma_wait3A_389 = arith.constant 0 : i32
      %dma_wait3A_390 = tpu.memref_slice %dma_wait3A_388[%add3A_378, %dma_wait3A_389] : memref<80x128xi32, #tpu.memory_space<vmem>> -> memref<1x128xi32, #tpu.memory_space<vmem>>
      %dma_wait3A_391 = tpu.memref_squeeze %dma_wait3A_390 : memref<1x128xi32, #tpu.memory_space<vmem>> -> memref<128xi32, #tpu.memory_space<vmem>>
      %dma_wait3A_392 = arith.constant 0 : i32
      %dma_wait3A_393 = arith.constant 0 : i32
      %dma_wait3A_394 = tpu.memref_slice %arg10[%dma_wait3A_392, %dma_wait3A_393] : memref<10240x32xbf16, #tpu.memory_space<vmem_shared>> -> memref<10240x32xbf16, #tpu.memory_space<vmem_shared>>
      tpu.wait_indirect_dma semaphore(%arg12 : memref<!tpu.dma_semaphore, #tpu.memory_space<semaphore_mem>>) src(%dma_wait3A_394 : memref<10240x32xbf16, #tpu.memory_space<vmem_shared>>) dst(%dma_wait3A_384 : memref<128x32xbf16, #tpu.memory_space<vmem>>)
      %dma_start3A_395 = arith.constant 1 : i32
      %dma_start3A_396 = arith.constant 0 : i32
      %dma_start3A_397 = arith.constant 0 : i32
      %dma_start3A_398 = arith.constant 0 : i32
      %dma_start3A_399 = tpu.memref_slice %arg8[%dma_start3A_395, %dma_start3A_397, %dma_start3A_398] : memref<4x128x32xbf16, #tpu.memory_space<vmem>> -> memref<1x128x32xbf16, #tpu.memory_space<vmem>>
      %dma_start3A_400 = tpu.memref_squeeze %dma_start3A_399 : memref<1x128x32xbf16, #tpu.memory_space<vmem>> -> memref<128x32xbf16, #tpu.memory_space<vmem>>
      %dma_start3A_401 = arith.constant 0 : i32
      %dma_start3A_402 = arith.constant 0 : i32
      %dma_start3A_403 = tpu.memref_slice %arg7[%dma_start3A_396, %dma_start3A_401, %dma_start3A_402] : memref<2x80x128xi32, #tpu.memory_space<vmem>> -> memref<1x80x128xi32, #tpu.memory_space<vmem>>
      %dma_start3A_404 = tpu.memref_squeeze %dma_start3A_403 : memref<1x80x128xi32, #tpu.memory_space<vmem>> -> memref<80x128xi32, #tpu.memory_space<vmem>>
      %dma_start3A_405 = arith.constant 0 : i32
      %dma_start3A_406 = tpu.memref_slice %dma_start3A_404[%add3A_378, %dma_start3A_405] : memref<80x128xi32, #tpu.memory_space<vmem>> -> memref<1x128xi32, #tpu.memory_space<vmem>>
      %dma_start3A_407 = tpu.memref_squeeze %dma_start3A_406 : memref<1x128xi32, #tpu.memory_space<vmem>> -> memref<128xi32, #tpu.memory_space<vmem>>
      %dma_start3A_408 = arith.constant 0 : i32
      %dma_start3A_409 = arith.constant 0 : i32
      %dma_start3A_410 = tpu.memref_slice %arg9[%dma_start3A_408, %dma_start3A_409] : memref<10240x32xbf16, #tpu.memory_space<vmem_shared>> -> memref<10240x32xbf16, #tpu.memory_space<vmem_shared>>
      tpu.enqueue_indirect_dma source(%dma_start3A_400 : memref<128x32xbf16, #tpu.memory_space<vmem>>) target(%dma_start3A_410 : memref<10240x32xbf16, #tpu.memory_space<vmem_shared>>) offsets(%dma_start3A_407 : memref<128xi32, #tpu.memory_space<vmem>>) semaphore(%arg16 : memref<!tpu.dma_semaphore, #tpu.memory_space<semaphore_mem>>) {add = true}
      %add3A_411 = arith.constant 2 : i32
      %add3A_412 = arith.addi %add3A_378, %add3A_411 : i32
      %lt3A_413 = arith.constant 80 : i32
      %lt3A_414 = arith.cmpi slt, %add3A_412, %lt3A_413 : i32
      %convert_element_type3A_415 = arith.extui %lt3A_414 : i1 to i32
      %cond3A_416 = arith.constant 0 : i32
      %cond3A_417 = arith.cmpi ne, %convert_element_type3A_415, %cond3A_416 : i32
      scf.if %cond3A_417 {
        %ge3A = arith.constant 4 : i32
        %ge3A_500 = arith.cmpi sge, %add3A_412, %ge3A : i32
        %convert_element_type3A_501 = arith.extui %ge3A_500 : i1 to i32
        %cond3A_502 = arith.constant 0 : i32
        %cond3A_503 = arith.cmpi ne, %convert_element_type3A_501, %cond3A_502 : i32
        scf.if %cond3A_503 {
          %dma_wait3A_520 = arith.constant 3 : i32
          %dma_wait3A_521 = arith.constant 0 : i32
          %dma_wait3A_522 = arith.constant 0 : i32
          %dma_wait3A_523 = arith.constant 0 : i32
          %dma_wait3A_524 = arith.constant 0 : i32
          %dma_wait3A_525 = tpu.memref_slice %arg8[%dma_wait3A_520, %dma_wait3A_523, %dma_wait3A_524] : memref<4x128x32xbf16, #tpu.memory_space<vmem>> -> memref<1x128x32xbf16, #tpu.memory_space<vmem>>
          %dma_wait3A_526 = tpu.memref_squeeze %dma_wait3A_525 : memref<1x128x32xbf16, #tpu.memory_space<vmem>> -> memref<128x32xbf16, #tpu.memory_space<vmem>>
          %dma_wait3A_527 = arith.constant 0 : i32
          %dma_wait3A_528 = arith.constant 0 : i32
          %dma_wait3A_529 = tpu.memref_slice %arg7[%dma_wait3A_521, %dma_wait3A_527, %dma_wait3A_528] : memref<2x80x128xi32, #tpu.memory_space<vmem>> -> memref<1x80x128xi32, #tpu.memory_space<vmem>>
          %dma_wait3A_530 = tpu.memref_squeeze %dma_wait3A_529 : memref<1x80x128xi32, #tpu.memory_space<vmem>> -> memref<80x128xi32, #tpu.memory_space<vmem>>
          %dma_wait3A_531 = arith.constant 0 : i32
          %dma_wait3A_532 = tpu.memref_slice %dma_wait3A_530[%dma_wait3A_522, %dma_wait3A_531] : memref<80x128xi32, #tpu.memory_space<vmem>> -> memref<1x128xi32, #tpu.memory_space<vmem>>
          %dma_wait3A_533 = tpu.memref_squeeze %dma_wait3A_532 : memref<1x128xi32, #tpu.memory_space<vmem>> -> memref<128xi32, #tpu.memory_space<vmem>>
          %dma_wait3A_534 = arith.constant 0 : i32
          %dma_wait3A_535 = arith.constant 0 : i32
          %dma_wait3A_536 = tpu.memref_slice %arg9[%dma_wait3A_534, %dma_wait3A_535] : memref<10240x32xbf16, #tpu.memory_space<vmem_shared>> -> memref<10240x32xbf16, #tpu.memory_space<vmem_shared>>
          tpu.wait_indirect_dma semaphore(%arg18 : memref<!tpu.dma_semaphore, #tpu.memory_space<semaphore_mem>>) src(%dma_wait3A_526 : memref<128x32xbf16, #tpu.memory_space<vmem>>) dst(%dma_wait3A_536 : memref<10240x32xbf16, #tpu.memory_space<vmem_shared>>)
        } else {
        }
        %dma_start3A_504 = arith.constant 0 : i32
        %dma_start3A_505 = arith.constant 3 : i32
        %dma_start3A_506 = arith.constant 0 : i32
        %dma_start3A_507 = arith.constant 0 : i32
        %dma_start3A_508 = tpu.memref_slice %arg8[%dma_start3A_505, %dma_start3A_506, %dma_start3A_507] : memref<4x128x32xbf16, #tpu.memory_space<vmem>> -> memref<1x128x32xbf16, #tpu.memory_space<vmem>>
        %dma_start3A_509 = tpu.memref_squeeze %dma_start3A_508 : memref<1x128x32xbf16, #tpu.memory_space<vmem>> -> memref<128x32xbf16, #tpu.memory_space<vmem>>
        %dma_start3A_510 = arith.constant 0 : i32
        %dma_start3A_511 = arith.constant 0 : i32
        %dma_start3A_512 = tpu.memref_slice %arg6[%dma_start3A_504, %dma_start3A_510, %dma_start3A_511] : memref<2x80x128xi32, #tpu.memory_space<vmem>> -> memref<1x80x128xi32, #tpu.memory_space<vmem>>
        %dma_start3A_513 = tpu.memref_squeeze %dma_start3A_512 : memref<1x80x128xi32, #tpu.memory_space<vmem>> -> memref<80x128xi32, #tpu.memory_space<vmem>>
        %dma_start3A_514 = arith.constant 0 : i32
        %dma_start3A_515 = tpu.memref_slice %dma_start3A_513[%add3A_412, %dma_start3A_514] : memref<80x128xi32, #tpu.memory_space<vmem>> -> memref<1x128xi32, #tpu.memory_space<vmem>>
        %dma_start3A_516 = tpu.memref_squeeze %dma_start3A_515 : memref<1x128xi32, #tpu.memory_space<vmem>> -> memref<128xi32, #tpu.memory_space<vmem>>
        %dma_start3A_517 = arith.constant 0 : i32
        %dma_start3A_518 = arith.constant 0 : i32
        %dma_start3A_519 = tpu.memref_slice %arg10[%dma_start3A_517, %dma_start3A_518] : memref<10240x32xbf16, #tpu.memory_space<vmem_shared>> -> memref<10240x32xbf16, #tpu.memory_space<vmem_shared>>
        tpu.enqueue_indirect_dma source(%dma_start3A_519 : memref<10240x32xbf16, #tpu.memory_space<vmem_shared>>) target(%dma_start3A_509 : memref<128x32xbf16, #tpu.memory_space<vmem>>) offsets(%dma_start3A_516 : memref<128xi32, #tpu.memory_space<vmem>>) semaphore(%arg14 : memref<!tpu.dma_semaphore, #tpu.memory_space<semaphore_mem>>)
      } else {
      }
      %add3A_418 = arith.constant 2 : i32
      %add3A_419 = arith.addi %add3A_338, %add3A_418 : i32
      %dma_wait3A_420 = arith.constant 0 : i32
      %dma_wait3A_421 = arith.constant 2 : i32
      %dma_wait3A_422 = arith.constant 0 : i32
      %dma_wait3A_423 = arith.constant 0 : i32
      %dma_wait3A_424 = tpu.memref_slice %arg8[%dma_wait3A_421, %dma_wait3A_422, %dma_wait3A_423] : memref<4x128x32xbf16, #tpu.memory_space<vmem>> -> memref<1x128x32xbf16, #tpu.memory_space<vmem>>
      %dma_wait3A_425 = tpu.memref_squeeze %dma_wait3A_424 : memref<1x128x32xbf16, #tpu.memory_space<vmem>> -> memref<128x32xbf16, #tpu.memory_space<vmem>>
      %dma_wait3A_426 = arith.constant 0 : i32
      %dma_wait3A_427 = arith.constant 0 : i32
      %dma_wait3A_428 = tpu.memref_slice %arg6[%dma_wait3A_420, %dma_wait3A_426, %dma_wait3A_427] : memref<2x80x128xi32, #tpu.memory_space<vmem>> -> memref<1x80x128xi32, #tpu.memory_space<vmem>>
      %dma_wait3A_429 = tpu.memref_squeeze %dma_wait3A_428 : memref<1x80x128xi32, #tpu.memory_space<vmem>> -> memref<80x128xi32, #tpu.memory_space<vmem>>
      %dma_wait3A_430 = arith.constant 0 : i32
      %dma_wait3A_431 = tpu.memref_slice %dma_wait3A_429[%add3A_419, %dma_wait3A_430] : memref<80x128xi32, #tpu.memory_space<vmem>> -> memref<1x128xi32, #tpu.memory_space<vmem>>
      %dma_wait3A_432 = tpu.memref_squeeze %dma_wait3A_431 : memref<1x128xi32, #tpu.memory_space<vmem>> -> memref<128xi32, #tpu.memory_space<vmem>>
      %dma_wait3A_433 = arith.constant 0 : i32
      %dma_wait3A_434 = arith.constant 0 : i32
      %dma_wait3A_435 = tpu.memref_slice %arg10[%dma_wait3A_433, %dma_wait3A_434] : memref<10240x32xbf16, #tpu.memory_space<vmem_shared>> -> memref<10240x32xbf16, #tpu.memory_space<vmem_shared>>
      tpu.wait_indirect_dma semaphore(%arg13 : memref<!tpu.dma_semaphore, #tpu.memory_space<semaphore_mem>>) src(%dma_wait3A_435 : memref<10240x32xbf16, #tpu.memory_space<vmem_shared>>) dst(%dma_wait3A_425 : memref<128x32xbf16, #tpu.memory_space<vmem>>)
      %dma_start3A_436 = arith.constant 2 : i32
      %dma_start3A_437 = arith.constant 0 : i32
      %dma_start3A_438 = arith.constant 0 : i32
      %dma_start3A_439 = arith.constant 0 : i32
      %dma_start3A_440 = tpu.memref_slice %arg8[%dma_start3A_436, %dma_start3A_438, %dma_start3A_439] : memref<4x128x32xbf16, #tpu.memory_space<vmem>> -> memref<1x128x32xbf16, #tpu.memory_space<vmem>>
      %dma_start3A_441 = tpu.memref_squeeze %dma_start3A_440 : memref<1x128x32xbf16, #tpu.memory_space<vmem>> -> memref<128x32xbf16, #tpu.memory_space<vmem>>
      %dma_start3A_442 = arith.constant 0 : i32
      %dma_start3A_443 = arith.constant 0 : i32
      %dma_start3A_444 = tpu.memref_slice %arg7[%dma_start3A_437, %dma_start3A_442, %dma_start3A_443] : memref<2x80x128xi32, #tpu.memory_space<vmem>> -> memref<1x80x128xi32, #tpu.memory_space<vmem>>
      %dma_start3A_445 = tpu.memref_squeeze %dma_start3A_444 : memref<1x80x128xi32, #tpu.memory_space<vmem>> -> memref<80x128xi32, #tpu.memory_space<vmem>>
      %dma_start3A_446 = arith.constant 0 : i32
      %dma_start3A_447 = tpu.memref_slice %dma_start3A_445[%add3A_419, %dma_start3A_446] : memref<80x128xi32, #tpu.memory_space<vmem>> -> memref<1x128xi32, #tpu.memory_space<vmem>>
      %dma_start3A_448 = tpu.memref_squeeze %dma_start3A_447 : memref<1x128xi32, #tpu.memory_space<vmem>> -> memref<128xi32, #tpu.memory_space<vmem>>
      %dma_start3A_449 = arith.constant 0 : i32
      %dma_start3A_450 = arith.constant 0 : i32
      %dma_start3A_451 = tpu.memref_slice %arg9[%dma_start3A_449, %dma_start3A_450] : memref<10240x32xbf16, #tpu.memory_space<vmem_shared>> -> memref<10240x32xbf16, #tpu.memory_space<vmem_shared>>
      tpu.enqueue_indirect_dma source(%dma_start3A_441 : memref<128x32xbf16, #tpu.memory_space<vmem>>) target(%dma_start3A_451 : memref<10240x32xbf16, #tpu.memory_space<vmem_shared>>) offsets(%dma_start3A_448 : memref<128xi32, #tpu.memory_space<vmem>>) semaphore(%arg17 : memref<!tpu.dma_semaphore, #tpu.memory_space<semaphore_mem>>) {add = true}
      %add3A_452 = arith.constant 2 : i32
      %add3A_453 = arith.addi %add3A_419, %add3A_452 : i32
      %lt3A_454 = arith.constant 80 : i32
      %lt3A_455 = arith.cmpi slt, %add3A_453, %lt3A_454 : i32
      %convert_element_type3A_456 = arith.extui %lt3A_455 : i1 to i32
      %cond3A_457 = arith.constant 0 : i32
      %cond3A_458 = arith.cmpi ne, %convert_element_type3A_456, %cond3A_457 : i32
      scf.if %cond3A_458 {
        %ge3A = arith.constant 4 : i32
        %ge3A_500 = arith.cmpi sge, %add3A_453, %ge3A : i32
        %convert_element_type3A_501 = arith.extui %ge3A_500 : i1 to i32
        %cond3A_502 = arith.constant 0 : i32
        %cond3A_503 = arith.cmpi ne, %convert_element_type3A_501, %cond3A_502 : i32
        scf.if %cond3A_503 {
          %dma_wait3A_520 = arith.constant 0 : i32
          %dma_wait3A_521 = arith.constant 0 : i32
          %dma_wait3A_522 = arith.constant 0 : i32
          %dma_wait3A_523 = arith.constant 0 : i32
          %dma_wait3A_524 = arith.constant 0 : i32
          %dma_wait3A_525 = tpu.memref_slice %arg8[%dma_wait3A_520, %dma_wait3A_523, %dma_wait3A_524] : memref<4x128x32xbf16, #tpu.memory_space<vmem>> -> memref<1x128x32xbf16, #tpu.memory_space<vmem>>
          %dma_wait3A_526 = tpu.memref_squeeze %dma_wait3A_525 : memref<1x128x32xbf16, #tpu.memory_space<vmem>> -> memref<128x32xbf16, #tpu.memory_space<vmem>>
          %dma_wait3A_527 = arith.constant 0 : i32
          %dma_wait3A_528 = arith.constant 0 : i32
          %dma_wait3A_529 = tpu.memref_slice %arg7[%dma_wait3A_521, %dma_wait3A_527, %dma_wait3A_528] : memref<2x80x128xi32, #tpu.memory_space<vmem>> -> memref<1x80x128xi32, #tpu.memory_space<vmem>>
          %dma_wait3A_530 = tpu.memref_squeeze %dma_wait3A_529 : memref<1x80x128xi32, #tpu.memory_space<vmem>> -> memref<80x128xi32, #tpu.memory_space<vmem>>
          %dma_wait3A_531 = arith.constant 0 : i32
          %dma_wait3A_532 = tpu.memref_slice %dma_wait3A_530[%dma_wait3A_522, %dma_wait3A_531] : memref<80x128xi32, #tpu.memory_space<vmem>> -> memref<1x128xi32, #tpu.memory_space<vmem>>
          %dma_wait3A_533 = tpu.memref_squeeze %dma_wait3A_532 : memref<1x128xi32, #tpu.memory_space<vmem>> -> memref<128xi32, #tpu.memory_space<vmem>>
          %dma_wait3A_534 = arith.constant 0 : i32
          %dma_wait3A_535 = arith.constant 0 : i32
          %dma_wait3A_536 = tpu.memref_slice %arg9[%dma_wait3A_534, %dma_wait3A_535] : memref<10240x32xbf16, #tpu.memory_space<vmem_shared>> -> memref<10240x32xbf16, #tpu.memory_space<vmem_shared>>
          tpu.wait_indirect_dma semaphore(%arg15 : memref<!tpu.dma_semaphore, #tpu.memory_space<semaphore_mem>>) src(%dma_wait3A_526 : memref<128x32xbf16, #tpu.memory_space<vmem>>) dst(%dma_wait3A_536 : memref<10240x32xbf16, #tpu.memory_space<vmem_shared>>)
        } else {
        }
        %dma_start3A_504 = arith.constant 0 : i32
        %dma_start3A_505 = arith.constant 0 : i32
        %dma_start3A_506 = arith.constant 0 : i32
        %dma_start3A_507 = arith.constant 0 : i32
        %dma_start3A_508 = tpu.memref_slice %arg8[%dma_start3A_505, %dma_start3A_506, %dma_start3A_507] : memref<4x128x32xbf16, #tpu.memory_space<vmem>> -> memref<1x128x32xbf16, #tpu.memory_space<vmem>>
        %dma_start3A_509 = tpu.memref_squeeze %dma_start3A_508 : memref<1x128x32xbf16, #tpu.memory_space<vmem>> -> memref<128x32xbf16, #tpu.memory_space<vmem>>
        %dma_start3A_510 = arith.constant 0 : i32
        %dma_start3A_511 = arith.constant 0 : i32
        %dma_start3A_512 = tpu.memref_slice %arg6[%dma_start3A_504, %dma_start3A_510, %dma_start3A_511] : memref<2x80x128xi32, #tpu.memory_space<vmem>> -> memref<1x80x128xi32, #tpu.memory_space<vmem>>
        %dma_start3A_513 = tpu.memref_squeeze %dma_start3A_512 : memref<1x80x128xi32, #tpu.memory_space<vmem>> -> memref<80x128xi32, #tpu.memory_space<vmem>>
        %dma_start3A_514 = arith.constant 0 : i32
        %dma_start3A_515 = tpu.memref_slice %dma_start3A_513[%add3A_453, %dma_start3A_514] : memref<80x128xi32, #tpu.memory_space<vmem>> -> memref<1x128xi32, #tpu.memory_space<vmem>>
        %dma_start3A_516 = tpu.memref_squeeze %dma_start3A_515 : memref<1x128xi32, #tpu.memory_space<vmem>> -> memref<128xi32, #tpu.memory_space<vmem>>
        %dma_start3A_517 = arith.constant 0 : i32
        %dma_start3A_518 = arith.constant 0 : i32
        %dma_start3A_519 = tpu.memref_slice %arg10[%dma_start3A_517, %dma_start3A_518] : memref<10240x32xbf16, #tpu.memory_space<vmem_shared>> -> memref<10240x32xbf16, #tpu.memory_space<vmem_shared>>
        tpu.enqueue_indirect_dma source(%dma_start3A_519 : memref<10240x32xbf16, #tpu.memory_space<vmem_shared>>) target(%dma_start3A_509 : memref<128x32xbf16, #tpu.memory_space<vmem>>) offsets(%dma_start3A_516 : memref<128xi32, #tpu.memory_space<vmem>>) semaphore(%arg11 : memref<!tpu.dma_semaphore, #tpu.memory_space<semaphore_mem>>)
      } else {
      }
      %add3A_459 = arith.constant 3 : i32
      %add3A_460 = arith.addi %add3A_338, %add3A_459 : i32
      %dma_wait3A_461 = arith.constant 0 : i32
      %dma_wait3A_462 = arith.constant 3 : i32
      %dma_wait3A_463 = arith.constant 0 : i32
      %dma_wait3A_464 = arith.constant 0 : i32
      %dma_wait3A_465 = tpu.memref_slice %arg8[%dma_wait3A_462, %dma_wait3A_463, %dma_wait3A_464] : memref<4x128x32xbf16, #tpu.memory_space<vmem>> -> memref<1x128x32xbf16, #tpu.memory_space<vmem>>
      %dma_wait3A_466 = tpu.memref_squeeze %dma_wait3A_465 : memref<1x128x32xbf16, #tpu.memory_space<vmem>> -> memref<128x32xbf16, #tpu.memory_space<vmem>>
      %dma_wait3A_467 = arith.constant 0 : i32
      %dma_wait3A_468 = arith.constant 0 : i32
      %dma_wait3A_469 = tpu.memref_slice %arg6[%dma_wait3A_461, %dma_wait3A_467, %dma_wait3A_468] : memref<2x80x128xi32, #tpu.memory_space<vmem>> -> memref<1x80x128xi32, #tpu.memory_space<vmem>>
      %dma_wait3A_470 = tpu.memref_squeeze %dma_wait3A_469 : memref<1x80x128xi32, #tpu.memory_space<vmem>> -> memref<80x128xi32, #tpu.memory_space<vmem>>
      %dma_wait3A_471 = arith.constant 0 : i32
      %dma_wait3A_472 = tpu.memref_slice %dma_wait3A_470[%add3A_460, %dma_wait3A_471] : memref<80x128xi32, #tpu.memory_space<vmem>> -> memref<1x128xi32, #tpu.memory_space<vmem>>
      %dma_wait3A_473 = tpu.memref_squeeze %dma_wait3A_472 : memref<1x128xi32, #tpu.memory_space<vmem>> -> memref<128xi32, #tpu.memory_space<vmem>>
      %dma_wait3A_474 = arith.constant 0 : i32
      %dma_wait3A_475 = arith.constant 0 : i32
      %dma_wait3A_476 = tpu.memref_slice %arg10[%dma_wait3A_474, %dma_wait3A_475] : memref<10240x32xbf16, #tpu.memory_space<vmem_shared>> -> memref<10240x32xbf16, #tpu.memory_space<vmem_shared>>
      tpu.wait_indirect_dma semaphore(%arg14 : memref<!tpu.dma_semaphore, #tpu.memory_space<semaphore_mem>>) src(%dma_wait3A_476 : memref<10240x32xbf16, #tpu.memory_space<vmem_shared>>) dst(%dma_wait3A_466 : memref<128x32xbf16, #tpu.memory_space<vmem>>)
      %dma_start3A_477 = arith.constant 3 : i32
      %dma_start3A_478 = arith.constant 0 : i32
      %dma_start3A_479 = arith.constant 0 : i32
      %dma_start3A_480 = arith.constant 0 : i32
      %dma_start3A_481 = tpu.memref_slice %arg8[%dma_start3A_477, %dma_start3A_479, %dma_start3A_480] : memref<4x128x32xbf16, #tpu.memory_space<vmem>> -> memref<1x128x32xbf16, #tpu.memory_space<vmem>>
      %dma_start3A_482 = tpu.memref_squeeze %dma_start3A_481 : memref<1x128x32xbf16, #tpu.memory_space<vmem>> -> memref<128x32xbf16, #tpu.memory_space<vmem>>
      %dma_start3A_483 = arith.constant 0 : i32
      %dma_start3A_484 = arith.constant 0 : i32
      %dma_start3A_485 = tpu.memref_slice %arg7[%dma_start3A_478, %dma_start3A_483, %dma_start3A_484] : memref<2x80x128xi32, #tpu.memory_space<vmem>> -> memref<1x80x128xi32, #tpu.memory_space<vmem>>
      %dma_start3A_486 = tpu.memref_squeeze %dma_start3A_485 : memref<1x80x128xi32, #tpu.memory_space<vmem>> -> memref<80x128xi32, #tpu.memory_space<vmem>>
      %dma_start3A_487 = arith.constant 0 : i32
      %dma_start3A_488 = tpu.memref_slice %dma_start3A_486[%add3A_460, %dma_start3A_487] : memref<80x128xi32, #tpu.memory_space<vmem>> -> memref<1x128xi32, #tpu.memory_space<vmem>>
      %dma_start3A_489 = tpu.memref_squeeze %dma_start3A_488 : memref<1x128xi32, #tpu.memory_space<vmem>> -> memref<128xi32, #tpu.memory_space<vmem>>
      %dma_start3A_490 = arith.constant 0 : i32
      %dma_start3A_491 = arith.constant 0 : i32
      %dma_start3A_492 = tpu.memref_slice %arg9[%dma_start3A_490, %dma_start3A_491] : memref<10240x32xbf16, #tpu.memory_space<vmem_shared>> -> memref<10240x32xbf16, #tpu.memory_space<vmem_shared>>
      tpu.enqueue_indirect_dma source(%dma_start3A_482 : memref<128x32xbf16, #tpu.memory_space<vmem>>) target(%dma_start3A_492 : memref<10240x32xbf16, #tpu.memory_space<vmem_shared>>) offsets(%dma_start3A_489 : memref<128xi32, #tpu.memory_space<vmem>>) semaphore(%arg18 : memref<!tpu.dma_semaphore, #tpu.memory_space<semaphore_mem>>) {add = true}
      %add3A_493 = arith.constant 2 : i32
      %add3A_494 = arith.addi %add3A_460, %add3A_493 : i32
      %lt3A_495 = arith.constant 80 : i32
      %lt3A_496 = arith.cmpi slt, %add3A_494, %lt3A_495 : i32
      %convert_element_type3A_497 = arith.extui %lt3A_496 : i1 to i32
      %cond3A_498 = arith.constant 0 : i32
      %cond3A_499 = arith.cmpi ne, %convert_element_type3A_497, %cond3A_498 : i32
      scf.if %cond3A_499 {
        %ge3A = arith.constant 4 : i32
        %ge3A_500 = arith.cmpi sge, %add3A_494, %ge3A : i32
        %convert_element_type3A_501 = arith.extui %ge3A_500 : i1 to i32
        %cond3A_502 = arith.constant 0 : i32
        %cond3A_503 = arith.cmpi ne, %convert_element_type3A_501, %cond3A_502 : i32
        scf.if %cond3A_503 {
          %dma_wait3A_520 = arith.constant 1 : i32
          %dma_wait3A_521 = arith.constant 0 : i32
          %dma_wait3A_522 = arith.constant 0 : i32
          %dma_wait3A_523 = arith.constant 0 : i32
          %dma_wait3A_524 = arith.constant 0 : i32
          %dma_wait3A_525 = tpu.memref_slice %arg8[%dma_wait3A_520, %dma_wait3A_523, %dma_wait3A_524] : memref<4x128x32xbf16, #tpu.memory_space<vmem>> -> memref<1x128x32xbf16, #tpu.memory_space<vmem>>
          %dma_wait3A_526 = tpu.memref_squeeze %dma_wait3A_525 : memref<1x128x32xbf16, #tpu.memory_space<vmem>> -> memref<128x32xbf16, #tpu.memory_space<vmem>>
          %dma_wait3A_527 = arith.constant 0 : i32
          %dma_wait3A_528 = arith.constant 0 : i32
          %dma_wait3A_529 = tpu.memref_slice %arg7[%dma_wait3A_521, %dma_wait3A_527, %dma_wait3A_528] : memref<2x80x128xi32, #tpu.memory_space<vmem>> -> memref<1x80x128xi32, #tpu.memory_space<vmem>>
          %dma_wait3A_530 = tpu.memref_squeeze %dma_wait3A_529 : memref<1x80x128xi32, #tpu.memory_space<vmem>> -> memref<80x128xi32, #tpu.memory_space<vmem>>
          %dma_wait3A_531 = arith.constant 0 : i32
          %dma_wait3A_532 = tpu.memref_slice %dma_wait3A_530[%dma_wait3A_522, %dma_wait3A_531] : memref<80x128xi32, #tpu.memory_space<vmem>> -> memref<1x128xi32, #tpu.memory_space<vmem>>
          %dma_wait3A_533 = tpu.memref_squeeze %dma_wait3A_532 : memref<1x128xi32, #tpu.memory_space<vmem>> -> memref<128xi32, #tpu.memory_space<vmem>>
          %dma_wait3A_534 = arith.constant 0 : i32
          %dma_wait3A_535 = arith.constant 0 : i32
          %dma_wait3A_536 = tpu.memref_slice %arg9[%dma_wait3A_534, %dma_wait3A_535] : memref<10240x32xbf16, #tpu.memory_space<vmem_shared>> -> memref<10240x32xbf16, #tpu.memory_space<vmem_shared>>
          tpu.wait_indirect_dma semaphore(%arg16 : memref<!tpu.dma_semaphore, #tpu.memory_space<semaphore_mem>>) src(%dma_wait3A_526 : memref<128x32xbf16, #tpu.memory_space<vmem>>) dst(%dma_wait3A_536 : memref<10240x32xbf16, #tpu.memory_space<vmem_shared>>)
        } else {
        }
        %dma_start3A_504 = arith.constant 0 : i32
        %dma_start3A_505 = arith.constant 1 : i32
        %dma_start3A_506 = arith.constant 0 : i32
        %dma_start3A_507 = arith.constant 0 : i32
        %dma_start3A_508 = tpu.memref_slice %arg8[%dma_start3A_505, %dma_start3A_506, %dma_start3A_507] : memref<4x128x32xbf16, #tpu.memory_space<vmem>> -> memref<1x128x32xbf16, #tpu.memory_space<vmem>>
        %dma_start3A_509 = tpu.memref_squeeze %dma_start3A_508 : memref<1x128x32xbf16, #tpu.memory_space<vmem>> -> memref<128x32xbf16, #tpu.memory_space<vmem>>
        %dma_start3A_510 = arith.constant 0 : i32
        %dma_start3A_511 = arith.constant 0 : i32
        %dma_start3A_512 = tpu.memref_slice %arg6[%dma_start3A_504, %dma_start3A_510, %dma_start3A_511] : memref<2x80x128xi32, #tpu.memory_space<vmem>> -> memref<1x80x128xi32, #tpu.memory_space<vmem>>
        %dma_start3A_513 = tpu.memref_squeeze %dma_start3A_512 : memref<1x80x128xi32, #tpu.memory_space<vmem>> -> memref<80x128xi32, #tpu.memory_space<vmem>>
        %dma_start3A_514 = arith.constant 0 : i32
        %dma_start3A_515 = tpu.memref_slice %dma_start3A_513[%add3A_494, %dma_start3A_514] : memref<80x128xi32, #tpu.memory_space<vmem>> -> memref<1x128xi32, #tpu.memory_space<vmem>>
        %dma_start3A_516 = tpu.memref_squeeze %dma_start3A_515 : memref<1x128xi32, #tpu.memory_space<vmem>> -> memref<128xi32, #tpu.memory_space<vmem>>
        %dma_start3A_517 = arith.constant 0 : i32
        %dma_start3A_518 = arith.constant 0 : i32
        %dma_start3A_519 = tpu.memref_slice %arg10[%dma_start3A_517, %dma_start3A_518] : memref<10240x32xbf16, #tpu.memory_space<vmem_shared>> -> memref<10240x32xbf16, #tpu.memory_space<vmem_shared>>
        tpu.enqueue_indirect_dma source(%dma_start3A_519 : memref<10240x32xbf16, #tpu.memory_space<vmem_shared>>) target(%dma_start3A_509 : memref<128x32xbf16, #tpu.memory_space<vmem>>) offsets(%dma_start3A_516 : memref<128xi32, #tpu.memory_space<vmem>>) semaphore(%arg12 : memref<!tpu.dma_semaphore, #tpu.memory_space<semaphore_mem>>)
      } else {
      }
    }
    %scan3A_127 = arith.constant 20 : i32
    %dma_wait3A_128 = arith.constant 0 : i32
    %dma_wait3A_129 = arith.constant 0 : i32
    %dma_wait3A_130 = arith.constant 0 : i32
    %dma_wait3A_131 = arith.constant 0 : i32
    %dma_wait3A_132 = arith.constant 0 : i32
    %dma_wait3A_133 = tpu.memref_slice %arg8[%dma_wait3A_128, %dma_wait3A_131, %dma_wait3A_132] : memref<4x128x32xbf16, #tpu.memory_space<vmem>> -> memref<1x128x32xbf16, #tpu.memory_space<vmem>>
    %dma_wait3A_134 = tpu.memref_squeeze %dma_wait3A_133 : memref<1x128x32xbf16, #tpu.memory_space<vmem>> -> memref<128x32xbf16, #tpu.memory_space<vmem>>
    %dma_wait3A_135 = arith.constant 0 : i32
    %dma_wait3A_136 = arith.constant 0 : i32
    %dma_wait3A_137 = tpu.memref_slice %arg7[%dma_wait3A_129, %dma_wait3A_135, %dma_wait3A_136] : memref<2x80x128xi32, #tpu.memory_space<vmem>> -> memref<1x80x128xi32, #tpu.memory_space<vmem>>
    %dma_wait3A_138 = tpu.memref_squeeze %dma_wait3A_137 : memref<1x80x128xi32, #tpu.memory_space<vmem>> -> memref<80x128xi32, #tpu.memory_space<vmem>>
    %dma_wait3A_139 = arith.constant 0 : i32
    %dma_wait3A_140 = tpu.memref_slice %dma_wait3A_138[%dma_wait3A_130, %dma_wait3A_139] : memref<80x128xi32, #tpu.memory_space<vmem>> -> memref<1x128xi32, #tpu.memory_space<vmem>>
    %dma_wait3A_141 = tpu.memref_squeeze %dma_wait3A_140 : memref<1x128xi32, #tpu.memory_space<vmem>> -> memref<128xi32, #tpu.memory_space<vmem>>
    %dma_wait3A_142 = arith.constant 0 : i32
    %dma_wait3A_143 = arith.constant 0 : i32
    %dma_wait3A_144 = tpu.memref_slice %arg9[%dma_wait3A_142, %dma_wait3A_143] : memref<10240x32xbf16, #tpu.memory_space<vmem_shared>> -> memref<10240x32xbf16, #tpu.memory_space<vmem_shared>>
    tpu.wait_indirect_dma semaphore(%arg15 : memref<!tpu.dma_semaphore, #tpu.memory_space<semaphore_mem>>) src(%dma_wait3A_134 : memref<128x32xbf16, #tpu.memory_space<vmem>>) dst(%dma_wait3A_144 : memref<10240x32xbf16, #tpu.memory_space<vmem_shared>>)
    %dma_wait3A_145 = arith.constant 1 : i32
    %dma_wait3A_146 = arith.constant 0 : i32
    %dma_wait3A_147 = arith.constant 0 : i32
    %dma_wait3A_148 = arith.constant 0 : i32
    %dma_wait3A_149 = arith.constant 0 : i32
    %dma_wait3A_150 = tpu.memref_slice %arg8[%dma_wait3A_145, %dma_wait3A_148, %dma_wait3A_149] : memref<4x128x32xbf16, #tpu.memory_space<vmem>> -> memref<1x128x32xbf16, #tpu.memory_space<vmem>>
    %dma_wait3A_151 = tpu.memref_squeeze %dma_wait3A_150 : memref<1x128x32xbf16, #tpu.memory_space<vmem>> -> memref<128x32xbf16, #tpu.memory_space<vmem>>
    %dma_wait3A_152 = arith.constant 0 : i32
    %dma_wait3A_153 = arith.constant 0 : i32
    %dma_wait3A_154 = tpu.memref_slice %arg7[%dma_wait3A_146, %dma_wait3A_152, %dma_wait3A_153] : memref<2x80x128xi32, #tpu.memory_space<vmem>> -> memref<1x80x128xi32, #tpu.memory_space<vmem>>
    %dma_wait3A_155 = tpu.memref_squeeze %dma_wait3A_154 : memref<1x80x128xi32, #tpu.memory_space<vmem>> -> memref<80x128xi32, #tpu.memory_space<vmem>>
    %dma_wait3A_156 = arith.constant 0 : i32
    %dma_wait3A_157 = tpu.memref_slice %dma_wait3A_155[%dma_wait3A_147, %dma_wait3A_156] : memref<80x128xi32, #tpu.memory_space<vmem>> -> memref<1x128xi32, #tpu.memory_space<vmem>>
    %dma_wait3A_158 = tpu.memref_squeeze %dma_wait3A_157 : memref<1x128xi32, #tpu.memory_space<vmem>> -> memref<128xi32, #tpu.memory_space<vmem>>
    %dma_wait3A_159 = arith.constant 0 : i32
    %dma_wait3A_160 = arith.constant 0 : i32
    %dma_wait3A_161 = tpu.memref_slice %arg9[%dma_wait3A_159, %dma_wait3A_160] : memref<10240x32xbf16, #tpu.memory_space<vmem_shared>> -> memref<10240x32xbf16, #tpu.memory_space<vmem_shared>>
    tpu.wait_indirect_dma semaphore(%arg16 : memref<!tpu.dma_semaphore, #tpu.memory_space<semaphore_mem>>) src(%dma_wait3A_151 : memref<128x32xbf16, #tpu.memory_space<vmem>>) dst(%dma_wait3A_161 : memref<10240x32xbf16, #tpu.memory_space<vmem_shared>>)
    %dma_wait3A_162 = arith.constant 2 : i32
    %dma_wait3A_163 = arith.constant 0 : i32
    %dma_wait3A_164 = arith.constant 0 : i32
    %dma_wait3A_165 = arith.constant 0 : i32
    %dma_wait3A_166 = arith.constant 0 : i32
    %dma_wait3A_167 = tpu.memref_slice %arg8[%dma_wait3A_162, %dma_wait3A_165, %dma_wait3A_166] : memref<4x128x32xbf16, #tpu.memory_space<vmem>> -> memref<1x128x32xbf16, #tpu.memory_space<vmem>>
    %dma_wait3A_168 = tpu.memref_squeeze %dma_wait3A_167 : memref<1x128x32xbf16, #tpu.memory_space<vmem>> -> memref<128x32xbf16, #tpu.memory_space<vmem>>
    %dma_wait3A_169 = arith.constant 0 : i32
    %dma_wait3A_170 = arith.constant 0 : i32
    %dma_wait3A_171 = tpu.memref_slice %arg7[%dma_wait3A_163, %dma_wait3A_169, %dma_wait3A_170] : memref<2x80x128xi32, #tpu.memory_space<vmem>> -> memref<1x80x128xi32, #tpu.memory_space<vmem>>
    %dma_wait3A_172 = tpu.memref_squeeze %dma_wait3A_171 : memref<1x80x128xi32, #tpu.memory_space<vmem>> -> memref<80x128xi32, #tpu.memory_space<vmem>>
    %dma_wait3A_173 = arith.constant 0 : i32
    %dma_wait3A_174 = tpu.memref_slice %dma_wait3A_172[%dma_wait3A_164, %dma_wait3A_173] : memref<80x128xi32, #tpu.memory_space<vmem>> -> memref<1x128xi32, #tpu.memory_space<vmem>>
    %dma_wait3A_175 = tpu.memref_squeeze %dma_wait3A_174 : memref<1x128xi32, #tpu.memory_space<vmem>> -> memref<128xi32, #tpu.memory_space<vmem>>
    %dma_wait3A_176 = arith.constant 0 : i32
    %dma_wait3A_177 = arith.constant 0 : i32
    %dma_wait3A_178 = tpu.memref_slice %arg9[%dma_wait3A_176, %dma_wait3A_177] : memref<10240x32xbf16, #tpu.memory_space<vmem_shared>> -> memref<10240x32xbf16, #tpu.memory_space<vmem_shared>>
    tpu.wait_indirect_dma semaphore(%arg17 : memref<!tpu.dma_semaphore, #tpu.memory_space<semaphore_mem>>) src(%dma_wait3A_168 : memref<128x32xbf16, #tpu.memory_space<vmem>>) dst(%dma_wait3A_178 : memref<10240x32xbf16, #tpu.memory_space<vmem_shared>>)
    %dma_wait3A_179 = arith.constant 3 : i32
    %dma_wait3A_180 = arith.constant 0 : i32
    %dma_wait3A_181 = arith.constant 0 : i32
    %dma_wait3A_182 = arith.constant 0 : i32
    %dma_wait3A_183 = arith.constant 0 : i32
    %dma_wait3A_184 = tpu.memref_slice %arg8[%dma_wait3A_179, %dma_wait3A_182, %dma_wait3A_183] : memref<4x128x32xbf16, #tpu.memory_space<vmem>> -> memref<1x128x32xbf16, #tpu.memory_space<vmem>>
    %dma_wait3A_185 = tpu.memref_squeeze %dma_wait3A_184 : memref<1x128x32xbf16, #tpu.memory_space<vmem>> -> memref<128x32xbf16, #tpu.memory_space<vmem>>
    %dma_wait3A_186 = arith.constant 0 : i32
    %dma_wait3A_187 = arith.constant 0 : i32
    %dma_wait3A_188 = tpu.memref_slice %arg7[%dma_wait3A_180, %dma_wait3A_186, %dma_wait3A_187] : memref<2x80x128xi32, #tpu.memory_space<vmem>> -> memref<1x80x128xi32, #tpu.memory_space<vmem>>
    %dma_wait3A_189 = tpu.memref_squeeze %dma_wait3A_188 : memref<1x80x128xi32, #tpu.memory_space<vmem>> -> memref<80x128xi32, #tpu.memory_space<vmem>>
    %dma_wait3A_190 = arith.constant 0 : i32
    %dma_wait3A_191 = tpu.memref_slice %dma_wait3A_189[%dma_wait3A_181, %dma_wait3A_190] : memref<80x128xi32, #tpu.memory_space<vmem>> -> memref<1x128xi32, #tpu.memory_space<vmem>>
    %dma_wait3A_192 = tpu.memref_squeeze %dma_wait3A_191 : memref<1x128xi32, #tpu.memory_space<vmem>> -> memref<128xi32, #tpu.memory_space<vmem>>
    %dma_wait3A_193 = arith.constant 0 : i32
    %dma_wait3A_194 = arith.constant 0 : i32
    %dma_wait3A_195 = tpu.memref_slice %arg9[%dma_wait3A_193, %dma_wait3A_194] : memref<10240x32xbf16, #tpu.memory_space<vmem_shared>> -> memref<10240x32xbf16, #tpu.memory_space<vmem_shared>>
    tpu.wait_indirect_dma semaphore(%arg18 : memref<!tpu.dma_semaphore, #tpu.memory_space<semaphore_mem>>) src(%dma_wait3A_185 : memref<128x32xbf16, #tpu.memory_space<vmem>>) dst(%dma_wait3A_195 : memref<10240x32xbf16, #tpu.memory_space<vmem_shared>>)
    %add3A_196 = arith.constant 80 : i32
    %add3A_197 = arith.addi %mul3A_0, %add3A_196 : i32
    %add3A_198 = arith.constant 80 : i32
    %add3A_199 = arith.addi %mul3A_0, %add3A_198 : i32
    %dma_wait3A_200 = arith.constant 1 : i32
    %dma_wait3A_201 = arith.constant 0 : i32
    %dma_wait3A_202 = arith.constant 0 : i32
    %dma_wait3A_203 = tpu.memref_slice %arg6[%dma_wait3A_200, %dma_wait3A_201, %dma_wait3A_202] : memref<2x80x128xi32, #tpu.memory_space<vmem>> -> memref<1x80x128xi32, #tpu.memory_space<vmem>>
    %dma_wait3A_204 = tpu.memref_squeeze %dma_wait3A_203 : memref<1x80x128xi32, #tpu.memory_space<vmem>> -> memref<80x128xi32, #tpu.memory_space<vmem>>
    %dma_wait3A_205 = arith.constant 0 : i32
    %dma_wait3A_206 = tpu.memref_slice %arg3[%add3A_197, %dma_wait3A_205] : memref<2560x128xi32, #tpu.memory_space<hbm>> -> memref<80x128xi32, #tpu.memory_space<hbm>>
    %dma_wait3A_207 = arith.constant 0 : i32
    %dma_wait3A_208 = arith.constant 0 : i32
    %dma_wait3A_209 = tpu.memref_slice %arg6[%dma_wait3A_200, %dma_wait3A_207, %dma_wait3A_208] : memref<2x80x128xi32, #tpu.memory_space<vmem>> -> memref<1x80x128xi32, #tpu.memory_space<vmem>>
    %dma_wait3A_210 = tpu.memref_squeeze %dma_wait3A_209 : memref<1x80x128xi32, #tpu.memory_space<vmem>> -> memref<80x128xi32, #tpu.memory_space<vmem>>
    %dma_wait3A_211 = arith.constant 0 : i32
    %dma_wait3A_212 = tpu.memref_slice %arg3[%add3A_197, %dma_wait3A_211] : memref<2560x128xi32, #tpu.memory_space<hbm>> -> memref<80x128xi32, #tpu.memory_space<hbm>>
    tpu.wait_dma2 semaphore(%arg20 : memref<!tpu.dma_semaphore, #tpu.memory_space<semaphore_mem>>) src(%dma_wait3A_212 : memref<80x128xi32, #tpu.memory_space<hbm>>) dst(%dma_wait3A_210 : memref<80x128xi32, #tpu.memory_space<vmem>>)
    %dma_wait3A_213 = arith.constant 1 : i32
    %dma_wait3A_214 = arith.constant 0 : i32
    %dma_wait3A_215 = arith.constant 0 : i32
    %dma_wait3A_216 = tpu.memref_slice %arg7[%dma_wait3A_213, %dma_wait3A_214, %dma_wait3A_215] : memref<2x80x128xi32, #tpu.memory_space<vmem>> -> memref<1x80x128xi32, #tpu.memory_space<vmem>>
    %dma_wait3A_217 = tpu.memref_squeeze %dma_wait3A_216 : memref<1x80x128xi32, #tpu.memory_space<vmem>> -> memref<80x128xi32, #tpu.memory_space<vmem>>
    %dma_wait3A_218 = arith.constant 0 : i32
    %dma_wait3A_219 = tpu.memref_slice %arg4[%add3A_199, %dma_wait3A_218] : memref<2560x128xi32, #tpu.memory_space<hbm>> -> memref<80x128xi32, #tpu.memory_space<hbm>>
    %dma_wait3A_220 = arith.constant 0 : i32
    %dma_wait3A_221 = arith.constant 0 : i32
    %dma_wait3A_222 = tpu.memref_slice %arg7[%dma_wait3A_213, %dma_wait3A_220, %dma_wait3A_221] : memref<2x80x128xi32, #tpu.memory_space<vmem>> -> memref<1x80x128xi32, #tpu.memory_space<vmem>>
    %dma_wait3A_223 = tpu.memref_squeeze %dma_wait3A_222 : memref<1x80x128xi32, #tpu.memory_space<vmem>> -> memref<80x128xi32, #tpu.memory_space<vmem>>
    %dma_wait3A_224 = arith.constant 0 : i32
    %dma_wait3A_225 = tpu.memref_slice %arg4[%add3A_199, %dma_wait3A_224] : memref<2560x128xi32, #tpu.memory_space<hbm>> -> memref<80x128xi32, #tpu.memory_space<hbm>>
    tpu.wait_dma2 semaphore(%arg20 : memref<!tpu.dma_semaphore, #tpu.memory_space<semaphore_mem>>) src(%dma_wait3A_225 : memref<80x128xi32, #tpu.memory_space<hbm>>) dst(%dma_wait3A_223 : memref<80x128xi32, #tpu.memory_space<vmem>>)
    %dma_start3A_226 = arith.constant 1 : i32
    %dma_start3A_227 = arith.constant 0 : i32
    %dma_start3A_228 = arith.constant 0 : i32
    %dma_start3A_229 = arith.constant 0 : i32
    %dma_start3A_230 = arith.constant 0 : i32
    %dma_start3A_231 = tpu.memref_slice %arg8[%dma_start3A_228, %dma_start3A_229, %dma_start3A_230] : memref<4x128x32xbf16, #tpu.memory_space<vmem>> -> memref<1x128x32xbf16, #tpu.memory_space<vmem>>
    %dma_start3A_232 = tpu.memref_squeeze %dma_start3A_231 : memref<1x128x32xbf16, #tpu.memory_space<vmem>> -> memref<128x32xbf16, #tpu.memory_space<vmem>>
    %dma_start3A_233 = arith.constant 0 : i32
    %dma_start3A_234 = arith.constant 0 : i32
    %dma_start3A_235 = tpu.memref_slice %arg6[%dma_start3A_226, %dma_start3A_233, %dma_start3A_234] : memref<2x80x128xi32, #tpu.memory_space<vmem>> -> memref<1x80x128xi32, #tpu.memory_space<vmem>>
    %dma_start3A_236 = tpu.memref_squeeze %dma_start3A_235 : memref<1x80x128xi32, #tpu.memory_space<vmem>> -> memref<80x128xi32, #tpu.memory_space<vmem>>
    %dma_start3A_237 = arith.constant 0 : i32
    %dma_start3A_238 = tpu.memref_slice %dma_start3A_236[%dma_start3A_227, %dma_start3A_237] : memref<80x128xi32, #tpu.memory_space<vmem>> -> memref<1x128xi32, #tpu.memory_space<vmem>>
    %dma_start3A_239 = tpu.memref_squeeze %dma_start3A_238 : memref<1x128xi32, #tpu.memory_space<vmem>> -> memref<128xi32, #tpu.memory_space<vmem>>
    %dma_start3A_240 = arith.constant 0 : i32
    %dma_start3A_241 = arith.constant 0 : i32
    %dma_start3A_242 = tpu.memref_slice %arg10[%dma_start3A_240, %dma_start3A_241] : memref<10240x32xbf16, #tpu.memory_space<vmem_shared>> -> memref<10240x32xbf16, #tpu.memory_space<vmem_shared>>
    tpu.enqueue_indirect_dma source(%dma_start3A_242 : memref<10240x32xbf16, #tpu.memory_space<vmem_shared>>) target(%dma_start3A_232 : memref<128x32xbf16, #tpu.memory_space<vmem>>) offsets(%dma_start3A_239 : memref<128xi32, #tpu.memory_space<vmem>>) semaphore(%arg11 : memref<!tpu.dma_semaphore, #tpu.memory_space<semaphore_mem>>)
    %dma_start3A_243 = arith.constant 1 : i32
    %dma_start3A_244 = arith.constant 1 : i32
    %dma_start3A_245 = arith.constant 1 : i32
    %dma_start3A_246 = arith.constant 0 : i32
    %dma_start3A_247 = arith.constant 0 : i32
    %dma_start3A_248 = tpu.memref_slice %arg8[%dma_start3A_245, %dma_start3A_246, %dma_start3A_247] : memref<4x128x32xbf16, #tpu.memory_space<vmem>> -> memref<1x128x32xbf16, #tpu.memory_space<vmem>>
    %dma_start3A_249 = tpu.memref_squeeze %dma_start3A_248 : memref<1x128x32xbf16, #tpu.memory_space<vmem>> -> memref<128x32xbf16, #tpu.memory_space<vmem>>
    %dma_start3A_250 = arith.constant 0 : i32
    %dma_start3A_251 = arith.constant 0 : i32
    %dma_start3A_252 = tpu.memref_slice %arg6[%dma_start3A_243, %dma_start3A_250, %dma_start3A_251] : memref<2x80x128xi32, #tpu.memory_space<vmem>> -> memref<1x80x128xi32, #tpu.memory_space<vmem>>
    %dma_start3A_253 = tpu.memref_squeeze %dma_start3A_252 : memref<1x80x128xi32, #tpu.memory_space<vmem>> -> memref<80x128xi32, #tpu.memory_space<vmem>>
    %dma_start3A_254 = arith.constant 0 : i32
    %dma_start3A_255 = tpu.memref_slice %dma_start3A_253[%dma_start3A_244, %dma_start3A_254] : memref<80x128xi32, #tpu.memory_space<vmem>> -> memref<1x128xi32, #tpu.memory_space<vmem>>
    %dma_start3A_256 = tpu.memref_squeeze %dma_start3A_255 : memref<1x128xi32, #tpu.memory_space<vmem>> -> memref<128xi32, #tpu.memory_space<vmem>>
    %dma_start3A_257 = arith.constant 0 : i32
    %dma_start3A_258 = arith.constant 0 : i32
    %dma_start3A_259 = tpu.memref_slice %arg10[%dma_start3A_257, %dma_start3A_258] : memref<10240x32xbf16, #tpu.memory_space<vmem_shared>> -> memref<10240x32xbf16, #tpu.memory_space<vmem_shared>>
    tpu.enqueue_indirect_dma source(%dma_start3A_259 : memref<10240x32xbf16, #tpu.memory_space<vmem_shared>>) target(%dma_start3A_249 : memref<128x32xbf16, #tpu.memory_space<vmem>>) offsets(%dma_start3A_256 : memref<128xi32, #tpu.memory_space<vmem>>) semaphore(%arg12 : memref<!tpu.dma_semaphore, #tpu.memory_space<semaphore_mem>>)
    %scan3A_260 = arith.constant 0 : i32
    %scan3A_261 = arith.constant 20 : i32
    %scan3A_262 = arith.addi %scan3A_260, %scan3A_261 : i32
    %scan3A_263 = arith.constant 1 : i32
    scf.for %scan3A_334 = %scan3A_260 to %scan3A_262 step %scan3A_263  : i32 {
      %mul3A_335 = arith.constant 4 : i32
      %mul3A_336 = arith.muli %scan3A_334, %mul3A_335 : i32
      %add3A_337 = arith.constant 0 : i32
      %add3A_338 = arith.addi %add3A_337, %mul3A_336 : i32
      %add3A_339 = arith.constant 0 : i32
      %add3A_340 = arith.addi %add3A_338, %add3A_339 : i32
      %dma_wait3A_341 = arith.constant 1 : i32
      %dma_wait3A_342 = arith.constant 0 : i32
      %dma_wait3A_343 = arith.constant 0 : i32
      %dma_wait3A_344 = arith.constant 0 : i32
      %dma_wait3A_345 = tpu.memref_slice %arg8[%dma_wait3A_342, %dma_wait3A_343, %dma_wait3A_344] : memref<4x128x32xbf16, #tpu.memory_space<vmem>> -> memref<1x128x32xbf16, #tpu.memory_space<vmem>>
      %dma_wait3A_346 = tpu.memref_squeeze %dma_wait3A_345 : memref<1x128x32xbf16, #tpu.memory_space<vmem>> -> memref<128x32xbf16, #tpu.memory_space<vmem>>
      %dma_wait3A_347 = arith.constant 0 : i32
      %dma_wait3A_348 = arith.constant 0 : i32
      %dma_wait3A_349 = tpu.memref_slice %arg6[%dma_wait3A_341, %dma_wait3A_347, %dma_wait3A_348] : memref<2x80x128xi32, #tpu.memory_space<vmem>> -> memref<1x80x128xi32, #tpu.memory_space<vmem>>
      %dma_wait3A_350 = tpu.memref_squeeze %dma_wait3A_349 : memref<1x80x128xi32, #tpu.memory_space<vmem>> -> memref<80x128xi32, #tpu.memory_space<vmem>>
      %dma_wait3A_351 = arith.constant 0 : i32
      %dma_wait3A_352 = tpu.memref_slice %dma_wait3A_350[%add3A_340, %dma_wait3A_351] : memref<80x128xi32, #tpu.memory_space<vmem>> -> memref<1x128xi32, #tpu.memory_space<vmem>>
      %dma_wait3A_353 = tpu.memref_squeeze %dma_wait3A_352 : memref<1x128xi32, #tpu.memory_space<vmem>> -> memref<128xi32, #tpu.memory_space<vmem>>
      %dma_wait3A_354 = arith.constant 0 : i32
      %dma_wait3A_355 = arith.constant 0 : i32
      %dma_wait3A_356 = tpu.memref_slice %arg10[%dma_wait3A_354, %dma_wait3A_355] : memref<10240x32xbf16, #tpu.memory_space<vmem_shared>> -> memref<10240x32xbf16, #tpu.memory_space<vmem_shared>>
      tpu.wait_indirect_dma semaphore(%arg11 : memref<!tpu.dma_semaphore, #tpu.memory_space<semaphore_mem>>) src(%dma_wait3A_356 : memref<10240x32xbf16, #tpu.memory_space<vmem_shared>>) dst(%dma_wait3A_346 : memref<128x32xbf16, #tpu.memory_space<vmem>>)
      %dma_start3A_357 = arith.constant 0 : i32
      %dma_start3A_358 = arith.constant 1 : i32
      %dma_start3A_359 = arith.constant 0 : i32
      %dma_start3A_360 = arith.constant 0 : i32
      %dma_start3A_361 = tpu.memref_slice %arg8[%dma_start3A_357, %dma_start3A_359, %dma_start3A_360] : memref<4x128x32xbf16, #tpu.memory_space<vmem>> -> memref<1x128x32xbf16, #tpu.memory_space<vmem>>
      %dma_start3A_362 = tpu.memref_squeeze %dma_start3A_361 : memref<1x128x32xbf16, #tpu.memory_space<vmem>> -> memref<128x32xbf16, #tpu.memory_space<vmem>>
      %dma_start3A_363 = arith.constant 0 : i32
      %dma_start3A_364 = arith.constant 0 : i32
      %dma_start3A_365 = tpu.memref_slice %arg7[%dma_start3A_358, %dma_start3A_363, %dma_start3A_364] : memref<2x80x128xi32, #tpu.memory_space<vmem>> -> memref<1x80x128xi32, #tpu.memory_space<vmem>>
      %dma_start3A_366 = tpu.memref_squeeze %dma_start3A_365 : memref<1x80x128xi32, #tpu.memory_space<vmem>> -> memref<80x128xi32, #tpu.memory_space<vmem>>
      %dma_start3A_367 = arith.constant 0 : i32
      %dma_start3A_368 = tpu.memref_slice %dma_start3A_366[%add3A_340, %dma_start3A_367] : memref<80x128xi32, #tpu.memory_space<vmem>> -> memref<1x128xi32, #tpu.memory_space<vmem>>
      %dma_start3A_369 = tpu.memref_squeeze %dma_start3A_368 : memref<1x128xi32, #tpu.memory_space<vmem>> -> memref<128xi32, #tpu.memory_space<vmem>>
      %dma_start3A_370 = arith.constant 0 : i32
      %dma_start3A_371 = arith.constant 0 : i32
      %dma_start3A_372 = tpu.memref_slice %arg9[%dma_start3A_370, %dma_start3A_371] : memref<10240x32xbf16, #tpu.memory_space<vmem_shared>> -> memref<10240x32xbf16, #tpu.memory_space<vmem_shared>>
      tpu.enqueue_indirect_dma source(%dma_start3A_362 : memref<128x32xbf16, #tpu.memory_space<vmem>>) target(%dma_start3A_372 : memref<10240x32xbf16, #tpu.memory_space<vmem_shared>>) offsets(%dma_start3A_369 : memref<128xi32, #tpu.memory_space<vmem>>) semaphore(%arg15 : memref<!tpu.dma_semaphore, #tpu.memory_space<semaphore_mem>>) {add = true}
      %add3A_373 = arith.constant 2 : i32
      %add3A_374 = arith.addi %add3A_340, %add3A_373 : i32
      %lt3A = arith.constant 80 : i32
      %lt3A_375 = arith.cmpi slt, %add3A_374, %lt3A : i32
      %convert_element_type3A = arith.extui %lt3A_375 : i1 to i32
      %cond3A = arith.constant 0 : i32
      %cond3A_376 = arith.cmpi ne, %convert_element_type3A, %cond3A : i32
      scf.if %cond3A_376 {
        %ge3A = arith.constant 4 : i32
        %ge3A_500 = arith.cmpi sge, %add3A_374, %ge3A : i32
        %convert_element_type3A_501 = arith.extui %ge3A_500 : i1 to i32
        %cond3A_502 = arith.constant 0 : i32
        %cond3A_503 = arith.cmpi ne, %convert_element_type3A_501, %cond3A_502 : i32
        scf.if %cond3A_503 {
          %dma_wait3A_520 = arith.constant 2 : i32
          %dma_wait3A_521 = arith.constant 1 : i32
          %dma_wait3A_522 = arith.constant 0 : i32
          %dma_wait3A_523 = arith.constant 0 : i32
          %dma_wait3A_524 = arith.constant 0 : i32
          %dma_wait3A_525 = tpu.memref_slice %arg8[%dma_wait3A_520, %dma_wait3A_523, %dma_wait3A_524] : memref<4x128x32xbf16, #tpu.memory_space<vmem>> -> memref<1x128x32xbf16, #tpu.memory_space<vmem>>
          %dma_wait3A_526 = tpu.memref_squeeze %dma_wait3A_525 : memref<1x128x32xbf16, #tpu.memory_space<vmem>> -> memref<128x32xbf16, #tpu.memory_space<vmem>>
          %dma_wait3A_527 = arith.constant 0 : i32
          %dma_wait3A_528 = arith.constant 0 : i32
          %dma_wait3A_529 = tpu.memref_slice %arg7[%dma_wait3A_521, %dma_wait3A_527, %dma_wait3A_528] : memref<2x80x128xi32, #tpu.memory_space<vmem>> -> memref<1x80x128xi32, #tpu.memory_space<vmem>>
          %dma_wait3A_530 = tpu.memref_squeeze %dma_wait3A_529 : memref<1x80x128xi32, #tpu.memory_space<vmem>> -> memref<80x128xi32, #tpu.memory_space<vmem>>
          %dma_wait3A_531 = arith.constant 0 : i32
          %dma_wait3A_532 = tpu.memref_slice %dma_wait3A_530[%dma_wait3A_522, %dma_wait3A_531] : memref<80x128xi32, #tpu.memory_space<vmem>> -> memref<1x128xi32, #tpu.memory_space<vmem>>
          %dma_wait3A_533 = tpu.memref_squeeze %dma_wait3A_532 : memref<1x128xi32, #tpu.memory_space<vmem>> -> memref<128xi32, #tpu.memory_space<vmem>>
          %dma_wait3A_534 = arith.constant 0 : i32
          %dma_wait3A_535 = arith.constant 0 : i32
          %dma_wait3A_536 = tpu.memref_slice %arg9[%dma_wait3A_534, %dma_wait3A_535] : memref<10240x32xbf16, #tpu.memory_space<vmem_shared>> -> memref<10240x32xbf16, #tpu.memory_space<vmem_shared>>
          tpu.wait_indirect_dma semaphore(%arg17 : memref<!tpu.dma_semaphore, #tpu.memory_space<semaphore_mem>>) src(%dma_wait3A_526 : memref<128x32xbf16, #tpu.memory_space<vmem>>) dst(%dma_wait3A_536 : memref<10240x32xbf16, #tpu.memory_space<vmem_shared>>)
        } else {
        }
        %dma_start3A_504 = arith.constant 1 : i32
        %dma_start3A_505 = arith.constant 2 : i32
        %dma_start3A_506 = arith.constant 0 : i32
        %dma_start3A_507 = arith.constant 0 : i32
        %dma_start3A_508 = tpu.memref_slice %arg8[%dma_start3A_505, %dma_start3A_506, %dma_start3A_507] : memref<4x128x32xbf16, #tpu.memory_space<vmem>> -> memref<1x128x32xbf16, #tpu.memory_space<vmem>>
        %dma_start3A_509 = tpu.memref_squeeze %dma_start3A_508 : memref<1x128x32xbf16, #tpu.memory_space<vmem>> -> memref<128x32xbf16, #tpu.memory_space<vmem>>
        %dma_start3A_510 = arith.constant 0 : i32
        %dma_start3A_511 = arith.constant 0 : i32
        %dma_start3A_512 = tpu.memref_slice %arg6[%dma_start3A_504, %dma_start3A_510, %dma_start3A_511] : memref<2x80x128xi32, #tpu.memory_space<vmem>> -> memref<1x80x128xi32, #tpu.memory_space<vmem>>
        %dma_start3A_513 = tpu.memref_squeeze %dma_start3A_512 : memref<1x80x128xi32, #tpu.memory_space<vmem>> -> memref<80x128xi32, #tpu.memory_space<vmem>>
        %dma_start3A_514 = arith.constant 0 : i32
        %dma_start3A_515 = tpu.memref_slice %dma_start3A_513[%add3A_374, %dma_start3A_514] : memref<80x128xi32, #tpu.memory_space<vmem>> -> memref<1x128xi32, #tpu.memory_space<vmem>>
        %dma_start3A_516 = tpu.memref_squeeze %dma_start3A_515 : memref<1x128xi32, #tpu.memory_space<vmem>> -> memref<128xi32, #tpu.memory_space<vmem>>
        %dma_start3A_517 = arith.constant 0 : i32
        %dma_start3A_518 = arith.constant 0 : i32
        %dma_start3A_519 = tpu.memref_slice %arg10[%dma_start3A_517, %dma_start3A_518] : memref<10240x32xbf16, #tpu.memory_space<vmem_shared>> -> memref<10240x32xbf16, #tpu.memory_space<vmem_shared>>
        tpu.enqueue_indirect_dma source(%dma_start3A_519 : memref<10240x32xbf16, #tpu.memory_space<vmem_shared>>) target(%dma_start3A_509 : memref<128x32xbf16, #tpu.memory_space<vmem>>) offsets(%dma_start3A_516 : memref<128xi32, #tpu.memory_space<vmem>>) semaphore(%arg13 : memref<!tpu.dma_semaphore, #tpu.memory_space<semaphore_mem>>)
      } else {
      }
      %add3A_377 = arith.constant 1 : i32
      %add3A_378 = arith.addi %add3A_338, %add3A_377 : i32
      %dma_wait3A_379 = arith.constant 1 : i32
      %dma_wait3A_380 = arith.constant 1 : i32
      %dma_wait3A_381 = arith.constant 0 : i32
      %dma_wait3A_382 = arith.constant 0 : i32
      %dma_wait3A_383 = tpu.memref_slice %arg8[%dma_wait3A_380, %dma_wait3A_381, %dma_wait3A_382] : memref<4x128x32xbf16, #tpu.memory_space<vmem>> -> memref<1x128x32xbf16, #tpu.memory_space<vmem>>
      %dma_wait3A_384 = tpu.memref_squeeze %dma_wait3A_383 : memref<1x128x32xbf16, #tpu.memory_space<vmem>> -> memref<128x32xbf16, #tpu.memory_space<vmem>>
      %dma_wait3A_385 = arith.constant 0 : i32
      %dma_wait3A_386 = arith.constant 0 : i32
      %dma_wait3A_387 = tpu.memref_slice %arg6[%dma_wait3A_379, %dma_wait3A_385, %dma_wait3A_386] : memref<2x80x128xi32, #tpu.memory_space<vmem>> -> memref<1x80x128xi32, #tpu.memory_space<vmem>>
      %dma_wait3A_388 = tpu.memref_squeeze %dma_wait3A_387 : memref<1x80x128xi32, #tpu.memory_space<vmem>> -> memref<80x128xi32, #tpu.memory_space<vmem>>
      %dma_wait3A_389 = arith.constant 0 : i32
      %dma_wait3A_390 = tpu.memref_slice %dma_wait3A_388[%add3A_378, %dma_wait3A_389] : memref<80x128xi32, #tpu.memory_space<vmem>> -> memref<1x128xi32, #tpu.memory_space<vmem>>
      %dma_wait3A_391 = tpu.memref_squeeze %dma_wait3A_390 : memref<1x128xi32, #tpu.memory_space<vmem>> -> memref<128xi32, #tpu.memory_space<vmem>>
      %dma_wait3A_392 = arith.constant 0 : i32
      %dma_wait3A_393 = arith.constant 0 : i32
      %dma_wait3A_394 = tpu.memref_slice %arg10[%dma_wait3A_392, %dma_wait3A_393] : memref<10240x32xbf16, #tpu.memory_space<vmem_shared>> -> memref<10240x32xbf16, #tpu.memory_space<vmem_shared>>
      tpu.wait_indirect_dma semaphore(%arg12 : memref<!tpu.dma_semaphore, #tpu.memory_space<semaphore_mem>>) src(%dma_wait3A_394 : memref<10240x32xbf16, #tpu.memory_space<vmem_shared>>) dst(%dma_wait3A_384 : memref<128x32xbf16, #tpu.memory_space<vmem>>)
      %dma_start3A_395 = arith.constant 1 : i32
      %dma_start3A_396 = arith.constant 1 : i32
      %dma_start3A_397 = arith.constant 0 : i32
      %dma_start3A_398 = arith.constant 0 : i32
      %dma_start3A_399 = tpu.memref_slice %arg8[%dma_start3A_395, %dma_start3A_397, %dma_start3A_398] : memref<4x128x32xbf16, #tpu.memory_space<vmem>> -> memref<1x128x32xbf16, #tpu.memory_space<vmem>>
      %dma_start3A_400 = tpu.memref_squeeze %dma_start3A_399 : memref<1x128x32xbf16, #tpu.memory_space<vmem>> -> memref<128x32xbf16, #tpu.memory_space<vmem>>
      %dma_start3A_401 = arith.constant 0 : i32
      %dma_start3A_402 = arith.constant 0 : i32
      %dma_start3A_403 = tpu.memref_slice %arg7[%dma_start3A_396, %dma_start3A_401, %dma_start3A_402] : memref<2x80x128xi32, #tpu.memory_space<vmem>> -> memref<1x80x128xi32, #tpu.memory_space<vmem>>
      %dma_start3A_404 = tpu.memref_squeeze %dma_start3A_403 : memref<1x80x128xi32, #tpu.memory_space<vmem>> -> memref<80x128xi32, #tpu.memory_space<vmem>>
      %dma_start3A_405 = arith.constant 0 : i32
      %dma_start3A_406 = tpu.memref_slice %dma_start3A_404[%add3A_378, %dma_start3A_405] : memref<80x128xi32, #tpu.memory_space<vmem>> -> memref<1x128xi32, #tpu.memory_space<vmem>>
      %dma_start3A_407 = tpu.memref_squeeze %dma_start3A_406 : memref<1x128xi32, #tpu.memory_space<vmem>> -> memref<128xi32, #tpu.memory_space<vmem>>
      %dma_start3A_408 = arith.constant 0 : i32
      %dma_start3A_409 = arith.constant 0 : i32
      %dma_start3A_410 = tpu.memref_slice %arg9[%dma_start3A_408, %dma_start3A_409] : memref<10240x32xbf16, #tpu.memory_space<vmem_shared>> -> memref<10240x32xbf16, #tpu.memory_space<vmem_shared>>
      tpu.enqueue_indirect_dma source(%dma_start3A_400 : memref<128x32xbf16, #tpu.memory_space<vmem>>) target(%dma_start3A_410 : memref<10240x32xbf16, #tpu.memory_space<vmem_shared>>) offsets(%dma_start3A_407 : memref<128xi32, #tpu.memory_space<vmem>>) semaphore(%arg16 : memref<!tpu.dma_semaphore, #tpu.memory_space<semaphore_mem>>) {add = true}
      %add3A_411 = arith.constant 2 : i32
      %add3A_412 = arith.addi %add3A_378, %add3A_411 : i32
      %lt3A_413 = arith.constant 80 : i32
      %lt3A_414 = arith.cmpi slt, %add3A_412, %lt3A_413 : i32
      %convert_element_type3A_415 = arith.extui %lt3A_414 : i1 to i32
      %cond3A_416 = arith.constant 0 : i32
      %cond3A_417 = arith.cmpi ne, %convert_element_type3A_415, %cond3A_416 : i32
      scf.if %cond3A_417 {
        %ge3A = arith.constant 4 : i32
        %ge3A_500 = arith.cmpi sge, %add3A_412, %ge3A : i32
        %convert_element_type3A_501 = arith.extui %ge3A_500 : i1 to i32
        %cond3A_502 = arith.constant 0 : i32
        %cond3A_503 = arith.cmpi ne, %convert_element_type3A_501, %cond3A_502 : i32
        scf.if %cond3A_503 {
          %dma_wait3A_520 = arith.constant 3 : i32
          %dma_wait3A_521 = arith.constant 1 : i32
          %dma_wait3A_522 = arith.constant 0 : i32
          %dma_wait3A_523 = arith.constant 0 : i32
          %dma_wait3A_524 = arith.constant 0 : i32
          %dma_wait3A_525 = tpu.memref_slice %arg8[%dma_wait3A_520, %dma_wait3A_523, %dma_wait3A_524] : memref<4x128x32xbf16, #tpu.memory_space<vmem>> -> memref<1x128x32xbf16, #tpu.memory_space<vmem>>
          %dma_wait3A_526 = tpu.memref_squeeze %dma_wait3A_525 : memref<1x128x32xbf16, #tpu.memory_space<vmem>> -> memref<128x32xbf16, #tpu.memory_space<vmem>>
          %dma_wait3A_527 = arith.constant 0 : i32
          %dma_wait3A_528 = arith.constant 0 : i32
          %dma_wait3A_529 = tpu.memref_slice %arg7[%dma_wait3A_521, %dma_wait3A_527, %dma_wait3A_528] : memref<2x80x128xi32, #tpu.memory_space<vmem>> -> memref<1x80x128xi32, #tpu.memory_space<vmem>>
          %dma_wait3A_530 = tpu.memref_squeeze %dma_wait3A_529 : memref<1x80x128xi32, #tpu.memory_space<vmem>> -> memref<80x128xi32, #tpu.memory_space<vmem>>
          %dma_wait3A_531 = arith.constant 0 : i32
          %dma_wait3A_532 = tpu.memref_slice %dma_wait3A_530[%dma_wait3A_522, %dma_wait3A_531] : memref<80x128xi32, #tpu.memory_space<vmem>> -> memref<1x128xi32, #tpu.memory_space<vmem>>
          %dma_wait3A_533 = tpu.memref_squeeze %dma_wait3A_532 : memref<1x128xi32, #tpu.memory_space<vmem>> -> memref<128xi32, #tpu.memory_space<vmem>>
          %dma_wait3A_534 = arith.constant 0 : i32
          %dma_wait3A_535 = arith.constant 0 : i32
          %dma_wait3A_536 = tpu.memref_slice %arg9[%dma_wait3A_534, %dma_wait3A_535] : memref<10240x32xbf16, #tpu.memory_space<vmem_shared>> -> memref<10240x32xbf16, #tpu.memory_space<vmem_shared>>
          tpu.wait_indirect_dma semaphore(%arg18 : memref<!tpu.dma_semaphore, #tpu.memory_space<semaphore_mem>>) src(%dma_wait3A_526 : memref<128x32xbf16, #tpu.memory_space<vmem>>) dst(%dma_wait3A_536 : memref<10240x32xbf16, #tpu.memory_space<vmem_shared>>)
        } else {
        }
        %dma_start3A_504 = arith.constant 1 : i32
        %dma_start3A_505 = arith.constant 3 : i32
        %dma_start3A_506 = arith.constant 0 : i32
        %dma_start3A_507 = arith.constant 0 : i32
        %dma_start3A_508 = tpu.memref_slice %arg8[%dma_start3A_505, %dma_start3A_506, %dma_start3A_507] : memref<4x128x32xbf16, #tpu.memory_space<vmem>> -> memref<1x128x32xbf16, #tpu.memory_space<vmem>>
        %dma_start3A_509 = tpu.memref_squeeze %dma_start3A_508 : memref<1x128x32xbf16, #tpu.memory_space<vmem>> -> memref<128x32xbf16, #tpu.memory_space<vmem>>
        %dma_start3A_510 = arith.constant 0 : i32
        %dma_start3A_511 = arith.constant 0 : i32
        %dma_start3A_512 = tpu.memref_slice %arg6[%dma_start3A_504, %dma_start3A_510, %dma_start3A_511] : memref<2x80x128xi32, #tpu.memory_space<vmem>> -> memref<1x80x128xi32, #tpu.memory_space<vmem>>
        %dma_start3A_513 = tpu.memref_squeeze %dma_start3A_512 : memref<1x80x128xi32, #tpu.memory_space<vmem>> -> memref<80x128xi32, #tpu.memory_space<vmem>>
        %dma_start3A_514 = arith.constant 0 : i32
        %dma_start3A_515 = tpu.memref_slice %dma_start3A_513[%add3A_412, %dma_start3A_514] : memref<80x128xi32, #tpu.memory_space<vmem>> -> memref<1x128xi32, #tpu.memory_space<vmem>>
        %dma_start3A_516 = tpu.memref_squeeze %dma_start3A_515 : memref<1x128xi32, #tpu.memory_space<vmem>> -> memref<128xi32, #tpu.memory_space<vmem>>
        %dma_start3A_517 = arith.constant 0 : i32
        %dma_start3A_518 = arith.constant 0 : i32
        %dma_start3A_519 = tpu.memref_slice %arg10[%dma_start3A_517, %dma_start3A_518] : memref<10240x32xbf16, #tpu.memory_space<vmem_shared>> -> memref<10240x32xbf16, #tpu.memory_space<vmem_shared>>
        tpu.enqueue_indirect_dma source(%dma_start3A_519 : memref<10240x32xbf16, #tpu.memory_space<vmem_shared>>) target(%dma_start3A_509 : memref<128x32xbf16, #tpu.memory_space<vmem>>) offsets(%dma_start3A_516 : memref<128xi32, #tpu.memory_space<vmem>>) semaphore(%arg14 : memref<!tpu.dma_semaphore, #tpu.memory_space<semaphore_mem>>)
      } else {
      }
      %add3A_418 = arith.constant 2 : i32
      %add3A_419 = arith.addi %add3A_338, %add3A_418 : i32
      %dma_wait3A_420 = arith.constant 1 : i32
      %dma_wait3A_421 = arith.constant 2 : i32
      %dma_wait3A_422 = arith.constant 0 : i32
      %dma_wait3A_423 = arith.constant 0 : i32
      %dma_wait3A_424 = tpu.memref_slice %arg8[%dma_wait3A_421, %dma_wait3A_422, %dma_wait3A_423] : memref<4x128x32xbf16, #tpu.memory_space<vmem>> -> memref<1x128x32xbf16, #tpu.memory_space<vmem>>
      %dma_wait3A_425 = tpu.memref_squeeze %dma_wait3A_424 : memref<1x128x32xbf16, #tpu.memory_space<vmem>> -> memref<128x32xbf16, #tpu.memory_space<vmem>>
      %dma_wait3A_426 = arith.constant 0 : i32
      %dma_wait3A_427 = arith.constant 0 : i32
      %dma_wait3A_428 = tpu.memref_slice %arg6[%dma_wait3A_420, %dma_wait3A_426, %dma_wait3A_427] : memref<2x80x128xi32, #tpu.memory_space<vmem>> -> memref<1x80x128xi32, #tpu.memory_space<vmem>>
      %dma_wait3A_429 = tpu.memref_squeeze %dma_wait3A_428 : memref<1x80x128xi32, #tpu.memory_space<vmem>> -> memref<80x128xi32, #tpu.memory_space<vmem>>
      %dma_wait3A_430 = arith.constant 0 : i32
      %dma_wait3A_431 = tpu.memref_slice %dma_wait3A_429[%add3A_419, %dma_wait3A_430] : memref<80x128xi32, #tpu.memory_space<vmem>> -> memref<1x128xi32, #tpu.memory_space<vmem>>
      %dma_wait3A_432 = tpu.memref_squeeze %dma_wait3A_431 : memref<1x128xi32, #tpu.memory_space<vmem>> -> memref<128xi32, #tpu.memory_space<vmem>>
      %dma_wait3A_433 = arith.constant 0 : i32
      %dma_wait3A_434 = arith.constant 0 : i32
      %dma_wait3A_435 = tpu.memref_slice %arg10[%dma_wait3A_433, %dma_wait3A_434] : memref<10240x32xbf16, #tpu.memory_space<vmem_shared>> -> memref<10240x32xbf16, #tpu.memory_space<vmem_shared>>
      tpu.wait_indirect_dma semaphore(%arg13 : memref<!tpu.dma_semaphore, #tpu.memory_space<semaphore_mem>>) src(%dma_wait3A_435 : memref<10240x32xbf16, #tpu.memory_space<vmem_shared>>) dst(%dma_wait3A_425 : memref<128x32xbf16, #tpu.memory_space<vmem>>)
      %dma_start3A_436 = arith.constant 2 : i32
      %dma_start3A_437 = arith.constant 1 : i32
      %dma_start3A_438 = arith.constant 0 : i32
      %dma_start3A_439 = arith.constant 0 : i32
      %dma_start3A_440 = tpu.memref_slice %arg8[%dma_start3A_436, %dma_start3A_438, %dma_start3A_439] : memref<4x128x32xbf16, #tpu.memory_space<vmem>> -> memref<1x128x32xbf16, #tpu.memory_space<vmem>>
      %dma_start3A_441 = tpu.memref_squeeze %dma_start3A_440 : memref<1x128x32xbf16, #tpu.memory_space<vmem>> -> memref<128x32xbf16, #tpu.memory_space<vmem>>
      %dma_start3A_442 = arith.constant 0 : i32
      %dma_start3A_443 = arith.constant 0 : i32
      %dma_start3A_444 = tpu.memref_slice %arg7[%dma_start3A_437, %dma_start3A_442, %dma_start3A_443] : memref<2x80x128xi32, #tpu.memory_space<vmem>> -> memref<1x80x128xi32, #tpu.memory_space<vmem>>
      %dma_start3A_445 = tpu.memref_squeeze %dma_start3A_444 : memref<1x80x128xi32, #tpu.memory_space<vmem>> -> memref<80x128xi32, #tpu.memory_space<vmem>>
      %dma_start3A_446 = arith.constant 0 : i32
      %dma_start3A_447 = tpu.memref_slice %dma_start3A_445[%add3A_419, %dma_start3A_446] : memref<80x128xi32, #tpu.memory_space<vmem>> -> memref<1x128xi32, #tpu.memory_space<vmem>>
      %dma_start3A_448 = tpu.memref_squeeze %dma_start3A_447 : memref<1x128xi32, #tpu.memory_space<vmem>> -> memref<128xi32, #tpu.memory_space<vmem>>
      %dma_start3A_449 = arith.constant 0 : i32
      %dma_start3A_450 = arith.constant 0 : i32
      %dma_start3A_451 = tpu.memref_slice %arg9[%dma_start3A_449, %dma_start3A_450] : memref<10240x32xbf16, #tpu.memory_space<vmem_shared>> -> memref<10240x32xbf16, #tpu.memory_space<vmem_shared>>
      tpu.enqueue_indirect_dma source(%dma_start3A_441 : memref<128x32xbf16, #tpu.memory_space<vmem>>) target(%dma_start3A_451 : memref<10240x32xbf16, #tpu.memory_space<vmem_shared>>) offsets(%dma_start3A_448 : memref<128xi32, #tpu.memory_space<vmem>>) semaphore(%arg17 : memref<!tpu.dma_semaphore, #tpu.memory_space<semaphore_mem>>) {add = true}
      %add3A_452 = arith.constant 2 : i32
      %add3A_453 = arith.addi %add3A_419, %add3A_452 : i32
      %lt3A_454 = arith.constant 80 : i32
      %lt3A_455 = arith.cmpi slt, %add3A_453, %lt3A_454 : i32
      %convert_element_type3A_456 = arith.extui %lt3A_455 : i1 to i32
      %cond3A_457 = arith.constant 0 : i32
      %cond3A_458 = arith.cmpi ne, %convert_element_type3A_456, %cond3A_457 : i32
      scf.if %cond3A_458 {
        %ge3A = arith.constant 4 : i32
        %ge3A_500 = arith.cmpi sge, %add3A_453, %ge3A : i32
        %convert_element_type3A_501 = arith.extui %ge3A_500 : i1 to i32
        %cond3A_502 = arith.constant 0 : i32
        %cond3A_503 = arith.cmpi ne, %convert_element_type3A_501, %cond3A_502 : i32
        scf.if %cond3A_503 {
          %dma_wait3A_520 = arith.constant 0 : i32
          %dma_wait3A_521 = arith.constant 1 : i32
          %dma_wait3A_522 = arith.constant 0 : i32
          %dma_wait3A_523 = arith.constant 0 : i32
          %dma_wait3A_524 = arith.constant 0 : i32
          %dma_wait3A_525 = tpu.memref_slice %arg8[%dma_wait3A_520, %dma_wait3A_523, %dma_wait3A_524] : memref<4x128x32xbf16, #tpu.memory_space<vmem>> -> memref<1x128x32xbf16, #tpu.memory_space<vmem>>
          %dma_wait3A_526 = tpu.memref_squeeze %dma_wait3A_525 : memref<1x128x32xbf16, #tpu.memory_space<vmem>> -> memref<128x32xbf16, #tpu.memory_space<vmem>>
          %dma_wait3A_527 = arith.constant 0 : i32
          %dma_wait3A_528 = arith.constant 0 : i32
          %dma_wait3A_529 = tpu.memref_slice %arg7[%dma_wait3A_521, %dma_wait3A_527, %dma_wait3A_528] : memref<2x80x128xi32, #tpu.memory_space<vmem>> -> memref<1x80x128xi32, #tpu.memory_space<vmem>>
          %dma_wait3A_530 = tpu.memref_squeeze %dma_wait3A_529 : memref<1x80x128xi32, #tpu.memory_space<vmem>> -> memref<80x128xi32, #tpu.memory_space<vmem>>
          %dma_wait3A_531 = arith.constant 0 : i32
          %dma_wait3A_532 = tpu.memref_slice %dma_wait3A_530[%dma_wait3A_522, %dma_wait3A_531] : memref<80x128xi32, #tpu.memory_space<vmem>> -> memref<1x128xi32, #tpu.memory_space<vmem>>
          %dma_wait3A_533 = tpu.memref_squeeze %dma_wait3A_532 : memref<1x128xi32, #tpu.memory_space<vmem>> -> memref<128xi32, #tpu.memory_space<vmem>>
          %dma_wait3A_534 = arith.constant 0 : i32
          %dma_wait3A_535 = arith.constant 0 : i32
          %dma_wait3A_536 = tpu.memref_slice %arg9[%dma_wait3A_534, %dma_wait3A_535] : memref<10240x32xbf16, #tpu.memory_space<vmem_shared>> -> memref<10240x32xbf16, #tpu.memory_space<vmem_shared>>
          tpu.wait_indirect_dma semaphore(%arg15 : memref<!tpu.dma_semaphore, #tpu.memory_space<semaphore_mem>>) src(%dma_wait3A_526 : memref<128x32xbf16, #tpu.memory_space<vmem>>) dst(%dma_wait3A_536 : memref<10240x32xbf16, #tpu.memory_space<vmem_shared>>)
        } else {
        }
        %dma_start3A_504 = arith.constant 1 : i32
        %dma_start3A_505 = arith.constant 0 : i32
        %dma_start3A_506 = arith.constant 0 : i32
        %dma_start3A_507 = arith.constant 0 : i32
        %dma_start3A_508 = tpu.memref_slice %arg8[%dma_start3A_505, %dma_start3A_506, %dma_start3A_507] : memref<4x128x32xbf16, #tpu.memory_space<vmem>> -> memref<1x128x32xbf16, #tpu.memory_space<vmem>>
        %dma_start3A_509 = tpu.memref_squeeze %dma_start3A_508 : memref<1x128x32xbf16, #tpu.memory_space<vmem>> -> memref<128x32xbf16, #tpu.memory_space<vmem>>
        %dma_start3A_510 = arith.constant 0 : i32
        %dma_start3A_511 = arith.constant 0 : i32
        %dma_start3A_512 = tpu.memref_slice %arg6[%dma_start3A_504, %dma_start3A_510, %dma_start3A_511] : memref<2x80x128xi32, #tpu.memory_space<vmem>> -> memref<1x80x128xi32, #tpu.memory_space<vmem>>
        %dma_start3A_513 = tpu.memref_squeeze %dma_start3A_512 : memref<1x80x128xi32, #tpu.memory_space<vmem>> -> memref<80x128xi32, #tpu.memory_space<vmem>>
        %dma_start3A_514 = arith.constant 0 : i32
        %dma_start3A_515 = tpu.memref_slice %dma_start3A_513[%add3A_453, %dma_start3A_514] : memref<80x128xi32, #tpu.memory_space<vmem>> -> memref<1x128xi32, #tpu.memory_space<vmem>>
        %dma_start3A_516 = tpu.memref_squeeze %dma_start3A_515 : memref<1x128xi32, #tpu.memory_space<vmem>> -> memref<128xi32, #tpu.memory_space<vmem>>
        %dma_start3A_517 = arith.constant 0 : i32
        %dma_start3A_518 = arith.constant 0 : i32
        %dma_start3A_519 = tpu.memref_slice %arg10[%dma_start3A_517, %dma_start3A_518] : memref<10240x32xbf16, #tpu.memory_space<vmem_shared>> -> memref<10240x32xbf16, #tpu.memory_space<vmem_shared>>
        tpu.enqueue_indirect_dma source(%dma_start3A_519 : memref<10240x32xbf16, #tpu.memory_space<vmem_shared>>) target(%dma_start3A_509 : memref<128x32xbf16, #tpu.memory_space<vmem>>) offsets(%dma_start3A_516 : memref<128xi32, #tpu.memory_space<vmem>>) semaphore(%arg11 : memref<!tpu.dma_semaphore, #tpu.memory_space<semaphore_mem>>)
      } else {
      }
      %add3A_459 = arith.constant 3 : i32
      %add3A_460 = arith.addi %add3A_338, %add3A_459 : i32
      %dma_wait3A_461 = arith.constant 1 : i32
      %dma_wait3A_462 = arith.constant 3 : i32
      %dma_wait3A_463 = arith.constant 0 : i32
      %dma_wait3A_464 = arith.constant 0 : i32
      %dma_wait3A_465 = tpu.memref_slice %arg8[%dma_wait3A_462, %dma_wait3A_463, %dma_wait3A_464] : memref<4x128x32xbf16, #tpu.memory_space<vmem>> -> memref<1x128x32xbf16, #tpu.memory_space<vmem>>
      %dma_wait3A_466 = tpu.memref_squeeze %dma_wait3A_465 : memref<1x128x32xbf16, #tpu.memory_space<vmem>> -> memref<128x32xbf16, #tpu.memory_space<vmem>>
      %dma_wait3A_467 = arith.constant 0 : i32
      %dma_wait3A_468 = arith.constant 0 : i32
      %dma_wait3A_469 = tpu.memref_slice %arg6[%dma_wait3A_461, %dma_wait3A_467, %dma_wait3A_468] : memref<2x80x128xi32, #tpu.memory_space<vmem>> -> memref<1x80x128xi32, #tpu.memory_space<vmem>>
      %dma_wait3A_470 = tpu.memref_squeeze %dma_wait3A_469 : memref<1x80x128xi32, #tpu.memory_space<vmem>> -> memref<80x128xi32, #tpu.memory_space<vmem>>
      %dma_wait3A_471 = arith.constant 0 : i32
      %dma_wait3A_472 = tpu.memref_slice %dma_wait3A_470[%add3A_460, %dma_wait3A_471] : memref<80x128xi32, #tpu.memory_space<vmem>> -> memref<1x128xi32, #tpu.memory_space<vmem>>
      %dma_wait3A_473 = tpu.memref_squeeze %dma_wait3A_472 : memref<1x128xi32, #tpu.memory_space<vmem>> -> memref<128xi32, #tpu.memory_space<vmem>>
      %dma_wait3A_474 = arith.constant 0 : i32
      %dma_wait3A_475 = arith.constant 0 : i32
      %dma_wait3A_476 = tpu.memref_slice %arg10[%dma_wait3A_474, %dma_wait3A_475] : memref<10240x32xbf16, #tpu.memory_space<vmem_shared>> -> memref<10240x32xbf16, #tpu.memory_space<vmem_shared>>
      tpu.wait_indirect_dma semaphore(%arg14 : memref<!tpu.dma_semaphore, #tpu.memory_space<semaphore_mem>>) src(%dma_wait3A_476 : memref<10240x32xbf16, #tpu.memory_space<vmem_shared>>) dst(%dma_wait3A_466 : memref<128x32xbf16, #tpu.memory_space<vmem>>)
      %dma_start3A_477 = arith.constant 3 : i32
      %dma_start3A_478 = arith.constant 1 : i32
      %dma_start3A_479 = arith.constant 0 : i32
      %dma_start3A_480 = arith.constant 0 : i32
      %dma_start3A_481 = tpu.memref_slice %arg8[%dma_start3A_477, %dma_start3A_479, %dma_start3A_480] : memref<4x128x32xbf16, #tpu.memory_space<vmem>> -> memref<1x128x32xbf16, #tpu.memory_space<vmem>>
      %dma_start3A_482 = tpu.memref_squeeze %dma_start3A_481 : memref<1x128x32xbf16, #tpu.memory_space<vmem>> -> memref<128x32xbf16, #tpu.memory_space<vmem>>
      %dma_start3A_483 = arith.constant 0 : i32
      %dma_start3A_484 = arith.constant 0 : i32
      %dma_start3A_485 = tpu.memref_slice %arg7[%dma_start3A_478, %dma_start3A_483, %dma_start3A_484] : memref<2x80x128xi32, #tpu.memory_space<vmem>> -> memref<1x80x128xi32, #tpu.memory_space<vmem>>
      %dma_start3A_486 = tpu.memref_squeeze %dma_start3A_485 : memref<1x80x128xi32, #tpu.memory_space<vmem>> -> memref<80x128xi32, #tpu.memory_space<vmem>>
      %dma_start3A_487 = arith.constant 0 : i32
      %dma_start3A_488 = tpu.memref_slice %dma_start3A_486[%add3A_460, %dma_start3A_487] : memref<80x128xi32, #tpu.memory_space<vmem>> -> memref<1x128xi32, #tpu.memory_space<vmem>>
      %dma_start3A_489 = tpu.memref_squeeze %dma_start3A_488 : memref<1x128xi32, #tpu.memory_space<vmem>> -> memref<128xi32, #tpu.memory_space<vmem>>
      %dma_start3A_490 = arith.constant 0 : i32
      %dma_start3A_491 = arith.constant 0 : i32
      %dma_start3A_492 = tpu.memref_slice %arg9[%dma_start3A_490, %dma_start3A_491] : memref<10240x32xbf16, #tpu.memory_space<vmem_shared>> -> memref<10240x32xbf16, #tpu.memory_space<vmem_shared>>
      tpu.enqueue_indirect_dma source(%dma_start3A_482 : memref<128x32xbf16, #tpu.memory_space<vmem>>) target(%dma_start3A_492 : memref<10240x32xbf16, #tpu.memory_space<vmem_shared>>) offsets(%dma_start3A_489 : memref<128xi32, #tpu.memory_space<vmem>>) semaphore(%arg18 : memref<!tpu.dma_semaphore, #tpu.memory_space<semaphore_mem>>) {add = true}
      %add3A_493 = arith.constant 2 : i32
      %add3A_494 = arith.addi %add3A_460, %add3A_493 : i32
      %lt3A_495 = arith.constant 80 : i32
      %lt3A_496 = arith.cmpi slt, %add3A_494, %lt3A_495 : i32
      %convert_element_type3A_497 = arith.extui %lt3A_496 : i1 to i32
      %cond3A_498 = arith.constant 0 : i32
      %cond3A_499 = arith.cmpi ne, %convert_element_type3A_497, %cond3A_498 : i32
      scf.if %cond3A_499 {
        %ge3A = arith.constant 4 : i32
        %ge3A_500 = arith.cmpi sge, %add3A_494, %ge3A : i32
        %convert_element_type3A_501 = arith.extui %ge3A_500 : i1 to i32
        %cond3A_502 = arith.constant 0 : i32
        %cond3A_503 = arith.cmpi ne, %convert_element_type3A_501, %cond3A_502 : i32
        scf.if %cond3A_503 {
          %dma_wait3A_520 = arith.constant 1 : i32
          %dma_wait3A_521 = arith.constant 1 : i32
          %dma_wait3A_522 = arith.constant 0 : i32
          %dma_wait3A_523 = arith.constant 0 : i32
          %dma_wait3A_524 = arith.constant 0 : i32
          %dma_wait3A_525 = tpu.memref_slice %arg8[%dma_wait3A_520, %dma_wait3A_523, %dma_wait3A_524] : memref<4x128x32xbf16, #tpu.memory_space<vmem>> -> memref<1x128x32xbf16, #tpu.memory_space<vmem>>
          %dma_wait3A_526 = tpu.memref_squeeze %dma_wait3A_525 : memref<1x128x32xbf16, #tpu.memory_space<vmem>> -> memref<128x32xbf16, #tpu.memory_space<vmem>>
          %dma_wait3A_527 = arith.constant 0 : i32
          %dma_wait3A_528 = arith.constant 0 : i32
          %dma_wait3A_529 = tpu.memref_slice %arg7[%dma_wait3A_521, %dma_wait3A_527, %dma_wait3A_528] : memref<2x80x128xi32, #tpu.memory_space<vmem>> -> memref<1x80x128xi32, #tpu.memory_space<vmem>>
          %dma_wait3A_530 = tpu.memref_squeeze %dma_wait3A_529 : memref<1x80x128xi32, #tpu.memory_space<vmem>> -> memref<80x128xi32, #tpu.memory_space<vmem>>
          %dma_wait3A_531 = arith.constant 0 : i32
          %dma_wait3A_532 = tpu.memref_slice %dma_wait3A_530[%dma_wait3A_522, %dma_wait3A_531] : memref<80x128xi32, #tpu.memory_space<vmem>> -> memref<1x128xi32, #tpu.memory_space<vmem>>
          %dma_wait3A_533 = tpu.memref_squeeze %dma_wait3A_532 : memref<1x128xi32, #tpu.memory_space<vmem>> -> memref<128xi32, #tpu.memory_space<vmem>>
          %dma_wait3A_534 = arith.constant 0 : i32
          %dma_wait3A_535 = arith.constant 0 : i32
          %dma_wait3A_536 = tpu.memref_slice %arg9[%dma_wait3A_534, %dma_wait3A_535] : memref<10240x32xbf16, #tpu.memory_space<vmem_shared>> -> memref<10240x32xbf16, #tpu.memory_space<vmem_shared>>
          tpu.wait_indirect_dma semaphore(%arg16 : memref<!tpu.dma_semaphore, #tpu.memory_space<semaphore_mem>>) src(%dma_wait3A_526 : memref<128x32xbf16, #tpu.memory_space<vmem>>) dst(%dma_wait3A_536 : memref<10240x32xbf16, #tpu.memory_space<vmem_shared>>)
        } else {
        }
        %dma_start3A_504 = arith.constant 1 : i32
        %dma_start3A_505 = arith.constant 1 : i32
        %dma_start3A_506 = arith.constant 0 : i32
        %dma_start3A_507 = arith.constant 0 : i32
        %dma_start3A_508 = tpu.memref_slice %arg8[%dma_start3A_505, %dma_start3A_506, %dma_start3A_507] : memref<4x128x32xbf16, #tpu.memory_space<vmem>> -> memref<1x128x32xbf16, #tpu.memory_space<vmem>>
        %dma_start3A_509 = tpu.memref_squeeze %dma_start3A_508 : memref<1x128x32xbf16, #tpu.memory_space<vmem>> -> memref<128x32xbf16, #tpu.memory_space<vmem>>
        %dma_start3A_510 = arith.constant 0 : i32
        %dma_start3A_511 = arith.constant 0 : i32
        %dma_start3A_512 = tpu.memref_slice %arg6[%dma_start3A_504, %dma_start3A_510, %dma_start3A_511] : memref<2x80x128xi32, #tpu.memory_space<vmem>> -> memref<1x80x128xi32, #tpu.memory_space<vmem>>
        %dma_start3A_513 = tpu.memref_squeeze %dma_start3A_512 : memref<1x80x128xi32, #tpu.memory_space<vmem>> -> memref<80x128xi32, #tpu.memory_space<vmem>>
        %dma_start3A_514 = arith.constant 0 : i32
        %dma_start3A_515 = tpu.memref_slice %dma_start3A_513[%add3A_494, %dma_start3A_514] : memref<80x128xi32, #tpu.memory_space<vmem>> -> memref<1x128xi32, #tpu.memory_space<vmem>>
        %dma_start3A_516 = tpu.memref_squeeze %dma_start3A_515 : memref<1x128xi32, #tpu.memory_space<vmem>> -> memref<128xi32, #tpu.memory_space<vmem>>
        %dma_start3A_517 = arith.constant 0 : i32
        %dma_start3A_518 = arith.constant 0 : i32
        %dma_start3A_519 = tpu.memref_slice %arg10[%dma_start3A_517, %dma_start3A_518] : memref<10240x32xbf16, #tpu.memory_space<vmem_shared>> -> memref<10240x32xbf16, #tpu.memory_space<vmem_shared>>
        tpu.enqueue_indirect_dma source(%dma_start3A_519 : memref<10240x32xbf16, #tpu.memory_space<vmem_shared>>) target(%dma_start3A_509 : memref<128x32xbf16, #tpu.memory_space<vmem>>) offsets(%dma_start3A_516 : memref<128xi32, #tpu.memory_space<vmem>>) semaphore(%arg12 : memref<!tpu.dma_semaphore, #tpu.memory_space<semaphore_mem>>)
      } else {
      }
    }
    %scan3A_264 = arith.constant 20 : i32
    %dma_wait3A_265 = arith.constant 0 : i32
    %dma_wait3A_266 = arith.constant 1 : i32
    %dma_wait3A_267 = arith.constant 0 : i32
    %dma_wait3A_268 = arith.constant 0 : i32
    %dma_wait3A_269 = arith.constant 0 : i32
    %dma_wait3A_270 = tpu.memref_slice %arg8[%dma_wait3A_265, %dma_wait3A_268, %dma_wait3A_269] : memref<4x128x32xbf16, #tpu.memory_space<vmem>> -> memref<1x128x32xbf16, #tpu.memory_space<vmem>>
    %dma_wait3A_271 = tpu.memref_squeeze %dma_wait3A_270 : memref<1x128x32xbf16, #tpu.memory_space<vmem>> -> memref<128x32xbf16, #tpu.memory_space<vmem>>
    %dma_wait3A_272 = arith.constant 0 : i32
    %dma_wait3A_273 = arith.constant 0 : i32
    %dma_wait3A_274 = tpu.memref_slice %arg7[%dma_wait3A_266, %dma_wait3A_272, %dma_wait3A_273] : memref<2x80x128xi32, #tpu.memory_space<vmem>> -> memref<1x80x128xi32, #tpu.memory_space<vmem>>
    %dma_wait3A_275 = tpu.memref_squeeze %dma_wait3A_274 : memref<1x80x128xi32, #tpu.memory_space<vmem>> -> memref<80x128xi32, #tpu.memory_space<vmem>>
    %dma_wait3A_276 = arith.constant 0 : i32
    %dma_wait3A_277 = tpu.memref_slice %dma_wait3A_275[%dma_wait3A_267, %dma_wait3A_276] : memref<80x128xi32, #tpu.memory_space<vmem>> -> memref<1x128xi32, #tpu.memory_space<vmem>>
    %dma_wait3A_278 = tpu.memref_squeeze %dma_wait3A_277 : memref<1x128xi32, #tpu.memory_space<vmem>> -> memref<128xi32, #tpu.memory_space<vmem>>
    %dma_wait3A_279 = arith.constant 0 : i32
    %dma_wait3A_280 = arith.constant 0 : i32
    %dma_wait3A_281 = tpu.memref_slice %arg9[%dma_wait3A_279, %dma_wait3A_280] : memref<10240x32xbf16, #tpu.memory_space<vmem_shared>> -> memref<10240x32xbf16, #tpu.memory_space<vmem_shared>>
    tpu.wait_indirect_dma semaphore(%arg15 : memref<!tpu.dma_semaphore, #tpu.memory_space<semaphore_mem>>) src(%dma_wait3A_271 : memref<128x32xbf16, #tpu.memory_space<vmem>>) dst(%dma_wait3A_281 : memref<10240x32xbf16, #tpu.memory_space<vmem_shared>>)
    %dma_wait3A_282 = arith.constant 1 : i32
    %dma_wait3A_283 = arith.constant 1 : i32
    %dma_wait3A_284 = arith.constant 0 : i32
    %dma_wait3A_285 = arith.constant 0 : i32
    %dma_wait3A_286 = arith.constant 0 : i32
    %dma_wait3A_287 = tpu.memref_slice %arg8[%dma_wait3A_282, %dma_wait3A_285, %dma_wait3A_286] : memref<4x128x32xbf16, #tpu.memory_space<vmem>> -> memref<1x128x32xbf16, #tpu.memory_space<vmem>>
    %dma_wait3A_288 = tpu.memref_squeeze %dma_wait3A_287 : memref<1x128x32xbf16, #tpu.memory_space<vmem>> -> memref<128x32xbf16, #tpu.memory_space<vmem>>
    %dma_wait3A_289 = arith.constant 0 : i32
    %dma_wait3A_290 = arith.constant 0 : i32
    %dma_wait3A_291 = tpu.memref_slice %arg7[%dma_wait3A_283, %dma_wait3A_289, %dma_wait3A_290] : memref<2x80x128xi32, #tpu.memory_space<vmem>> -> memref<1x80x128xi32, #tpu.memory_space<vmem>>
    %dma_wait3A_292 = tpu.memref_squeeze %dma_wait3A_291 : memref<1x80x128xi32, #tpu.memory_space<vmem>> -> memref<80x128xi32, #tpu.memory_space<vmem>>
    %dma_wait3A_293 = arith.constant 0 : i32
    %dma_wait3A_294 = tpu.memref_slice %dma_wait3A_292[%dma_wait3A_284, %dma_wait3A_293] : memref<80x128xi32, #tpu.memory_space<vmem>> -> memref<1x128xi32, #tpu.memory_space<vmem>>
    %dma_wait3A_295 = tpu.memref_squeeze %dma_wait3A_294 : memref<1x128xi32, #tpu.memory_space<vmem>> -> memref<128xi32, #tpu.memory_space<vmem>>
    %dma_wait3A_296 = arith.constant 0 : i32
    %dma_wait3A_297 = arith.constant 0 : i32
    %dma_wait3A_298 = tpu.memref_slice %arg9[%dma_wait3A_296, %dma_wait3A_297] : memref<10240x32xbf16, #tpu.memory_space<vmem_shared>> -> memref<10240x32xbf16, #tpu.memory_space<vmem_shared>>
    tpu.wait_indirect_dma semaphore(%arg16 : memref<!tpu.dma_semaphore, #tpu.memory_space<semaphore_mem>>) src(%dma_wait3A_288 : memref<128x32xbf16, #tpu.memory_space<vmem>>) dst(%dma_wait3A_298 : memref<10240x32xbf16, #tpu.memory_space<vmem_shared>>)
    %dma_wait3A_299 = arith.constant 2 : i32
    %dma_wait3A_300 = arith.constant 1 : i32
    %dma_wait3A_301 = arith.constant 0 : i32
    %dma_wait3A_302 = arith.constant 0 : i32
    %dma_wait3A_303 = arith.constant 0 : i32
    %dma_wait3A_304 = tpu.memref_slice %arg8[%dma_wait3A_299, %dma_wait3A_302, %dma_wait3A_303] : memref<4x128x32xbf16, #tpu.memory_space<vmem>> -> memref<1x128x32xbf16, #tpu.memory_space<vmem>>
    %dma_wait3A_305 = tpu.memref_squeeze %dma_wait3A_304 : memref<1x128x32xbf16, #tpu.memory_space<vmem>> -> memref<128x32xbf16, #tpu.memory_space<vmem>>
    %dma_wait3A_306 = arith.constant 0 : i32
    %dma_wait3A_307 = arith.constant 0 : i32
    %dma_wait3A_308 = tpu.memref_slice %arg7[%dma_wait3A_300, %dma_wait3A_306, %dma_wait3A_307] : memref<2x80x128xi32, #tpu.memory_space<vmem>> -> memref<1x80x128xi32, #tpu.memory_space<vmem>>
    %dma_wait3A_309 = tpu.memref_squeeze %dma_wait3A_308 : memref<1x80x128xi32, #tpu.memory_space<vmem>> -> memref<80x128xi32, #tpu.memory_space<vmem>>
    %dma_wait3A_310 = arith.constant 0 : i32
    %dma_wait3A_311 = tpu.memref_slice %dma_wait3A_309[%dma_wait3A_301, %dma_wait3A_310] : memref<80x128xi32, #tpu.memory_space<vmem>> -> memref<1x128xi32, #tpu.memory_space<vmem>>
    %dma_wait3A_312 = tpu.memref_squeeze %dma_wait3A_311 : memref<1x128xi32, #tpu.memory_space<vmem>> -> memref<128xi32, #tpu.memory_space<vmem>>
    %dma_wait3A_313 = arith.constant 0 : i32
    %dma_wait3A_314 = arith.constant 0 : i32
    %dma_wait3A_315 = tpu.memref_slice %arg9[%dma_wait3A_313, %dma_wait3A_314] : memref<10240x32xbf16, #tpu.memory_space<vmem_shared>> -> memref<10240x32xbf16, #tpu.memory_space<vmem_shared>>
    tpu.wait_indirect_dma semaphore(%arg17 : memref<!tpu.dma_semaphore, #tpu.memory_space<semaphore_mem>>) src(%dma_wait3A_305 : memref<128x32xbf16, #tpu.memory_space<vmem>>) dst(%dma_wait3A_315 : memref<10240x32xbf16, #tpu.memory_space<vmem_shared>>)
    %dma_wait3A_316 = arith.constant 3 : i32
    %dma_wait3A_317 = arith.constant 1 : i32
    %dma_wait3A_318 = arith.constant 0 : i32
    %dma_wait3A_319 = arith.constant 0 : i32
    %dma_wait3A_320 = arith.constant 0 : i32
    %dma_wait3A_321 = tpu.memref_slice %arg8[%dma_wait3A_316, %dma_wait3A_319, %dma_wait3A_320] : memref<4x128x32xbf16, #tpu.memory_space<vmem>> -> memref<1x128x32xbf16, #tpu.memory_space<vmem>>
    %dma_wait3A_322 = tpu.memref_squeeze %dma_wait3A_321 : memref<1x128x32xbf16, #tpu.memory_space<vmem>> -> memref<128x32xbf16, #tpu.memory_space<vmem>>
    %dma_wait3A_323 = arith.constant 0 : i32
    %dma_wait3A_324 = arith.constant 0 : i32
    %dma_wait3A_325 = tpu.memref_slice %arg7[%dma_wait3A_317, %dma_wait3A_323, %dma_wait3A_324] : memref<2x80x128xi32, #tpu.memory_space<vmem>> -> memref<1x80x128xi32, #tpu.memory_space<vmem>>
    %dma_wait3A_326 = tpu.memref_squeeze %dma_wait3A_325 : memref<1x80x128xi32, #tpu.memory_space<vmem>> -> memref<80x128xi32, #tpu.memory_space<vmem>>
    %dma_wait3A_327 = arith.constant 0 : i32
    %dma_wait3A_328 = tpu.memref_slice %dma_wait3A_326[%dma_wait3A_318, %dma_wait3A_327] : memref<80x128xi32, #tpu.memory_space<vmem>> -> memref<1x128xi32, #tpu.memory_space<vmem>>
    %dma_wait3A_329 = tpu.memref_squeeze %dma_wait3A_328 : memref<1x128xi32, #tpu.memory_space<vmem>> -> memref<128xi32, #tpu.memory_space<vmem>>
    %dma_wait3A_330 = arith.constant 0 : i32
    %dma_wait3A_331 = arith.constant 0 : i32
    %dma_wait3A_332 = tpu.memref_slice %arg9[%dma_wait3A_330, %dma_wait3A_331] : memref<10240x32xbf16, #tpu.memory_space<vmem_shared>> -> memref<10240x32xbf16, #tpu.memory_space<vmem_shared>>
    tpu.wait_indirect_dma semaphore(%arg18 : memref<!tpu.dma_semaphore, #tpu.memory_space<semaphore_mem>>) src(%dma_wait3A_322 : memref<128x32xbf16, #tpu.memory_space<vmem>>) dst(%dma_wait3A_332 : memref<10240x32xbf16, #tpu.memory_space<vmem_shared>>)
    %barrier3A_333 = arith.constant 0 : index
    tpu.barrier barrier_id(%barrier3A_333)
    "tpu.region"() ({
      %run_scoped3A = tpu.sem_alloc : memref<!tpu.dma_semaphore, #tpu.memory_space<semaphore_mem>>
      %dma_start3A_334 = arith.constant 0 : i32
      %dma_start3A_335 = arith.constant 0 : i32
      %dma_start3A_336 = tpu.memref_slice %arg5[%arg0, %dma_start3A_334, %dma_start3A_335] : memref<2x10240x32xbf16, #tpu.memory_space<hbm>> -> memref<1x10240x32xbf16, #tpu.memory_space<hbm>>
      %dma_start3A_337 = tpu.memref_squeeze %dma_start3A_336 : memref<1x10240x32xbf16, #tpu.memory_space<hbm>> -> memref<10240x32xbf16, #tpu.memory_space<hbm>>
      %dma_start3A_338 = arith.constant 0 : i32
      %dma_start3A_339 = tpu.memref_slice %dma_start3A_337[%mul3A_2, %dma_start3A_338] : memref<10240x32xbf16, #tpu.memory_space<hbm>> -> memref<640x32xbf16, #tpu.memory_space<hbm>>
      %dma_start3A_340 = arith.constant 0 : i32
      %dma_start3A_341 = tpu.memref_slice %arg9[%mul3A_2, %dma_start3A_340] : memref<10240x32xbf16, #tpu.memory_space<vmem_shared>> -> memref<640x32xbf16, #tpu.memory_space<vmem_shared>>
      tpu.enqueue_dma source(%dma_start3A_341 : memref<640x32xbf16, #tpu.memory_space<vmem_shared>>) target(%dma_start3A_339 : memref<640x32xbf16, #tpu.memory_space<hbm>>) target_semaphore(%run_scoped3A : memref<!tpu.dma_semaphore, #tpu.memory_space<semaphore_mem>>)
      %dma_wait3A_342 = arith.constant 0 : i32
      %dma_wait3A_343 = arith.constant 0 : i32
      %dma_wait3A_344 = tpu.memref_slice %arg5[%arg0, %dma_wait3A_342, %dma_wait3A_343] : memref<2x10240x32xbf16, #tpu.memory_space<hbm>> -> memref<1x10240x32xbf16, #tpu.memory_space<hbm>>
      %dma_wait3A_345 = tpu.memref_squeeze %dma_wait3A_344 : memref<1x10240x32xbf16, #tpu.memory_space<hbm>> -> memref<10240x32xbf16, #tpu.memory_space<hbm>>
      %dma_wait3A_346 = arith.constant 0 : i32
      %dma_wait3A_347 = tpu.memref_slice %dma_wait3A_345[%mul3A_2, %dma_wait3A_346] : memref<10240x32xbf16, #tpu.memory_space<hbm>> -> memref<640x32xbf16, #tpu.memory_space<hbm>>
      %dma_wait3A_348 = arith.constant 0 : i32
      %dma_wait3A_349 = tpu.memref_slice %arg9[%mul3A_2, %dma_wait3A_348] : memref<10240x32xbf16, #tpu.memory_space<vmem_shared>> -> memref<640x32xbf16, #tpu.memory_space<vmem_shared>>
      tpu.wait_dma2 semaphore(%run_scoped3A : memref<!tpu.dma_semaphore, #tpu.memory_space<semaphore_mem>>) src(%dma_wait3A_349 : memref<640x32xbf16, #tpu.memory_space<vmem_shared>>) dst(%dma_wait3A_347 : memref<640x32xbf16, #tpu.memory_space<hbm>>)
      tpu.yield
    }) : () -> ()
    return
  }
}

module attributes {stable_mosaic.version = 14 : i64} {
  func.func @_tc_scale_matmul(%arg0: memref<10000x128xf32, #tpu.memory_space<vmem>>, %arg1: memref<128x128xf32, #tpu.memory_space<vmem>>, %arg2: memref<2x10240x16xf32, #tpu.memory_space<vmem>>, %arg3: memref<2x10240x64xbf16, #tpu.memory_space<vmem>>) attributes {dimension_semantics = [], scalar_prefetch = 0 : i64, scratch_operands = 0 : i64, tpu.core_type = #tpu.core_type<tc>} {
    %get3A = arith.constant 0 : index
    %get3A_0 = arith.constant 0 : index
    %get3A_1 = arith.constant 0 : index
    %get3A_2 = vector.load %arg2[%get3A, %get3A_0, %get3A_1] : memref<2x10240x16xf32, #tpu.memory_space<vmem>>, vector<1x10000x1xf32>
    %get3A_3 = vector.shape_cast %get3A_2 : vector<1x10000x1xf32> to vector<10000x1xf32>
    %get3A_4 = arith.constant 1 : index
    %get3A_5 = arith.constant 0 : index
    %get3A_6 = arith.constant 0 : index
    %get3A_7 = vector.load %arg2[%get3A_4, %get3A_5, %get3A_6] : memref<2x10240x16xf32, #tpu.memory_space<vmem>>, vector<1x10000x1xf32>
    %get3A_8 = vector.shape_cast %get3A_7 : vector<1x10000x1xf32> to vector<10000x1xf32>
    %add3A = arith.addf %get3A_3, %get3A_8 : vector<10000x1xf32>
    %add3A_9 = arith.constant 1.000000e+00 : f32
    %add3A_10 = vector.broadcast %add3A_9 : f32 to vector<10000x1xf32>
    %add3A_11 = arith.addf %add3A, %add3A_10 : vector<10000x1xf32>
    %rsqrt3A = math.rsqrt %add3A_11 : vector<10000x1xf32>
    %get3A_12 = arith.constant 0 : index
    %get3A_13 = arith.constant 0 : index
    %get3A_14 = vector.load %arg0[%get3A_12, %get3A_13] : memref<10000x128xf32, #tpu.memory_space<vmem>>, vector<10000x128xf32>
    %get3A_15 = arith.constant 0 : index
    %get3A_16 = arith.constant 0 : index
    %get3A_17 = vector.load %arg1[%get3A_15, %get3A_16] : memref<128x128xf32, #tpu.memory_space<vmem>>, vector<128x128xf32>
    %dot_general3A = arith.constant dense<0.000000e+00> : vector<10000x128xf32>
    %dot_general3A_18 = tpu.matmul %get3A_14, %get3A_17, %dot_general3A {dimension_numbers = #tpu.dot_dimension_numbers<[1], [0], [0], [1], [0, 0, 1, 1], [], []>, transpose_lhs_hint = false} : vector<10000x128xf32>, vector<128x128xf32>, vector<10000x128xf32> -> vector<10000x128xf32>
    %mul3A = vector.broadcast %rsqrt3A : vector<10000x1xf32> to vector<10000x128xf32>
    %mul3A_19 = arith.mulf %dot_general3A_18, %mul3A : vector<10000x128xf32>
    %convert_element_type3A = arith.truncf %mul3A_19 : vector<10000x128xf32> to vector<10000x128xbf16>
    %broadcast_in_dim3A = arith.constant 0.000000e+00 : bf16
    %broadcast_in_dim3A_20 = vector.broadcast %broadcast_in_dim3A : bf16 to vector<240x64xbf16>
    %slice3A = vector.extract_strided_slice %convert_element_type3A {offsets = [0, 0], sizes = [10000, 64], strides = [1, 1]} : vector<10000x128xbf16> to vector<10000x64xbf16>
    %concatenate3A = tpu.concatenate %slice3A, %broadcast_in_dim3A_20 in 0 : vector<10000x64xbf16>, vector<240x64xbf16> -> vector<10240x64xbf16>
    %swap3A = arith.constant 0 : index
    %swap3A_21 = arith.constant 0 : index
    %swap3A_22 = arith.constant 0 : index
    %swap3A_23 = vector.load %arg3[%swap3A, %swap3A_21, %swap3A_22] : memref<2x10240x64xbf16, #tpu.memory_space<vmem>>, vector<1x10240x64xbf16>
    %swap3A_24 = vector.shape_cast %swap3A_23 : vector<1x10240x64xbf16> to vector<10240x64xbf16>
    %swap3A_25 = vector.shape_cast %concatenate3A : vector<10240x64xbf16> to vector<1x10240x64xbf16>
    tpu.vector_store %arg3[%swap3A, %swap3A_21, %swap3A_22], %swap3A_25 {strides = array<i32>} : memref<2x10240x64xbf16, #tpu.memory_space<vmem>>, vector<1x10240x64xbf16>,
    %slice3A_26 = vector.extract_strided_slice %convert_element_type3A {offsets = [0, 64], sizes = [10000, 64], strides = [1, 1]} : vector<10000x128xbf16> to vector<10000x64xbf16>
    %concatenate3A_27 = tpu.concatenate %slice3A_26, %broadcast_in_dim3A_20 in 0 : vector<10000x64xbf16>, vector<240x64xbf16> -> vector<10240x64xbf16>
    %swap3A_28 = arith.constant 1 : index
    %swap3A_29 = arith.constant 0 : index
    %swap3A_30 = arith.constant 0 : index
    %swap3A_31 = vector.load %arg3[%swap3A_28, %swap3A_29, %swap3A_30] : memref<2x10240x64xbf16, #tpu.memory_space<vmem>>, vector<1x10240x64xbf16>
    %swap3A_32 = vector.shape_cast %swap3A_31 : vector<1x10240x64xbf16> to vector<10240x64xbf16>
    %swap3A_33 = vector.shape_cast %concatenate3A_27 : vector<10240x64xbf16> to vector<1x10240x64xbf16>
    tpu.vector_store %arg3[%swap3A_28, %swap3A_29, %swap3A_30], %swap3A_33 {strides = array<i32>} : memref<2x10240x64xbf16, #tpu.memory_space<vmem>>, vector<1x10240x64xbf16>,
    return
  }
}

module attributes {stable_mosaic.version = 14 : i64} {
  func.func @_tc_mid(%arg0: memref<2x10240x64xbf16, #tpu.memory_space<vmem>>, %arg1: memref<2x10240x16xf32, #tpu.memory_space<vmem>>, %arg2: memref<128x64xf32, #tpu.memory_space<vmem>>, %arg3: memref<1x128xf32, #tpu.memory_space<vmem>>, %arg4: memref<2x10240x32xbf16, #tpu.memory_space<vmem>>) attributes {dimension_semantics = [], scalar_prefetch = 0 : i64, scratch_operands = 0 : i64, tpu.core_type = #tpu.core_type<tc>} {
    %get3A = arith.constant 0 : index
    %get3A_0 = arith.constant 0 : index
    %get3A_1 = arith.constant 0 : index
    %get3A_2 = vector.load %arg1[%get3A, %get3A_0, %get3A_1] : memref<2x10240x16xf32, #tpu.memory_space<vmem>>, vector<1x10000x1xf32>
    %get3A_3 = vector.shape_cast %get3A_2 : vector<1x10000x1xf32> to vector<10000x1xf32>
    %get3A_4 = arith.constant 1 : index
    %get3A_5 = arith.constant 0 : index
    %get3A_6 = arith.constant 0 : index
    %get3A_7 = vector.load %arg1[%get3A_4, %get3A_5, %get3A_6] : memref<2x10240x16xf32, #tpu.memory_space<vmem>>, vector<1x10000x1xf32>
    %get3A_8 = vector.shape_cast %get3A_7 : vector<1x10000x1xf32> to vector<10000x1xf32>
    %add3A = arith.addf %get3A_3, %get3A_8 : vector<10000x1xf32>
    %add3A_9 = arith.constant 1.000000e+00 : f32
    %add3A_10 = vector.broadcast %add3A_9 : f32 to vector<10000x1xf32>
    %add3A_11 = arith.addf %add3A, %add3A_10 : vector<10000x1xf32>
    %rsqrt3A = math.rsqrt %add3A_11 : vector<10000x1xf32>
    %get3A_12 = arith.constant 0 : index
    %get3A_13 = arith.constant 0 : index
    %get3A_14 = arith.constant 0 : index
    %get3A_15 = vector.load %arg0[%get3A_12, %get3A_13, %get3A_14] : memref<2x10240x64xbf16, #tpu.memory_space<vmem>>, vector<1x10000x64xbf16>
    %get3A_16 = vector.shape_cast %get3A_15 : vector<1x10000x64xbf16> to vector<10000x64xbf16>
    %convert_element_type3A = arith.extf %get3A_16 : vector<10000x64xbf16> to vector<10000x64xf32>
    %get3A_17 = arith.constant 1 : index
    %get3A_18 = arith.constant 0 : index
    %get3A_19 = arith.constant 0 : index
    %get3A_20 = vector.load %arg0[%get3A_17, %get3A_18, %get3A_19] : memref<2x10240x64xbf16, #tpu.memory_space<vmem>>, vector<1x10000x64xbf16>
    %get3A_21 = vector.shape_cast %get3A_20 : vector<1x10000x64xbf16> to vector<10000x64xbf16>
    %convert_element_type3A_22 = arith.extf %get3A_21 : vector<10000x64xbf16> to vector<10000x64xf32>
    %concatenate3A = tpu.concatenate %convert_element_type3A, %convert_element_type3A_22 in 1 : vector<10000x64xf32>, vector<10000x64xf32> -> vector<10000x128xf32>
    %mul3A = vector.broadcast %rsqrt3A : vector<10000x1xf32> to vector<10000x128xf32>
    %mul3A_23 = arith.mulf %concatenate3A, %mul3A : vector<10000x128xf32>
    %get3A_24 = arith.constant 0 : index
    %get3A_25 = arith.constant 0 : index
    %get3A_26 = vector.load %arg3[%get3A_24, %get3A_25] : memref<1x128xf32, #tpu.memory_space<vmem>>, vector<1x128xf32>
    %add3A_27 = vector.broadcast %get3A_26 : vector<1x128xf32> to vector<10000x128xf32>
    %add3A_28 = arith.addf %mul3A_23, %add3A_27 : vector<10000x128xf32>
    %max3A = arith.constant 0.000000e+00 : f32
    %max3A_29 = vector.broadcast %max3A : f32 to vector<10000x128xf32>
    %max3A_30 = arith.maximumf %add3A_28, %max3A_29 : vector<10000x128xf32>
    %get3A_31 = arith.constant 0 : index
    %get3A_32 = arith.constant 0 : index
    %get3A_33 = vector.load %arg2[%get3A_31, %get3A_32] : memref<128x64xf32, #tpu.memory_space<vmem>>, vector<128x64xf32>
    %dot_general3A = arith.constant dense<0.000000e+00> : vector<10000x64xf32>
    %dot_general3A_34 = tpu.matmul %max3A_30, %get3A_33, %dot_general3A {dimension_numbers = #tpu.dot_dimension_numbers<[1], [0], [0], [1], [0, 0, 1, 1], [], []>, transpose_lhs_hint = false} : vector<10000x128xf32>, vector<128x64xf32>, vector<10000x64xf32> -> vector<10000x64xf32>
    %mul3A_35 = vector.broadcast %rsqrt3A : vector<10000x1xf32> to vector<10000x64xf32>
    %mul3A_36 = arith.mulf %dot_general3A_34, %mul3A_35 : vector<10000x64xf32>
    %convert_element_type3A_37 = arith.truncf %mul3A_36 : vector<10000x64xf32> to vector<10000x64xbf16>
    %broadcast_in_dim3A = arith.constant 0.000000e+00 : bf16
    %broadcast_in_dim3A_38 = vector.broadcast %broadcast_in_dim3A : bf16 to vector<240x32xbf16>
    %slice3A = vector.extract_strided_slice %convert_element_type3A_37 {offsets = [0, 0], sizes = [10000, 32], strides = [1, 1]} : vector<10000x64xbf16> to vector<10000x32xbf16>
    %concatenate3A_39 = tpu.concatenate %slice3A, %broadcast_in_dim3A_38 in 0 : vector<10000x32xbf16>, vector<240x32xbf16> -> vector<10240x32xbf16>
    %swap3A = arith.constant 0 : index
    %swap3A_40 = arith.constant 0 : index
    %swap3A_41 = arith.constant 0 : index
    %swap3A_42 = vector.load %arg4[%swap3A, %swap3A_40, %swap3A_41] : memref<2x10240x32xbf16, #tpu.memory_space<vmem>>, vector<1x10240x32xbf16>
    %swap3A_43 = vector.shape_cast %swap3A_42 : vector<1x10240x32xbf16> to vector<10240x32xbf16>
    %swap3A_44 = vector.shape_cast %concatenate3A_39 : vector<10240x32xbf16> to vector<1x10240x32xbf16>
    tpu.vector_store %arg4[%swap3A, %swap3A_40, %swap3A_41], %swap3A_44 {strides = array<i32>} : memref<2x10240x32xbf16, #tpu.memory_space<vmem>>, vector<1x10240x32xbf16>,
    %slice3A_45 = vector.extract_strided_slice %convert_element_type3A_37 {offsets = [0, 32], sizes = [10000, 32], strides = [1, 1]} : vector<10000x64xbf16> to vector<10000x32xbf16>
    %concatenate3A_46 = tpu.concatenate %slice3A_45, %broadcast_in_dim3A_38 in 0 : vector<10000x32xbf16>, vector<240x32xbf16> -> vector<10240x32xbf16>
    %swap3A_47 = arith.constant 1 : index
    %swap3A_48 = arith.constant 0 : index
    %swap3A_49 = arith.constant 0 : index
    %swap3A_50 = vector.load %arg4[%swap3A_47, %swap3A_48, %swap3A_49] : memref<2x10240x32xbf16, #tpu.memory_space<vmem>>, vector<1x10240x32xbf16>
    %swap3A_51 = vector.shape_cast %swap3A_50 : vector<1x10240x32xbf16> to vector<10240x32xbf16>
    %swap3A_52 = vector.shape_cast %concatenate3A_46 : vector<10240x32xbf16> to vector<1x10240x32xbf16>
    tpu.vector_store %arg4[%swap3A_47, %swap3A_48, %swap3A_49], %swap3A_52 {strides = array<i32>} : memref<2x10240x32xbf16, #tpu.memory_space<vmem>>, vector<1x10240x32xbf16>,
    return
  }
}

module attributes {stable_mosaic.version = 14 : i64} {
  func.func @_tc_final(%arg0: memref<2x10240x32xbf16, #tpu.memory_space<vmem>>, %arg1: memref<2x10240x16xf32, #tpu.memory_space<vmem>>, %arg2: memref<1x64xf32, #tpu.memory_space<vmem>>, %arg3: memref<10000x64xf32, #tpu.memory_space<vmem>>) attributes {dimension_semantics = [], scalar_prefetch = 0 : i64, scratch_operands = 0 : i64, tpu.core_type = #tpu.core_type<tc>} {
    %get3A = arith.constant 0 : index
    %get3A_0 = arith.constant 0 : index
    %get3A_1 = arith.constant 0 : index
    %get3A_2 = vector.load %arg1[%get3A, %get3A_0, %get3A_1] : memref<2x10240x16xf32, #tpu.memory_space<vmem>>, vector<1x10000x1xf32>
    %get3A_3 = vector.shape_cast %get3A_2 : vector<1x10000x1xf32> to vector<10000x1xf32>
    %get3A_4 = arith.constant 1 : index
    %get3A_5 = arith.constant 0 : index
    %get3A_6 = arith.constant 0 : index
    %get3A_7 = vector.load %arg1[%get3A_4, %get3A_5, %get3A_6] : memref<2x10240x16xf32, #tpu.memory_space<vmem>>, vector<1x10000x1xf32>
    %get3A_8 = vector.shape_cast %get3A_7 : vector<1x10000x1xf32> to vector<10000x1xf32>
    %add3A = arith.addf %get3A_3, %get3A_8 : vector<10000x1xf32>
    %add3A_9 = arith.constant 1.000000e+00 : f32
    %add3A_10 = vector.broadcast %add3A_9 : f32 to vector<10000x1xf32>
    %add3A_11 = arith.addf %add3A, %add3A_10 : vector<10000x1xf32>
    %rsqrt3A = math.rsqrt %add3A_11 : vector<10000x1xf32>
    %get3A_12 = arith.constant 0 : index
    %get3A_13 = arith.constant 0 : index
    %get3A_14 = arith.constant 0 : index
    %get3A_15 = vector.load %arg0[%get3A_12, %get3A_13, %get3A_14] : memref<2x10240x32xbf16, #tpu.memory_space<vmem>>, vector<1x10000x32xbf16>
    %get3A_16 = vector.shape_cast %get3A_15 : vector<1x10000x32xbf16> to vector<10000x32xbf16>
    %convert_element_type3A = arith.extf %get3A_16 : vector<10000x32xbf16> to vector<10000x32xf32>
    %get3A_17 = arith.constant 1 : index
    %get3A_18 = arith.constant 0 : index
    %get3A_19 = arith.constant 0 : index
    %get3A_20 = vector.load %arg0[%get3A_17, %get3A_18, %get3A_19] : memref<2x10240x32xbf16, #tpu.memory_space<vmem>>, vector<1x10000x32xbf16>
    %get3A_21 = vector.shape_cast %get3A_20 : vector<1x10000x32xbf16> to vector<10000x32xbf16>
    %convert_element_type3A_22 = arith.extf %get3A_21 : vector<10000x32xbf16> to vector<10000x32xf32>
    %concatenate3A = tpu.concatenate %convert_element_type3A, %convert_element_type3A_22 in 1 : vector<10000x32xf32>, vector<10000x32xf32> -> vector<10000x64xf32>
    %mul3A = vector.broadcast %rsqrt3A : vector<10000x1xf32> to vector<10000x64xf32>
    %mul3A_23 = arith.mulf %concatenate3A, %mul3A : vector<10000x64xf32>
    %get3A_24 = arith.constant 0 : index
    %get3A_25 = arith.constant 0 : index
    %get3A_26 = vector.load %arg2[%get3A_24, %get3A_25] : memref<1x64xf32, #tpu.memory_space<vmem>>, vector<1x64xf32>
    %add3A_27 = vector.broadcast %get3A_26 : vector<1x64xf32> to vector<10000x64xf32>
    %add3A_28 = arith.addf %mul3A_23, %add3A_27 : vector<10000x64xf32>
    %reduce_max3A = arith.constant dense<0xFF800000> : vector<10000xf32>
    %reduce_max3A_29 = vector.multi_reduction <maximumf>, %add3A_28, %reduce_max3A [1] : vector<10000x64xf32> to vector<10000xf32>
    %broadcast_in_dim3A = vector.shape_cast %reduce_max3A_29 : vector<10000xf32> to vector<10000x1xf32>
    %sub3A = vector.broadcast %broadcast_in_dim3A : vector<10000x1xf32> to vector<10000x64xf32>
    %sub3A_30 = arith.subf %add3A_28, %sub3A : vector<10000x64xf32>
    %exp3A = math.exp %sub3A_30 : vector<10000x64xf32>
    %reduce_sum3A = arith.constant dense<0.000000e+00> : vector<10000xf32>
    %reduce_sum3A_31 = vector.multi_reduction <add>, %exp3A, %reduce_sum3A [1] : vector<10000x64xf32> to vector<10000xf32>
    %broadcast_in_dim3A_32 = vector.shape_cast %reduce_sum3A_31 : vector<10000xf32> to vector<10000x1xf32>
    %log3A = math.log %broadcast_in_dim3A_32 : vector<10000x1xf32>
    %sub3A_33 = vector.broadcast %log3A : vector<10000x1xf32> to vector<10000x64xf32>
    %sub3A_34 = arith.subf %sub3A_30, %sub3A_33 : vector<10000x64xf32>
    %swap3A = arith.constant 0 : index
    %swap3A_35 = arith.constant 0 : index
    %swap3A_36 = vector.load %arg3[%swap3A, %swap3A_35] : memref<10000x64xf32, #tpu.memory_space<vmem>>, vector<10000x64xf32>
    tpu.vector_store %arg3[%swap3A, %swap3A_35], %sub3A_34 {strides = array<i32>} : memref<10000x64xf32, #tpu.memory_space<vmem>>, vector<10000x64xf32>,
    return
  }
}

</mosaic_0001>

<sc_bundles>
// kernel: kernel.11.cloned.1.call-start
scs
__scs_entry_jumppad:
0x0: {  	(pc) =	sbr.rel $0x88, $3  }
0x1: {  	(tag) =	ssettag $0x0;
	lr =	simm.s32 $0x1  }
0x2: {  	[smem:$0x3F9B] =	sst lr;
	_ =	strace $0xD0000000  }
0x3: {  	_ = 	snop  }
0x4: {  	_ = 	snop  }
0x5: {  	_ = 	snop  }
0x6: {  	_ = 	snop  }
0x7: {  	_ = 	snop  }
__scs_overlays_trampoline_lowered:
0x8: {  	[smem:$0x3FAA] =	sst s0  }
0x9: {  	[smem:$0x3FAB] =	sst s1  }
0xa: {  	[smem:$0x3FAC] =	sst s2  }
0xb: {  	[smem:$0x3FAD] =	sst s3  }
0xc: {  	[smem:$0x3FAE] =	sst s4  }
0xd: {  	[smem:$0x3FAF] =	sst s5  }
0xe: {  	[smem:$0x3FB0] =	sst s6  }
0xf: {  	[smem:$0x3FB1] =	sst s7  }
0x10: {  	[smem:$0x3FB2] =	sst s8  }
0x11: {  	[smem:$0x3FB3] =	sst s9;
	s0 =	simm.s32 @!p0 $0x0  }
0x12: {  	s1 =	sld [smem:$0x3F99];
	s0 =	simm.s32 @p0 $0x1  }
0x13: {  	[smem:$0x3FB4] =	sst s0;
	s0 =	simm.s32 @!p1 $0x0  }
0x14: {  	s2 =	sld [smem:$0x3F98];
	s0 =	simm.s32 @p1 $0x1  }
0x15: {  	[smem:$0x3FB5] =	sst s0;
	s0 =	simm.s32 @!p2 $0x0  }
0x16: {  	s3 =	sld [smem:$0x3FDB];
	s0 =	simm.s32 @p2 $0x1  }
0x17: {  	s4 =	simm.s32 $0x1BF5;
	[smem:$0x3FB7] =	sst s0  }
0x18: {  	s0 =	sld [smem:$0x3F9A];
	_ =	swait.ge [sflag:s4], $0x0  }
0x19: {  	s7 =	sld [smem:$0x3F9B]  }
0x1a: {  	s8 =	sadd.s32 $0xFFFFE003, lr  }
0x1b: {  	s9 =	sadd.s32 $0xFFFFFEF7, lr;
	s5 =	simm.s32 $0xFFFFFFFF;
	p2 =	slt.u32 s8, $0xFFFFF086  }
0x1c: {  	p1 =	slt.u32 s9, $0xF7A;
	s5 =	simm.s32 @!p2 $0x0  }
0x1d: {  	s5 =	simm.s32 @p1 $0x1;
	p0 =	seq.s32 s7, s2  }
0x1e: {  	s7 =	smul.u32 @!p0 $0xF7A, s2;
	p2 =	seq.s32 @!p0 s5, $0x0  }
0x1f: {  	s9 =	smul.u32 $0xF7A, s1;
	s8 =	simm.s32 @!p0 $0x1BF5;
	p2 =	por !p2, p0  }
0x20: {  	[sflag:s8] =	ssyncset.s32 @!p0 $0xFFFFF086;
	s6 =	sadd.s32 @!p0 s3, s7;
	s7 =	simm.s32 @!p0 $0x108  }
0x21: {  	s3 =	sadd.s32 s3, s9;
	s6 =	sadd.s32 @!p0 $0x88, s6;
	s7 =	simm.s32 @p2 $0x1082  }
0x22: {  	[simem:s7], [sflag:s8] =	dma.local @!p0 [hbm:s6], $0xF7A  }
0x23: {  	s9 =	sor.u32 $0xD0000000, s2;
	s6 =	simm.s32 $0x108;
	_ =	swait.ge @!p0 [sflag:s8], $0x0  }
0x24: {  	s3 =	sadd.s32 $0x88, s3;
	s6 =	simm.s32 @!p1 $0x1082;
	[sflag:s4] =	ssyncset.s32 $0xFFFFF086  }
0x25: {  	[simem:s6], [sflag:s4] =	dma.local [hbm:s3], $0xF7A  }
0x26: {  	[smem:$0x3F9B] =	sst s1;
	(tag) =	ssettag s2;
	_ =	strace s9  }
0x27: {  	s1 =	sld [smem:$0x3FAB]  }
0x28: {  	s2 =	sld [smem:$0x3FAC]  }
0x29: {  	s4 =	sld [smem:$0x3FAE]  }
0x2a: {  	p0 =	seq.s32 s5, $0x0;
	s5 =	sld [smem:$0x3FAF]  }
0x2b: {  	s6 =	sld [smem:$0x3FB0]  }
0x2c: {  	s7 =	sld [smem:$0x3FB1]  }
0x2d: {  	s3 =	simm.s32 $0x108;
	s8 =	sld [smem:$0x3FB2]  }
0x2e: {  	s3 =	simm.s32 @!p0 $0x1082;
	s9 =	sld [smem:$0x3FB3]  }
0x2f: {  	lr =	sadd.s32 s0, s3;
	s0 =	sld [smem:$0x3FAA]  }
0x30: {  	s3 =	sld [smem:$0x3FAD]  }
0x31: {  	[smem:$0x3FB6] =	sst s10  }
0x32: {  	s10 =	sld [smem:$0x3FB4];
	_ =	sdelay $0x3  }
0x33: {  	p0 =	seq.s32 s10, $0x1;
	s10 =	sld [smem:$0x3FB6];
	_ =	sdelay $0x3  }
0x34: {  	[smem:$0x3FB6] =	sst s10  }
0x35: {  	s10 =	sld [smem:$0x3FB5];
	_ =	sdelay $0x3  }
0x36: {  	p1 =	seq.s32 s10, $0x1;
	s10 =	sld [smem:$0x3FB6];
	_ =	sdelay $0x3  }
0x37: {  	[smem:$0x3FB6] =	sst s10  }
0x38: {  	s10 =	sld [smem:$0x3FB7]  }
0x39: {  	_ = 	snop;
	(pc) =	sbr.ind lr, $3  }
0x3a: {  	_ = 	snop  }
0x3b: {  	_ = 	snop  }
0x3c: {  	p2 =	seq.s32 s10, $0x1;
	s10 =	sld [smem:$0x3FB6]  }
0x3d: {  	_ =	shalt  }
0x3e: {  	_ =	shalt  }
0x3f: {  	_ =	shalt  }
0x40: {  	_ =	shalt  }
0x41: {  	_ =	shalt  }
0x42: {  	_ =	shalt  }
0x43: {  	_ =	shalt  }
0x44: {  	_ =	shalt  }
0x45: {  	_ =	shalt  }
0x46: {  	_ =	shalt  }
0x47: {  	_ =	shalt  }
0x48: {  	_ =	shalt  }
0x49: {  	_ =	shalt  }
0x4a: {  	_ =	shalt  }
0x4b: {  	_ =	shalt  }
0x4c: {  	_ =	shalt  }
0x4d: {  	_ =	shalt  }
0x4e: {  	_ =	shalt  }
0x4f: {  	_ =	shalt  }
0x50: {  	_ =	shalt  }
0x51: {  	_ =	shalt  }
0x52: {  	_ =	shalt  }
0x53: {  	_ =	shalt  }
0x54: {  	_ =	shalt  }
0x55: {  	_ =	shalt  }
0x56: {  	_ =	shalt  }
0x57: {  	_ =	shalt  }
0x58: {  	_ =	shalt  }
0x59: {  	_ =	shalt  }
0x5a: {  	_ =	shalt  }
0x5b: {  	_ =	shalt  }
0x5c: {  	_ =	shalt  }
0x5d: {  	_ =	shalt  }
0x5e: {  	_ =	shalt  }
0x5f: {  	_ =	shalt  }
0x60: {  	_ =	shalt  }
0x61: {  	_ =	shalt  }
0x62: {  	_ =	shalt  }
0x63: {  	_ =	shalt  }
0x64: {  	_ =	shalt  }
0x65: {  	_ =	shalt  }
0x66: {  	_ =	shalt  }
0x67: {  	_ =	shalt  }
0x68: {  	_ =	shalt  }
0x69: {  	_ =	shalt  }
0x6a: {  	_ =	shalt  }
0x6b: {  	_ =	shalt  }
0x6c: {  	_ =	shalt  }
0x6d: {  	_ =	shalt  }
0x6e: {  	_ =	shalt  }
0x6f: {  	_ =	shalt  }
0x70: {  	_ =	shalt  }
0x71: {  	_ =	shalt  }
0x72: {  	_ =	shalt  }
0x73: {  	_ =	shalt  }
0x74: {  	_ =	shalt  }
0x75: {  	_ =	shalt  }
0x76: {  	_ =	shalt  }
0x77: {  	_ =	shalt  }
0x78: {  	_ =	shalt  }
0x79: {  	_ =	shalt  }
0x7a: {  	_ =	shalt  }
0x7b: {  	_ =	shalt  }
0x7c: {  	_ =	shalt  }
0x7d: {  	_ =	shalt  }
0x7e: {  	_ =	shalt  }
0x7f: {  	_ =	shalt  }
0x80: {  	_ =	shalt  }
0x81: {  	_ =	shalt  }
0x82: {  	_ =	shalt  }
0x83: {  	_ =	shalt  }
0x84: {  	_ =	shalt  }
0x85: {  	_ =	shalt  }
0x86: {  	_ =	shalt  }
0x87: {  	_ =	shalt  }
.Lfunc_end0:
.L_simem_size_0:
called_computation.1_lowered:
.L_overlay_start_0:
0x88: {  	s2 =	sld [smem:$0x3FD9]  }
0x89: {  	s3 =	sld [smem:$0x3FFE];
	_ =	sdelay $0x1  }
0x8a: {  	s1 =	srdreg.scid  }
0x8b: {  	s0 =	sand.u32 $0x1, s1  }
0x8c: {  	s17 =	sshll.u32 s0, $0xA;
	s2 =	sadd.s32 s3, s2  }
0x8d: {  	s2 =	sadd.s32 s2, s17  }
0x8e: {  	[smem:$0x3FC2] =	sst s2  }
0x8f: {  	_ = 	snop  }
0x90: {  	s2 =	sld [smem:$0x3FD0];
	(tm) =	ssettm $0x1  }
0x91: {  	s18 =	sld [smem:$0x3FFB];
	_ =	sdelay $0x3  }
0x92: {  	_ =	strace s18  }
0x93: {  	s3 =	sld [smem:$0x3FFC];
	_ =	sdelay $0x3  }
0x94: {  	_ =	strace s3  }
0x95: {  	s3 =	sld [smem:$0x3FFD];
	_ =	sdelay $0x3  }
0x96: {  	_ =	strace s3  }
0x97: {  	_ =	strace $0x8FFFFFFF  }
0x98: {  	s19 =	sld [smem:$0x3FDB];
	_ =	sdelay $0x1  }
0x99: {  	s4 =	simm.s32 $_scs_section_size  }
0x9a: {  	s5 =	simm.s32 $_size__tile_overlayer_lowered;
	s6 =	simm.s32 $_tile_overlayer_lowered  }
0x9b: {  	s22 =	simm.s32 $0x1BFF;
	s21 =	sshll.u32 s6, $0x1;
	s3 =	sadd.s32 s4, s19  }
0x9c: {  	s7 =	simm.s32 $0x0;
	s20 =	sshll.u32 s5, $0x1;
	s5 =	sadd.s32 s21, s3  }
0x9d: {  	[timem:s7], [sflag:s22] =	dma.local [hbm:s5], s20  }
0x9e: {  	_ =	swait.ge [sflag:s22], s20  }
0x9f: {  	s4 =	ssub.s32 $0x0, s20;
	[sflag:s22] =	ssyncset.done $0x0  }
0xa0: {  	[sflag:s22] =	ssyncadd.s32 s4;
	_ =	sdelay $0x1  }
0xa1: {  	s23 =	simm.s32 $0x1B8B  }
0xa2: {  	_ =	swait.ge [sflag:s23], $0x1  }
0xa3: {  	[sflag:s23] =	ssyncset.done $0x0  }
0xa4: {  	s25 =	simm.s32 $0x1B8E;
	s24 =	sld [smem:$0x3FFE];
	[sflag:s23] =	ssyncadd.s32 $0xFFFFFFFF  }
0xa5: {  	s26 =	simm.s32 $execute0_lowered;
	[smem:$0x3FD2] =	sst s25  }
0xa6: {  	s5 =	sshll.u32 s26, $0x1;
	_ =	strace $0x80000049;
	[dreg:$0x1] =	wrdreg $0xFFFFFFFF  }
0xa7: {  	s28 =	simm.s32 $_size_execute0_lowered;
	s3 =	sadd.s32 s3, s5;
	[dreg:$0x0] =	wrdreg $0x0  }
0xa8: {  	s5 =	sshll.u32 s28, $0x1;
	[dreg:$0x2] =	wrdreg s3  }
0xa9: {  	[dreg:$0x3] =	wrdreg s5  }
0xaa: {  	[dreg:$0x4] =	wrdreg $0xC0  }
0xab: {  	_ =	task [dreg:s7], $0x5FFFF  }
0xac: {  	[dreg:$0x1] =	wrdreg $0xFFFFFFFF  }
0xad: {  	[dreg:$0x0] =	wrdreg $0x60  }
0xae: {  	[dreg:$0x2] =	wrdreg s24  }
0xaf: {  	[dreg:$0x3] =	wrdreg s2  }
0xb0: {  	[dreg:$0x4] =	wrdreg $0xE0000  }
0xb1: {  	[dreg:$0x5] =	wrdreg $0x130000  }
0xb2: {  	[dreg:$0x6] =	wrdreg $0x9  }
0xb3: {  	_ =	task.clear_ibuf [dreg:s7], $0x7FFFF;
	_ =	strace $0x90000049  }
0xb4: {  	s29 =	simm.s32 $0x9;
	_ =	strace $0x8000004B  }
0xb5: {  	_ =	swait.ge [sflag:s29], $0x1  }
0xb6: {  	[sflag:s29] =	ssyncadd.s32 $0xFFFFFFFF  }
0xb7: {  	_ =	strace $0x9000004B  }
0xb8: {  	_ =	sfence  }
0xb9: {  	s30 =	sld [smem:$0x0];
	_ =	sdelay $0x2  }
0xba: {  	s31 =	sshll.u32 s1, $0xD;
	s1 =	sshrl.u32 s1, $0x2  }
0xbb: {  	s3 =	sand.u32 $0x4000, s31;
	s1 =	sadd.s32 s1, s30  }
0xbc: {  	s0 =	sor.u32 s3, s0;
	s1 =	sshll.u32 s1, $0x11  }
0xbd: {  	s0 =	sor.u32 s1, s0  }
0xbe: {  	s0 =	sadd.s32 $0x8F2B, s0  }
0xbf: {  	[sflag:s0] =	ssyncadd.remote.s32 $0x1  }
0xc0: {  	_ =	sfence.sel $0xFFFF  }
0xc1: {  	[dreg:$0x0] =	wrdreg $0xFFFFFFFF;
	(pc) =	sbr.abs _section_cstart, $3  }
0xc2: {  	[dreg:$0x1] =	wrdreg $0xFFFFFFFF  }
0xc3: {  	_ =	task.clear_ibuf [dreg:s7], $0x2FFFF;
	_ =	strace $0x9FFFFFFF  }
0xc4: {  	(tm) =	ssettm $0x7FFFFFFF  }
0xc5: {  	_ =	shalt  }
tec
execute0_lowered:
.L_overlay_start_1:
0x0: {  	(tag) =	ssettag $0x1  }
0x1: {  	s0 =	rddreg [dreg:$0x0]  }
0x2: {  	s4 =	rddreg [dreg:$0x1]  }
0x3: {  	s1 =	rddreg [dreg:$0x2]  }
0x4: {  	s2 =	rddreg [dreg:$0x3];
	s3 =	simm.s32 $0x0;
	s5 =	srdreg.scid  }
0x5: {  	s13 =	stileid.u32;
	s16 =	simm.s32 $0x9;
	s17 =	simm.s32 $0x80  }
0x6: {  	s18 =	simm.s32 $0xA000;
	s19 =	simm.s32 $0xB000;
	s20 =	simm.s32 $0x2800  }
0x7: {  	s21 =	simm.s32 $0x7800;
	s22 =	simm.s32 $0x1;
	s30 =	simm.s32 $0xD000  }
0x8: {  	s31 =	simm.s32 $0x3;
	s28 =	simm.s32 $0x4;
	s7 =	smul.u32 $0xA000, s13  }
0x9: {  	s29 =	simm.s32 $0x7;
	[smem:$0x7FF] =	sst s3;
	s11 =	smul.u32 $0x5000, s13  }
0xa: {  	s5 =	sand.u32 $0x1, s5;
	s25 =	sshll.u32 s13, $0x6;
	s13 =	smul.u32 $0xA00, s13  }
0xb: {  	s8 =	sadd.s32 $0xBC00, s0;
	s6 =	smul.u32 $0xA000, s5;
	s5 =	ssub.s32 $0x2, s5  }
0xc: {  	_ =	strace $0x8000004A;
	s23 =	sshrl.u32 s5, $0x1;
	s10 =	sshrl.u32 s7, $0x1  }
0xd: {  	s7 =	sshrl.u32 s7, $0x4;
	s11 =	sshrl.u32 s11, $0x3;
	s14 =	sadd.s32 s8, s13  }
0xe: {  	s13 =	sadd.s32 s4, s13;
	s0 =	sadd.s32 s6, s0;
	s9 =	ssub.s32 s5, s23  }
0xf: {  	s12 =	sadd.s32 s10, s1;
	s6 =	sor.u32 $0x1C0B, s25;
	[dreg:$0x5] =	wrdreg s14  }
0x10: {  	s10 =	sadd.s32 s10, s2;
	[dreg:$0x6] =	wrdreg s13;
	s11 =	sadd.s32 $0x500, s11  }
0x11: {  	s13 =	simm.s32 $0xB;
	s25 =	simm.s32 $0xC000;
	s23 =	simm.s32 $0x8  }
0x12: {  	s24 =	sadd.s32 s7, s0;
	s8 =	sadd.s32 s8, s11;
	s4 =	sadd.s32 s4, s11  }
.Ltmp0:
0x13: {  	s0 =	sadd.s32 $0x29C00, s0;
	[dreg:$0x7] =	wrdreg s8;
	(pc) =	sbr.rel .LBB2_1-.Ltmp0, $4  }
0x14: {  	s26 =	smax.u32 s9, $0x1;
	s12 =	sshrl.u32 s12, $0x3;
	[dreg:$0x8] =	wrdreg s4  }
0x15: {  	s14 =	sshrl.u32 s10, $0x3;
	s5 =	sadd.s32 $0x15C00, s24;
	[dreg:$0x9] =	wrdreg s26  }
0x16: {  	s24 =	sadd.s32 s7, s0;
	s26 =	simm.s32 $0x2;
	s4 =	simm.s32 $0x5  }
0x17: {  	s0 =	simm.s32 $0x6;
	s7 =	simm.s32 $0xA;
	s8 =	simm.s32 $0x0  }
.LBB2_7:
0x18: {  	_ =	swait.ge [sflag:s28], $0x1000  }
0x19: {  	[sflag:s28] =	ssyncset.done $0x0  }
0x1a: {  	[sflag:s28] =	ssyncadd.s32 $0xFFFFF000  }
0x1b: {  	[spmem:s1] =	stream.indirect.scatter.add.bf16 [tilespmem:s30], [sflag:$0x8], $0x20, s15, s17, $0xb8;
	[tilespmem:$0x18000] =	vst v63  }
0x1c: {  	_ =	swait.ge [sflag:s4], $0x1000  }
0x1d: {  	[sflag:s4] =	ssyncset.done $0x0  }
0x1e: {  	[sflag:s4] =	ssyncadd.s32 $0xFFFFF000  }
0x1f: {  	_ =	swait.ge [sflag:s0], $0x1000  }
0x20: {  	[sflag:s0] =	ssyncset.done $0x0  }
0x21: {  	[sflag:s0] =	ssyncadd.s32 $0xFFFFF000  }
0x22: {  	_ =	swait.ge [sflag:s29], $0x1000  }
0x23: {  	[sflag:s29] =	ssyncset.done $0x0  }
0x24: {  	[sflag:s29] =	ssyncadd.s32 $0xFFFFF000  }
0x25: {  	_ =	swait.ge [sflag:s23], $0x1000  }
0x26: {  	[sflag:s23] =	ssyncset.done $0x0  }
0x27: {  	[sflag:s23] =	ssyncadd.s32 $0xFFFFF000  }
0x28: {  	[bflag:$0x0] =	sbarrier.arrive $0xFFFF  }
0x29: {  	[hbm:s24], [sflag:s6] =	dma.local [spmem:s12], $0xA00  }
0x2a: {  	_ =	swait.ge [sflag:s13], $0xA00  }
0x2b: {  	s8 =	sadd.s32 $0x1, s8;
	s9 =	rddreg [dreg:$0x9]  }
0x2c: {  	p0 =	sne.s32 s8, s9  }
.Ltmp1:
0x2d: {  	_ = 	snop;
	(pc) =	sbr.rel @!p0 .LBB2_8-.Ltmp1, $3  }
0x2e: {  	_ =	sdelay $0x1  }
0x2f: {  	[sflag:s13] =	ssyncset.done $0x0  }
0x30: {  	[sflag:s13] =	ssyncadd.s32 $0xFFFFF600  }
.LBB2_1:
0x31: {  	[spmem:s12], [sflag:s6] =	dma.local [hbm:s5], $0xA00  }
0x32: {  	_ =	swait.ge [sflag:s13], $0xA00  }
0x33: {  	[sflag:s13] =	ssyncset.done $0x0  }
0x34: {  	[sflag:s13] =	ssyncadd.s32 $0xFFFFF600  }
0x35: {  	[spmem:s14], [sflag:s6] =	dma.local [hbm:s5], $0xA00  }
0x36: {  	_ =	swait.ge [sflag:s13], $0xA00  }
0x37: {  	[sflag:s13] =	ssyncset.done $0x0  }
0x38: {  	s9 =	rddreg [dreg:$0x5];
	[sflag:s13] =	ssyncadd.s32 $0xFFFFF600  }
0x39: {  	[tilespmem:s3], [sflag:$0x9] =	stream.linear.gather [hbm4b:s9+s3], $0x2800, $0x38;
	[tilespmem:$0x18000] =	vst v63  }
0x3a: {  	s10 =	simm.s32 $0x5000;
	s11 =	rddreg [dreg:$0x6]  }
0x3b: {  	[tilespmem:s10], [sflag:$0x9] =	stream.linear.gather [hbm4b:s11+s3], $0x2800, $0x38;
	[tilespmem:$0x18000] =	vst v63  }
0x3c: {  	_ =	swait.ge [sflag:s16], $0x2800  }
0x3d: {  	[sflag:s16] =	ssyncset.done $0x0  }
0x3e: {  	[sflag:s16] =	ssyncadd.s32 $0xFFFFD800  }
0x3f: {  	_ =	swait.ge [sflag:s16], $0x2800  }
0x40: {  	[sflag:s16] =	ssyncset.done $0x0  }
0x41: {  	[sflag:s16] =	ssyncadd.s32 $0xFFFFD800  }
0x42: {  	[bflag:$0x0] =	sbarrier.arrive $0xFFFF  }
0x43: {  	[tilespmem:s18], [sflag:$0x1] =	stream.indirect.gather [spmem:s2], $0x20, s3, s17, $0xb8;
	[tilespmem:$0x18000] =	vst v63  }
0x44: {  	_ = 	snop  }
0x45: {  	[tilespmem:s19], [sflag:$0x2] =	stream.indirect.gather [spmem:s2], $0x20, s17, s17, $0xb8;
	[tilespmem:$0x18000] =	vst v63  }
0x46: {  	s15 =	rddreg [dreg:$0x7]  }
0x47: {  	[tilespmem:s20], [sflag:$0xA] =	stream.linear.gather [hbm4b:s15+s3], $0x2800, $0x38;
	[tilespmem:$0x18000] =	vst v63  }
0x48: {  	s11 =	rddreg [dreg:$0x8]  }
0x49: {  	[tilespmem:s21], [sflag:$0xA] =	stream.linear.gather [hbm4b:s11+s3], $0x2800, $0x38;
	[tilespmem:$0x18000] =	vst v63  }
0x4a: {  	_ =	swait.ge [sflag:s22], $0x1000  }
0x4b: {  	[sflag:s22] =	ssyncset.done $0x0  }
0x4c: {  	[sflag:s22] =	ssyncadd.s32 $0xFFFFF000  }
0x4d: {  	[spmem:s1] =	stream.indirect.scatter.add.bf16 [tilespmem:s18], [sflag:$0x5], $0x20, s10, s17, $0xb8;
	[tilespmem:$0x18000] =	vst v63  }
0x4e: {  	s15 =	simm.s32 $0x100  }
0x4f: {  	[tilespmem:s25], [sflag:$0x3] =	stream.indirect.gather [spmem:s2], $0x20, s15, s17, $0xb8;
	[tilespmem:$0x18000] =	vst v63  }
0x50: {  	_ =	swait.ge [sflag:s26], $0x1000  }
0x51: {  	[sflag:s26] =	ssyncset.done $0x0  }
0x52: {  	s10 =	simm.s32 $0x5080;
	[sflag:s26] =	ssyncadd.s32 $0xFFFFF000  }
0x53: {  	[spmem:s1] =	stream.indirect.scatter.add.bf16 [tilespmem:s19], [sflag:$0x6], $0x20, s10, s17, $0xb8;
	[tilespmem:$0x18000] =	vst v63  }
0x54: {  	s11 =	simm.s32 $0x180  }
0x55: {  	[tilespmem:s30], [sflag:$0x4] =	stream.indirect.gather [spmem:s2], $0x20, s11, s17, $0xb8;
	[tilespmem:$0x18000] =	vst v63  }
0x56: {  	_ =	swait.ge [sflag:s31], $0x1000  }
0x57: {  	[sflag:s31] =	ssyncset.done $0x0  }
0x58: {  	s15 =	simm.s32 $0x5100;
	[sflag:s31] =	ssyncadd.s32 $0xFFFFF000  }
0x59: {  	[spmem:s1] =	stream.indirect.scatter.add.bf16 [tilespmem:s25], [sflag:$0x7], $0x20, s15, s17, $0xb8;
	[tilespmem:$0x18000] =	vst v63  }
0x5a: {  	_ =	swait.ge [sflag:s4], $0x1000  }
0x5b: {  	[sflag:s4] =	ssyncset.done $0x0  }
0x5c: {  	s10 =	simm.s32 $0x200;
	[sflag:s4] =	ssyncadd.s32 $0xFFFFF000  }
0x5d: {  	[tilespmem:s18], [sflag:$0x1] =	stream.indirect.gather [spmem:s2], $0x20, s10, s17, $0xb8;
	[tilespmem:$0x18000] =	vst v63  }
0x5e: {  	_ =	swait.ge [sflag:s28], $0x1000  }
0x5f: {  	[sflag:s28] =	ssyncset.done $0x0  }
0x60: {  	s11 =	simm.s32 $0x5180;
	[sflag:s28] =	ssyncadd.s32 $0xFFFFF000  }
0x61: {  	[spmem:s1] =	stream.indirect.scatter.add.bf16 [tilespmem:s30], [sflag:$0x8], $0x20, s11, s17, $0xb8;
	[tilespmem:$0x18000] =	vst v63  }
0x62: {  	_ =	swait.ge [sflag:s0], $0x1000  }
0x63: {  	[sflag:s0] =	ssyncset.done $0x0  }
0x64: {  	s9 =	simm.s32 $0x0;
	s15 =	simm.s32 $0x280;
	[sflag:s0] =	ssyncadd.s32 $0xFFFFF000  }
0x65: {  	[tilespmem:s19], [sflag:$0x2] =	stream.indirect.gather [spmem:s2], $0x20, s15, s17, $0xb8;
	[tilespmem:$0x18000] =	vst v63  }
.LBB2_2:
0x66: {  	_ =	swait.ge [sflag:s22], $0x1000  }
0x67: {  	s10 =	sshra.s32 s9, $0x2;
	[sflag:s22] =	ssyncset.done $0x0  }
0x68: {  	s15 =	sadd.s32 $0x5200, s10;
	[sflag:s22] =	ssyncadd.s32 $0xFFFFF000  }
0x69: {  	[spmem:s1] =	stream.indirect.scatter.add.bf16 [tilespmem:s18], [sflag:$0x5], $0x20, s15, s17, $0xb8;
	[tilespmem:$0x18000] =	vst v63  }
0x6a: {  	_ =	swait.ge [sflag:s29], $0x1000  }
0x6b: {  	[sflag:s29] =	ssyncset.done $0x0  }
0x6c: {  	s11 =	sadd.s32 $0x300, s10;
	[sflag:s29] =	ssyncadd.s32 $0xFFFFF000  }
0x6d: {  	[tilespmem:s25], [sflag:$0x3] =	stream.indirect.gather [spmem:s2], $0x20, s11, s17, $0xb8;
	[tilespmem:$0x18000] =	vst v63  }
0x6e: {  	_ =	swait.ge [sflag:s26], $0x1000  }
0x6f: {  	[sflag:s26] =	ssyncset.done $0x0  }
0x70: {  	s11 =	sadd.s32 $0x5280, s10;
	[sflag:s26] =	ssyncadd.s32 $0xFFFFF000  }
0x71: {  	[spmem:s1] =	stream.indirect.scatter.add.bf16 [tilespmem:s19], [sflag:$0x6], $0x20, s11, s17, $0xb8;
	[tilespmem:$0x18000] =	vst v63  }
0x72: {  	_ =	swait.ge [sflag:s23], $0x1000  }
0x73: {  	[sflag:s23] =	ssyncset.done $0x0  }
0x74: {  	p0 =	seq.s32 s9, $0x9000;
	s11 =	sadd.s32 $0x380, s10;
	[sflag:s23] =	ssyncadd.s32 $0xFFFFF000  }
0x75: {  	[tilespmem:s30], [sflag:$0x4] =	stream.indirect.gather [spmem:s2], $0x20, s11, s17, $0xb8;
	[tilespmem:$0x18000] =	vst v63  }
.Ltmp2:
0x76: {  	_ = 	snop;
	(pc) =	sbr.rel @p0 .LBB2_4-.Ltmp2, $4  }
0x77: {  	_ =	swait.ge [sflag:s31], $0x1000  }
0x78: {  	[sflag:s31] =	ssyncset.done $0x0  }
0x79: {  	s15 =	sadd.s32 $0x5380, s10;
	s11 =	sadd.s32 $0x5300, s10;
	[sflag:s31] =	ssyncadd.s32 $0xFFFFF000  }
0x7a: {  	[spmem:s1] =	stream.indirect.scatter.add.bf16 [tilespmem:s25], [sflag:$0x7], $0x20, s11, s17, $0xb8;
	[tilespmem:$0x18000] =	vst v63  }
0x7b: {  	_ =	swait.ge [sflag:s4], $0x1000  }
0x7c: {  	[sflag:s4] =	ssyncset.done $0x0  }
0x7d: {  	s11 =	sadd.s32 $0x400, s10;
	[sflag:s4] =	ssyncadd.s32 $0xFFFFF000  }
0x7e: {  	[tilespmem:s18], [sflag:$0x1] =	stream.indirect.gather [spmem:s2], $0x20, s11, s17, $0xb8;
	[tilespmem:$0x18000] =	vst v63  }
0x7f: {  	_ =	swait.ge [sflag:s28], $0x1000  }
0x80: {  	[sflag:s28] =	ssyncset.done $0x0  }
0x81: {  	[sflag:s28] =	ssyncadd.s32 $0xFFFFF000  }
0x82: {  	[spmem:s1] =	stream.indirect.scatter.add.bf16 [tilespmem:s30], [sflag:$0x8], $0x20, s15, s17, $0xb8;
	[tilespmem:$0x18000] =	vst v63  }
.Ltmp3:
0x83: {  	_ = 	snop;
	(pc) =	sbr.rel .LBB2_2-.Ltmp3, $4  }
0x84: {  	_ =	swait.ge [sflag:s0], $0x1000  }
0x85: {  	[sflag:s0] =	ssyncset.done $0x0  }
0x86: {  	s9 =	sadd.s32 $0x800, s9;
	s15 =	sadd.s32 $0x480, s10;
	[sflag:s0] =	ssyncadd.s32 $0xFFFFF000  }
0x87: {  	[tilespmem:s19], [sflag:$0x2] =	stream.indirect.gather [spmem:s2], $0x20, s15, s17, $0xb8;
	[tilespmem:$0x18000] =	vst v63  }
.LBB2_4:
0x88: {  	_ =	swait.ge [sflag:s28], $0x1000  }
0x89: {  	[sflag:s28] =	ssyncset.done $0x0  }
0x8a: {  	[sflag:s28] =	ssyncadd.s32 $0xFFFFF000  }
0x8b: {  	[spmem:s1] =	stream.indirect.scatter.add.bf16 [tilespmem:s30], [sflag:$0x8], $0x20, s15, s17, $0xb8;
	[tilespmem:$0x18000] =	vst v63  }
0x8c: {  	_ =	swait.ge [sflag:s4], $0x1000  }
0x8d: {  	[sflag:s4] =	ssyncset.done $0x0  }
0x8e: {  	[sflag:s4] =	ssyncadd.s32 $0xFFFFF000  }
0x8f: {  	_ =	swait.ge [sflag:s0], $0x1000  }
0x90: {  	[sflag:s0] =	ssyncset.done $0x0  }
0x91: {  	[sflag:s0] =	ssyncadd.s32 $0xFFFFF000  }
0x92: {  	_ =	swait.ge [sflag:s29], $0x1000  }
0x93: {  	[sflag:s29] =	ssyncset.done $0x0  }
0x94: {  	[sflag:s29] =	ssyncadd.s32 $0xFFFFF000  }
0x95: {  	_ =	swait.ge [sflag:s23], $0x1000  }
0x96: {  	[sflag:s23] =	ssyncset.done $0x0  }
0x97: {  	[sflag:s23] =	ssyncadd.s32 $0xFFFFF000  }
0x98: {  	_ =	swait.ge [sflag:s7], $0x2800  }
0x99: {  	[sflag:s7] =	ssyncset.done $0x0  }
0x9a: {  	[sflag:s7] =	ssyncadd.s32 $0xFFFFD800  }
0x9b: {  	_ =	swait.ge [sflag:s7], $0x2800  }
0x9c: {  	[sflag:s7] =	ssyncset.done $0x0  }
0x9d: {  	[sflag:s7] =	ssyncadd.s32 $0xFFFFD800  }
0x9e: {  	[tilespmem:s18], [sflag:$0x1] =	stream.indirect.gather [spmem:s2], $0x20, s20, s17, $0xb8;
	[tilespmem:$0x18000] =	vst v63  }
0x9f: {  	s9 =	simm.s32 $0x2880  }
0xa0: {  	[tilespmem:s19], [sflag:$0x2] =	stream.indirect.gather [spmem:s2], $0x20, s9, s17, $0xb8;
	[tilespmem:$0x18000] =	vst v63  }
0xa1: {  	_ =	swait.ge [sflag:s22], $0x1000  }
0xa2: {  	[sflag:s22] =	ssyncset.done $0x0  }
0xa3: {  	[sflag:s22] =	ssyncadd.s32 $0xFFFFF000  }
0xa4: {  	[spmem:s1] =	stream.indirect.scatter.add.bf16 [tilespmem:s18], [sflag:$0x5], $0x20, s21, s17, $0xb8;
	[tilespmem:$0x18000] =	vst v63  }
0xa5: {  	s15 =	simm.s32 $0x2900  }
0xa6: {  	[tilespmem:s25], [sflag:$0x3] =	stream.indirect.gather [spmem:s2], $0x20, s15, s17, $0xb8;
	[tilespmem:$0x18000] =	vst v63  }
0xa7: {  	_ =	swait.ge [sflag:s26], $0x1000  }
0xa8: {  	[sflag:s26] =	ssyncset.done $0x0  }
0xa9: {  	s10 =	simm.s32 $0x7880;
	[sflag:s26] =	ssyncadd.s32 $0xFFFFF000  }
0xaa: {  	[spmem:s1] =	stream.indirect.scatter.add.bf16 [tilespmem:s19], [sflag:$0x6], $0x20, s10, s17, $0xb8;
	[tilespmem:$0x18000] =	vst v63  }
0xab: {  	s11 =	simm.s32 $0x2980  }
0xac: {  	[tilespmem:s30], [sflag:$0x4] =	stream.indirect.gather [spmem:s2], $0x20, s11, s17, $0xb8;
	[tilespmem:$0x18000] =	vst v63  }
0xad: {  	_ =	swait.ge [sflag:s31], $0x1000  }
0xae: {  	[sflag:s31] =	ssyncset.done $0x0  }
0xaf: {  	s15 =	simm.s32 $0x7900;
	[sflag:s31] =	ssyncadd.s32 $0xFFFFF000  }
0xb0: {  	[spmem:s1] =	stream.indirect.scatter.add.bf16 [tilespmem:s25], [sflag:$0x7], $0x20, s15, s17, $0xb8;
	[tilespmem:$0x18000] =	vst v63  }
0xb1: {  	_ =	swait.ge [sflag:s4], $0x1000  }
0xb2: {  	[sflag:s4] =	ssyncset.done $0x0  }
0xb3: {  	s10 =	simm.s32 $0x2A00;
	[sflag:s4] =	ssyncadd.s32 $0xFFFFF000  }
0xb4: {  	[tilespmem:s18], [sflag:$0x1] =	stream.indirect.gather [spmem:s2], $0x20, s10, s17, $0xb8;
	[tilespmem:$0x18000] =	vst v63  }
0xb5: {  	_ =	swait.ge [sflag:s28], $0x1000  }
0xb6: {  	[sflag:s28] =	ssyncset.done $0x0  }
0xb7: {  	s11 =	simm.s32 $0x7980;
	[sflag:s28] =	ssyncadd.s32 $0xFFFFF000  }
0xb8: {  	[spmem:s1] =	stream.indirect.scatter.add.bf16 [tilespmem:s30], [sflag:$0x8], $0x20, s11, s17, $0xb8;
	[tilespmem:$0x18000] =	vst v63  }
0xb9: {  	_ =	swait.ge [sflag:s0], $0x1000  }
0xba: {  	[sflag:s0] =	ssyncset.done $0x0  }
0xbb: {  	s9 =	simm.s32 $0x0;
	s15 =	simm.s32 $0x2A80;
	[sflag:s0] =	ssyncadd.s32 $0xFFFFF000  }
0xbc: {  	[tilespmem:s19], [sflag:$0x2] =	stream.indirect.gather [spmem:s2], $0x20, s15, s17, $0xb8;
	[tilespmem:$0x18000] =	vst v63  }
.LBB2_5:
0xbd: {  	_ =	swait.ge [sflag:s22], $0x1000  }
0xbe: {  	s10 =	sshra.s32 s9, $0x2;
	[sflag:s22] =	ssyncset.done $0x0  }
0xbf: {  	s11 =	sadd.s32 $0x7A00, s10;
	[sflag:s22] =	ssyncadd.s32 $0xFFFFF000  }
0xc0: {  	[spmem:s1] =	stream.indirect.scatter.add.bf16 [tilespmem:s18], [sflag:$0x5], $0x20, s11, s17, $0xb8;
	[tilespmem:$0x18000] =	vst v63  }
0xc1: {  	_ =	swait.ge [sflag:s29], $0x1000  }
0xc2: {  	[sflag:s29] =	ssyncset.done $0x0  }
0xc3: {  	s15 =	sadd.s32 $0x2B00, s10;
	[sflag:s29] =	ssyncadd.s32 $0xFFFFF000  }
0xc4: {  	[tilespmem:s25], [sflag:$0x3] =	stream.indirect.gather [spmem:s2], $0x20, s15, s17, $0xb8;
	[tilespmem:$0x18000] =	vst v63  }
0xc5: {  	_ =	swait.ge [sflag:s26], $0x1000  }
0xc6: {  	[sflag:s26] =	ssyncset.done $0x0  }
0xc7: {  	s15 =	sadd.s32 $0x7A80, s10;
	[sflag:s26] =	ssyncadd.s32 $0xFFFFF000  }
0xc8: {  	[spmem:s1] =	stream.indirect.scatter.add.bf16 [tilespmem:s19], [sflag:$0x6], $0x20, s15, s17, $0xb8;
	[tilespmem:$0x18000] =	vst v63  }
0xc9: {  	_ =	swait.ge [sflag:s23], $0x1000  }
0xca: {  	[sflag:s23] =	ssyncset.done $0x0  }
0xcb: {  	p0 =	seq.s32 s9, $0x9000;
	s15 =	sadd.s32 $0x2B80, s10;
	[sflag:s23] =	ssyncadd.s32 $0xFFFFF000  }
0xcc: {  	[tilespmem:s30], [sflag:$0x4] =	stream.indirect.gather [spmem:s2], $0x20, s15, s17, $0xb8;
	[tilespmem:$0x18000] =	vst v63  }
.Ltmp4:
0xcd: {  	_ =	swait.ge [sflag:s31], $0x1000;
	(pc) =	sbr.rel @p0 .LBB2_7-.Ltmp4, $4  }
0xce: {  	[sflag:s31] =	ssyncset.done $0x0  }
0xcf: {  	s15 =	sadd.s32 $0x7B00, s10;
	[sflag:s31] =	ssyncadd.s32 $0xFFFFF000  }
0xd0: {  	[spmem:s1] =	stream.indirect.scatter.add.bf16 [tilespmem:s25], [sflag:$0x7], $0x20, s15, s17, $0xb8;
	[tilespmem:$0x18000] =	vst v63  }
0xd1: {  	s15 =	sadd.s32 $0x7B80, s10  }
0xd2: {  	_ =	swait.ge [sflag:s4], $0x1000  }
0xd3: {  	[sflag:s4] =	ssyncset.done $0x0  }
0xd4: {  	s11 =	sadd.s32 $0x2C00, s10;
	[sflag:s4] =	ssyncadd.s32 $0xFFFFF000  }
0xd5: {  	[tilespmem:s18], [sflag:$0x1] =	stream.indirect.gather [spmem:s2], $0x20, s11, s17, $0xb8;
	[tilespmem:$0x18000] =	vst v63  }
0xd6: {  	_ =	swait.ge [sflag:s28], $0x1000  }
0xd7: {  	[sflag:s28] =	ssyncset.done $0x0  }
0xd8: {  	[sflag:s28] =	ssyncadd.s32 $0xFFFFF000  }
0xd9: {  	[spmem:s1] =	stream.indirect.scatter.add.bf16 [tilespmem:s30], [sflag:$0x8], $0x20, s15, s17, $0xb8;
	[tilespmem:$0x18000] =	vst v63  }
.Ltmp5:
0xda: {  	_ = 	snop;
	(pc) =	sbr.rel .LBB2_5-.Ltmp5, $4  }
0xdb: {  	_ =	swait.ge [sflag:s0], $0x1000  }
0xdc: {  	[sflag:s0] =	ssyncset.done $0x0  }
0xdd: {  	s9 =	sadd.s32 $0x800, s9;
	s15 =	sadd.s32 $0x2C80, s10;
	[sflag:s0] =	ssyncadd.s32 $0xFFFFF000  }
0xde: {  	[tilespmem:s19], [sflag:$0x2] =	stream.indirect.gather [spmem:s2], $0x20, s15, s17, $0xb8;
	[tilespmem:$0x18000] =	vst v63  }
.LBB2_8:
0xdf: {  	_ =	sfence.sel $0x180000  }
0xe0: {  	[bflag:$0x0] =	sbarrier.arrive $0xFFFF  }
0xe1: {  	_ =	strace $0x9000004A  }
0xe2: {  	s0 =	stileid.u32;
	[bflag:$0x2] =	sbarrier.arrive $0xFFFF  }
0xe3: {  	p0 =	sne.s32 s0, $0x0;
	s0 =	rddreg [dreg:$0x4]  }
0xe4: {  	s0 =	sadd.s32 @!p0 $0x100000, s0  }
0xe5: {  	[sflag:s0] =	ssyncadd.tile.s32 @!p0 $0x1;
	_ =	shalt  }
.Lfunc_end2:
_tile_overlayer_lowered:
.L_overlay_start_2:
0xe6: {  	(tag) =	ssettag $0x2  }
0xe7: {  	s0 =	rddreg [dreg:$0x0];
	s2 =	stileid.u32  }
0xe8: {  	s1 =	rddreg [dreg:$0x1];
	p0 =	sne.s32 s2, $0x0  }
0xe9: {  	s3 =	rddreg [dreg:$0x2];
	[bflag:$0x3] =	sbarrier.arrive $0xFFFF;
	s2 =	simm.s32 @!p0 $0x1C0B  }
0xea: {  	[timem:s3], [sflag:s2] =	dma.local @!p0 [hbm:s0], s1  }
0xeb: {  	s0 =	simm.s32 @!p0 $0xB  }
0xec: {  	_ =	swait.ge @!p0 [sflag:s0], s1  }
0xed: {  	s1 =	ssub.s32 @!p0 $0x0, s1;
	[sflag:s0] =	ssyncset.done @!p0 $0x0  }
0xee: {  	[sflag:s0] =	ssyncadd.s32 @!p0 s1  }
0xef: {  	[bflag:$0x3] =	sbarrier.arrive $0xFFFF  }
0xf0: {  	_ =	shalt  }

// kernel: kernel.14.cloned.1.call-start
scs
__scs_entry_jumppad:
0x0: {  	(pc) =	sbr.rel $0x88, $3  }
0x1: {  	(tag) =	ssettag $0x0;
	lr =	simm.s32 $0x1  }
0x2: {  	[smem:$0x3F9B] =	sst lr;
	_ =	strace $0xD0000000  }
0x3: {  	_ = 	snop  }
0x4: {  	_ = 	snop  }
0x5: {  	_ = 	snop  }
0x6: {  	_ = 	snop  }
0x7: {  	_ = 	snop  }
__scs_overlays_trampoline_lowered:
0x8: {  	[smem:$0x3FAA] =	sst s0  }
0x9: {  	[smem:$0x3FAB] =	sst s1  }
0xa: {  	[smem:$0x3FAC] =	sst s2  }
0xb: {  	[smem:$0x3FAD] =	sst s3  }
0xc: {  	[smem:$0x3FAE] =	sst s4  }
0xd: {  	[smem:$0x3FAF] =	sst s5  }
0xe: {  	[smem:$0x3FB0] =	sst s6  }
0xf: {  	[smem:$0x3FB1] =	sst s7  }
0x10: {  	[smem:$0x3FB2] =	sst s8  }
0x11: {  	[smem:$0x3FB3] =	sst s9;
	s0 =	simm.s32 @!p0 $0x0  }
0x12: {  	s1 =	sld [smem:$0x3F99];
	s0 =	simm.s32 @p0 $0x1  }
0x13: {  	[smem:$0x3FB4] =	sst s0;
	s0 =	simm.s32 @!p1 $0x0  }
0x14: {  	s2 =	sld [smem:$0x3F98];
	s0 =	simm.s32 @p1 $0x1  }
0x15: {  	[smem:$0x3FB5] =	sst s0;
	s0 =	simm.s32 @!p2 $0x0  }
0x16: {  	s3 =	sld [smem:$0x3FDB];
	s0 =	simm.s32 @p2 $0x1  }
0x17: {  	s4 =	simm.s32 $0x1BF5;
	[smem:$0x3FB7] =	sst s0  }
0x18: {  	s0 =	sld [smem:$0x3F9A];
	_ =	swait.ge [sflag:s4], $0x0  }
0x19: {  	s7 =	sld [smem:$0x3F9B]  }
0x1a: {  	s8 =	sadd.s32 $0xFFFFE003, lr  }
0x1b: {  	s9 =	sadd.s32 $0xFFFFFEF7, lr;
	s5 =	simm.s32 $0xFFFFFFFF;
	p2 =	slt.u32 s8, $0xFFFFF086  }
0x1c: {  	p1 =	slt.u32 s9, $0xF7A;
	s5 =	simm.s32 @!p2 $0x0  }
0x1d: {  	s5 =	simm.s32 @p1 $0x1;
	p0 =	seq.s32 s7, s2  }
0x1e: {  	s7 =	smul.u32 @!p0 $0xF7A, s2;
	p2 =	seq.s32 @!p0 s5, $0x0  }
0x1f: {  	s9 =	smul.u32 $0xF7A, s1;
	s8 =	simm.s32 @!p0 $0x1BF5;
	p2 =	por !p2, p0  }
0x20: {  	[sflag:s8] =	ssyncset.s32 @!p0 $0xFFFFF086;
	s6 =	sadd.s32 @!p0 s3, s7;
	s7 =	simm.s32 @!p0 $0x108  }
0x21: {  	s3 =	sadd.s32 s3, s9;
	s6 =	sadd.s32 @!p0 $0x88, s6;
	s7 =	simm.s32 @p2 $0x1082  }
0x22: {  	[simem:s7], [sflag:s8] =	dma.local @!p0 [hbm:s6], $0xF7A  }
0x23: {  	s9 =	sor.u32 $0xD0000000, s2;
	s6 =	simm.s32 $0x108;
	_ =	swait.ge @!p0 [sflag:s8], $0x0  }
0x24: {  	s3 =	sadd.s32 $0x88, s3;
	s6 =	simm.s32 @!p1 $0x1082;
	[sflag:s4] =	ssyncset.s32 $0xFFFFF086  }
0x25: {  	[simem:s6], [sflag:s4] =	dma.local [hbm:s3], $0xF7A  }
0x26: {  	[smem:$0x3F9B] =	sst s1;
	(tag) =	ssettag s2;
	_ =	strace s9  }
0x27: {  	s1 =	sld [smem:$0x3FAB]  }
0x28: {  	s2 =	sld [smem:$0x3FAC]  }
0x29: {  	s4 =	sld [smem:$0x3FAE]  }
0x2a: {  	p0 =	seq.s32 s5, $0x0;
	s5 =	sld [smem:$0x3FAF]  }
0x2b: {  	s6 =	sld [smem:$0x3FB0]  }
0x2c: {  	s7 =	sld [smem:$0x3FB1]  }
0x2d: {  	s3 =	simm.s32 $0x108;
	s8 =	sld [smem:$0x3FB2]  }
0x2e: {  	s3 =	simm.s32 @!p0 $0x1082;
	s9 =	sld [smem:$0x3FB3]  }
0x2f: {  	lr =	sadd.s32 s0, s3;
	s0 =	sld [smem:$0x3FAA]  }
0x30: {  	s3 =	sld [smem:$0x3FAD]  }
0x31: {  	[smem:$0x3FB6] =	sst s10  }
0x32: {  	s10 =	sld [smem:$0x3FB4];
	_ =	sdelay $0x3  }
0x33: {  	p0 =	seq.s32 s10, $0x1;
	s10 =	sld [smem:$0x3FB6];
	_ =	sdelay $0x3  }
0x34: {  	[smem:$0x3FB6] =	sst s10  }
0x35: {  	s10 =	sld [smem:$0x3FB5];
	_ =	sdelay $0x3  }
0x36: {  	p1 =	seq.s32 s10, $0x1;
	s10 =	sld [smem:$0x3FB6];
	_ =	sdelay $0x3  }
0x37: {  	[smem:$0x3FB6] =	sst s10  }
0x38: {  	s10 =	sld [smem:$0x3FB7]  }
0x39: {  	_ = 	snop;
	(pc) =	sbr.ind lr, $3  }
0x3a: {  	_ = 	snop  }
0x3b: {  	_ = 	snop  }
0x3c: {  	p2 =	seq.s32 s10, $0x1;
	s10 =	sld [smem:$0x3FB6]  }
0x3d: {  	_ =	shalt  }
0x3e: {  	_ =	shalt  }
0x3f: {  	_ =	shalt  }
0x40: {  	_ =	shalt  }
0x41: {  	_ =	shalt  }
0x42: {  	_ =	shalt  }
0x43: {  	_ =	shalt  }
0x44: {  	_ =	shalt  }
0x45: {  	_ =	shalt  }
0x46: {  	_ =	shalt  }
0x47: {  	_ =	shalt  }
0x48: {  	_ =	shalt  }
0x49: {  	_ =	shalt  }
0x4a: {  	_ =	shalt  }
0x4b: {  	_ =	shalt  }
0x4c: {  	_ =	shalt  }
0x4d: {  	_ =	shalt  }
0x4e: {  	_ =	shalt  }
0x4f: {  	_ =	shalt  }
0x50: {  	_ =	shalt  }
0x51: {  	_ =	shalt  }
0x52: {  	_ =	shalt  }
0x53: {  	_ =	shalt  }
0x54: {  	_ =	shalt  }
0x55: {  	_ =	shalt  }
0x56: {  	_ =	shalt  }
0x57: {  	_ =	shalt  }
0x58: {  	_ =	shalt  }
0x59: {  	_ =	shalt  }
0x5a: {  	_ =	shalt  }
0x5b: {  	_ =	shalt  }
0x5c: {  	_ =	shalt  }
0x5d: {  	_ =	shalt  }
0x5e: {  	_ =	shalt  }
0x5f: {  	_ =	shalt  }
0x60: {  	_ =	shalt  }
0x61: {  	_ =	shalt  }
0x62: {  	_ =	shalt  }
0x63: {  	_ =	shalt  }
0x64: {  	_ =	shalt  }
0x65: {  	_ =	shalt  }
0x66: {  	_ =	shalt  }
0x67: {  	_ =	shalt  }
0x68: {  	_ =	shalt  }
0x69: {  	_ =	shalt  }
0x6a: {  	_ =	shalt  }
0x6b: {  	_ =	shalt  }
0x6c: {  	_ =	shalt  }
0x6d: {  	_ =	shalt  }
0x6e: {  	_ =	shalt  }
0x6f: {  	_ =	shalt  }
0x70: {  	_ =	shalt  }
0x71: {  	_ =	shalt  }
0x72: {  	_ =	shalt  }
0x73: {  	_ =	shalt  }
0x74: {  	_ =	shalt  }
0x75: {  	_ =	shalt  }
0x76: {  	_ =	shalt  }
0x77: {  	_ =	shalt  }
0x78: {  	_ =	shalt  }
0x79: {  	_ =	shalt  }
0x7a: {  	_ =	shalt  }
0x7b: {  	_ =	shalt  }
0x7c: {  	_ =	shalt  }
0x7d: {  	_ =	shalt  }
0x7e: {  	_ =	shalt  }
0x7f: {  	_ =	shalt  }
0x80: {  	_ =	shalt  }
0x81: {  	_ =	shalt  }
0x82: {  	_ =	shalt  }
0x83: {  	_ =	shalt  }
0x84: {  	_ =	shalt  }
0x85: {  	_ =	shalt  }
0x86: {  	_ =	shalt  }
0x87: {  	_ =	shalt  }
.Lfunc_end0:
.L_simem_size_0:
called_computation.2_lowered:
.L_overlay_start_0:
0x88: {  	s2 =	sld [smem:$0x3FD9]  }
0x89: {  	s3 =	sld [smem:$0x3FFE];
	_ =	sdelay $0x1  }
0x8a: {  	s1 =	srdreg.scid  }
0x8b: {  	s0 =	sand.u32 $0x1, s1  }
0x8c: {  	s17 =	sshll.u32 s0, $0xA;
	s2 =	sadd.s32 s3, s2  }
0x8d: {  	s2 =	sadd.s32 s2, s17  }
0x8e: {  	[smem:$0x3FC2] =	sst s2  }
0x8f: {  	_ = 	snop  }
0x90: {  	s2 =	sld [smem:$0x3FD0];
	(tm) =	ssettm $0x1  }
0x91: {  	s18 =	sld [smem:$0x3FFB];
	_ =	sdelay $0x3  }
0x92: {  	_ =	strace s18  }
0x93: {  	s3 =	sld [smem:$0x3FFC];
	_ =	sdelay $0x3  }
0x94: {  	_ =	strace s3  }
0x95: {  	s3 =	sld [smem:$0x3FFD];
	_ =	sdelay $0x3  }
0x96: {  	_ =	strace s3  }
0x97: {  	_ =	strace $0x8FFFFFFF  }
0x98: {  	s19 =	sld [smem:$0x3FDB];
	_ =	sdelay $0x1  }
0x99: {  	s4 =	simm.s32 $_scs_section_size  }
0x9a: {  	s5 =	simm.s32 $_size__tile_overlayer_lowered;
	s6 =	simm.s32 $_tile_overlayer_lowered  }
0x9b: {  	s22 =	simm.s32 $0x1BFF;
	s21 =	sshll.u32 s6, $0x1;
	s3 =	sadd.s32 s4, s19  }
0x9c: {  	s7 =	simm.s32 $0x0;
	s20 =	sshll.u32 s5, $0x1;
	s5 =	sadd.s32 s21, s3  }
0x9d: {  	[timem:s7], [sflag:s22] =	dma.local [hbm:s5], s20  }
0x9e: {  	_ =	swait.ge [sflag:s22], s20  }
0x9f: {  	s4 =	ssub.s32 $0x0, s20;
	[sflag:s22] =	ssyncset.done $0x0  }
0xa0: {  	[sflag:s22] =	ssyncadd.s32 s4;
	_ =	sdelay $0x1  }
0xa1: {  	s23 =	simm.s32 $0x1B8B  }
0xa2: {  	_ =	swait.ge [sflag:s23], $0x1  }
0xa3: {  	[sflag:s23] =	ssyncset.done $0x0  }
0xa4: {  	s25 =	simm.s32 $0x1B8E;
	s24 =	sld [smem:$0x3FFE];
	[sflag:s23] =	ssyncadd.s32 $0xFFFFFFFF  }
0xa5: {  	s26 =	simm.s32 $execute0_lowered;
	[smem:$0x3FD2] =	sst s25  }
0xa6: {  	s5 =	sshll.u32 s26, $0x1;
	_ =	strace $0x8000004C;
	[dreg:$0x1] =	wrdreg $0xFFFFFFFF  }
0xa7: {  	s28 =	simm.s32 $_size_execute0_lowered;
	s3 =	sadd.s32 s3, s5;
	[dreg:$0x0] =	wrdreg $0x0  }
0xa8: {  	s5 =	sshll.u32 s28, $0x1;
	[dreg:$0x2] =	wrdreg s3  }
0xa9: {  	[dreg:$0x3] =	wrdreg s5  }
0xaa: {  	[dreg:$0x4] =	wrdreg $0xC0  }
0xab: {  	_ =	task [dreg:s7], $0x5FFFF  }
0xac: {  	[dreg:$0x1] =	wrdreg $0xFFFFFFFF  }
0xad: {  	[dreg:$0x0] =	wrdreg $0x60  }
0xae: {  	[dreg:$0x2] =	wrdreg s24  }
0xaf: {  	[dreg:$0x3] =	wrdreg s2  }
0xb0: {  	[dreg:$0x4] =	wrdreg $0xC0000  }
0xb1: {  	[dreg:$0x5] =	wrdreg $0xE8000  }
0xb2: {  	[dreg:$0x6] =	wrdreg $0x9  }
0xb3: {  	_ =	task.clear_ibuf [dreg:s7], $0x7FFFF;
	_ =	strace $0x9000004C  }
0xb4: {  	s29 =	simm.s32 $0x9;
	_ =	strace $0x8000004E  }
0xb5: {  	_ =	swait.ge [sflag:s29], $0x1  }
0xb6: {  	[sflag:s29] =	ssyncadd.s32 $0xFFFFFFFF  }
0xb7: {  	_ =	strace $0x9000004E  }
0xb8: {  	_ =	sfence  }
0xb9: {  	s30 =	sld [smem:$0x0];
	_ =	sdelay $0x2  }
0xba: {  	s31 =	sshll.u32 s1, $0xD;
	s1 =	sshrl.u32 s1, $0x2  }
0xbb: {  	s3 =	sand.u32 $0x4000, s31;
	s1 =	sadd.s32 s1, s30  }
0xbc: {  	s0 =	sor.u32 s3, s0;
	s1 =	sshll.u32 s1, $0x11  }
0xbd: {  	s0 =	sor.u32 s1, s0  }
0xbe: {  	s0 =	sadd.s32 $0x8F2B, s0  }
0xbf: {  	[sflag:s0] =	ssyncadd.remote.s32 $0x1  }
0xc0: {  	_ =	sfence.sel $0xFFFF  }
0xc1: {  	[dreg:$0x0] =	wrdreg $0xFFFFFFFF;
	(pc) =	sbr.abs _section_cstart, $3  }
0xc2: {  	[dreg:$0x1] =	wrdreg $0xFFFFFFFF  }
0xc3: {  	_ =	task.clear_ibuf [dreg:s7], $0x2FFFF;
	_ =	strace $0x9FFFFFFF  }
0xc4: {  	(tm) =	ssettm $0x7FFFFFFF  }
0xc5: {  	_ =	shalt  }
tec
execute0_lowered:
.L_overlay_start_1:
0x0: {  	(tag) =	ssettag $0x1  }
0x1: {  	s0 =	rddreg [dreg:$0x0]  }
0x2: {  	s4 =	rddreg [dreg:$0x1]  }
0x3: {  	s1 =	rddreg [dreg:$0x2]  }
0x4: {  	s2 =	rddreg [dreg:$0x3];
	s3 =	simm.s32 $0x0  }
0x5: {  	s5 =	srdreg.scid;
	s13 =	stileid.u32;
	s16 =	simm.s32 $0x9  }
0x6: {  	s17 =	simm.s32 $0x80;
	s18 =	simm.s32 $0xA000;
	s19 =	simm.s32 $0xA800  }
0x7: {  	s20 =	simm.s32 $0x2800;
	s21 =	simm.s32 $0x7800;
	s22 =	simm.s32 $0x1  }
0x8: {  	s30 =	simm.s32 $0xB800;
	s31 =	simm.s32 $0x3;
	s28 =	simm.s32 $0x4  }
0x9: {  	s29 =	simm.s32 $0x7;
	[smem:$0x7FF] =	sst s3;
	s7 =	smul.u32 $0x5000, s13  }
0xa: {  	s5 =	sand.u32 $0x1, s5;
	s25 =	sshll.u32 s13, $0x6;
	s13 =	smul.u32 $0xA00, s13  }
0xb: {  	s8 =	sadd.s32 $0xBC00, s0;
	s6 =	smul.u32 $0x5000, s5;
	s5 =	ssub.s32 $0x2, s5  }
0xc: {  	_ =	strace $0x8000004D;
	s23 =	sshrl.u32 s5, $0x1;
	s9 =	sshrl.u32 s7, $0x1  }
0xd: {  	s10 =	sshrl.u32 s7, $0x4;
	s7 =	sshrl.u32 s7, $0x3;
	s14 =	sadd.s32 s8, s13  }
0xe: {  	s13 =	sadd.s32 s4, s13;
	s0 =	sadd.s32 s6, s0;
	s11 =	ssub.s32 s5, s23  }
0xf: {  	s12 =	sadd.s32 s9, s1;
	s6 =	sor.u32 $0x1C0B, s25;
	[dreg:$0x5] =	wrdreg s14  }
0x10: {  	s9 =	sadd.s32 s9, s2;
	[dreg:$0x6] =	wrdreg s13;
	s7 =	sadd.s32 $0x500, s7  }
0x11: {  	s13 =	simm.s32 $0xB;
	s25 =	simm.s32 $0xB000;
	s23 =	simm.s32 $0x8  }
0x12: {  	s24 =	sadd.s32 s10, s0;
	s8 =	sadd.s32 s8, s7;
	s4 =	sadd.s32 s4, s7  }
.Ltmp0:
0x13: {  	s0 =	sadd.s32 $0x15C00, s0;
	s26 =	smax.u32 s11, $0x1;
	(pc) =	sbr.rel .LBB2_1-.Ltmp0, $4  }
0x14: {  	s12 =	sshrl.u32 s12, $0x3;
	s14 =	sshrl.u32 s9, $0x3;
	[dreg:$0x7] =	wrdreg s8  }
0x15: {  	s7 =	simm.s32 $0xA;
	s5 =	sadd.s32 $0x1400, s24;
	[dreg:$0x8] =	wrdreg s4  }
0x16: {  	[dreg:$0x9] =	wrdreg s26;
	s24 =	sadd.s32 s10, s0;
	s26 =	simm.s32 $0x2  }
0x17: {  	s4 =	simm.s32 $0x5;
	s0 =	simm.s32 $0x6;
	s8 =	simm.s32 $0x0  }
.LBB2_7:
0x18: {  	_ =	swait.ge [sflag:s28], $0x800  }
0x19: {  	[sflag:s28] =	ssyncset.done $0x0  }
0x1a: {  	[sflag:s28] =	ssyncadd.s32 $0xFFFFF800  }
0x1b: {  	[spmem:s1] =	stream.indirect.scatter.add.bf16 [tilespmem:s30], [sflag:$0x8], $0x10, s15, s17, $0xb8;
	[tilespmem:$0x11000] =	vst v63  }
0x1c: {  	_ =	swait.ge [sflag:s4], $0x800  }
0x1d: {  	[sflag:s4] =	ssyncset.done $0x0  }
0x1e: {  	[sflag:s4] =	ssyncadd.s32 $0xFFFFF800  }
0x1f: {  	_ =	swait.ge [sflag:s0], $0x800  }
0x20: {  	[sflag:s0] =	ssyncset.done $0x0  }
0x21: {  	[sflag:s0] =	ssyncadd.s32 $0xFFFFF800  }
0x22: {  	_ =	swait.ge [sflag:s29], $0x800  }
0x23: {  	[sflag:s29] =	ssyncset.done $0x0  }
0x24: {  	[sflag:s29] =	ssyncadd.s32 $0xFFFFF800  }
0x25: {  	_ =	swait.ge [sflag:s23], $0x800  }
0x26: {  	[sflag:s23] =	ssyncset.done $0x0  }
0x27: {  	[sflag:s23] =	ssyncadd.s32 $0xFFFFF800  }
0x28: {  	[bflag:$0x0] =	sbarrier.arrive $0xFFFF  }
0x29: {  	[hbm:s24], [sflag:s6] =	dma.local [spmem:s12], $0x500  }
0x2a: {  	_ =	swait.ge [sflag:s13], $0x500  }
0x2b: {  	s8 =	sadd.s32 $0x1, s8;
	s9 =	rddreg [dreg:$0x9]  }
0x2c: {  	p0 =	sne.s32 s8, s9  }
.Ltmp1:
0x2d: {  	_ = 	snop;
	(pc) =	sbr.rel @!p0 .LBB2_8-.Ltmp1, $3  }
0x2e: {  	_ =	sdelay $0x1  }
0x2f: {  	[sflag:s13] =	ssyncset.done $0x0  }
0x30: {  	[sflag:s13] =	ssyncadd.s32 $0xFFFFFB00  }
.LBB2_1:
0x31: {  	[spmem:s12], [sflag:s6] =	dma.local [hbm:s5], $0x500  }
0x32: {  	_ =	swait.ge [sflag:s13], $0x500  }
0x33: {  	[sflag:s13] =	ssyncset.done $0x0  }
0x34: {  	[sflag:s13] =	ssyncadd.s32 $0xFFFFFB00  }
0x35: {  	[spmem:s14], [sflag:s6] =	dma.local [hbm:s5], $0x500  }
0x36: {  	_ =	swait.ge [sflag:s13], $0x500  }
0x37: {  	[sflag:s13] =	ssyncset.done $0x0  }
0x38: {  	s9 =	rddreg [dreg:$0x5];
	[sflag:s13] =	ssyncadd.s32 $0xFFFFFB00  }
0x39: {  	[tilespmem:s3], [sflag:$0x9] =	stream.linear.gather [hbm4b:s9+s3], $0x2800, $0x38;
	[tilespmem:$0x11000] =	vst v63  }
0x3a: {  	s10 =	simm.s32 $0x5000;
	s11 =	rddreg [dreg:$0x6]  }
0x3b: {  	[tilespmem:s10], [sflag:$0x9] =	stream.linear.gather [hbm4b:s11+s3], $0x2800, $0x38;
	[tilespmem:$0x11000] =	vst v63  }
0x3c: {  	_ =	swait.ge [sflag:s16], $0x2800  }
0x3d: {  	[sflag:s16] =	ssyncset.done $0x0  }
0x3e: {  	[sflag:s16] =	ssyncadd.s32 $0xFFFFD800  }
0x3f: {  	_ =	swait.ge [sflag:s16], $0x2800  }
0x40: {  	[sflag:s16] =	ssyncset.done $0x0  }
0x41: {  	[sflag:s16] =	ssyncadd.s32 $0xFFFFD800  }
0x42: {  	[bflag:$0x0] =	sbarrier.arrive $0xFFFF  }
0x43: {  	[tilespmem:s18], [sflag:$0x1] =	stream.indirect.gather [spmem:s2], $0x10, s3, s17, $0xb8;
	[tilespmem:$0x11000] =	vst v63  }
0x44: {  	_ = 	snop  }
0x45: {  	[tilespmem:s19], [sflag:$0x2] =	stream.indirect.gather [spmem:s2], $0x10, s17, s17, $0xb8;
	[tilespmem:$0x11000] =	vst v63  }
0x46: {  	s15 =	rddreg [dreg:$0x7]  }
0x47: {  	[tilespmem:s20], [sflag:$0xA] =	stream.linear.gather [hbm4b:s15+s3], $0x2800, $0x38;
	[tilespmem:$0x11000] =	vst v63  }
0x48: {  	s11 =	rddreg [dreg:$0x8]  }
0x49: {  	[tilespmem:s21], [sflag:$0xA] =	stream.linear.gather [hbm4b:s11+s3], $0x2800, $0x38;
	[tilespmem:$0x11000] =	vst v63  }
0x4a: {  	_ =	swait.ge [sflag:s22], $0x800  }
0x4b: {  	[sflag:s22] =	ssyncset.done $0x0  }
0x4c: {  	[sflag:s22] =	ssyncadd.s32 $0xFFFFF800  }
0x4d: {  	[spmem:s1] =	stream.indirect.scatter.add.bf16 [tilespmem:s18], [sflag:$0x5], $0x10, s10, s17, $0xb8;
	[tilespmem:$0x11000] =	vst v63  }
0x4e: {  	s15 =	simm.s32 $0x100  }
0x4f: {  	[tilespmem:s25], [sflag:$0x3] =	stream.indirect.gather [spmem:s2], $0x10, s15, s17, $0xb8;
	[tilespmem:$0x11000] =	vst v63  }
0x50: {  	_ =	swait.ge [sflag:s26], $0x800  }
0x51: {  	[sflag:s26] =	ssyncset.done $0x0  }
0x52: {  	s10 =	simm.s32 $0x5080;
	[sflag:s26] =	ssyncadd.s32 $0xFFFFF800  }
0x53: {  	[spmem:s1] =	stream.indirect.scatter.add.bf16 [tilespmem:s19], [sflag:$0x6], $0x10, s10, s17, $0xb8;
	[tilespmem:$0x11000] =	vst v63  }
0x54: {  	s11 =	simm.s32 $0x180  }
0x55: {  	[tilespmem:s30], [sflag:$0x4] =	stream.indirect.gather [spmem:s2], $0x10, s11, s17, $0xb8;
	[tilespmem:$0x11000] =	vst v63  }
0x56: {  	_ =	swait.ge [sflag:s31], $0x800  }
0x57: {  	[sflag:s31] =	ssyncset.done $0x0  }
0x58: {  	s15 =	simm.s32 $0x5100;
	[sflag:s31] =	ssyncadd.s32 $0xFFFFF800  }
0x59: {  	[spmem:s1] =	stream.indirect.scatter.add.bf16 [tilespmem:s25], [sflag:$0x7], $0x10, s15, s17, $0xb8;
	[tilespmem:$0x11000] =	vst v63  }
0x5a: {  	_ =	swait.ge [sflag:s4], $0x800  }
0x5b: {  	[sflag:s4] =	ssyncset.done $0x0  }
0x5c: {  	s10 =	simm.s32 $0x200;
	[sflag:s4] =	ssyncadd.s32 $0xFFFFF800  }
0x5d: {  	[tilespmem:s18], [sflag:$0x1] =	stream.indirect.gather [spmem:s2], $0x10, s10, s17, $0xb8;
	[tilespmem:$0x11000] =	vst v63  }
0x5e: {  	_ =	swait.ge [sflag:s28], $0x800  }
0x5f: {  	[sflag:s28] =	ssyncset.done $0x0  }
0x60: {  	s11 =	simm.s32 $0x5180;
	[sflag:s28] =	ssyncadd.s32 $0xFFFFF800  }
0x61: {  	[spmem:s1] =	stream.indirect.scatter.add.bf16 [tilespmem:s30], [sflag:$0x8], $0x10, s11, s17, $0xb8;
	[tilespmem:$0x11000] =	vst v63  }
0x62: {  	_ =	swait.ge [sflag:s0], $0x800  }
0x63: {  	[sflag:s0] =	ssyncset.done $0x0  }
0x64: {  	s9 =	simm.s32 $0x0;
	s15 =	simm.s32 $0x280;
	[sflag:s0] =	ssyncadd.s32 $0xFFFFF800  }
0x65: {  	[tilespmem:s19], [sflag:$0x2] =	stream.indirect.gather [spmem:s2], $0x10, s15, s17, $0xb8;
	[tilespmem:$0x11000] =	vst v63  }
.LBB2_2:
0x66: {  	_ =	swait.ge [sflag:s22], $0x800  }
0x67: {  	s10 =	sshra.s32 s9, $0x2;
	[sflag:s22] =	ssyncset.done $0x0  }
0x68: {  	s15 =	sadd.s32 $0x5200, s10;
	[sflag:s22] =	ssyncadd.s32 $0xFFFFF800  }
0x69: {  	[spmem:s1] =	stream.indirect.scatter.add.bf16 [tilespmem:s18], [sflag:$0x5], $0x10, s15, s17, $0xb8;
	[tilespmem:$0x11000] =	vst v63  }
0x6a: {  	_ =	swait.ge [sflag:s29], $0x800  }
0x6b: {  	[sflag:s29] =	ssyncset.done $0x0  }
0x6c: {  	s11 =	sadd.s32 $0x300, s10;
	[sflag:s29] =	ssyncadd.s32 $0xFFFFF800  }
0x6d: {  	[tilespmem:s25], [sflag:$0x3] =	stream.indirect.gather [spmem:s2], $0x10, s11, s17, $0xb8;
	[tilespmem:$0x11000] =	vst v63  }
0x6e: {  	_ =	swait.ge [sflag:s26], $0x800  }
0x6f: {  	[sflag:s26] =	ssyncset.done $0x0  }
0x70: {  	s11 =	sadd.s32 $0x5280, s10;
	[sflag:s26] =	ssyncadd.s32 $0xFFFFF800  }
0x71: {  	[spmem:s1] =	stream.indirect.scatter.add.bf16 [tilespmem:s19], [sflag:$0x6], $0x10, s11, s17, $0xb8;
	[tilespmem:$0x11000] =	vst v63  }
0x72: {  	_ =	swait.ge [sflag:s23], $0x800  }
0x73: {  	[sflag:s23] =	ssyncset.done $0x0  }
0x74: {  	p0 =	seq.s32 s9, $0x9000;
	s11 =	sadd.s32 $0x380, s10;
	[sflag:s23] =	ssyncadd.s32 $0xFFFFF800  }
0x75: {  	[tilespmem:s30], [sflag:$0x4] =	stream.indirect.gather [spmem:s2], $0x10, s11, s17, $0xb8;
	[tilespmem:$0x11000] =	vst v63  }
.Ltmp2:
0x76: {  	_ = 	snop;
	(pc) =	sbr.rel @p0 .LBB2_4-.Ltmp2, $4  }
0x77: {  	_ =	swait.ge [sflag:s31], $0x800  }
0x78: {  	[sflag:s31] =	ssyncset.done $0x0  }
0x79: {  	s15 =	sadd.s32 $0x5380, s10;
	s11 =	sadd.s32 $0x5300, s10;
	[sflag:s31] =	ssyncadd.s32 $0xFFFFF800  }
0x7a: {  	[spmem:s1] =	stream.indirect.scatter.add.bf16 [tilespmem:s25], [sflag:$0x7], $0x10, s11, s17, $0xb8;
	[tilespmem:$0x11000] =	vst v63  }
0x7b: {  	_ =	swait.ge [sflag:s4], $0x800  }
0x7c: {  	[sflag:s4] =	ssyncset.done $0x0  }
0x7d: {  	s11 =	sadd.s32 $0x400, s10;
	[sflag:s4] =	ssyncadd.s32 $0xFFFFF800  }
0x7e: {  	[tilespmem:s18], [sflag:$0x1] =	stream.indirect.gather [spmem:s2], $0x10, s11, s17, $0xb8;
	[tilespmem:$0x11000] =	vst v63  }
0x7f: {  	_ =	swait.ge [sflag:s28], $0x800  }
0x80: {  	[sflag:s28] =	ssyncset.done $0x0  }
0x81: {  	[sflag:s28] =	ssyncadd.s32 $0xFFFFF800  }
0x82: {  	[spmem:s1] =	stream.indirect.scatter.add.bf16 [tilespmem:s30], [sflag:$0x8], $0x10, s15, s17, $0xb8;
	[tilespmem:$0x11000] =	vst v63  }
.Ltmp3:
0x83: {  	_ = 	snop;
	(pc) =	sbr.rel .LBB2_2-.Ltmp3, $4  }
0x84: {  	_ =	swait.ge [sflag:s0], $0x800  }
0x85: {  	[sflag:s0] =	ssyncset.done $0x0  }
0x86: {  	s9 =	sadd.s32 $0x800, s9;
	s15 =	sadd.s32 $0x480, s10;
	[sflag:s0] =	ssyncadd.s32 $0xFFFFF800  }
0x87: {  	[tilespmem:s19], [sflag:$0x2] =	stream.indirect.gather [spmem:s2], $0x10, s15, s17, $0xb8;
	[tilespmem:$0x11000] =	vst v63  }
.LBB2_4:
0x88: {  	_ =	swait.ge [sflag:s28], $0x800  }
0x89: {  	[sflag:s28] =	ssyncset.done $0x0  }
0x8a: {  	[sflag:s28] =	ssyncadd.s32 $0xFFFFF800  }
0x8b: {  	[spmem:s1] =	stream.indirect.scatter.add.bf16 [tilespmem:s30], [sflag:$0x8], $0x10, s15, s17, $0xb8;
	[tilespmem:$0x11000] =	vst v63  }
0x8c: {  	_ =	swait.ge [sflag:s4], $0x800  }
0x8d: {  	[sflag:s4] =	ssyncset.done $0x0  }
0x8e: {  	[sflag:s4] =	ssyncadd.s32 $0xFFFFF800  }
0x8f: {  	_ =	swait.ge [sflag:s0], $0x800  }
0x90: {  	[sflag:s0] =	ssyncset.done $0x0  }
0x91: {  	[sflag:s0] =	ssyncadd.s32 $0xFFFFF800  }
0x92: {  	_ =	swait.ge [sflag:s29], $0x800  }
0x93: {  	[sflag:s29] =	ssyncset.done $0x0  }
0x94: {  	[sflag:s29] =	ssyncadd.s32 $0xFFFFF800  }
0x95: {  	_ =	swait.ge [sflag:s23], $0x800  }
0x96: {  	[sflag:s23] =	ssyncset.done $0x0  }
0x97: {  	[sflag:s23] =	ssyncadd.s32 $0xFFFFF800  }
0x98: {  	_ =	swait.ge [sflag:s7], $0x2800  }
0x99: {  	[sflag:s7] =	ssyncset.done $0x0  }
0x9a: {  	[sflag:s7] =	ssyncadd.s32 $0xFFFFD800  }
0x9b: {  	_ =	swait.ge [sflag:s7], $0x2800  }
0x9c: {  	[sflag:s7] =	ssyncset.done $0x0  }
0x9d: {  	[sflag:s7] =	ssyncadd.s32 $0xFFFFD800  }
0x9e: {  	[tilespmem:s18], [sflag:$0x1] =	stream.indirect.gather [spmem:s2], $0x10, s20, s17, $0xb8;
	[tilespmem:$0x11000] =	vst v63  }
0x9f: {  	s9 =	simm.s32 $0x2880  }
0xa0: {  	[tilespmem:s19], [sflag:$0x2] =	stream.indirect.gather [spmem:s2], $0x10, s9, s17, $0xb8;
	[tilespmem:$0x11000] =	vst v63  }
0xa1: {  	_ =	swait.ge [sflag:s22], $0x800  }
0xa2: {  	[sflag:s22] =	ssyncset.done $0x0  }
0xa3: {  	[sflag:s22] =	ssyncadd.s32 $0xFFFFF800  }
0xa4: {  	[spmem:s1] =	stream.indirect.scatter.add.bf16 [tilespmem:s18], [sflag:$0x5], $0x10, s21, s17, $0xb8;
	[tilespmem:$0x11000] =	vst v63  }
0xa5: {  	s15 =	simm.s32 $0x2900  }
0xa6: {  	[tilespmem:s25], [sflag:$0x3] =	stream.indirect.gather [spmem:s2], $0x10, s15, s17, $0xb8;
	[tilespmem:$0x11000] =	vst v63  }
0xa7: {  	_ =	swait.ge [sflag:s26], $0x800  }
0xa8: {  	[sflag:s26] =	ssyncset.done $0x0  }
0xa9: {  	s10 =	simm.s32 $0x7880;
	[sflag:s26] =	ssyncadd.s32 $0xFFFFF800  }
0xaa: {  	[spmem:s1] =	stream.indirect.scatter.add.bf16 [tilespmem:s19], [sflag:$0x6], $0x10, s10, s17, $0xb8;
	[tilespmem:$0x11000] =	vst v63  }
0xab: {  	s11 =	simm.s32 $0x2980  }
0xac: {  	[tilespmem:s30], [sflag:$0x4] =	stream.indirect.gather [spmem:s2], $0x10, s11, s17, $0xb8;
	[tilespmem:$0x11000] =	vst v63  }
0xad: {  	_ =	swait.ge [sflag:s31], $0x800  }
0xae: {  	[sflag:s31] =	ssyncset.done $0x0  }
0xaf: {  	s15 =	simm.s32 $0x7900;
	[sflag:s31] =	ssyncadd.s32 $0xFFFFF800  }
0xb0: {  	[spmem:s1] =	stream.indirect.scatter.add.bf16 [tilespmem:s25], [sflag:$0x7], $0x10, s15, s17, $0xb8;
	[tilespmem:$0x11000] =	vst v63  }
0xb1: {  	_ =	swait.ge [sflag:s4], $0x800  }
0xb2: {  	[sflag:s4] =	ssyncset.done $0x0  }
0xb3: {  	s10 =	simm.s32 $0x2A00;
	[sflag:s4] =	ssyncadd.s32 $0xFFFFF800  }
0xb4: {  	[tilespmem:s18], [sflag:$0x1] =	stream.indirect.gather [spmem:s2], $0x10, s10, s17, $0xb8;
	[tilespmem:$0x11000] =	vst v63  }
0xb5: {  	_ =	swait.ge [sflag:s28], $0x800  }
0xb6: {  	[sflag:s28] =	ssyncset.done $0x0  }
0xb7: {  	s11 =	simm.s32 $0x7980;
	[sflag:s28] =	ssyncadd.s32 $0xFFFFF800  }
0xb8: {  	[spmem:s1] =	stream.indirect.scatter.add.bf16 [tilespmem:s30], [sflag:$0x8], $0x10, s11, s17, $0xb8;
	[tilespmem:$0x11000] =	vst v63  }
0xb9: {  	_ =	swait.ge [sflag:s0], $0x800  }
0xba: {  	[sflag:s0] =	ssyncset.done $0x0  }
0xbb: {  	s9 =	simm.s32 $0x0;
	s15 =	simm.s32 $0x2A80;
	[sflag:s0] =	ssyncadd.s32 $0xFFFFF800  }
0xbc: {  	[tilespmem:s19], [sflag:$0x2] =	stream.indirect.gather [spmem:s2], $0x10, s15, s17, $0xb8;
	[tilespmem:$0x11000] =	vst v63  }
.LBB2_5:
0xbd: {  	_ =	swait.ge [sflag:s22], $0x800  }
0xbe: {  	s10 =	sshra.s32 s9, $0x2;
	[sflag:s22] =	ssyncset.done $0x0  }
0xbf: {  	s11 =	sadd.s32 $0x7A00, s10;
	[sflag:s22] =	ssyncadd.s32 $0xFFFFF800  }
0xc0: {  	[spmem:s1] =	stream.indirect.scatter.add.bf16 [tilespmem:s18], [sflag:$0x5], $0x10, s11, s17, $0xb8;
	[tilespmem:$0x11000] =	vst v63  }
0xc1: {  	_ =	swait.ge [sflag:s29], $0x800  }
0xc2: {  	[sflag:s29] =	ssyncset.done $0x0  }
0xc3: {  	s15 =	sadd.s32 $0x2B00, s10;
	[sflag:s29] =	ssyncadd.s32 $0xFFFFF800  }
0xc4: {  	[tilespmem:s25], [sflag:$0x3] =	stream.indirect.gather [spmem:s2], $0x10, s15, s17, $0xb8;
	[tilespmem:$0x11000] =	vst v63  }
0xc5: {  	_ =	swait.ge [sflag:s26], $0x800  }
0xc6: {  	[sflag:s26] =	ssyncset.done $0x0  }
0xc7: {  	s15 =	sadd.s32 $0x7A80, s10;
	[sflag:s26] =	ssyncadd.s32 $0xFFFFF800  }
0xc8: {  	[spmem:s1] =	stream.indirect.scatter.add.bf16 [tilespmem:s19], [sflag:$0x6], $0x10, s15, s17, $0xb8;
	[tilespmem:$0x11000] =	vst v63  }
0xc9: {  	_ =	swait.ge [sflag:s23], $0x800  }
0xca: {  	[sflag:s23] =	ssyncset.done $0x0  }
0xcb: {  	p0 =	seq.s32 s9, $0x9000;
	s15 =	sadd.s32 $0x2B80, s10;
	[sflag:s23] =	ssyncadd.s32 $0xFFFFF800  }
0xcc: {  	[tilespmem:s30], [sflag:$0x4] =	stream.indirect.gather [spmem:s2], $0x10, s15, s17, $0xb8;
	[tilespmem:$0x11000] =	vst v63  }
.Ltmp4:
0xcd: {  	_ =	swait.ge [sflag:s31], $0x800;
	(pc) =	sbr.rel @p0 .LBB2_7-.Ltmp4, $4  }
0xce: {  	[sflag:s31] =	ssyncset.done $0x0  }
0xcf: {  	s15 =	sadd.s32 $0x7B00, s10;
	[sflag:s31] =	ssyncadd.s32 $0xFFFFF800  }
0xd0: {  	[spmem:s1] =	stream.indirect.scatter.add.bf16 [tilespmem:s25], [sflag:$0x7], $0x10, s15, s17, $0xb8;
	[tilespmem:$0x11000] =	vst v63  }
0xd1: {  	s15 =	sadd.s32 $0x7B80, s10  }
0xd2: {  	_ =	swait.ge [sflag:s4], $0x800  }
0xd3: {  	[sflag:s4] =	ssyncset.done $0x0  }
0xd4: {  	s11 =	sadd.s32 $0x2C00, s10;
	[sflag:s4] =	ssyncadd.s32 $0xFFFFF800  }
0xd5: {  	[tilespmem:s18], [sflag:$0x1] =	stream.indirect.gather [spmem:s2], $0x10, s11, s17, $0xb8;
	[tilespmem:$0x11000] =	vst v63  }
0xd6: {  	_ =	swait.ge [sflag:s28], $0x800  }
0xd7: {  	[sflag:s28] =	ssyncset.done $0x0  }
0xd8: {  	[sflag:s28] =	ssyncadd.s32 $0xFFFFF800  }
0xd9: {  	[spmem:s1] =	stream.indirect.scatter.add.bf16 [tilespmem:s30], [sflag:$0x8], $0x10, s15, s17, $0xb8;
	[tilespmem:$0x11000] =	vst v63  }
.Ltmp5:
0xda: {  	_ = 	snop;
	(pc) =	sbr.rel .LBB2_5-.Ltmp5, $4  }
0xdb: {  	_ =	swait.ge [sflag:s0], $0x800  }
0xdc: {  	[sflag:s0] =	ssyncset.done $0x0  }
0xdd: {  	s9 =	sadd.s32 $0x800, s9;
	s15 =	sadd.s32 $0x2C80, s10;
	[sflag:s0] =	ssyncadd.s32 $0xFFFFF800  }
0xde: {  	[tilespmem:s19], [sflag:$0x2] =	stream.indirect.gather [spmem:s2], $0x10, s15, s17, $0xb8;
	[tilespmem:$0x11000] =	vst v63  }
.LBB2_8:
0xdf: {  	_ =	sfence.sel $0x180000  }
0xe0: {  	[bflag:$0x0] =	sbarrier.arrive $0xFFFF  }
0xe1: {  	_ =	strace $0x9000004D  }
0xe2: {  	s0 =	stileid.u32;
	[bflag:$0x2] =	sbarrier.arrive $0xFFFF  }
0xe3: {  	p0 =	sne.s32 s0, $0x0;
	s0 =	rddreg [dreg:$0x4]  }
0xe4: {  	s0 =	sadd.s32 @!p0 $0x100000, s0  }
0xe5: {  	[sflag:s0] =	ssyncadd.tile.s32 @!p0 $0x1;
	_ =	shalt  }
.Lfunc_end2:
_tile_overlayer_lowered:
.L_overlay_start_2:
0xe6: {  	(tag) =	ssettag $0x2  }
0xe7: {  	s0 =	rddreg [dreg:$0x0];
	s2 =	stileid.u32  }
0xe8: {  	s1 =	rddreg [dreg:$0x1];
	p0 =	sne.s32 s2, $0x0  }
0xe9: {  	s3 =	rddreg [dreg:$0x2];
	[bflag:$0x3] =	sbarrier.arrive $0xFFFF;
	s2 =	simm.s32 @!p0 $0x1C0B  }
0xea: {  	[timem:s3], [sflag:s2] =	dma.local @!p0 [hbm:s0], s1  }
0xeb: {  	s0 =	simm.s32 @!p0 $0xB  }
0xec: {  	_ =	swait.ge @!p0 [sflag:s0], s1  }
0xed: {  	s1 =	ssub.s32 @!p0 $0x0, s1;
	[sflag:s0] =	ssyncset.done @!p0 $0x0  }
0xee: {  	[sflag:s0] =	ssyncadd.s32 @!p0 s1  }
0xef: {  	[bflag:$0x3] =	sbarrier.arrive $0xFFFF  }
0xf0: {  	_ =	shalt  }

// kernel: kernel.8.cloned.1.call-start
scs
__scs_entry_jumppad:
0x0: {  	(pc) =	sbr.rel $0x88, $3  }
0x1: {  	(tag) =	ssettag $0x0;
	lr =	simm.s32 $0x1  }
0x2: {  	[smem:$0x3F9B] =	sst lr;
	_ =	strace $0xD0000000  }
0x3: {  	_ = 	snop  }
0x4: {  	_ = 	snop  }
0x5: {  	_ = 	snop  }
0x6: {  	_ = 	snop  }
0x7: {  	_ = 	snop  }
__scs_overlays_trampoline_lowered:
0x8: {  	[smem:$0x3FAA] =	sst s0  }
0x9: {  	[smem:$0x3FAB] =	sst s1  }
0xa: {  	[smem:$0x3FAC] =	sst s2  }
0xb: {  	[smem:$0x3FAD] =	sst s3  }
0xc: {  	[smem:$0x3FAE] =	sst s4  }
0xd: {  	[smem:$0x3FAF] =	sst s5  }
0xe: {  	[smem:$0x3FB0] =	sst s6  }
0xf: {  	[smem:$0x3FB1] =	sst s7  }
0x10: {  	[smem:$0x3FB2] =	sst s8  }
0x11: {  	[smem:$0x3FB3] =	sst s9;
	s0 =	simm.s32 @!p0 $0x0  }
0x12: {  	s1 =	sld [smem:$0x3F99];
	s0 =	simm.s32 @p0 $0x1  }
0x13: {  	[smem:$0x3FB4] =	sst s0;
	s0 =	simm.s32 @!p1 $0x0  }
0x14: {  	s2 =	sld [smem:$0x3F98];
	s0 =	simm.s32 @p1 $0x1  }
0x15: {  	[smem:$0x3FB5] =	sst s0;
	s0 =	simm.s32 @!p2 $0x0  }
0x16: {  	s3 =	sld [smem:$0x3FDB];
	s0 =	simm.s32 @p2 $0x1  }
0x17: {  	s4 =	simm.s32 $0x1BF5;
	[smem:$0x3FB7] =	sst s0  }
0x18: {  	s0 =	sld [smem:$0x3F9A];
	_ =	swait.ge [sflag:s4], $0x0  }
0x19: {  	s7 =	sld [smem:$0x3F9B]  }
0x1a: {  	s8 =	sadd.s32 $0xFFFFE003, lr  }
0x1b: {  	s9 =	sadd.s32 $0xFFFFFEF7, lr;
	s5 =	simm.s32 $0xFFFFFFFF;
	p2 =	slt.u32 s8, $0xFFFFF086  }
0x1c: {  	p1 =	slt.u32 s9, $0xF7A;
	s5 =	simm.s32 @!p2 $0x0  }
0x1d: {  	s5 =	simm.s32 @p1 $0x1;
	p0 =	seq.s32 s7, s2  }
0x1e: {  	s7 =	smul.u32 @!p0 $0xF7A, s2;
	p2 =	seq.s32 @!p0 s5, $0x0  }
0x1f: {  	s9 =	smul.u32 $0xF7A, s1;
	s8 =	simm.s32 @!p0 $0x1BF5;
	p2 =	por !p2, p0  }
0x20: {  	[sflag:s8] =	ssyncset.s32 @!p0 $0xFFFFF086;
	s6 =	sadd.s32 @!p0 s3, s7;
	s7 =	simm.s32 @!p0 $0x108  }
0x21: {  	s3 =	sadd.s32 s3, s9;
	s6 =	sadd.s32 @!p0 $0x88, s6;
	s7 =	simm.s32 @p2 $0x1082  }
0x22: {  	[simem:s7], [sflag:s8] =	dma.local @!p0 [hbm:s6], $0xF7A  }
0x23: {  	s9 =	sor.u32 $0xD0000000, s2;
	s6 =	simm.s32 $0x108;
	_ =	swait.ge @!p0 [sflag:s8], $0x0  }
0x24: {  	s3 =	sadd.s32 $0x88, s3;
	s6 =	simm.s32 @!p1 $0x1082;
	[sflag:s4] =	ssyncset.s32 $0xFFFFF086  }
0x25: {  	[simem:s6], [sflag:s4] =	dma.local [hbm:s3], $0xF7A  }
0x26: {  	[smem:$0x3F9B] =	sst s1;
	(tag) =	ssettag s2;
	_ =	strace s9  }
0x27: {  	s1 =	sld [smem:$0x3FAB]  }
0x28: {  	s2 =	sld [smem:$0x3FAC]  }
0x29: {  	s4 =	sld [smem:$0x3FAE]  }
0x2a: {  	p0 =	seq.s32 s5, $0x0;
	s5 =	sld [smem:$0x3FAF]  }
0x2b: {  	s6 =	sld [smem:$0x3FB0]  }
0x2c: {  	s7 =	sld [smem:$0x3FB1]  }
0x2d: {  	s3 =	simm.s32 $0x108;
	s8 =	sld [smem:$0x3FB2]  }
0x2e: {  	s3 =	simm.s32 @!p0 $0x1082;
	s9 =	sld [smem:$0x3FB3]  }
0x2f: {  	lr =	sadd.s32 s0, s3;
	s0 =	sld [smem:$0x3FAA]  }
0x30: {  	s3 =	sld [smem:$0x3FAD]  }
0x31: {  	[smem:$0x3FB6] =	sst s10  }
0x32: {  	s10 =	sld [smem:$0x3FB4];
	_ =	sdelay $0x3  }
0x33: {  	p0 =	seq.s32 s10, $0x1;
	s10 =	sld [smem:$0x3FB6];
	_ =	sdelay $0x3  }
0x34: {  	[smem:$0x3FB6] =	sst s10  }
0x35: {  	s10 =	sld [smem:$0x3FB5];
	_ =	sdelay $0x3  }
0x36: {  	p1 =	seq.s32 s10, $0x1;
	s10 =	sld [smem:$0x3FB6];
	_ =	sdelay $0x3  }
0x37: {  	[smem:$0x3FB6] =	sst s10  }
0x38: {  	s10 =	sld [smem:$0x3FB7]  }
0x39: {  	_ = 	snop;
	(pc) =	sbr.ind lr, $3  }
0x3a: {  	_ = 	snop  }
0x3b: {  	_ = 	snop  }
0x3c: {  	p2 =	seq.s32 s10, $0x1;
	s10 =	sld [smem:$0x3FB6]  }
0x3d: {  	_ =	shalt  }
0x3e: {  	_ =	shalt  }
0x3f: {  	_ =	shalt  }
0x40: {  	_ =	shalt  }
0x41: {  	_ =	shalt  }
0x42: {  	_ =	shalt  }
0x43: {  	_ =	shalt  }
0x44: {  	_ =	shalt  }
0x45: {  	_ =	shalt  }
0x46: {  	_ =	shalt  }
0x47: {  	_ =	shalt  }
0x48: {  	_ =	shalt  }
0x49: {  	_ =	shalt  }
0x4a: {  	_ =	shalt  }
0x4b: {  	_ =	shalt  }
0x4c: {  	_ =	shalt  }
0x4d: {  	_ =	shalt  }
0x4e: {  	_ =	shalt  }
0x4f: {  	_ =	shalt  }
0x50: {  	_ =	shalt  }
0x51: {  	_ =	shalt  }
0x52: {  	_ =	shalt  }
0x53: {  	_ =	shalt  }
0x54: {  	_ =	shalt  }
0x55: {  	_ =	shalt  }
0x56: {  	_ =	shalt  }
0x57: {  	_ =	shalt  }
0x58: {  	_ =	shalt  }
0x59: {  	_ =	shalt  }
0x5a: {  	_ =	shalt  }
0x5b: {  	_ =	shalt  }
0x5c: {  	_ =	shalt  }
0x5d: {  	_ =	shalt  }
0x5e: {  	_ =	shalt  }
0x5f: {  	_ =	shalt  }
0x60: {  	_ =	shalt  }
0x61: {  	_ =	shalt  }
0x62: {  	_ =	shalt  }
0x63: {  	_ =	shalt  }
0x64: {  	_ =	shalt  }
0x65: {  	_ =	shalt  }
0x66: {  	_ =	shalt  }
0x67: {  	_ =	shalt  }
0x68: {  	_ =	shalt  }
0x69: {  	_ =	shalt  }
0x6a: {  	_ =	shalt  }
0x6b: {  	_ =	shalt  }
0x6c: {  	_ =	shalt  }
0x6d: {  	_ =	shalt  }
0x6e: {  	_ =	shalt  }
0x6f: {  	_ =	shalt  }
0x70: {  	_ =	shalt  }
0x71: {  	_ =	shalt  }
0x72: {  	_ =	shalt  }
0x73: {  	_ =	shalt  }
0x74: {  	_ =	shalt  }
0x75: {  	_ =	shalt  }
0x76: {  	_ =	shalt  }
0x77: {  	_ =	shalt  }
0x78: {  	_ =	shalt  }
0x79: {  	_ =	shalt  }
0x7a: {  	_ =	shalt  }
0x7b: {  	_ =	shalt  }
0x7c: {  	_ =	shalt  }
0x7d: {  	_ =	shalt  }
0x7e: {  	_ =	shalt  }
0x7f: {  	_ =	shalt  }
0x80: {  	_ =	shalt  }
0x81: {  	_ =	shalt  }
0x82: {  	_ =	shalt  }
0x83: {  	_ =	shalt  }
0x84: {  	_ =	shalt  }
0x85: {  	_ =	shalt  }
0x86: {  	_ =	shalt  }
0x87: {  	_ =	shalt  }
.Lfunc_end0:
.L_simem_size_0:
called_computation_lowered:
.L_overlay_start_0:
0x88: {  	s2 =	sld [smem:$0x3FD9]  }
0x89: {  	s3 =	sld [smem:$0x3FFE];
	_ =	sdelay $0x1  }
0x8a: {  	s1 =	srdreg.scid  }
0x8b: {  	s0 =	sand.u32 $0x1, s1  }
0x8c: {  	s17 =	sshll.u32 s0, $0xA;
	s2 =	sadd.s32 s3, s2  }
0x8d: {  	s2 =	sadd.s32 s2, s17  }
0x8e: {  	[smem:$0x3FC2] =	sst s2  }
0x8f: {  	_ = 	snop  }
0x90: {  	s2 =	sld [smem:$0x3FD0];
	(tm) =	ssettm $0x1  }
0x91: {  	s18 =	sld [smem:$0x3FFB];
	_ =	sdelay $0x3  }
0x92: {  	_ =	strace s18  }
0x93: {  	s3 =	sld [smem:$0x3FFC];
	_ =	sdelay $0x3  }
0x94: {  	_ =	strace s3  }
0x95: {  	s3 =	sld [smem:$0x3FFD];
	_ =	sdelay $0x3  }
0x96: {  	_ =	strace s3  }
0x97: {  	_ =	strace $0x8FFFFFFF  }
0x98: {  	s19 =	sld [smem:$0x3FDB];
	_ =	sdelay $0x1  }
0x99: {  	s4 =	simm.s32 $_scs_section_size  }
0x9a: {  	s5 =	simm.s32 $_size__tile_overlayer_lowered;
	s6 =	simm.s32 $_tile_overlayer_lowered  }
0x9b: {  	s22 =	simm.s32 $0x1BFF;
	s21 =	sshll.u32 s6, $0x1;
	s3 =	sadd.s32 s4, s19  }
0x9c: {  	s7 =	simm.s32 $0x0;
	s20 =	sshll.u32 s5, $0x1;
	s5 =	sadd.s32 s21, s3  }
0x9d: {  	[timem:s7], [sflag:s22] =	dma.local [hbm:s5], s20  }
0x9e: {  	_ =	swait.ge [sflag:s22], s20  }
0x9f: {  	s4 =	ssub.s32 $0x0, s20;
	[sflag:s22] =	ssyncset.done $0x0  }
0xa0: {  	[sflag:s22] =	ssyncadd.s32 s4;
	_ =	sdelay $0x1  }
0xa1: {  	s23 =	simm.s32 $0x1B8B  }
0xa2: {  	_ =	swait.ge [sflag:s23], $0x1  }
0xa3: {  	[sflag:s23] =	ssyncset.done $0x0  }
0xa4: {  	s25 =	simm.s32 $0x1B8E;
	s24 =	sld [smem:$0x3FFE];
	[sflag:s23] =	ssyncadd.s32 $0xFFFFFFFF  }
0xa5: {  	s26 =	simm.s32 $execute0_lowered;
	[smem:$0x3FD2] =	sst s25  }
0xa6: {  	s5 =	sshll.u32 s26, $0x1;
	_ =	strace $0x80000046;
	[dreg:$0x1] =	wrdreg $0xFFFFFFFF  }
0xa7: {  	s28 =	simm.s32 $_size_execute0_lowered;
	s3 =	sadd.s32 s3, s5;
	[dreg:$0x0] =	wrdreg $0x0  }
0xa8: {  	s5 =	sshll.u32 s28, $0x1;
	[dreg:$0x2] =	wrdreg s3  }
0xa9: {  	[dreg:$0x3] =	wrdreg s5  }
0xaa: {  	[dreg:$0x4] =	wrdreg $0xC0  }
0xab: {  	_ =	task [dreg:s7], $0x5FFFF  }
0xac: {  	[dreg:$0x1] =	wrdreg $0xFFFFFFFF  }
0xad: {  	[dreg:$0x0] =	wrdreg $0x60  }
0xae: {  	[dreg:$0x2] =	wrdreg s2  }
0xaf: {  	[dreg:$0x3] =	wrdreg s24  }
0xb0: {  	[dreg:$0x4] =	wrdreg $0x30000  }
0xb1: {  	[dreg:$0x5] =	wrdreg $0x9  }
0xb2: {  	_ =	task.clear_ibuf [dreg:s7], $0x6FFFF;
	_ =	strace $0x90000046  }
0xb3: {  	s29 =	simm.s32 $0x9;
	_ =	strace $0x80000048  }
0xb4: {  	_ =	swait.ge [sflag:s29], $0x1  }
0xb5: {  	[sflag:s29] =	ssyncadd.s32 $0xFFFFFFFF  }
0xb6: {  	_ =	strace $0x90000048  }
0xb7: {  	_ =	sfence  }
0xb8: {  	s30 =	sld [smem:$0x0];
	_ =	sdelay $0x2  }
0xb9: {  	s31 =	sshll.u32 s1, $0xD;
	s1 =	sshrl.u32 s1, $0x2  }
0xba: {  	s3 =	sand.u32 $0x4000, s31;
	s1 =	sadd.s32 s1, s30  }
0xbb: {  	s0 =	sor.u32 s3, s0;
	s1 =	sshll.u32 s1, $0x11  }
0xbc: {  	s0 =	sor.u32 s1, s0  }
0xbd: {  	s0 =	sadd.s32 $0x8F2B, s0  }
0xbe: {  	[sflag:s0] =	ssyncadd.remote.s32 $0x1  }
0xbf: {  	_ =	sfence.sel $0xFFFF  }
0xc0: {  	[dreg:$0x0] =	wrdreg $0xFFFFFFFF;
	(pc) =	sbr.abs _section_cstart, $3  }
0xc1: {  	[dreg:$0x1] =	wrdreg $0xFFFFFFFF  }
0xc2: {  	_ =	task.clear_ibuf [dreg:s7], $0x2FFFF;
	_ =	strace $0x9FFFFFFF  }
0xc3: {  	(tm) =	ssettm $0x7FFFFFFF  }
tec
execute0_lowered:
.L_overlay_start_1:
0x0: {  	(tag) =	ssettag $0x1  }
0x1: {  	s7 =	rddreg [dreg:$0x0]  }
0x2: {  	s6 =	rddreg [dreg:$0x1]  }
0x3: {  	s1 =	rddreg [dreg:$0x2]  }
0x4: {  	s0 =	rddreg [dreg:$0x3]  }
0x5: {  	s2 =	simm.s32 $0x0;
	s3 =	srdreg.scid;
	s13 =	simm.s32 $0x100  }
0x6: {  	s14 =	simm.s32 $0x180;
	s15 =	simm.s32 $0x1;
	s16 =	simm.s32 $0x2  }
0x7: {  	s17 =	simm.s32 $0x3;
	s18 =	simm.s32 $0x4;
	[smem:$0x7FF] =	sst s2  }
0x8: {  	s4 =	sadd.s32 $0x1400, s6;
	s5 =	sand.u32 $0x1, s3;
	s3 =	stileid.u32  }
0x9: {  	_ =	strace $0x80000047;
	s8 =	smul.u32 $0x5000, s5;
	s9 =	sshll.u32 s5, $0x4  }
0xa: {  	s10 =	ssub.s32 $0x2, s5;
	s11 =	smul.u32 $0x2800, s3;
	s5 =	sadd.s32 $0x1600, s6  }
0xb: {  	s30 =	sshll.u32 s3, $0x6;
	s9 =	sor.u32 s3, s9;
	s12 =	sshrl.u32 s10, $0x1  }
0xc: {  	s9 =	smul.u32 $0x500, s9;
	s8 =	sadd.s32 s8, s6;
	s10 =	ssub.s32 s10, s12  }
0xd: {  	s31 =	sadd.s32 s11, s1;
	s6 =	sor.u32 $0x1C05, s30;
	s20 =	sshrl.u32 s11, $0x3  }
0xe: {  	s11 =	simm.s32 $0x2800;
	s12 =	simm.s32 $0x80;
	s19 =	sadd.s32 $0x1C00, s8  }
0xf: {  	s8 =	smax.u32 s10, $0x1;
	s10 =	simm.s32 $0x5;
	s7 =	sadd.s32 s7, s9  }
0x10: {  	s9 =	sshrl.u32 s31, $0x3;
	s19 =	sadd.s32 s20, s19;
	s20 =	simm.s32 $0x0  }
.LBB2_1:
0x11: {  	[spmem:s9], [sflag:s6] =	dma.local [hbm:s5], $0x500  }
0x12: {  	_ =	swait.ge [sflag:s10], $0x500  }
0x13: {  	[sflag:s10] =	ssyncset.done $0x0  }
0x14: {  	[sflag:s10] =	ssyncadd.s32 $0xFFFFFB00  }
0x15: {  	[tilespmem:s2], [sflag:$0x5] =	stream.linear.gather [hbm4b:s7+s2], $0x2800, $0x38;
	[tilespmem:$0x5800] =	vst v63  }
0x16: {  	_ =	swait.ge [sflag:s10], $0x2800  }
0x17: {  	[sflag:s10] =	ssyncset.done $0x0  }
0x18: {  	[sflag:s10] =	ssyncadd.s32 $0xFFFFD800  }
0x19: {  	[tilespmem:s11], [sflag:$0x5] =	stream.linear.gather [hbm4b:s4+s2], $0x800, $0x38;
	[tilespmem:$0x5800] =	vst v63  }
0x1a: {  	_ =	swait.ge [sflag:s10], $0x800  }
0x1b: {  	[sflag:s10] =	ssyncset.done $0x0  }
0x1c: {  	[sflag:s10] =	ssyncadd.s32 $0xFFFFF800  }
0x1d: {  	[bflag:$0x0] =	sbarrier.arrive $0xFFFF  }
0x1e: {  	[spmem:s1] =	stream.indirect.scatter.add.f32 [tilespmem:s11], [sflag:$0x1], $0x10, s2, s12, $0xb8;
	[tilespmem:$0x5800] =	vst v63  }
0x1f: {  	_ = 	snop  }
0x20: {  	[spmem:s1] =	stream.indirect.scatter.add.f32 [tilespmem:s11], [sflag:$0x2], $0x10, s12, s12, $0xb8;
	[tilespmem:$0x5800] =	vst v63  }
0x21: {  	_ = 	snop  }
0x22: {  	[spmem:s1] =	stream.indirect.scatter.add.f32 [tilespmem:s11], [sflag:$0x3], $0x10, s13, s12, $0xb8;
	[tilespmem:$0x5800] =	vst v63  }
0x23: {  	_ = 	snop  }
0x24: {  	[spmem:s1] =	stream.indirect.scatter.add.f32 [tilespmem:s11], [sflag:$0x4], $0x10, s14, s12, $0xb8;
	[tilespmem:$0x5800] =	vst v63  }
0x25: {  	_ =	swait.ge [sflag:s15], $0x800  }
0x26: {  	[sflag:s15] =	ssyncset.done $0x0  }
0x27: {  	s21 =	simm.s32 $0x200;
	[sflag:s15] =	ssyncadd.s32 $0xFFFFF800  }
0x28: {  	[spmem:s1] =	stream.indirect.scatter.add.f32 [tilespmem:s11], [sflag:$0x1], $0x10, s21, s12, $0xb8;
	[tilespmem:$0x5800] =	vst v63  }
0x29: {  	_ =	swait.ge [sflag:s16], $0x800  }
0x2a: {  	[sflag:s16] =	ssyncset.done $0x0  }
0x2b: {  	s30 =	simm.s32 $0x280;
	[sflag:s16] =	ssyncadd.s32 $0xFFFFF800  }
0x2c: {  	[spmem:s1] =	stream.indirect.scatter.add.f32 [tilespmem:s11], [sflag:$0x2], $0x10, s30, s12, $0xb8;
	[tilespmem:$0x5800] =	vst v63  }
0x2d: {  	_ =	swait.ge [sflag:s17], $0x800  }
0x2e: {  	[sflag:s17] =	ssyncset.done $0x0  }
0x2f: {  	s31 =	simm.s32 $0x300;
	[sflag:s17] =	ssyncadd.s32 $0xFFFFF800  }
0x30: {  	[spmem:s1] =	stream.indirect.scatter.add.f32 [tilespmem:s11], [sflag:$0x3], $0x10, s31, s12, $0xb8;
	[tilespmem:$0x5800] =	vst v63  }
0x31: {  	_ =	swait.ge [sflag:s18], $0x800  }
0x32: {  	[sflag:s18] =	ssyncset.done $0x0  }
0x33: {  	s22 =	simm.s32 $0x380;
	s21 =	simm.s32 $0xFFFF7000;
	[sflag:s18] =	ssyncadd.s32 $0xFFFFF800  }
.LBB2_2:
0x34: {  	[spmem:s1] =	stream.indirect.scatter.add.f32 [tilespmem:s11], [sflag:$0x4], $0x10, s22, s12, $0xb8;
	[tilespmem:$0x5800] =	vst v63  }
0x35: {  	s22 =	smov.u32 s21  }
0x36: {  	p0 =	sne.s32 s21, $0xFFFFF800;
	s21 =	sadd.s32 $0x800, s21;
	_ =	swait.ge [sflag:s15], $0x800  }
0x37: {  	s22 =	sshra.s32 s22, $0x2;
	[sflag:s15] =	ssyncset.done $0x0  }
0x38: {  	s23 =	sadd.s32 $0x2800, s22;
	[sflag:s15] =	ssyncadd.s32 $0xFFFFF800  }
0x39: {  	[spmem:s1] =	stream.indirect.scatter.add.f32 [tilespmem:s11], [sflag:$0x1], $0x10, s23, s12, $0xb8;
	[tilespmem:$0x5800] =	vst v63  }
0x3a: {  	_ =	swait.ge [sflag:s16], $0x800  }
0x3b: {  	[sflag:s16] =	ssyncset.done $0x0  }
0x3c: {  	s23 =	sadd.s32 $0x2880, s22;
	[sflag:s16] =	ssyncadd.s32 $0xFFFFF800  }
0x3d: {  	[spmem:s1] =	stream.indirect.scatter.add.f32 [tilespmem:s11], [sflag:$0x2], $0x10, s23, s12, $0xb8;
	[tilespmem:$0x5800] =	vst v63  }
0x3e: {  	_ =	swait.ge [sflag:s17], $0x800  }
0x3f: {  	[sflag:s17] =	ssyncset.done $0x0  }
.Ltmp0:
0x40: {  	s23 =	sadd.s32 $0x2900, s22;
	[sflag:s17] =	ssyncadd.s32 $0xFFFFF800;
	(pc) =	sbr.rel @p0 .LBB2_2-.Ltmp0, $4  }
0x41: {  	[spmem:s1] =	stream.indirect.scatter.add.f32 [tilespmem:s11], [sflag:$0x3], $0x10, s23, s12, $0xb8;
	[tilespmem:$0x5800] =	vst v63  }
0x42: {  	_ =	swait.ge [sflag:s18], $0x800  }
0x43: {  	[sflag:s18] =	ssyncset.done $0x0  }
0x44: {  	s22 =	sadd.s32 $0x2980, s22;
	[sflag:s18] =	ssyncadd.s32 $0xFFFFF800  }
0x45: {  	[spmem:s1] =	stream.indirect.scatter.add.f32 [tilespmem:s11], [sflag:$0x4], $0x10, s22, s12, $0xb8;
	[tilespmem:$0x5800] =	vst v63  }
0x46: {  	_ =	swait.ge [sflag:s15], $0x800  }
0x47: {  	[sflag:s15] =	ssyncset.done $0x0  }
0x48: {  	[sflag:s15] =	ssyncadd.s32 $0xFFFFF800  }
0x49: {  	_ =	swait.ge [sflag:s16], $0x800  }
0x4a: {  	[sflag:s16] =	ssyncset.done $0x0  }
0x4b: {  	[sflag:s16] =	ssyncadd.s32 $0xFFFFF800  }
0x4c: {  	_ =	swait.ge [sflag:s17], $0x800  }
0x4d: {  	[sflag:s17] =	ssyncset.done $0x0  }
0x4e: {  	[sflag:s17] =	ssyncadd.s32 $0xFFFFF800  }
0x4f: {  	_ =	swait.ge [sflag:s18], $0x800  }
0x50: {  	s20 =	sadd.s32 $0x1, s20;
	[sflag:s18] =	ssyncset.done $0x0  }
0x51: {  	p0 =	sne.s32 s20, s8;
	[sflag:s18] =	ssyncadd.s32 $0xFFFFF800  }
.Ltmp1:
0x52: {  	[bflag:$0x0] =	sbarrier.arrive $0xFFFF;
	(pc) =	sbr.rel @p0 .LBB2_1-.Ltmp1, $4  }
0x53: {  	[hbm:s19], [sflag:s6] =	dma.local [spmem:s9], $0x500  }
0x54: {  	_ =	swait.ge [sflag:s10], $0x500  }
0x55: {  	[sflag:s10] =	ssyncset.done $0x0  }
0x56: {  	[sflag:s10] =	ssyncadd.s32 $0xFFFFFB00  }
0x57: {  	_ =	sfence.sel $0x180000  }
0x58: {  	[bflag:$0x0] =	sbarrier.arrive $0xFFFF  }
0x59: {  	p0 =	sne.s32 s3, $0x0;
	_ =	strace $0x90000047  }
0x5a: {  	s0 =	sadd.s32 @!p0 $0x100000, s0;
	[bflag:$0x2] =	sbarrier.arrive $0xFFFF  }
0x5b: {  	[sflag:s0] =	ssyncadd.tile.s32 @!p0 $0x1;
	_ =	shalt  }
.Lfunc_end2:
_tile_overlayer_lowered:
.L_overlay_start_2:
0x5c: {  	(tag) =	ssettag $0x2  }
0x5d: {  	s0 =	rddreg [dreg:$0x0];
	s2 =	stileid.u32  }
0x5e: {  	s1 =	rddreg [dreg:$0x1];
	p0 =	sne.s32 s2, $0x0  }
0x5f: {  	s3 =	rddreg [dreg:$0x2];
	[bflag:$0x3] =	sbarrier.arrive $0xFFFF;
	s2 =	simm.s32 @!p0 $0x1C05  }
0x60: {  	[timem:s3], [sflag:s2] =	dma.local @!p0 [hbm:s0], s1  }
0x61: {  	s0 =	simm.s32 @!p0 $0x5  }
0x62: {  	_ =	swait.ge @!p0 [sflag:s0], s1  }
0x63: {  	s1 =	ssub.s32 @!p0 $0x0, s1;
	[sflag:s0] =	ssyncset.done @!p0 $0x0  }
0x64: {  	[sflag:s0] =	ssyncadd.s32 @!p0 s1  }
0x65: {  	[bflag:$0x3] =	sbarrier.arrive $0xFFFF  }
0x66: {  	_ =	shalt  }

</sc_bundles>
